<compile_context>
chip_gen: v7x
topology: tpu7x:2x2x1
jax: 0.10.2.dev20260603
libtpu: 0.0.44.dev20260713+nightly
codegen_flags: <defaults>
</compile_context>

<pallas_src>
import jax
import jax.numpy as jnp
from jax import lax
from jax.experimental import pallas as pl
from jax.experimental.pallas import tpu as pltpu
from jax.experimental.pallas import tpu_sc as plsc

_BT = 512
_WT = 128
_SL = 16


def _logits_kernel(x_ref, gw_ref, lt_ref, out_hbm, zbuf, semz):
    n_tok = out_hbm.shape[0]
    nb = n_tok // _BT
    i = pl.program_id(0)

    @pl.when(i == 0)
    def _():
        zbuf[:] = jnp.zeros_like(zbuf)

    pltpu.make_async_copy(zbuf, out_hbm.at[pl.ds(i * _BT, _BT), :],
                          semz).start()

    logits = lax.dot_general(x_ref[:], gw_ref[:], (((1,), (1,)), ((), ())),
                             preferred_element_type=jnp.float32)
    lt_ref[:] = lax.transpose(logits, (1, 0))

    @pl.when(i == nb - 1)
    def _():
        for _b in range(nb):
            pltpu.make_async_copy(
                zbuf, out_hbm.at[pl.ds(0, _BT), :], semz).wait()


def _sc_route(l_hbm, w_hbm, cnt_hbm, lv, wv, cntv, sem):
    n_exp = l_hbm.shape[0]
    wid = lax.axis_index("s") * 2 + lax.axis_index("c")
    base = wid * _WT
    lcp = pltpu.make_async_copy(l_hbm.at[:, pl.ds(base, _WT)], lv, sem)
    lcp.start()
    lcp.wait()

    accs = [jnp.zeros((_SL,), jnp.int32) for _ in range(n_exp)]
    for j in range(_WT // _SL):
        sl = pl.ds(j * _SL, _SL)
        ls = [lv[e, sl] for e in range(n_exp)]
        m = ls[0]
        for e in range(1, n_exp):
            m = jnp.maximum(m, ls[e])
        zs = [jnp.exp(l - m) for l in ls]
        s = zs[0]
        for e in range(1, n_exp):
            s = s + zs[e]
        ps = [z / s for z in zs]
        m1 = ps[0]
        for e in range(1, n_exp):
            m1 = jnp.maximum(m1, ps[e])
        i1 = jnp.full((_SL,), n_exp, jnp.int32)
        for e in range(n_exp):
            i1 = jnp.minimum(i1, jnp.where(ps[e] == m1, e, n_exp))
        p2 = [jnp.where(i1 == e, -1.0, ps[e]) for e in range(n_exp)]
        m2 = p2[0]
        for e in range(1, n_exp):
            m2 = jnp.maximum(m2, p2[e])
        i2 = jnp.full((_SL,), n_exp, jnp.int32)
        for e in range(n_exp):
            i2 = jnp.minimum(i2, jnp.where(p2[e] == m2, e, n_exp))
        for e in range(n_exp):
            hit = jnp.logical_or(i1 == e, i2 == e)
            wv[e, sl] = jnp.where(hit, ps[e], 0.0)
            accs[e] = accs[e] + jnp.where(hit, 1, 0).astype(jnp.int32)

    for e in range(n_exp):
        cntv[pl.ds(e * _SL, _SL)] = accs[e]
    ccp = pltpu.make_async_copy(cntv, cnt_hbm.at[wid], sem)
    wcp = pltpu.make_async_copy(wv, w_hbm.at[:, pl.ds(base, _WT)], sem)
    ccp.start()
    wcp.start()
    ccp.wait()
    wcp.wait()


def _ffn_kernel(cnt_ref, outz_hbm, x_hbm, wt_hbm, w1_hbm, b1_hbm, w2_hbm,
                b2_hbm, out_hbm, flags_ref, acc, xch, wch, w1s, w2s, b1s,
                b2s, semx, semw, sema, sem1, sem2, sem3, sem4):
    n_tok, hidden = x_hbm.shape
    n_exp = w1_hbm.shape[0]
    cap = int(1.25 * n_tok / n_exp)
    nb = n_tok // _BT
    del outz_hbm

    cnt = cnt_ref[:]
    any_active = jnp.int32(0)
    for e in range(n_exp):
        c_e = jnp.sum(cnt[:, e * _SL:(e + 1) * _SL])
        f_e = jnp.logical_and(c_e > 0, c_e <= cap).astype(jnp.int32)
        flags_ref[e] = f_e
        any_active = jnp.maximum(any_active, f_e)
    flags_ref[n_exp] = any_active

    @pl.when(any_active != 0)
    def _():
        acc[:] = jnp.zeros_like(acc)

        def expert_body(e, carry):
            @pl.when(flags_ref[e] != 0)
            def _():
                cp1 = pltpu.make_async_copy(w1_hbm.at[e], w1s, sem1)
                cp2 = pltpu.make_async_copy(w2_hbm.at[e], w2s, sem2)
                cp3 = pltpu.make_async_copy(b1_hbm.at[e], b1s, sem3)
                cp4 = pltpu.make_async_copy(b2_hbm.at[e], b2s, sem4)
                cp1.start(); cp2.start(); cp3.start(); cp4.start()
                cp1.wait(); cp2.wait(); cp3.wait(); cp4.wait()

                def blk_body(b, carry2):
                    ds = pl.ds(b * _BT, _BT)
                    cpx = pltpu.make_async_copy(x_hbm.at[ds, :], xch, semx)
                    cpw = pltpu.make_async_copy(wt_hbm.at[:, ds], wch, semw)
                    cpx.start(); cpw.start()
                    cpx.wait(); cpw.wait()
                    h = lax.dot_general(
                        xch[:], w1s[:], (((1,), (1,)), ((), ())),
                        preferred_element_type=jnp.float32)
                    h = jnp.maximum(h + b1s[:], 0.0)
                    oe = lax.dot_general(
                        h, w2s[:], (((1,), (1,)), ((), ())),
                        preferred_element_type=jnp.float32)
                    oe = oe + b2s[:]
                    wt = lax.transpose(wch[:], (1, 0))
                    le = lax.broadcasted_iota(jnp.int32, wt.shape, 1)
                    wcol = jnp.sum(jnp.where(le == e, wt, 0.0),
                                   axis=1, keepdims=True)
                    acc[ds, :] += oe * wcol
                    return carry2

                lax.fori_loop(0, nb, blk_body, 0)
            return carry

        lax.fori_loop(0, n_exp, expert_body, 0)

        def wb_body(b, carry):
            ds = pl.ds(b * _BT, _BT)
            cpo = pltpu.make_async_copy(acc.at[ds, :], out_hbm.at[ds, :],
                                        sema)
            cpo.start()
            cpo.wait()
            return carry

        lax.fori_loop(0, nb, wb_body, 0)


def kernel(tokens, gate_w, w1, b1, w2, b2):
    batch, seq, hidden = tokens.shape
    n_tok = batch * seq
    n_exp = gate_w.shape[0]
    x = tokens.reshape(n_tok, hidden)
    nb = n_tok // _BT
    nw = n_tok // _WT

    lt, outz = pl.pallas_call(
        _logits_kernel,
        grid=(nb,),
        in_specs=[
            pl.BlockSpec((_BT, hidden), lambda i: (i, 0)),
            pl.BlockSpec((n_exp, hidden), lambda i: (0, 0)),
        ],
        out_specs=[
            pl.BlockSpec((n_exp, _BT), lambda i: (0, i)),
            pl.BlockSpec(memory_space=pltpu.MemorySpace.HBM),
        ],
        out_shape=[
            jax.ShapeDtypeStruct((n_exp, n_tok), jnp.float32),
            jax.ShapeDtypeStruct((n_tok, hidden), jnp.float32),
        ],
        scratch_shapes=[
            pltpu.VMEM((_BT, hidden), jnp.float32),
            pltpu.SemaphoreType.DMA,
        ],
        compiler_params=pltpu.CompilerParams(
            dimension_semantics=("arbitrary",)),
    )(x, gate_w)

    mesh = plsc.VectorSubcoreMesh(core_axis_name="c", subcore_axis_name="s")
    wt, cnts = pl.kernel(
        _sc_route,
        mesh=mesh,
        out_type=[
            jax.ShapeDtypeStruct((n_exp, n_tok), jnp.float32),
            jax.ShapeDtypeStruct((nw, n_exp * _SL), jnp.int32),
        ],
        scratch_types=[
            pltpu.VMEM((n_exp, _WT), jnp.float32),
            pltpu.VMEM((n_exp, _WT), jnp.float32),
            pltpu.VMEM((n_exp * _SL,), jnp.int32),
            pltpu.SemaphoreType.DMA,
        ],
    )(lt)

    out = pl.pallas_call(
        _ffn_kernel,
        in_specs=[
            pl.BlockSpec(memory_space=pltpu.MemorySpace.VMEM),
            pl.BlockSpec(memory_space=pltpu.MemorySpace.HBM),
            pl.BlockSpec(memory_space=pltpu.MemorySpace.HBM),
            pl.BlockSpec(memory_space=pltpu.MemorySpace.HBM),
            pl.BlockSpec(memory_space=pltpu.MemorySpace.HBM),
            pl.BlockSpec(memory_space=pltpu.MemorySpace.HBM),
            pl.BlockSpec(memory_space=pltpu.MemorySpace.HBM),
            pl.BlockSpec(memory_space=pltpu.MemorySpace.HBM),
        ],
        out_specs=pl.BlockSpec(memory_space=pltpu.MemorySpace.HBM),
        out_shape=jax.ShapeDtypeStruct((n_tok, hidden), jnp.float32),
        input_output_aliases={1: 0},
        scratch_shapes=[
            pltpu.SMEM((n_exp + 1,), jnp.int32),
            pltpu.VMEM((n_tok, hidden), jnp.float32),
            pltpu.VMEM((_BT, hidden), jnp.float32),
            pltpu.VMEM((n_exp, _BT), jnp.float32),
            pltpu.VMEM((hidden, hidden), jnp.float32),
            pltpu.VMEM((hidden, hidden), jnp.float32),
            pltpu.VMEM((1, hidden), jnp.float32),
            pltpu.VMEM((1, hidden), jnp.float32),
            pltpu.SemaphoreType.DMA,
            pltpu.SemaphoreType.DMA,
            pltpu.SemaphoreType.DMA,
            pltpu.SemaphoreType.DMA,
            pltpu.SemaphoreType.DMA,
            pltpu.SemaphoreType.DMA,
            pltpu.SemaphoreType.DMA,
        ],
    )(cnts, outz, x, wt, w1, b1.reshape(n_exp, 1, hidden),
      w2, b2.reshape(n_exp, 1, hidden))

    return out.reshape(batch, seq, hidden)

# --- scband reference (transcript-rebuilt; emitter-appended) ---
"""Pipeline reference for scband-toy-gated-mo-e-50070728737584 (READ-ONLY COPY).

The authoritative reference and input builder live on the scoring server;
editing this copy changes nothing except your own understanding.
"""

import jax, jax.numpy as jnp
import numpy as np

HIDDEN = 1024
NUM_EXPERTS = 8
CAPACITY_FACTOR = 1.25
BATCH = 2
SEQ = 2048


def setup_inputs(seed: int = 0) -> dict:
    key = jax.random.key(seed)
    ks = jax.random.split(key, 6)
    tokens = jax.random.normal(ks[0], (BATCH, SEQ, HIDDEN), dtype=jnp.float32)
    gate_w = jax.random.normal(ks[1], (NUM_EXPERTS, HIDDEN), dtype=jnp.float32) * 0.02
    w1 = jax.random.normal(ks[2], (NUM_EXPERTS, HIDDEN, HIDDEN), dtype=jnp.float32) * 0.02
    b1 = jax.random.normal(ks[3], (NUM_EXPERTS, HIDDEN), dtype=jnp.float32) * 0.02
    w2 = jax.random.normal(ks[4], (NUM_EXPERTS, HIDDEN, HIDDEN), dtype=jnp.float32) * 0.02
    b2 = jax.random.normal(ks[5], (NUM_EXPERTS, HIDDEN), dtype=jnp.float32) * 0.02
    return {"tokens": tokens, "gate_w": gate_w, "w1": w1, "b1": b1, "w2": w2, "b2": b2}


def reference(tokens, gate_w, w1, b1, w2, b2):
    batch, seq, hidden = tokens.shape
    n_tok = batch * seq
    # gate: Linear(hidden, num_experts, bias=False)
    logits = jnp.einsum('bsh,eh->bse', tokens, gate_w)
    probs = jax.nn.softmax(logits, axis=-1)
    top2_w, top2_idx = jax.lax.top_k(probs, 2)
    flat_idx = top2_idx.reshape(n_tok, 2)
    flat_w = top2_w.reshape(n_tok, 2)
    flat_tokens = tokens.reshape(n_tok, hidden)
    cap = int(CAPACITY_FACTOR * n_tok / NUM_EXPERTS)
    counts = jnp.bincount(flat_idx.reshape(-1), minlength=NUM_EXPERTS, length=NUM_EXPERTS)
    mask_overflow = counts > cap
    outputs = jnp.zeros_like(flat_tokens)
    for eid in range(NUM_EXPERTS):
        # combined gate weight for this expert across both top-2 slots
        # (top-k indices are distinct, so at most one slot matches)
        w_tok = jnp.sum(flat_w * (flat_idx == eid).astype(flat_w.dtype), axis=1, keepdims=True)
        # whole-expert drop when its assignment count exceeds capacity (matches torch toy)
        w_tok = jnp.where(mask_overflow[eid], jnp.zeros_like(w_tok), w_tok)
        h = jnp.maximum(flat_tokens @ w1[eid].T + b1[eid], 0.0)
        out_e = h @ w2[eid].T + b2[eid]
        outputs = outputs + out_e * w_tok
    return outputs.reshape(batch, seq, hidden)

if __name__ == "__main__":
    import jax
    _d = setup_inputs()
    print(jax.jit(kernel)(*tuple(_d.values())))

</pallas_src>

<mosaic_0001>
#map = affine_map<(d0, d1) -> (0, 0)>
module attributes {stable_mosaic.version = 14 : i64} {
  func.func @_sc_route(%arg0: i32, %arg1: i32, %arg2: memref<8x4096xf32, #tpu.memory_space<hbm>>, %arg3: memref<8x4096xf32, #tpu.memory_space<hbm>>, %arg4: memref<32x128xi32, #tpu.memory_space<hbm>>, %arg5: memref<8x128xf32, #tpu.memory_space<vmem>>, %arg6: memref<8x128xf32, #tpu.memory_space<vmem>>, %arg7: memref<128xi32, #tpu.memory_space<vmem>>, %arg8: memref<!tpu.dma_semaphore, #tpu.memory_space<semaphore_mem>>) attributes {dimension_semantics = [#tpu.dimension_semantics<core_parallel>, #tpu.dimension_semantics<subcore_parallel>], iteration_bounds = array<i64: 2, 16>, scalar_prefetch = 0 : i64, scratch_operands = 4 : i64, tpu.core_type = #tpu.core_type<sc_vector_subcore>, window_params = [{transform_indices = #map}, {transform_indices = #map}, {transform_indices = #map}]} {
    %mul3A = arith.constant 2 : i32
    %mul3A_0 = arith.muli %arg1, %mul3A : i32
    %add3A = arith.addi %mul3A_0, %arg0 : i32
    %mul3A_1 = arith.constant 128 : i32
    %mul3A_2 = arith.muli %add3A, %mul3A_1 : i32
    %dma_start3A = arith.constant 0 : i32
    %dma_start3A_3 = tpu.memref_slice %arg2[%dma_start3A, %mul3A_2] : memref<8x4096xf32, #tpu.memory_space<hbm>> -> memref<8x128xf32, #tpu.memory_space<hbm>>
    %dma_start3A_4 = arith.constant 0 : i32
    %dma_start3A_5 = tpu.memref_slice %arg2[%dma_start3A_4, %mul3A_2] : memref<8x4096xf32, #tpu.memory_space<hbm>> -> memref<8x128xf32, #tpu.memory_space<hbm>>
    tpu.enqueue_dma source(%dma_start3A_5 : memref<8x128xf32, #tpu.memory_space<hbm>>) target(%arg5 : memref<8x128xf32, #tpu.memory_space<vmem>>) target_semaphore(%arg8 : memref<!tpu.dma_semaphore, #tpu.memory_space<semaphore_mem>>)
    %dma_wait3A = arith.constant 0 : i32
    %dma_wait3A_6 = tpu.memref_slice %arg2[%dma_wait3A, %mul3A_2] : memref<8x4096xf32, #tpu.memory_space<hbm>> -> memref<8x128xf32, #tpu.memory_space<hbm>>
    %dma_wait3A_7 = arith.constant 0 : i32
    %dma_wait3A_8 = tpu.memref_slice %arg2[%dma_wait3A_7, %mul3A_2] : memref<8x4096xf32, #tpu.memory_space<hbm>> -> memref<8x128xf32, #tpu.memory_space<hbm>>
    tpu.wait_dma2 semaphore(%arg8 : memref<!tpu.dma_semaphore, #tpu.memory_space<semaphore_mem>>) src(%dma_wait3A_8 : memref<8x128xf32, #tpu.memory_space<hbm>>) dst(%arg5 : memref<8x128xf32, #tpu.memory_space<vmem>>)
    %broadcast_in_dim3A = arith.constant 0 : i32
    %broadcast_in_dim3A_9 = vector.broadcast %broadcast_in_dim3A : i32 to vector<16xi32>
    %broadcast_in_dim3A_10 = arith.constant 0 : i32
    %broadcast_in_dim3A_11 = vector.broadcast %broadcast_in_dim3A_10 : i32 to vector<16xi32>
    %broadcast_in_dim3A_12 = arith.constant 0 : i32
    %broadcast_in_dim3A_13 = vector.broadcast %broadcast_in_dim3A_12 : i32 to vector<16xi32>
    %broadcast_in_dim3A_14 = arith.constant 0 : i32
    %broadcast_in_dim3A_15 = vector.broadcast %broadcast_in_dim3A_14 : i32 to vector<16xi32>
    %broadcast_in_dim3A_16 = arith.constant 0 : i32
    %broadcast_in_dim3A_17 = vector.broadcast %broadcast_in_dim3A_16 : i32 to vector<16xi32>
    %broadcast_in_dim3A_18 = arith.constant 0 : i32
    %broadcast_in_dim3A_19 = vector.broadcast %broadcast_in_dim3A_18 : i32 to vector<16xi32>
    %broadcast_in_dim3A_20 = arith.constant 0 : i32
    %broadcast_in_dim3A_21 = vector.broadcast %broadcast_in_dim3A_20 : i32 to vector<16xi32>
    %broadcast_in_dim3A_22 = arith.constant 0 : i32
    %broadcast_in_dim3A_23 = vector.broadcast %broadcast_in_dim3A_22 : i32 to vector<16xi32>
    %get3A = arith.constant 0 : i32
    %get3A_24 = arith.index_cast %get3A : i32 to index
    %get3A_25 = arith.constant 0 : index
    %get3A_26 = tpu.vector_load %arg5[%get3A_24, %get3A_25] {strides = array<i32>} : memref<8x128xf32, #tpu.memory_space<vmem>>, vector<1x16xf32>,
    %get3A_27 = vector.shape_cast %get3A_26 : vector<1x16xf32> to vector<16xf32>
    %get3A_28 = arith.constant 1 : i32
    %get3A_29 = arith.index_cast %get3A_28 : i32 to index
    %get3A_30 = arith.constant 0 : index
    %get3A_31 = tpu.vector_load %arg5[%get3A_29, %get3A_30] {strides = array<i32>} : memref<8x128xf32, #tpu.memory_space<vmem>>, vector<1x16xf32>,
    %get3A_32 = vector.shape_cast %get3A_31 : vector<1x16xf32> to vector<16xf32>
    %get3A_33 = arith.constant 2 : i32
    %get3A_34 = arith.index_cast %get3A_33 : i32 to index
    %get3A_35 = arith.constant 0 : index
    %get3A_36 = tpu.vector_load %arg5[%get3A_34, %get3A_35] {strides = array<i32>} : memref<8x128xf32, #tpu.memory_space<vmem>>, vector<1x16xf32>,
    %get3A_37 = vector.shape_cast %get3A_36 : vector<1x16xf32> to vector<16xf32>
    %get3A_38 = arith.constant 3 : i32
    %get3A_39 = arith.index_cast %get3A_38 : i32 to index
    %get3A_40 = arith.constant 0 : index
    %get3A_41 = tpu.vector_load %arg5[%get3A_39, %get3A_40] {strides = array<i32>} : memref<8x128xf32, #tpu.memory_space<vmem>>, vector<1x16xf32>,
    %get3A_42 = vector.shape_cast %get3A_41 : vector<1x16xf32> to vector<16xf32>
    %get3A_43 = arith.constant 4 : i32
    %get3A_44 = arith.index_cast %get3A_43 : i32 to index
    %get3A_45 = arith.constant 0 : index
    %get3A_46 = tpu.vector_load %arg5[%get3A_44, %get3A_45] {strides = array<i32>} : memref<8x128xf32, #tpu.memory_space<vmem>>, vector<1x16xf32>,
    %get3A_47 = vector.shape_cast %get3A_46 : vector<1x16xf32> to vector<16xf32>
    %get3A_48 = arith.constant 5 : i32
    %get3A_49 = arith.index_cast %get3A_48 : i32 to index
    %get3A_50 = arith.constant 0 : index
    %get3A_51 = tpu.vector_load %arg5[%get3A_49, %get3A_50] {strides = array<i32>} : memref<8x128xf32, #tpu.memory_space<vmem>>, vector<1x16xf32>,
    %get3A_52 = vector.shape_cast %get3A_51 : vector<1x16xf32> to vector<16xf32>
    %get3A_53 = arith.constant 6 : i32
    %get3A_54 = arith.index_cast %get3A_53 : i32 to index
    %get3A_55 = arith.constant 0 : index
    %get3A_56 = tpu.vector_load %arg5[%get3A_54, %get3A_55] {strides = array<i32>} : memref<8x128xf32, #tpu.memory_space<vmem>>, vector<1x16xf32>,
    %get3A_57 = vector.shape_cast %get3A_56 : vector<1x16xf32> to vector<16xf32>
    %get3A_58 = arith.constant 7 : i32
    %get3A_59 = arith.index_cast %get3A_58 : i32 to index
    %get3A_60 = arith.constant 0 : index
    %get3A_61 = tpu.vector_load %arg5[%get3A_59, %get3A_60] {strides = array<i32>} : memref<8x128xf32, #tpu.memory_space<vmem>>, vector<1x16xf32>,
    %get3A_62 = vector.shape_cast %get3A_61 : vector<1x16xf32> to vector<16xf32>
    %max3A = arith.maximumf %get3A_27, %get3A_32 : vector<16xf32>
    %max3A_63 = arith.maximumf %max3A, %get3A_37 : vector<16xf32>
    %max3A_64 = arith.maximumf %max3A_63, %get3A_42 : vector<16xf32>
    %max3A_65 = arith.maximumf %max3A_64, %get3A_47 : vector<16xf32>
    %max3A_66 = arith.maximumf %max3A_65, %get3A_52 : vector<16xf32>
    %max3A_67 = arith.maximumf %max3A_66, %get3A_57 : vector<16xf32>
    %max3A_68 = arith.maximumf %max3A_67, %get3A_62 : vector<16xf32>
    %sub3A = arith.subf %get3A_27, %max3A_68 : vector<16xf32>
    %exp3A = math.exp %sub3A : vector<16xf32>
    %sub3A_69 = arith.subf %get3A_32, %max3A_68 : vector<16xf32>
    %exp3A_70 = math.exp %sub3A_69 : vector<16xf32>
    %sub3A_71 = arith.subf %get3A_37, %max3A_68 : vector<16xf32>
    %exp3A_72 = math.exp %sub3A_71 : vector<16xf32>
    %sub3A_73 = arith.subf %get3A_42, %max3A_68 : vector<16xf32>
    %exp3A_74 = math.exp %sub3A_73 : vector<16xf32>
    %sub3A_75 = arith.subf %get3A_47, %max3A_68 : vector<16xf32>
    %exp3A_76 = math.exp %sub3A_75 : vector<16xf32>
    %sub3A_77 = arith.subf %get3A_52, %max3A_68 : vector<16xf32>
    %exp3A_78 = math.exp %sub3A_77 : vector<16xf32>
    %sub3A_79 = arith.subf %get3A_57, %max3A_68 : vector<16xf32>
    %exp3A_80 = math.exp %sub3A_79 : vector<16xf32>
    %sub3A_81 = arith.subf %get3A_62, %max3A_68 : vector<16xf32>
    %exp3A_82 = math.exp %sub3A_81 : vector<16xf32>
    %add3A_83 = arith.addf %exp3A, %exp3A_70 : vector<16xf32>
    %add3A_84 = arith.addf %add3A_83, %exp3A_72 : vector<16xf32>
    %add3A_85 = arith.addf %add3A_84, %exp3A_74 : vector<16xf32>
    %add3A_86 = arith.addf %add3A_85, %exp3A_76 : vector<16xf32>
    %add3A_87 = arith.addf %add3A_86, %exp3A_78 : vector<16xf32>
    %add3A_88 = arith.addf %add3A_87, %exp3A_80 : vector<16xf32>
    %add3A_89 = arith.addf %add3A_88, %exp3A_82 : vector<16xf32>
    %div3A = arith.divf %exp3A, %add3A_89 : vector<16xf32>
    %div3A_90 = arith.divf %exp3A_70, %add3A_89 : vector<16xf32>
    %div3A_91 = arith.divf %exp3A_72, %add3A_89 : vector<16xf32>
    %div3A_92 = arith.divf %exp3A_74, %add3A_89 : vector<16xf32>
    %div3A_93 = arith.divf %exp3A_76, %add3A_89 : vector<16xf32>
    %div3A_94 = arith.divf %exp3A_78, %add3A_89 : vector<16xf32>
    %div3A_95 = arith.divf %exp3A_80, %add3A_89 : vector<16xf32>
    %div3A_96 = arith.divf %exp3A_82, %add3A_89 : vector<16xf32>
    %max3A_97 = arith.maximumf %div3A, %div3A_90 : vector<16xf32>
    %max3A_98 = arith.maximumf %max3A_97, %div3A_91 : vector<16xf32>
    %max3A_99 = arith.maximumf %max3A_98, %div3A_92 : vector<16xf32>
    %max3A_100 = arith.maximumf %max3A_99, %div3A_93 : vector<16xf32>
    %max3A_101 = arith.maximumf %max3A_100, %div3A_94 : vector<16xf32>
    %max3A_102 = arith.maximumf %max3A_101, %div3A_95 : vector<16xf32>
    %max3A_103 = arith.maximumf %max3A_102, %div3A_96 : vector<16xf32>
    %broadcast_in_dim3A_104 = arith.constant 8 : i32
    %broadcast_in_dim3A_105 = vector.broadcast %broadcast_in_dim3A_104 : i32 to vector<16xi32>
    %eq3A = arith.cmpf oeq, %div3A, %max3A_103 : vector<16xf32>
    %jit3A = arith.constant 0 : i32
    %jit3A_106 = arith.constant 8 : i32
    %broadcast_in_dim3A_107 = vector.broadcast %jit3A : i32 to vector<16xi32>
    %broadcast_in_dim3A_108 = vector.broadcast %jit3A_106 : i32 to vector<16xi32>
    %select_n3A = arith.select %eq3A, %broadcast_in_dim3A_107, %broadcast_in_dim3A_108 : vector<16xi1>, vector<16xi32>
    %min3A = arith.minsi %broadcast_in_dim3A_105, %select_n3A : vector<16xi32>
    %eq3A_109 = arith.cmpf oeq, %div3A_90, %max3A_103 : vector<16xf32>
    %jit3A_110 = arith.constant 1 : i32
    %jit3A_111 = arith.constant 8 : i32
    %broadcast_in_dim3A_112 = vector.broadcast %jit3A_110 : i32 to vector<16xi32>
    %broadcast_in_dim3A_113 = vector.broadcast %jit3A_111 : i32 to vector<16xi32>
    %select_n3A_114 = arith.select %eq3A_109, %broadcast_in_dim3A_112, %broadcast_in_dim3A_113 : vector<16xi1>, vector<16xi32>
    %min3A_115 = arith.minsi %min3A, %select_n3A_114 : vector<16xi32>
    %eq3A_116 = arith.cmpf oeq, %div3A_91, %max3A_103 : vector<16xf32>
    %jit3A_117 = arith.constant 2 : i32
    %jit3A_118 = arith.constant 8 : i32
    %broadcast_in_dim3A_119 = vector.broadcast %jit3A_117 : i32 to vector<16xi32>
    %broadcast_in_dim3A_120 = vector.broadcast %jit3A_118 : i32 to vector<16xi32>
    %select_n3A_121 = arith.select %eq3A_116, %broadcast_in_dim3A_119, %broadcast_in_dim3A_120 : vector<16xi1>, vector<16xi32>
    %min3A_122 = arith.minsi %min3A_115, %select_n3A_121 : vector<16xi32>
    %eq3A_123 = arith.cmpf oeq, %div3A_92, %max3A_103 : vector<16xf32>
    %jit3A_124 = arith.constant 3 : i32
    %jit3A_125 = arith.constant 8 : i32
    %broadcast_in_dim3A_126 = vector.broadcast %jit3A_124 : i32 to vector<16xi32>
    %broadcast_in_dim3A_127 = vector.broadcast %jit3A_125 : i32 to vector<16xi32>
    %select_n3A_128 = arith.select %eq3A_123, %broadcast_in_dim3A_126, %broadcast_in_dim3A_127 : vector<16xi1>, vector<16xi32>
    %min3A_129 = arith.minsi %min3A_122, %select_n3A_128 : vector<16xi32>
    %eq3A_130 = arith.cmpf oeq, %div3A_93, %max3A_103 : vector<16xf32>
    %jit3A_131 = arith.constant 4 : i32
    %jit3A_132 = arith.constant 8 : i32
    %broadcast_in_dim3A_133 = vector.broadcast %jit3A_131 : i32 to vector<16xi32>
    %broadcast_in_dim3A_134 = vector.broadcast %jit3A_132 : i32 to vector<16xi32>
    %select_n3A_135 = arith.select %eq3A_130, %broadcast_in_dim3A_133, %broadcast_in_dim3A_134 : vector<16xi1>, vector<16xi32>
    %min3A_136 = arith.minsi %min3A_129, %select_n3A_135 : vector<16xi32>
    %eq3A_137 = arith.cmpf oeq, %div3A_94, %max3A_103 : vector<16xf32>
    %jit3A_138 = arith.constant 5 : i32
    %jit3A_139 = arith.constant 8 : i32
    %broadcast_in_dim3A_140 = vector.broadcast %jit3A_138 : i32 to vector<16xi32>
    %broadcast_in_dim3A_141 = vector.broadcast %jit3A_139 : i32 to vector<16xi32>
    %select_n3A_142 = arith.select %eq3A_137, %broadcast_in_dim3A_140, %broadcast_in_dim3A_141 : vector<16xi1>, vector<16xi32>
    %min3A_143 = arith.minsi %min3A_136, %select_n3A_142 : vector<16xi32>
    %eq3A_144 = arith.cmpf oeq, %div3A_95, %max3A_103 : vector<16xf32>
    %jit3A_145 = arith.constant 6 : i32
    %jit3A_146 = arith.constant 8 : i32
    %broadcast_in_dim3A_147 = vector.broadcast %jit3A_145 : i32 to vector<16xi32>
    %broadcast_in_dim3A_148 = vector.broadcast %jit3A_146 : i32 to vector<16xi32>
    %select_n3A_149 = arith.select %eq3A_144, %broadcast_in_dim3A_147, %broadcast_in_dim3A_148 : vector<16xi1>, vector<16xi32>
    %min3A_150 = arith.minsi %min3A_143, %select_n3A_149 : vector<16xi32>
    %eq3A_151 = arith.cmpf oeq, %div3A_96, %max3A_103 : vector<16xf32>
    %jit3A_152 = arith.constant 7 : i32
    %jit3A_153 = arith.constant 8 : i32
    %broadcast_in_dim3A_154 = vector.broadcast %jit3A_152 : i32 to vector<16xi32>
    %broadcast_in_dim3A_155 = vector.broadcast %jit3A_153 : i32 to vector<16xi32>
    %select_n3A_156 = arith.select %eq3A_151, %broadcast_in_dim3A_154, %broadcast_in_dim3A_155 : vector<16xi1>, vector<16xi32>
    %min3A_157 = arith.minsi %min3A_150, %select_n3A_156 : vector<16xi32>
    %eq3A_158 = arith.constant 0 : i32
    %eq3A_159 = vector.broadcast %eq3A_158 : i32 to vector<16xi32>
    %eq3A_160 = arith.cmpi eq, %min3A_157, %eq3A_159 : vector<16xi32>
    %jit3A_161 = arith.constant -1.000000e+00 : f32
    %broadcast_in_dim3A_162 = vector.broadcast %jit3A_161 : f32 to vector<16xf32>
    %select_n3A_163 = arith.select %eq3A_160, %broadcast_in_dim3A_162, %div3A : vector<16xi1>, vector<16xf32>
    %eq3A_164 = arith.constant 1 : i32
    %eq3A_165 = vector.broadcast %eq3A_164 : i32 to vector<16xi32>
    %eq3A_166 = arith.cmpi eq, %min3A_157, %eq3A_165 : vector<16xi32>
    %jit3A_167 = arith.constant -1.000000e+00 : f32
    %broadcast_in_dim3A_168 = vector.broadcast %jit3A_167 : f32 to vector<16xf32>
    %select_n3A_169 = arith.select %eq3A_166, %broadcast_in_dim3A_168, %div3A_90 : vector<16xi1>, vector<16xf32>
    %eq3A_170 = arith.constant 2 : i32
    %eq3A_171 = vector.broadcast %eq3A_170 : i32 to vector<16xi32>
    %eq3A_172 = arith.cmpi eq, %min3A_157, %eq3A_171 : vector<16xi32>
    %jit3A_173 = arith.constant -1.000000e+00 : f32
    %broadcast_in_dim3A_174 = vector.broadcast %jit3A_173 : f32 to vector<16xf32>
    %select_n3A_175 = arith.select %eq3A_172, %broadcast_in_dim3A_174, %div3A_91 : vector<16xi1>, vector<16xf32>
    %eq3A_176 = arith.constant 3 : i32
    %eq3A_177 = vector.broadcast %eq3A_176 : i32 to vector<16xi32>
    %eq3A_178 = arith.cmpi eq, %min3A_157, %eq3A_177 : vector<16xi32>
    %jit3A_179 = arith.constant -1.000000e+00 : f32
    %broadcast_in_dim3A_180 = vector.broadcast %jit3A_179 : f32 to vector<16xf32>
    %select_n3A_181 = arith.select %eq3A_178, %broadcast_in_dim3A_180, %div3A_92 : vector<16xi1>, vector<16xf32>
    %eq3A_182 = arith.constant 4 : i32
    %eq3A_183 = vector.broadcast %eq3A_182 : i32 to vector<16xi32>
    %eq3A_184 = arith.cmpi eq, %min3A_157, %eq3A_183 : vector<16xi32>
    %jit3A_185 = arith.constant -1.000000e+00 : f32
    %broadcast_in_dim3A_186 = vector.broadcast %jit3A_185 : f32 to vector<16xf32>
    %select_n3A_187 = arith.select %eq3A_184, %broadcast_in_dim3A_186, %div3A_93 : vector<16xi1>, vector<16xf32>
    %eq3A_188 = arith.constant 5 : i32
    %eq3A_189 = vector.broadcast %eq3A_188 : i32 to vector<16xi32>
    %eq3A_190 = arith.cmpi eq, %min3A_157, %eq3A_189 : vector<16xi32>
    %jit3A_191 = arith.constant -1.000000e+00 : f32
    %broadcast_in_dim3A_192 = vector.broadcast %jit3A_191 : f32 to vector<16xf32>
    %select_n3A_193 = arith.select %eq3A_190, %broadcast_in_dim3A_192, %div3A_94 : vector<16xi1>, vector<16xf32>
    %eq3A_194 = arith.constant 6 : i32
    %eq3A_195 = vector.broadcast %eq3A_194 : i32 to vector<16xi32>
    %eq3A_196 = arith.cmpi eq, %min3A_157, %eq3A_195 : vector<16xi32>
    %jit3A_197 = arith.constant -1.000000e+00 : f32
    %broadcast_in_dim3A_198 = vector.broadcast %jit3A_197 : f32 to vector<16xf32>
    %select_n3A_199 = arith.select %eq3A_196, %broadcast_in_dim3A_198, %div3A_95 : vector<16xi1>, vector<16xf32>
    %eq3A_200 = arith.constant 7 : i32
    %eq3A_201 = vector.broadcast %eq3A_200 : i32 to vector<16xi32>
    %eq3A_202 = arith.cmpi eq, %min3A_157, %eq3A_201 : vector<16xi32>
    %jit3A_203 = arith.constant -1.000000e+00 : f32
    %broadcast_in_dim3A_204 = vector.broadcast %jit3A_203 : f32 to vector<16xf32>
    %select_n3A_205 = arith.select %eq3A_202, %broadcast_in_dim3A_204, %div3A_96 : vector<16xi1>, vector<16xf32>
    %max3A_206 = arith.maximumf %select_n3A_163, %select_n3A_169 : vector<16xf32>
    %max3A_207 = arith.maximumf %max3A_206, %select_n3A_175 : vector<16xf32>
    %max3A_208 = arith.maximumf %max3A_207, %select_n3A_181 : vector<16xf32>
    %max3A_209 = arith.maximumf %max3A_208, %select_n3A_187 : vector<16xf32>
    %max3A_210 = arith.maximumf %max3A_209, %select_n3A_193 : vector<16xf32>
    %max3A_211 = arith.maximumf %max3A_210, %select_n3A_199 : vector<16xf32>
    %max3A_212 = arith.maximumf %max3A_211, %select_n3A_205 : vector<16xf32>
    %broadcast_in_dim3A_213 = arith.constant 8 : i32
    %broadcast_in_dim3A_214 = vector.broadcast %broadcast_in_dim3A_213 : i32 to vector<16xi32>
    %eq3A_215 = arith.cmpf oeq, %select_n3A_163, %max3A_212 : vector<16xf32>
    %jit3A_216 = arith.constant 0 : i32
    %jit3A_217 = arith.constant 8 : i32
    %broadcast_in_dim3A_218 = vector.broadcast %jit3A_216 : i32 to vector<16xi32>
    %broadcast_in_dim3A_219 = vector.broadcast %jit3A_217 : i32 to vector<16xi32>
    %select_n3A_220 = arith.select %eq3A_215, %broadcast_in_dim3A_218, %broadcast_in_dim3A_219 : vector<16xi1>, vector<16xi32>
    %min3A_221 = arith.minsi %broadcast_in_dim3A_214, %select_n3A_220 : vector<16xi32>
    %eq3A_222 = arith.cmpf oeq, %select_n3A_169, %max3A_212 : vector<16xf32>
    %jit3A_223 = arith.constant 1 : i32
    %jit3A_224 = arith.constant 8 : i32
    %broadcast_in_dim3A_225 = vector.broadcast %jit3A_223 : i32 to vector<16xi32>
    %broadcast_in_dim3A_226 = vector.broadcast %jit3A_224 : i32 to vector<16xi32>
    %select_n3A_227 = arith.select %eq3A_222, %broadcast_in_dim3A_225, %broadcast_in_dim3A_226 : vector<16xi1>, vector<16xi32>
    %min3A_228 = arith.minsi %min3A_221, %select_n3A_227 : vector<16xi32>
    %eq3A_229 = arith.cmpf oeq, %select_n3A_175, %max3A_212 : vector<16xf32>
    %jit3A_230 = arith.constant 2 : i32
    %jit3A_231 = arith.constant 8 : i32
    %broadcast_in_dim3A_232 = vector.broadcast %jit3A_230 : i32 to vector<16xi32>
    %broadcast_in_dim3A_233 = vector.broadcast %jit3A_231 : i32 to vector<16xi32>
    %select_n3A_234 = arith.select %eq3A_229, %broadcast_in_dim3A_232, %broadcast_in_dim3A_233 : vector<16xi1>, vector<16xi32>
    %min3A_235 = arith.minsi %min3A_228, %select_n3A_234 : vector<16xi32>
    %eq3A_236 = arith.cmpf oeq, %select_n3A_181, %max3A_212 : vector<16xf32>
    %jit3A_237 = arith.constant 3 : i32
    %jit3A_238 = arith.constant 8 : i32
    %broadcast_in_dim3A_239 = vector.broadcast %jit3A_237 : i32 to vector<16xi32>
    %broadcast_in_dim3A_240 = vector.broadcast %jit3A_238 : i32 to vector<16xi32>
    %select_n3A_241 = arith.select %eq3A_236, %broadcast_in_dim3A_239, %broadcast_in_dim3A_240 : vector<16xi1>, vector<16xi32>
    %min3A_242 = arith.minsi %min3A_235, %select_n3A_241 : vector<16xi32>
    %eq3A_243 = arith.cmpf oeq, %select_n3A_187, %max3A_212 : vector<16xf32>
    %jit3A_244 = arith.constant 4 : i32
    %jit3A_245 = arith.constant 8 : i32
    %broadcast_in_dim3A_246 = vector.broadcast %jit3A_244 : i32 to vector<16xi32>
    %broadcast_in_dim3A_247 = vector.broadcast %jit3A_245 : i32 to vector<16xi32>
    %select_n3A_248 = arith.select %eq3A_243, %broadcast_in_dim3A_246, %broadcast_in_dim3A_247 : vector<16xi1>, vector<16xi32>
    %min3A_249 = arith.minsi %min3A_242, %select_n3A_248 : vector<16xi32>
    %eq3A_250 = arith.cmpf oeq, %select_n3A_193, %max3A_212 : vector<16xf32>
    %jit3A_251 = arith.constant 5 : i32
    %jit3A_252 = arith.constant 8 : i32
    %broadcast_in_dim3A_253 = vector.broadcast %jit3A_251 : i32 to vector<16xi32>
    %broadcast_in_dim3A_254 = vector.broadcast %jit3A_252 : i32 to vector<16xi32>
    %select_n3A_255 = arith.select %eq3A_250, %broadcast_in_dim3A_253, %broadcast_in_dim3A_254 : vector<16xi1>, vector<16xi32>
    %min3A_256 = arith.minsi %min3A_249, %select_n3A_255 : vector<16xi32>
    %eq3A_257 = arith.cmpf oeq, %select_n3A_199, %max3A_212 : vector<16xf32>
    %jit3A_258 = arith.constant 6 : i32
    %jit3A_259 = arith.constant 8 : i32
    %broadcast_in_dim3A_260 = vector.broadcast %jit3A_258 : i32 to vector<16xi32>
    %broadcast_in_dim3A_261 = vector.broadcast %jit3A_259 : i32 to vector<16xi32>
    %select_n3A_262 = arith.select %eq3A_257, %broadcast_in_dim3A_260, %broadcast_in_dim3A_261 : vector<16xi1>, vector<16xi32>
    %min3A_263 = arith.minsi %min3A_256, %select_n3A_262 : vector<16xi32>
    %eq3A_264 = arith.cmpf oeq, %select_n3A_205, %max3A_212 : vector<16xf32>
    %jit3A_265 = arith.constant 7 : i32
    %jit3A_266 = arith.constant 8 : i32
    %broadcast_in_dim3A_267 = vector.broadcast %jit3A_265 : i32 to vector<16xi32>
    %broadcast_in_dim3A_268 = vector.broadcast %jit3A_266 : i32 to vector<16xi32>
    %select_n3A_269 = arith.select %eq3A_264, %broadcast_in_dim3A_267, %broadcast_in_dim3A_268 : vector<16xi1>, vector<16xi32>
    %min3A_270 = arith.minsi %min3A_263, %select_n3A_269 : vector<16xi32>
    %eq3A_271 = arith.constant 0 : i32
    %eq3A_272 = vector.broadcast %eq3A_271 : i32 to vector<16xi32>
    %eq3A_273 = arith.cmpi eq, %min3A_157, %eq3A_272 : vector<16xi32>
    %eq3A_274 = arith.constant 0 : i32
    %eq3A_275 = vector.broadcast %eq3A_274 : i32 to vector<16xi32>
    %eq3A_276 = arith.cmpi eq, %min3A_270, %eq3A_275 : vector<16xi32>
    %or3A = arith.ori %eq3A_273, %eq3A_276 : vector<16xi1>
    %jit3A_277 = arith.constant 0.000000e+00 : f32
    %broadcast_in_dim3A_278 = vector.broadcast %jit3A_277 : f32 to vector<16xf32>
    %select_n3A_279 = arith.select %or3A, %div3A, %broadcast_in_dim3A_278 : vector<16xi1>, vector<16xf32>
    %swap3A = arith.constant 0 : i32
    %swap3A_280 = arith.index_cast %swap3A : i32 to index
    %swap3A_281 = arith.constant 0 : index
    %swap3A_282 = tpu.vector_load %arg6[%swap3A_280, %swap3A_281] {strides = array<i32>} : memref<8x128xf32, #tpu.memory_space<vmem>>, vector<1x16xf32>,
    %swap3A_283 = vector.shape_cast %swap3A_282 : vector<1x16xf32> to vector<16xf32>
    %swap3A_284 = vector.shape_cast %select_n3A_279 : vector<16xf32> to vector<1x16xf32>
    tpu.vector_store %arg6[%swap3A_280, %swap3A_281], %swap3A_284 {strides = array<i32>} : memref<8x128xf32, #tpu.memory_space<vmem>>, vector<1x16xf32>,
    %jit3A_285 = arith.constant 1 : i32
    %jit3A_286 = arith.constant 0 : i32
    %broadcast_in_dim3A_287 = vector.broadcast %jit3A_285 : i32 to vector<16xi32>
    %broadcast_in_dim3A_288 = vector.broadcast %jit3A_286 : i32 to vector<16xi32>
    %select_n3A_289 = arith.select %or3A, %broadcast_in_dim3A_287, %broadcast_in_dim3A_288 : vector<16xi1>, vector<16xi32>
    %add3A_290 = arith.addi %broadcast_in_dim3A_9, %select_n3A_289 : vector<16xi32>
    %eq3A_291 = arith.constant 1 : i32
    %eq3A_292 = vector.broadcast %eq3A_291 : i32 to vector<16xi32>
    %eq3A_293 = arith.cmpi eq, %min3A_157, %eq3A_292 : vector<16xi32>
    %eq3A_294 = arith.constant 1 : i32
    %eq3A_295 = vector.broadcast %eq3A_294 : i32 to vector<16xi32>
    %eq3A_296 = arith.cmpi eq, %min3A_270, %eq3A_295 : vector<16xi32>
    %or3A_297 = arith.ori %eq3A_293, %eq3A_296 : vector<16xi1>
    %jit3A_298 = arith.constant 0.000000e+00 : f32
    %broadcast_in_dim3A_299 = vector.broadcast %jit3A_298 : f32 to vector<16xf32>
    %select_n3A_300 = arith.select %or3A_297, %div3A_90, %broadcast_in_dim3A_299 : vector<16xi1>, vector<16xf32>
    %swap3A_301 = arith.constant 1 : i32
    %swap3A_302 = arith.index_cast %swap3A_301 : i32 to index
    %swap3A_303 = arith.constant 0 : index
    %swap3A_304 = tpu.vector_load %arg6[%swap3A_302, %swap3A_303] {strides = array<i32>} : memref<8x128xf32, #tpu.memory_space<vmem>>, vector<1x16xf32>,
    %swap3A_305 = vector.shape_cast %swap3A_304 : vector<1x16xf32> to vector<16xf32>
    %swap3A_306 = vector.shape_cast %select_n3A_300 : vector<16xf32> to vector<1x16xf32>
    tpu.vector_store %arg6[%swap3A_302, %swap3A_303], %swap3A_306 {strides = array<i32>} : memref<8x128xf32, #tpu.memory_space<vmem>>, vector<1x16xf32>,
    %jit3A_307 = arith.constant 1 : i32
    %jit3A_308 = arith.constant 0 : i32
    %broadcast_in_dim3A_309 = vector.broadcast %jit3A_307 : i32 to vector<16xi32>
    %broadcast_in_dim3A_310 = vector.broadcast %jit3A_308 : i32 to vector<16xi32>
    %select_n3A_311 = arith.select %or3A_297, %broadcast_in_dim3A_309, %broadcast_in_dim3A_310 : vector<16xi1>, vector<16xi32>
    %add3A_312 = arith.addi %broadcast_in_dim3A_11, %select_n3A_311 : vector<16xi32>
    %eq3A_313 = arith.constant 2 : i32
    %eq3A_314 = vector.broadcast %eq3A_313 : i32 to vector<16xi32>
    %eq3A_315 = arith.cmpi eq, %min3A_157, %eq3A_314 : vector<16xi32>
    %eq3A_316 = arith.constant 2 : i32
    %eq3A_317 = vector.broadcast %eq3A_316 : i32 to vector<16xi32>
    %eq3A_318 = arith.cmpi eq, %min3A_270, %eq3A_317 : vector<16xi32>
    %or3A_319 = arith.ori %eq3A_315, %eq3A_318 : vector<16xi1>
    %jit3A_320 = arith.constant 0.000000e+00 : f32
    %broadcast_in_dim3A_321 = vector.broadcast %jit3A_320 : f32 to vector<16xf32>
    %select_n3A_322 = arith.select %or3A_319, %div3A_91, %broadcast_in_dim3A_321 : vector<16xi1>, vector<16xf32>
    %swap3A_323 = arith.constant 2 : i32
    %swap3A_324 = arith.index_cast %swap3A_323 : i32 to index
    %swap3A_325 = arith.constant 0 : index
    %swap3A_326 = tpu.vector_load %arg6[%swap3A_324, %swap3A_325] {strides = array<i32>} : memref<8x128xf32, #tpu.memory_space<vmem>>, vector<1x16xf32>,
    %swap3A_327 = vector.shape_cast %swap3A_326 : vector<1x16xf32> to vector<16xf32>
    %swap3A_328 = vector.shape_cast %select_n3A_322 : vector<16xf32> to vector<1x16xf32>
    tpu.vector_store %arg6[%swap3A_324, %swap3A_325], %swap3A_328 {strides = array<i32>} : memref<8x128xf32, #tpu.memory_space<vmem>>, vector<1x16xf32>,
    %jit3A_329 = arith.constant 1 : i32
    %jit3A_330 = arith.constant 0 : i32
    %broadcast_in_dim3A_331 = vector.broadcast %jit3A_329 : i32 to vector<16xi32>
    %broadcast_in_dim3A_332 = vector.broadcast %jit3A_330 : i32 to vector<16xi32>
    %select_n3A_333 = arith.select %or3A_319, %broadcast_in_dim3A_331, %broadcast_in_dim3A_332 : vector<16xi1>, vector<16xi32>
    %add3A_334 = arith.addi %broadcast_in_dim3A_13, %select_n3A_333 : vector<16xi32>
    %eq3A_335 = arith.constant 3 : i32
    %eq3A_336 = vector.broadcast %eq3A_335 : i32 to vector<16xi32>
    %eq3A_337 = arith.cmpi eq, %min3A_157, %eq3A_336 : vector<16xi32>
    %eq3A_338 = arith.constant 3 : i32
    %eq3A_339 = vector.broadcast %eq3A_338 : i32 to vector<16xi32>
    %eq3A_340 = arith.cmpi eq, %min3A_270, %eq3A_339 : vector<16xi32>
    %or3A_341 = arith.ori %eq3A_337, %eq3A_340 : vector<16xi1>
    %jit3A_342 = arith.constant 0.000000e+00 : f32
    %broadcast_in_dim3A_343 = vector.broadcast %jit3A_342 : f32 to vector<16xf32>
    %select_n3A_344 = arith.select %or3A_341, %div3A_92, %broadcast_in_dim3A_343 : vector<16xi1>, vector<16xf32>
    %swap3A_345 = arith.constant 3 : i32
    %swap3A_346 = arith.index_cast %swap3A_345 : i32 to index
    %swap3A_347 = arith.constant 0 : index
    %swap3A_348 = tpu.vector_load %arg6[%swap3A_346, %swap3A_347] {strides = array<i32>} : memref<8x128xf32, #tpu.memory_space<vmem>>, vector<1x16xf32>,
    %swap3A_349 = vector.shape_cast %swap3A_348 : vector<1x16xf32> to vector<16xf32>
    %swap3A_350 = vector.shape_cast %select_n3A_344 : vector<16xf32> to vector<1x16xf32>
    tpu.vector_store %arg6[%swap3A_346, %swap3A_347], %swap3A_350 {strides = array<i32>} : memref<8x128xf32, #tpu.memory_space<vmem>>, vector<1x16xf32>,
    %jit3A_351 = arith.constant 1 : i32
    %jit3A_352 = arith.constant 0 : i32
    %broadcast_in_dim3A_353 = vector.broadcast %jit3A_351 : i32 to vector<16xi32>
    %broadcast_in_dim3A_354 = vector.broadcast %jit3A_352 : i32 to vector<16xi32>
    %select_n3A_355 = arith.select %or3A_341, %broadcast_in_dim3A_353, %broadcast_in_dim3A_354 : vector<16xi1>, vector<16xi32>
    %add3A_356 = arith.addi %broadcast_in_dim3A_15, %select_n3A_355 : vector<16xi32>
    %eq3A_357 = arith.constant 4 : i32
    %eq3A_358 = vector.broadcast %eq3A_357 : i32 to vector<16xi32>
    %eq3A_359 = arith.cmpi eq, %min3A_157, %eq3A_358 : vector<16xi32>
    %eq3A_360 = arith.constant 4 : i32
    %eq3A_361 = vector.broadcast %eq3A_360 : i32 to vector<16xi32>
    %eq3A_362 = arith.cmpi eq, %min3A_270, %eq3A_361 : vector<16xi32>
    %or3A_363 = arith.ori %eq3A_359, %eq3A_362 : vector<16xi1>
    %jit3A_364 = arith.constant 0.000000e+00 : f32
    %broadcast_in_dim3A_365 = vector.broadcast %jit3A_364 : f32 to vector<16xf32>
    %select_n3A_366 = arith.select %or3A_363, %div3A_93, %broadcast_in_dim3A_365 : vector<16xi1>, vector<16xf32>
    %swap3A_367 = arith.constant 4 : i32
    %swap3A_368 = arith.index_cast %swap3A_367 : i32 to index
    %swap3A_369 = arith.constant 0 : index
    %swap3A_370 = tpu.vector_load %arg6[%swap3A_368, %swap3A_369] {strides = array<i32>} : memref<8x128xf32, #tpu.memory_space<vmem>>, vector<1x16xf32>,
    %swap3A_371 = vector.shape_cast %swap3A_370 : vector<1x16xf32> to vector<16xf32>
    %swap3A_372 = vector.shape_cast %select_n3A_366 : vector<16xf32> to vector<1x16xf32>
    tpu.vector_store %arg6[%swap3A_368, %swap3A_369], %swap3A_372 {strides = array<i32>} : memref<8x128xf32, #tpu.memory_space<vmem>>, vector<1x16xf32>,
    %jit3A_373 = arith.constant 1 : i32
    %jit3A_374 = arith.constant 0 : i32
    %broadcast_in_dim3A_375 = vector.broadcast %jit3A_373 : i32 to vector<16xi32>
    %broadcast_in_dim3A_376 = vector.broadcast %jit3A_374 : i32 to vector<16xi32>
    %select_n3A_377 = arith.select %or3A_363, %broadcast_in_dim3A_375, %broadcast_in_dim3A_376 : vector<16xi1>, vector<16xi32>
    %add3A_378 = arith.addi %broadcast_in_dim3A_17, %select_n3A_377 : vector<16xi32>
    %eq3A_379 = arith.constant 5 : i32
    %eq3A_380 = vector.broadcast %eq3A_379 : i32 to vector<16xi32>
    %eq3A_381 = arith.cmpi eq, %min3A_157, %eq3A_380 : vector<16xi32>
    %eq3A_382 = arith.constant 5 : i32
    %eq3A_383 = vector.broadcast %eq3A_382 : i32 to vector<16xi32>
    %eq3A_384 = arith.cmpi eq, %min3A_270, %eq3A_383 : vector<16xi32>
    %or3A_385 = arith.ori %eq3A_381, %eq3A_384 : vector<16xi1>
    %jit3A_386 = arith.constant 0.000000e+00 : f32
    %broadcast_in_dim3A_387 = vector.broadcast %jit3A_386 : f32 to vector<16xf32>
    %select_n3A_388 = arith.select %or3A_385, %div3A_94, %broadcast_in_dim3A_387 : vector<16xi1>, vector<16xf32>
    %swap3A_389 = arith.constant 5 : i32
    %swap3A_390 = arith.index_cast %swap3A_389 : i32 to index
    %swap3A_391 = arith.constant 0 : index
    %swap3A_392 = tpu.vector_load %arg6[%swap3A_390, %swap3A_391] {strides = array<i32>} : memref<8x128xf32, #tpu.memory_space<vmem>>, vector<1x16xf32>,
    %swap3A_393 = vector.shape_cast %swap3A_392 : vector<1x16xf32> to vector<16xf32>
    %swap3A_394 = vector.shape_cast %select_n3A_388 : vector<16xf32> to vector<1x16xf32>
    tpu.vector_store %arg6[%swap3A_390, %swap3A_391], %swap3A_394 {strides = array<i32>} : memref<8x128xf32, #tpu.memory_space<vmem>>, vector<1x16xf32>,
    %jit3A_395 = arith.constant 1 : i32
    %jit3A_396 = arith.constant 0 : i32
    %broadcast_in_dim3A_397 = vector.broadcast %jit3A_395 : i32 to vector<16xi32>
    %broadcast_in_dim3A_398 = vector.broadcast %jit3A_396 : i32 to vector<16xi32>
    %select_n3A_399 = arith.select %or3A_385, %broadcast_in_dim3A_397, %broadcast_in_dim3A_398 : vector<16xi1>, vector<16xi32>
    %add3A_400 = arith.addi %broadcast_in_dim3A_19, %select_n3A_399 : vector<16xi32>
    %eq3A_401 = arith.constant 6 : i32
    %eq3A_402 = vector.broadcast %eq3A_401 : i32 to vector<16xi32>
    %eq3A_403 = arith.cmpi eq, %min3A_157, %eq3A_402 : vector<16xi32>
    %eq3A_404 = arith.constant 6 : i32
    %eq3A_405 = vector.broadcast %eq3A_404 : i32 to vector<16xi32>
    %eq3A_406 = arith.cmpi eq, %min3A_270, %eq3A_405 : vector<16xi32>
    %or3A_407 = arith.ori %eq3A_403, %eq3A_406 : vector<16xi1>
    %jit3A_408 = arith.constant 0.000000e+00 : f32
    %broadcast_in_dim3A_409 = vector.broadcast %jit3A_408 : f32 to vector<16xf32>
    %select_n3A_410 = arith.select %or3A_407, %div3A_95, %broadcast_in_dim3A_409 : vector<16xi1>, vector<16xf32>
    %swap3A_411 = arith.constant 6 : i32
    %swap3A_412 = arith.index_cast %swap3A_411 : i32 to index
    %swap3A_413 = arith.constant 0 : index
    %swap3A_414 = tpu.vector_load %arg6[%swap3A_412, %swap3A_413] {strides = array<i32>} : memref<8x128xf32, #tpu.memory_space<vmem>>, vector<1x16xf32>,
    %swap3A_415 = vector.shape_cast %swap3A_414 : vector<1x16xf32> to vector<16xf32>
    %swap3A_416 = vector.shape_cast %select_n3A_410 : vector<16xf32> to vector<1x16xf32>
    tpu.vector_store %arg6[%swap3A_412, %swap3A_413], %swap3A_416 {strides = array<i32>} : memref<8x128xf32, #tpu.memory_space<vmem>>, vector<1x16xf32>,
    %jit3A_417 = arith.constant 1 : i32
    %jit3A_418 = arith.constant 0 : i32
    %broadcast_in_dim3A_419 = vector.broadcast %jit3A_417 : i32 to vector<16xi32>
    %broadcast_in_dim3A_420 = vector.broadcast %jit3A_418 : i32 to vector<16xi32>
    %select_n3A_421 = arith.select %or3A_407, %broadcast_in_dim3A_419, %broadcast_in_dim3A_420 : vector<16xi1>, vector<16xi32>
    %add3A_422 = arith.addi %broadcast_in_dim3A_21, %select_n3A_421 : vector<16xi32>
    %eq3A_423 = arith.constant 7 : i32
    %eq3A_424 = vector.broadcast %eq3A_423 : i32 to vector<16xi32>
    %eq3A_425 = arith.cmpi eq, %min3A_157, %eq3A_424 : vector<16xi32>
    %eq3A_426 = arith.constant 7 : i32
    %eq3A_427 = vector.broadcast %eq3A_426 : i32 to vector<16xi32>
    %eq3A_428 = arith.cmpi eq, %min3A_270, %eq3A_427 : vector<16xi32>
    %or3A_429 = arith.ori %eq3A_425, %eq3A_428 : vector<16xi1>
    %jit3A_430 = arith.constant 0.000000e+00 : f32
    %broadcast_in_dim3A_431 = vector.broadcast %jit3A_430 : f32 to vector<16xf32>
    %select_n3A_432 = arith.select %or3A_429, %div3A_96, %broadcast_in_dim3A_431 : vector<16xi1>, vector<16xf32>
    %swap3A_433 = arith.constant 7 : i32
    %swap3A_434 = arith.index_cast %swap3A_433 : i32 to index
    %swap3A_435 = arith.constant 0 : index
    %swap3A_436 = tpu.vector_load %arg6[%swap3A_434, %swap3A_435] {strides = array<i32>} : memref<8x128xf32, #tpu.memory_space<vmem>>, vector<1x16xf32>,
    %swap3A_437 = vector.shape_cast %swap3A_436 : vector<1x16xf32> to vector<16xf32>
    %swap3A_438 = vector.shape_cast %select_n3A_432 : vector<16xf32> to vector<1x16xf32>
    tpu.vector_store %arg6[%swap3A_434, %swap3A_435], %swap3A_438 {strides = array<i32>} : memref<8x128xf32, #tpu.memory_space<vmem>>, vector<1x16xf32>,
    %jit3A_439 = arith.constant 1 : i32
    %jit3A_440 = arith.constant 0 : i32
    %broadcast_in_dim3A_441 = vector.broadcast %jit3A_439 : i32 to vector<16xi32>
    %broadcast_in_dim3A_442 = vector.broadcast %jit3A_440 : i32 to vector<16xi32>
    %select_n3A_443 = arith.select %or3A_429, %broadcast_in_dim3A_441, %broadcast_in_dim3A_442 : vector<16xi1>, vector<16xi32>
    %add3A_444 = arith.addi %broadcast_in_dim3A_23, %select_n3A_443 : vector<16xi32>
    %get3A_445 = arith.constant 0 : i32
    %get3A_446 = arith.index_cast %get3A_445 : i32 to index
    %get3A_447 = arith.constant 16 : index
    %get3A_448 = tpu.vector_load %arg5[%get3A_446, %get3A_447] {strides = array<i32>} : memref<8x128xf32, #tpu.memory_space<vmem>>, vector<1x16xf32>,
    %get3A_449 = vector.shape_cast %get3A_448 : vector<1x16xf32> to vector<16xf32>
    %get3A_450 = arith.constant 1 : i32
    %get3A_451 = arith.index_cast %get3A_450 : i32 to index
    %get3A_452 = arith.constant 16 : index
    %get3A_453 = tpu.vector_load %arg5[%get3A_451, %get3A_452] {strides = array<i32>} : memref<8x128xf32, #tpu.memory_space<vmem>>, vector<1x16xf32>,
    %get3A_454 = vector.shape_cast %get3A_453 : vector<1x16xf32> to vector<16xf32>
    %get3A_455 = arith.constant 2 : i32
    %get3A_456 = arith.index_cast %get3A_455 : i32 to index
    %get3A_457 = arith.constant 16 : index
    %get3A_458 = tpu.vector_load %arg5[%get3A_456, %get3A_457] {strides = array<i32>} : memref<8x128xf32, #tpu.memory_space<vmem>>, vector<1x16xf32>,
    %get3A_459 = vector.shape_cast %get3A_458 : vector<1x16xf32> to vector<16xf32>
    %get3A_460 = arith.constant 3 : i32
    %get3A_461 = arith.index_cast %get3A_460 : i32 to index
    %get3A_462 = arith.constant 16 : index
    %get3A_463 = tpu.vector_load %arg5[%get3A_461, %get3A_462] {strides = array<i32>} : memref<8x128xf32, #tpu.memory_space<vmem>>, vector<1x16xf32>,
    %get3A_464 = vector.shape_cast %get3A_463 : vector<1x16xf32> to vector<16xf32>
    %get3A_465 = arith.constant 4 : i32
    %get3A_466 = arith.index_cast %get3A_465 : i32 to index
    %get3A_467 = arith.constant 16 : index
    %get3A_468 = tpu.vector_load %arg5[%get3A_466, %get3A_467] {strides = array<i32>} : memref<8x128xf32, #tpu.memory_space<vmem>>, vector<1x16xf32>,
    %get3A_469 = vector.shape_cast %get3A_468 : vector<1x16xf32> to vector<16xf32>
    %get3A_470 = arith.constant 5 : i32
    %get3A_471 = arith.index_cast %get3A_470 : i32 to index
    %get3A_472 = arith.constant 16 : index
    %get3A_473 = tpu.vector_load %arg5[%get3A_471, %get3A_472] {strides = array<i32>} : memref<8x128xf32, #tpu.memory_space<vmem>>, vector<1x16xf32>,
    %get3A_474 = vector.shape_cast %get3A_473 : vector<1x16xf32> to vector<16xf32>
    %get3A_475 = arith.constant 6 : i32
    %get3A_476 = arith.index_cast %get3A_475 : i32 to index
    %get3A_477 = arith.constant 16 : index
    %get3A_478 = tpu.vector_load %arg5[%get3A_476, %get3A_477] {strides = array<i32>} : memref<8x128xf32, #tpu.memory_space<vmem>>, vector<1x16xf32>,
    %get3A_479 = vector.shape_cast %get3A_478 : vector<1x16xf32> to vector<16xf32>
    %get3A_480 = arith.constant 7 : i32
    %get3A_481 = arith.index_cast %get3A_480 : i32 to index
    %get3A_482 = arith.constant 16 : index
    %get3A_483 = tpu.vector_load %arg5[%get3A_481, %get3A_482] {strides = array<i32>} : memref<8x128xf32, #tpu.memory_space<vmem>>, vector<1x16xf32>,
    %get3A_484 = vector.shape_cast %get3A_483 : vector<1x16xf32> to vector<16xf32>
    %max3A_485 = arith.maximumf %get3A_449, %get3A_454 : vector<16xf32>
    %max3A_486 = arith.maximumf %max3A_485, %get3A_459 : vector<16xf32>
    %max3A_487 = arith.maximumf %max3A_486, %get3A_464 : vector<16xf32>
    %max3A_488 = arith.maximumf %max3A_487, %get3A_469 : vector<16xf32>
    %max3A_489 = arith.maximumf %max3A_488, %get3A_474 : vector<16xf32>
    %max3A_490 = arith.maximumf %max3A_489, %get3A_479 : vector<16xf32>
    %max3A_491 = arith.maximumf %max3A_490, %get3A_484 : vector<16xf32>
    %sub3A_492 = arith.subf %get3A_449, %max3A_491 : vector<16xf32>
    %exp3A_493 = math.exp %sub3A_492 : vector<16xf32>
    %sub3A_494 = arith.subf %get3A_454, %max3A_491 : vector<16xf32>
    %exp3A_495 = math.exp %sub3A_494 : vector<16xf32>
    %sub3A_496 = arith.subf %get3A_459, %max3A_491 : vector<16xf32>
    %exp3A_497 = math.exp %sub3A_496 : vector<16xf32>
    %sub3A_498 = arith.subf %get3A_464, %max3A_491 : vector<16xf32>
    %exp3A_499 = math.exp %sub3A_498 : vector<16xf32>
    %sub3A_500 = arith.subf %get3A_469, %max3A_491 : vector<16xf32>
    %exp3A_501 = math.exp %sub3A_500 : vector<16xf32>
    %sub3A_502 = arith.subf %get3A_474, %max3A_491 : vector<16xf32>
    %exp3A_503 = math.exp %sub3A_502 : vector<16xf32>
    %sub3A_504 = arith.subf %get3A_479, %max3A_491 : vector<16xf32>
    %exp3A_505 = math.exp %sub3A_504 : vector<16xf32>
    %sub3A_506 = arith.subf %get3A_484, %max3A_491 : vector<16xf32>
    %exp3A_507 = math.exp %sub3A_506 : vector<16xf32>
    %add3A_508 = arith.addf %exp3A_493, %exp3A_495 : vector<16xf32>
    %add3A_509 = arith.addf %add3A_508, %exp3A_497 : vector<16xf32>
    %add3A_510 = arith.addf %add3A_509, %exp3A_499 : vector<16xf32>
    %add3A_511 = arith.addf %add3A_510, %exp3A_501 : vector<16xf32>
    %add3A_512 = arith.addf %add3A_511, %exp3A_503 : vector<16xf32>
    %add3A_513 = arith.addf %add3A_512, %exp3A_505 : vector<16xf32>
    %add3A_514 = arith.addf %add3A_513, %exp3A_507 : vector<16xf32>
    %div3A_515 = arith.divf %exp3A_493, %add3A_514 : vector<16xf32>
    %div3A_516 = arith.divf %exp3A_495, %add3A_514 : vector<16xf32>
    %div3A_517 = arith.divf %exp3A_497, %add3A_514 : vector<16xf32>
    %div3A_518 = arith.divf %exp3A_499, %add3A_514 : vector<16xf32>
    %div3A_519 = arith.divf %exp3A_501, %add3A_514 : vector<16xf32>
    %div3A_520 = arith.divf %exp3A_503, %add3A_514 : vector<16xf32>
    %div3A_521 = arith.divf %exp3A_505, %add3A_514 : vector<16xf32>
    %div3A_522 = arith.divf %exp3A_507, %add3A_514 : vector<16xf32>
    %max3A_523 = arith.maximumf %div3A_515, %div3A_516 : vector<16xf32>
    %max3A_524 = arith.maximumf %max3A_523, %div3A_517 : vector<16xf32>
    %max3A_525 = arith.maximumf %max3A_524, %div3A_518 : vector<16xf32>
    %max3A_526 = arith.maximumf %max3A_525, %div3A_519 : vector<16xf32>
    %max3A_527 = arith.maximumf %max3A_526, %div3A_520 : vector<16xf32>
    %max3A_528 = arith.maximumf %max3A_527, %div3A_521 : vector<16xf32>
    %max3A_529 = arith.maximumf %max3A_528, %div3A_522 : vector<16xf32>
    %broadcast_in_dim3A_530 = arith.constant 8 : i32
    %broadcast_in_dim3A_531 = vector.broadcast %broadcast_in_dim3A_530 : i32 to vector<16xi32>
    %eq3A_532 = arith.cmpf oeq, %div3A_515, %max3A_529 : vector<16xf32>
    %jit3A_533 = arith.constant 0 : i32
    %jit3A_534 = arith.constant 8 : i32
    %broadcast_in_dim3A_535 = vector.broadcast %jit3A_533 : i32 to vector<16xi32>
    %broadcast_in_dim3A_536 = vector.broadcast %jit3A_534 : i32 to vector<16xi32>
    %select_n3A_537 = arith.select %eq3A_532, %broadcast_in_dim3A_535, %broadcast_in_dim3A_536 : vector<16xi1>, vector<16xi32>
    %min3A_538 = arith.minsi %broadcast_in_dim3A_531, %select_n3A_537 : vector<16xi32>
    %eq3A_539 = arith.cmpf oeq, %div3A_516, %max3A_529 : vector<16xf32>
    %jit3A_540 = arith.constant 1 : i32
    %jit3A_541 = arith.constant 8 : i32
    %broadcast_in_dim3A_542 = vector.broadcast %jit3A_540 : i32 to vector<16xi32>
    %broadcast_in_dim3A_543 = vector.broadcast %jit3A_541 : i32 to vector<16xi32>
    %select_n3A_544 = arith.select %eq3A_539, %broadcast_in_dim3A_542, %broadcast_in_dim3A_543 : vector<16xi1>, vector<16xi32>
    %min3A_545 = arith.minsi %min3A_538, %select_n3A_544 : vector<16xi32>
    %eq3A_546 = arith.cmpf oeq, %div3A_517, %max3A_529 : vector<16xf32>
    %jit3A_547 = arith.constant 2 : i32
    %jit3A_548 = arith.constant 8 : i32
    %broadcast_in_dim3A_549 = vector.broadcast %jit3A_547 : i32 to vector<16xi32>
    %broadcast_in_dim3A_550 = vector.broadcast %jit3A_548 : i32 to vector<16xi32>
    %select_n3A_551 = arith.select %eq3A_546, %broadcast_in_dim3A_549, %broadcast_in_dim3A_550 : vector<16xi1>, vector<16xi32>
    %min3A_552 = arith.minsi %min3A_545, %select_n3A_551 : vector<16xi32>
    %eq3A_553 = arith.cmpf oeq, %div3A_518, %max3A_529 : vector<16xf32>
    %jit3A_554 = arith.constant 3 : i32
    %jit3A_555 = arith.constant 8 : i32
    %broadcast_in_dim3A_556 = vector.broadcast %jit3A_554 : i32 to vector<16xi32>
    %broadcast_in_dim3A_557 = vector.broadcast %jit3A_555 : i32 to vector<16xi32>
    %select_n3A_558 = arith.select %eq3A_553, %broadcast_in_dim3A_556, %broadcast_in_dim3A_557 : vector<16xi1>, vector<16xi32>
    %min3A_559 = arith.minsi %min3A_552, %select_n3A_558 : vector<16xi32>
    %eq3A_560 = arith.cmpf oeq, %div3A_519, %max3A_529 : vector<16xf32>
    %jit3A_561 = arith.constant 4 : i32
    %jit3A_562 = arith.constant 8 : i32
    %broadcast_in_dim3A_563 = vector.broadcast %jit3A_561 : i32 to vector<16xi32>
    %broadcast_in_dim3A_564 = vector.broadcast %jit3A_562 : i32 to vector<16xi32>
    %select_n3A_565 = arith.select %eq3A_560, %broadcast_in_dim3A_563, %broadcast_in_dim3A_564 : vector<16xi1>, vector<16xi32>
    %min3A_566 = arith.minsi %min3A_559, %select_n3A_565 : vector<16xi32>
    %eq3A_567 = arith.cmpf oeq, %div3A_520, %max3A_529 : vector<16xf32>
    %jit3A_568 = arith.constant 5 : i32
    %jit3A_569 = arith.constant 8 : i32
    %broadcast_in_dim3A_570 = vector.broadcast %jit3A_568 : i32 to vector<16xi32>
    %broadcast_in_dim3A_571 = vector.broadcast %jit3A_569 : i32 to vector<16xi32>
    %select_n3A_572 = arith.select %eq3A_567, %broadcast_in_dim3A_570, %broadcast_in_dim3A_571 : vector<16xi1>, vector<16xi32>
    %min3A_573 = arith.minsi %min3A_566, %select_n3A_572 : vector<16xi32>
    %eq3A_574 = arith.cmpf oeq, %div3A_521, %max3A_529 : vector<16xf32>
    %jit3A_575 = arith.constant 6 : i32
    %jit3A_576 = arith.constant 8 : i32
    %broadcast_in_dim3A_577 = vector.broadcast %jit3A_575 : i32 to vector<16xi32>
    %broadcast_in_dim3A_578 = vector.broadcast %jit3A_576 : i32 to vector<16xi32>
    %select_n3A_579 = arith.select %eq3A_574, %broadcast_in_dim3A_577, %broadcast_in_dim3A_578 : vector<16xi1>, vector<16xi32>
    %min3A_580 = arith.minsi %min3A_573, %select_n3A_579 : vector<16xi32>
    %eq3A_581 = arith.cmpf oeq, %div3A_522, %max3A_529 : vector<16xf32>
    %jit3A_582 = arith.constant 7 : i32
    %jit3A_583 = arith.constant 8 : i32
    %broadcast_in_dim3A_584 = vector.broadcast %jit3A_582 : i32 to vector<16xi32>
    %broadcast_in_dim3A_585 = vector.broadcast %jit3A_583 : i32 to vector<16xi32>
    %select_n3A_586 = arith.select %eq3A_581, %broadcast_in_dim3A_584, %broadcast_in_dim3A_585 : vector<16xi1>, vector<16xi32>
    %min3A_587 = arith.minsi %min3A_580, %select_n3A_586 : vector<16xi32>
    %eq3A_588 = arith.constant 0 : i32
    %eq3A_589 = vector.broadcast %eq3A_588 : i32 to vector<16xi32>
    %eq3A_590 = arith.cmpi eq, %min3A_587, %eq3A_589 : vector<16xi32>
    %jit3A_591 = arith.constant -1.000000e+00 : f32
    %broadcast_in_dim3A_592 = vector.broadcast %jit3A_591 : f32 to vector<16xf32>
    %select_n3A_593 = arith.select %eq3A_590, %broadcast_in_dim3A_592, %div3A_515 : vector<16xi1>, vector<16xf32>
    %eq3A_594 = arith.constant 1 : i32
    %eq3A_595 = vector.broadcast %eq3A_594 : i32 to vector<16xi32>
    %eq3A_596 = arith.cmpi eq, %min3A_587, %eq3A_595 : vector<16xi32>
    %jit3A_597 = arith.constant -1.000000e+00 : f32
    %broadcast_in_dim3A_598 = vector.broadcast %jit3A_597 : f32 to vector<16xf32>
    %select_n3A_599 = arith.select %eq3A_596, %broadcast_in_dim3A_598, %div3A_516 : vector<16xi1>, vector<16xf32>
    %eq3A_600 = arith.constant 2 : i32
    %eq3A_601 = vector.broadcast %eq3A_600 : i32 to vector<16xi32>
    %eq3A_602 = arith.cmpi eq, %min3A_587, %eq3A_601 : vector<16xi32>
    %jit3A_603 = arith.constant -1.000000e+00 : f32
    %broadcast_in_dim3A_604 = vector.broadcast %jit3A_603 : f32 to vector<16xf32>
    %select_n3A_605 = arith.select %eq3A_602, %broadcast_in_dim3A_604, %div3A_517 : vector<16xi1>, vector<16xf32>
    %eq3A_606 = arith.constant 3 : i32
    %eq3A_607 = vector.broadcast %eq3A_606 : i32 to vector<16xi32>
    %eq3A_608 = arith.cmpi eq, %min3A_587, %eq3A_607 : vector<16xi32>
    %jit3A_609 = arith.constant -1.000000e+00 : f32
    %broadcast_in_dim3A_610 = vector.broadcast %jit3A_609 : f32 to vector<16xf32>
    %select_n3A_611 = arith.select %eq3A_608, %broadcast_in_dim3A_610, %div3A_518 : vector<16xi1>, vector<16xf32>
    %eq3A_612 = arith.constant 4 : i32
    %eq3A_613 = vector.broadcast %eq3A_612 : i32 to vector<16xi32>
    %eq3A_614 = arith.cmpi eq, %min3A_587, %eq3A_613 : vector<16xi32>
    %jit3A_615 = arith.constant -1.000000e+00 : f32
    %broadcast_in_dim3A_616 = vector.broadcast %jit3A_615 : f32 to vector<16xf32>
    %select_n3A_617 = arith.select %eq3A_614, %broadcast_in_dim3A_616, %div3A_519 : vector<16xi1>, vector<16xf32>
    %eq3A_618 = arith.constant 5 : i32
    %eq3A_619 = vector.broadcast %eq3A_618 : i32 to vector<16xi32>
    %eq3A_620 = arith.cmpi eq, %min3A_587, %eq3A_619 : vector<16xi32>
    %jit3A_621 = arith.constant -1.000000e+00 : f32
    %broadcast_in_dim3A_622 = vector.broadcast %jit3A_621 : f32 to vector<16xf32>
    %select_n3A_623 = arith.select %eq3A_620, %broadcast_in_dim3A_622, %div3A_520 : vector<16xi1>, vector<16xf32>
    %eq3A_624 = arith.constant 6 : i32
    %eq3A_625 = vector.broadcast %eq3A_624 : i32 to vector<16xi32>
    %eq3A_626 = arith.cmpi eq, %min3A_587, %eq3A_625 : vector<16xi32>
    %jit3A_627 = arith.constant -1.000000e+00 : f32
    %broadcast_in_dim3A_628 = vector.broadcast %jit3A_627 : f32 to vector<16xf32>
    %select_n3A_629 = arith.select %eq3A_626, %broadcast_in_dim3A_628, %div3A_521 : vector<16xi1>, vector<16xf32>
    %eq3A_630 = arith.constant 7 : i32
    %eq3A_631 = vector.broadcast %eq3A_630 : i32 to vector<16xi32>
    %eq3A_632 = arith.cmpi eq, %min3A_587, %eq3A_631 : vector<16xi32>
    %jit3A_633 = arith.constant -1.000000e+00 : f32
    %broadcast_in_dim3A_634 = vector.broadcast %jit3A_633 : f32 to vector<16xf32>
    %select_n3A_635 = arith.select %eq3A_632, %broadcast_in_dim3A_634, %div3A_522 : vector<16xi1>, vector<16xf32>
    %max3A_636 = arith.maximumf %select_n3A_593, %select_n3A_599 : vector<16xf32>
    %max3A_637 = arith.maximumf %max3A_636, %select_n3A_605 : vector<16xf32>
    %max3A_638 = arith.maximumf %max3A_637, %select_n3A_611 : vector<16xf32>
    %max3A_639 = arith.maximumf %max3A_638, %select_n3A_617 : vector<16xf32>
    %max3A_640 = arith.maximumf %max3A_639, %select_n3A_623 : vector<16xf32>
    %max3A_641 = arith.maximumf %max3A_640, %select_n3A_629 : vector<16xf32>
    %max3A_642 = arith.maximumf %max3A_641, %select_n3A_635 : vector<16xf32>
    %broadcast_in_dim3A_643 = arith.constant 8 : i32
    %broadcast_in_dim3A_644 = vector.broadcast %broadcast_in_dim3A_643 : i32 to vector<16xi32>
    %eq3A_645 = arith.cmpf oeq, %select_n3A_593, %max3A_642 : vector<16xf32>
    %jit3A_646 = arith.constant 0 : i32
    %jit3A_647 = arith.constant 8 : i32
    %broadcast_in_dim3A_648 = vector.broadcast %jit3A_646 : i32 to vector<16xi32>
    %broadcast_in_dim3A_649 = vector.broadcast %jit3A_647 : i32 to vector<16xi32>
    %select_n3A_650 = arith.select %eq3A_645, %broadcast_in_dim3A_648, %broadcast_in_dim3A_649 : vector<16xi1>, vector<16xi32>
    %min3A_651 = arith.minsi %broadcast_in_dim3A_644, %select_n3A_650 : vector<16xi32>
    %eq3A_652 = arith.cmpf oeq, %select_n3A_599, %max3A_642 : vector<16xf32>
    %jit3A_653 = arith.constant 1 : i32
    %jit3A_654 = arith.constant 8 : i32
    %broadcast_in_dim3A_655 = vector.broadcast %jit3A_653 : i32 to vector<16xi32>
    %broadcast_in_dim3A_656 = vector.broadcast %jit3A_654 : i32 to vector<16xi32>
    %select_n3A_657 = arith.select %eq3A_652, %broadcast_in_dim3A_655, %broadcast_in_dim3A_656 : vector<16xi1>, vector<16xi32>
    %min3A_658 = arith.minsi %min3A_651, %select_n3A_657 : vector<16xi32>
    %eq3A_659 = arith.cmpf oeq, %select_n3A_605, %max3A_642 : vector<16xf32>
    %jit3A_660 = arith.constant 2 : i32
    %jit3A_661 = arith.constant 8 : i32
    %broadcast_in_dim3A_662 = vector.broadcast %jit3A_660 : i32 to vector<16xi32>
    %broadcast_in_dim3A_663 = vector.broadcast %jit3A_661 : i32 to vector<16xi32>
    %select_n3A_664 = arith.select %eq3A_659, %broadcast_in_dim3A_662, %broadcast_in_dim3A_663 : vector<16xi1>, vector<16xi32>
    %min3A_665 = arith.minsi %min3A_658, %select_n3A_664 : vector<16xi32>
    %eq3A_666 = arith.cmpf oeq, %select_n3A_611, %max3A_642 : vector<16xf32>
    %jit3A_667 = arith.constant 3 : i32
    %jit3A_668 = arith.constant 8 : i32
    %broadcast_in_dim3A_669 = vector.broadcast %jit3A_667 : i32 to vector<16xi32>
    %broadcast_in_dim3A_670 = vector.broadcast %jit3A_668 : i32 to vector<16xi32>
    %select_n3A_671 = arith.select %eq3A_666, %broadcast_in_dim3A_669, %broadcast_in_dim3A_670 : vector<16xi1>, vector<16xi32>
    %min3A_672 = arith.minsi %min3A_665, %select_n3A_671 : vector<16xi32>
    %eq3A_673 = arith.cmpf oeq, %select_n3A_617, %max3A_642 : vector<16xf32>
    %jit3A_674 = arith.constant 4 : i32
    %jit3A_675 = arith.constant 8 : i32
    %broadcast_in_dim3A_676 = vector.broadcast %jit3A_674 : i32 to vector<16xi32>
    %broadcast_in_dim3A_677 = vector.broadcast %jit3A_675 : i32 to vector<16xi32>
    %select_n3A_678 = arith.select %eq3A_673, %broadcast_in_dim3A_676, %broadcast_in_dim3A_677 : vector<16xi1>, vector<16xi32>
    %min3A_679 = arith.minsi %min3A_672, %select_n3A_678 : vector<16xi32>
    %eq3A_680 = arith.cmpf oeq, %select_n3A_623, %max3A_642 : vector<16xf32>
    %jit3A_681 = arith.constant 5 : i32
    %jit3A_682 = arith.constant 8 : i32
    %broadcast_in_dim3A_683 = vector.broadcast %jit3A_681 : i32 to vector<16xi32>
    %broadcast_in_dim3A_684 = vector.broadcast %jit3A_682 : i32 to vector<16xi32>
    %select_n3A_685 = arith.select %eq3A_680, %broadcast_in_dim3A_683, %broadcast_in_dim3A_684 : vector<16xi1>, vector<16xi32>
    %min3A_686 = arith.minsi %min3A_679, %select_n3A_685 : vector<16xi32>
    %eq3A_687 = arith.cmpf oeq, %select_n3A_629, %max3A_642 : vector<16xf32>
    %jit3A_688 = arith.constant 6 : i32
    %jit3A_689 = arith.constant 8 : i32
    %broadcast_in_dim3A_690 = vector.broadcast %jit3A_688 : i32 to vector<16xi32>
    %broadcast_in_dim3A_691 = vector.broadcast %jit3A_689 : i32 to vector<16xi32>
    %select_n3A_692 = arith.select %eq3A_687, %broadcast_in_dim3A_690, %broadcast_in_dim3A_691 : vector<16xi1>, vector<16xi32>
    %min3A_693 = arith.minsi %min3A_686, %select_n3A_692 : vector<16xi32>
    %eq3A_694 = arith.cmpf oeq, %select_n3A_635, %max3A_642 : vector<16xf32>
    %jit3A_695 = arith.constant 7 : i32
    %jit3A_696 = arith.constant 8 : i32
    %broadcast_in_dim3A_697 = vector.broadcast %jit3A_695 : i32 to vector<16xi32>
    %broadcast_in_dim3A_698 = vector.broadcast %jit3A_696 : i32 to vector<16xi32>
    %select_n3A_699 = arith.select %eq3A_694, %broadcast_in_dim3A_697, %broadcast_in_dim3A_698 : vector<16xi1>, vector<16xi32>
    %min3A_700 = arith.minsi %min3A_693, %select_n3A_699 : vector<16xi32>
    %eq3A_701 = arith.constant 0 : i32
    %eq3A_702 = vector.broadcast %eq3A_701 : i32 to vector<16xi32>
    %eq3A_703 = arith.cmpi eq, %min3A_587, %eq3A_702 : vector<16xi32>
    %eq3A_704 = arith.constant 0 : i32
    %eq3A_705 = vector.broadcast %eq3A_704 : i32 to vector<16xi32>
    %eq3A_706 = arith.cmpi eq, %min3A_700, %eq3A_705 : vector<16xi32>
    %or3A_707 = arith.ori %eq3A_703, %eq3A_706 : vector<16xi1>
    %jit3A_708 = arith.constant 0.000000e+00 : f32
    %broadcast_in_dim3A_709 = vector.broadcast %jit3A_708 : f32 to vector<16xf32>
    %select_n3A_710 = arith.select %or3A_707, %div3A_515, %broadcast_in_dim3A_709 : vector<16xi1>, vector<16xf32>
    %swap3A_711 = arith.constant 0 : i32
    %swap3A_712 = arith.index_cast %swap3A_711 : i32 to index
    %swap3A_713 = arith.constant 16 : index
    %swap3A_714 = tpu.vector_load %arg6[%swap3A_712, %swap3A_713] {strides = array<i32>} : memref<8x128xf32, #tpu.memory_space<vmem>>, vector<1x16xf32>,
    %swap3A_715 = vector.shape_cast %swap3A_714 : vector<1x16xf32> to vector<16xf32>
    %swap3A_716 = vector.shape_cast %select_n3A_710 : vector<16xf32> to vector<1x16xf32>
    tpu.vector_store %arg6[%swap3A_712, %swap3A_713], %swap3A_716 {strides = array<i32>} : memref<8x128xf32, #tpu.memory_space<vmem>>, vector<1x16xf32>,
    %jit3A_717 = arith.constant 1 : i32
    %jit3A_718 = arith.constant 0 : i32
    %broadcast_in_dim3A_719 = vector.broadcast %jit3A_717 : i32 to vector<16xi32>
    %broadcast_in_dim3A_720 = vector.broadcast %jit3A_718 : i32 to vector<16xi32>
    %select_n3A_721 = arith.select %or3A_707, %broadcast_in_dim3A_719, %broadcast_in_dim3A_720 : vector<16xi1>, vector<16xi32>
    %add3A_722 = arith.addi %add3A_290, %select_n3A_721 : vector<16xi32>
    %eq3A_723 = arith.constant 1 : i32
    %eq3A_724 = vector.broadcast %eq3A_723 : i32 to vector<16xi32>
    %eq3A_725 = arith.cmpi eq, %min3A_587, %eq3A_724 : vector<16xi32>
    %eq3A_726 = arith.constant 1 : i32
    %eq3A_727 = vector.broadcast %eq3A_726 : i32 to vector<16xi32>
    %eq3A_728 = arith.cmpi eq, %min3A_700, %eq3A_727 : vector<16xi32>
    %or3A_729 = arith.ori %eq3A_725, %eq3A_728 : vector<16xi1>
    %jit3A_730 = arith.constant 0.000000e+00 : f32
    %broadcast_in_dim3A_731 = vector.broadcast %jit3A_730 : f32 to vector<16xf32>
    %select_n3A_732 = arith.select %or3A_729, %div3A_516, %broadcast_in_dim3A_731 : vector<16xi1>, vector<16xf32>
    %swap3A_733 = arith.constant 1 : i32
    %swap3A_734 = arith.index_cast %swap3A_733 : i32 to index
    %swap3A_735 = arith.constant 16 : index
    %swap3A_736 = tpu.vector_load %arg6[%swap3A_734, %swap3A_735] {strides = array<i32>} : memref<8x128xf32, #tpu.memory_space<vmem>>, vector<1x16xf32>,
    %swap3A_737 = vector.shape_cast %swap3A_736 : vector<1x16xf32> to vector<16xf32>
    %swap3A_738 = vector.shape_cast %select_n3A_732 : vector<16xf32> to vector<1x16xf32>
    tpu.vector_store %arg6[%swap3A_734, %swap3A_735], %swap3A_738 {strides = array<i32>} : memref<8x128xf32, #tpu.memory_space<vmem>>, vector<1x16xf32>,
    %jit3A_739 = arith.constant 1 : i32
    %jit3A_740 = arith.constant 0 : i32
    %broadcast_in_dim3A_741 = vector.broadcast %jit3A_739 : i32 to vector<16xi32>
    %broadcast_in_dim3A_742 = vector.broadcast %jit3A_740 : i32 to vector<16xi32>
    %select_n3A_743 = arith.select %or3A_729, %broadcast_in_dim3A_741, %broadcast_in_dim3A_742 : vector<16xi1>, vector<16xi32>
    %add3A_744 = arith.addi %add3A_312, %select_n3A_743 : vector<16xi32>
    %eq3A_745 = arith.constant 2 : i32
    %eq3A_746 = vector.broadcast %eq3A_745 : i32 to vector<16xi32>
    %eq3A_747 = arith.cmpi eq, %min3A_587, %eq3A_746 : vector<16xi32>
    %eq3A_748 = arith.constant 2 : i32
    %eq3A_749 = vector.broadcast %eq3A_748 : i32 to vector<16xi32>
    %eq3A_750 = arith.cmpi eq, %min3A_700, %eq3A_749 : vector<16xi32>
    %or3A_751 = arith.ori %eq3A_747, %eq3A_750 : vector<16xi1>
    %jit3A_752 = arith.constant 0.000000e+00 : f32
    %broadcast_in_dim3A_753 = vector.broadcast %jit3A_752 : f32 to vector<16xf32>
    %select_n3A_754 = arith.select %or3A_751, %div3A_517, %broadcast_in_dim3A_753 : vector<16xi1>, vector<16xf32>
    %swap3A_755 = arith.constant 2 : i32
    %swap3A_756 = arith.index_cast %swap3A_755 : i32 to index
    %swap3A_757 = arith.constant 16 : index
    %swap3A_758 = tpu.vector_load %arg6[%swap3A_756, %swap3A_757] {strides = array<i32>} : memref<8x128xf32, #tpu.memory_space<vmem>>, vector<1x16xf32>,
    %swap3A_759 = vector.shape_cast %swap3A_758 : vector<1x16xf32> to vector<16xf32>
    %swap3A_760 = vector.shape_cast %select_n3A_754 : vector<16xf32> to vector<1x16xf32>
    tpu.vector_store %arg6[%swap3A_756, %swap3A_757], %swap3A_760 {strides = array<i32>} : memref<8x128xf32, #tpu.memory_space<vmem>>, vector<1x16xf32>,
    %jit3A_761 = arith.constant 1 : i32
    %jit3A_762 = arith.constant 0 : i32
    %broadcast_in_dim3A_763 = vector.broadcast %jit3A_761 : i32 to vector<16xi32>
    %broadcast_in_dim3A_764 = vector.broadcast %jit3A_762 : i32 to vector<16xi32>
    %select_n3A_765 = arith.select %or3A_751, %broadcast_in_dim3A_763, %broadcast_in_dim3A_764 : vector<16xi1>, vector<16xi32>
    %add3A_766 = arith.addi %add3A_334, %select_n3A_765 : vector<16xi32>
    %eq3A_767 = arith.constant 3 : i32
    %eq3A_768 = vector.broadcast %eq3A_767 : i32 to vector<16xi32>
    %eq3A_769 = arith.cmpi eq, %min3A_587, %eq3A_768 : vector<16xi32>
    %eq3A_770 = arith.constant 3 : i32
    %eq3A_771 = vector.broadcast %eq3A_770 : i32 to vector<16xi32>
    %eq3A_772 = arith.cmpi eq, %min3A_700, %eq3A_771 : vector<16xi32>
    %or3A_773 = arith.ori %eq3A_769, %eq3A_772 : vector<16xi1>
    %jit3A_774 = arith.constant 0.000000e+00 : f32
    %broadcast_in_dim3A_775 = vector.broadcast %jit3A_774 : f32 to vector<16xf32>
    %select_n3A_776 = arith.select %or3A_773, %div3A_518, %broadcast_in_dim3A_775 : vector<16xi1>, vector<16xf32>
    %swap3A_777 = arith.constant 3 : i32
    %swap3A_778 = arith.index_cast %swap3A_777 : i32 to index
    %swap3A_779 = arith.constant 16 : index
    %swap3A_780 = tpu.vector_load %arg6[%swap3A_778, %swap3A_779] {strides = array<i32>} : memref<8x128xf32, #tpu.memory_space<vmem>>, vector<1x16xf32>,
    %swap3A_781 = vector.shape_cast %swap3A_780 : vector<1x16xf32> to vector<16xf32>
    %swap3A_782 = vector.shape_cast %select_n3A_776 : vector<16xf32> to vector<1x16xf32>
    tpu.vector_store %arg6[%swap3A_778, %swap3A_779], %swap3A_782 {strides = array<i32>} : memref<8x128xf32, #tpu.memory_space<vmem>>, vector<1x16xf32>,
    %jit3A_783 = arith.constant 1 : i32
    %jit3A_784 = arith.constant 0 : i32
    %broadcast_in_dim3A_785 = vector.broadcast %jit3A_783 : i32 to vector<16xi32>
    %broadcast_in_dim3A_786 = vector.broadcast %jit3A_784 : i32 to vector<16xi32>
    %select_n3A_787 = arith.select %or3A_773, %broadcast_in_dim3A_785, %broadcast_in_dim3A_786 : vector<16xi1>, vector<16xi32>
    %add3A_788 = arith.addi %add3A_356, %select_n3A_787 : vector<16xi32>
    %eq3A_789 = arith.constant 4 : i32
    %eq3A_790 = vector.broadcast %eq3A_789 : i32 to vector<16xi32>
    %eq3A_791 = arith.cmpi eq, %min3A_587, %eq3A_790 : vector<16xi32>
    %eq3A_792 = arith.constant 4 : i32
    %eq3A_793 = vector.broadcast %eq3A_792 : i32 to vector<16xi32>
    %eq3A_794 = arith.cmpi eq, %min3A_700, %eq3A_793 : vector<16xi32>
    %or3A_795 = arith.ori %eq3A_791, %eq3A_794 : vector<16xi1>
    %jit3A_796 = arith.constant 0.000000e+00 : f32
    %broadcast_in_dim3A_797 = vector.broadcast %jit3A_796 : f32 to vector<16xf32>
    %select_n3A_798 = arith.select %or3A_795, %div3A_519, %broadcast_in_dim3A_797 : vector<16xi1>, vector<16xf32>
    %swap3A_799 = arith.constant 4 : i32
    %swap3A_800 = arith.index_cast %swap3A_799 : i32 to index
    %swap3A_801 = arith.constant 16 : index
    %swap3A_802 = tpu.vector_load %arg6[%swap3A_800, %swap3A_801] {strides = array<i32>} : memref<8x128xf32, #tpu.memory_space<vmem>>, vector<1x16xf32>,
    %swap3A_803 = vector.shape_cast %swap3A_802 : vector<1x16xf32> to vector<16xf32>
    %swap3A_804 = vector.shape_cast %select_n3A_798 : vector<16xf32> to vector<1x16xf32>
    tpu.vector_store %arg6[%swap3A_800, %swap3A_801], %swap3A_804 {strides = array<i32>} : memref<8x128xf32, #tpu.memory_space<vmem>>, vector<1x16xf32>,
    %jit3A_805 = arith.constant 1 : i32
    %jit3A_806 = arith.constant 0 : i32
    %broadcast_in_dim3A_807 = vector.broadcast %jit3A_805 : i32 to vector<16xi32>
    %broadcast_in_dim3A_808 = vector.broadcast %jit3A_806 : i32 to vector<16xi32>
    %select_n3A_809 = arith.select %or3A_795, %broadcast_in_dim3A_807, %broadcast_in_dim3A_808 : vector<16xi1>, vector<16xi32>
    %add3A_810 = arith.addi %add3A_378, %select_n3A_809 : vector<16xi32>
    %eq3A_811 = arith.constant 5 : i32
    %eq3A_812 = vector.broadcast %eq3A_811 : i32 to vector<16xi32>
    %eq3A_813 = arith.cmpi eq, %min3A_587, %eq3A_812 : vector<16xi32>
    %eq3A_814 = arith.constant 5 : i32
    %eq3A_815 = vector.broadcast %eq3A_814 : i32 to vector<16xi32>
    %eq3A_816 = arith.cmpi eq, %min3A_700, %eq3A_815 : vector<16xi32>
    %or3A_817 = arith.ori %eq3A_813, %eq3A_816 : vector<16xi1>
    %jit3A_818 = arith.constant 0.000000e+00 : f32
    %broadcast_in_dim3A_819 = vector.broadcast %jit3A_818 : f32 to vector<16xf32>
    %select_n3A_820 = arith.select %or3A_817, %div3A_520, %broadcast_in_dim3A_819 : vector<16xi1>, vector<16xf32>
    %swap3A_821 = arith.constant 5 : i32
    %swap3A_822 = arith.index_cast %swap3A_821 : i32 to index
    %swap3A_823 = arith.constant 16 : index
    %swap3A_824 = tpu.vector_load %arg6[%swap3A_822, %swap3A_823] {strides = array<i32>} : memref<8x128xf32, #tpu.memory_space<vmem>>, vector<1x16xf32>,
    %swap3A_825 = vector.shape_cast %swap3A_824 : vector<1x16xf32> to vector<16xf32>
    %swap3A_826 = vector.shape_cast %select_n3A_820 : vector<16xf32> to vector<1x16xf32>
    tpu.vector_store %arg6[%swap3A_822, %swap3A_823], %swap3A_826 {strides = array<i32>} : memref<8x128xf32, #tpu.memory_space<vmem>>, vector<1x16xf32>,
    %jit3A_827 = arith.constant 1 : i32
    %jit3A_828 = arith.constant 0 : i32
    %broadcast_in_dim3A_829 = vector.broadcast %jit3A_827 : i32 to vector<16xi32>
    %broadcast_in_dim3A_830 = vector.broadcast %jit3A_828 : i32 to vector<16xi32>
    %select_n3A_831 = arith.select %or3A_817, %broadcast_in_dim3A_829, %broadcast_in_dim3A_830 : vector<16xi1>, vector<16xi32>
    %add3A_832 = arith.addi %add3A_400, %select_n3A_831 : vector<16xi32>
    %eq3A_833 = arith.constant 6 : i32
    %eq3A_834 = vector.broadcast %eq3A_833 : i32 to vector<16xi32>
    %eq3A_835 = arith.cmpi eq, %min3A_587, %eq3A_834 : vector<16xi32>
    %eq3A_836 = arith.constant 6 : i32
    %eq3A_837 = vector.broadcast %eq3A_836 : i32 to vector<16xi32>
    %eq3A_838 = arith.cmpi eq, %min3A_700, %eq3A_837 : vector<16xi32>
    %or3A_839 = arith.ori %eq3A_835, %eq3A_838 : vector<16xi1>
    %jit3A_840 = arith.constant 0.000000e+00 : f32
    %broadcast_in_dim3A_841 = vector.broadcast %jit3A_840 : f32 to vector<16xf32>
    %select_n3A_842 = arith.select %or3A_839, %div3A_521, %broadcast_in_dim3A_841 : vector<16xi1>, vector<16xf32>
    %swap3A_843 = arith.constant 6 : i32
    %swap3A_844 = arith.index_cast %swap3A_843 : i32 to index
    %swap3A_845 = arith.constant 16 : index
    %swap3A_846 = tpu.vector_load %arg6[%swap3A_844, %swap3A_845] {strides = array<i32>} : memref<8x128xf32, #tpu.memory_space<vmem>>, vector<1x16xf32>,
    %swap3A_847 = vector.shape_cast %swap3A_846 : vector<1x16xf32> to vector<16xf32>
    %swap3A_848 = vector.shape_cast %select_n3A_842 : vector<16xf32> to vector<1x16xf32>
    tpu.vector_store %arg6[%swap3A_844, %swap3A_845], %swap3A_848 {strides = array<i32>} : memref<8x128xf32, #tpu.memory_space<vmem>>, vector<1x16xf32>,
    %jit3A_849 = arith.constant 1 : i32
    %jit3A_850 = arith.constant 0 : i32
    %broadcast_in_dim3A_851 = vector.broadcast %jit3A_849 : i32 to vector<16xi32>
    %broadcast_in_dim3A_852 = vector.broadcast %jit3A_850 : i32 to vector<16xi32>
    %select_n3A_853 = arith.select %or3A_839, %broadcast_in_dim3A_851, %broadcast_in_dim3A_852 : vector<16xi1>, vector<16xi32>
    %add3A_854 = arith.addi %add3A_422, %select_n3A_853 : vector<16xi32>
    %eq3A_855 = arith.constant 7 : i32
    %eq3A_856 = vector.broadcast %eq3A_855 : i32 to vector<16xi32>
    %eq3A_857 = arith.cmpi eq, %min3A_587, %eq3A_856 : vector<16xi32>
    %eq3A_858 = arith.constant 7 : i32
    %eq3A_859 = vector.broadcast %eq3A_858 : i32 to vector<16xi32>
    %eq3A_860 = arith.cmpi eq, %min3A_700, %eq3A_859 : vector<16xi32>
    %or3A_861 = arith.ori %eq3A_857, %eq3A_860 : vector<16xi1>
    %jit3A_862 = arith.constant 0.000000e+00 : f32
    %broadcast_in_dim3A_863 = vector.broadcast %jit3A_862 : f32 to vector<16xf32>
    %select_n3A_864 = arith.select %or3A_861, %div3A_522, %broadcast_in_dim3A_863 : vector<16xi1>, vector<16xf32>
    %swap3A_865 = arith.constant 7 : i32
    %swap3A_866 = arith.index_cast %swap3A_865 : i32 to index
    %swap3A_867 = arith.constant 16 : index
    %swap3A_868 = tpu.vector_load %arg6[%swap3A_866, %swap3A_867] {strides = array<i32>} : memref<8x128xf32, #tpu.memory_space<vmem>>, vector<1x16xf32>,
    %swap3A_869 = vector.shape_cast %swap3A_868 : vector<1x16xf32> to vector<16xf32>
    %swap3A_870 = vector.shape_cast %select_n3A_864 : vector<16xf32> to vector<1x16xf32>
    tpu.vector_store %arg6[%swap3A_866, %swap3A_867], %swap3A_870 {strides = array<i32>} : memref<8x128xf32, #tpu.memory_space<vmem>>, vector<1x16xf32>,
    %jit3A_871 = arith.constant 1 : i32
    %jit3A_872 = arith.constant 0 : i32
    %broadcast_in_dim3A_873 = vector.broadcast %jit3A_871 : i32 to vector<16xi32>
    %broadcast_in_dim3A_874 = vector.broadcast %jit3A_872 : i32 to vector<16xi32>
    %select_n3A_875 = arith.select %or3A_861, %broadcast_in_dim3A_873, %broadcast_in_dim3A_874 : vector<16xi1>, vector<16xi32>
    %add3A_876 = arith.addi %add3A_444, %select_n3A_875 : vector<16xi32>
    %get3A_877 = arith.constant 0 : i32
    %get3A_878 = arith.index_cast %get3A_877 : i32 to index
    %get3A_879 = arith.constant 32 : index
    %get3A_880 = tpu.vector_load %arg5[%get3A_878, %get3A_879] {strides = array<i32>} : memref<8x128xf32, #tpu.memory_space<vmem>>, vector<1x16xf32>,
    %get3A_881 = vector.shape_cast %get3A_880 : vector<1x16xf32> to vector<16xf32>
    %get3A_882 = arith.constant 1 : i32
    %get3A_883 = arith.index_cast %get3A_882 : i32 to index
    %get3A_884 = arith.constant 32 : index
    %get3A_885 = tpu.vector_load %arg5[%get3A_883, %get3A_884] {strides = array<i32>} : memref<8x128xf32, #tpu.memory_space<vmem>>, vector<1x16xf32>,
    %get3A_886 = vector.shape_cast %get3A_885 : vector<1x16xf32> to vector<16xf32>
    %get3A_887 = arith.constant 2 : i32
    %get3A_888 = arith.index_cast %get3A_887 : i32 to index
    %get3A_889 = arith.constant 32 : index
    %get3A_890 = tpu.vector_load %arg5[%get3A_888, %get3A_889] {strides = array<i32>} : memref<8x128xf32, #tpu.memory_space<vmem>>, vector<1x16xf32>,
    %get3A_891 = vector.shape_cast %get3A_890 : vector<1x16xf32> to vector<16xf32>
    %get3A_892 = arith.constant 3 : i32
    %get3A_893 = arith.index_cast %get3A_892 : i32 to index
    %get3A_894 = arith.constant 32 : index
    %get3A_895 = tpu.vector_load %arg5[%get3A_893, %get3A_894] {strides = array<i32>} : memref<8x128xf32, #tpu.memory_space<vmem>>, vector<1x16xf32>,
    %get3A_896 = vector.shape_cast %get3A_895 : vector<1x16xf32> to vector<16xf32>
    %get3A_897 = arith.constant 4 : i32
    %get3A_898 = arith.index_cast %get3A_897 : i32 to index
    %get3A_899 = arith.constant 32 : index
    %get3A_900 = tpu.vector_load %arg5[%get3A_898, %get3A_899] {strides = array<i32>} : memref<8x128xf32, #tpu.memory_space<vmem>>, vector<1x16xf32>,
    %get3A_901 = vector.shape_cast %get3A_900 : vector<1x16xf32> to vector<16xf32>
    %get3A_902 = arith.constant 5 : i32
    %get3A_903 = arith.index_cast %get3A_902 : i32 to index
    %get3A_904 = arith.constant 32 : index
    %get3A_905 = tpu.vector_load %arg5[%get3A_903, %get3A_904] {strides = array<i32>} : memref<8x128xf32, #tpu.memory_space<vmem>>, vector<1x16xf32>,
    %get3A_906 = vector.shape_cast %get3A_905 : vector<1x16xf32> to vector<16xf32>
    %get3A_907 = arith.constant 6 : i32
    %get3A_908 = arith.index_cast %get3A_907 : i32 to index
    %get3A_909 = arith.constant 32 : index
    %get3A_910 = tpu.vector_load %arg5[%get3A_908, %get3A_909] {strides = array<i32>} : memref<8x128xf32, #tpu.memory_space<vmem>>, vector<1x16xf32>,
    %get3A_911 = vector.shape_cast %get3A_910 : vector<1x16xf32> to vector<16xf32>
    %get3A_912 = arith.constant 7 : i32
    %get3A_913 = arith.index_cast %get3A_912 : i32 to index
    %get3A_914 = arith.constant 32 : index
    %get3A_915 = tpu.vector_load %arg5[%get3A_913, %get3A_914] {strides = array<i32>} : memref<8x128xf32, #tpu.memory_space<vmem>>, vector<1x16xf32>,
    %get3A_916 = vector.shape_cast %get3A_915 : vector<1x16xf32> to vector<16xf32>
    %max3A_917 = arith.maximumf %get3A_881, %get3A_886 : vector<16xf32>
    %max3A_918 = arith.maximumf %max3A_917, %get3A_891 : vector<16xf32>
    %max3A_919 = arith.maximumf %max3A_918, %get3A_896 : vector<16xf32>
    %max3A_920 = arith.maximumf %max3A_919, %get3A_901 : vector<16xf32>
    %max3A_921 = arith.maximumf %max3A_920, %get3A_906 : vector<16xf32>
    %max3A_922 = arith.maximumf %max3A_921, %get3A_911 : vector<16xf32>
    %max3A_923 = arith.maximumf %max3A_922, %get3A_916 : vector<16xf32>
    %sub3A_924 = arith.subf %get3A_881, %max3A_923 : vector<16xf32>
    %exp3A_925 = math.exp %sub3A_924 : vector<16xf32>
    %sub3A_926 = arith.subf %get3A_886, %max3A_923 : vector<16xf32>
    %exp3A_927 = math.exp %sub3A_926 : vector<16xf32>
    %sub3A_928 = arith.subf %get3A_891, %max3A_923 : vector<16xf32>
    %exp3A_929 = math.exp %sub3A_928 : vector<16xf32>
    %sub3A_930 = arith.subf %get3A_896, %max3A_923 : vector<16xf32>
    %exp3A_931 = math.exp %sub3A_930 : vector<16xf32>
    %sub3A_932 = arith.subf %get3A_901, %max3A_923 : vector<16xf32>
    %exp3A_933 = math.exp %sub3A_932 : vector<16xf32>
    %sub3A_934 = arith.subf %get3A_906, %max3A_923 : vector<16xf32>
    %exp3A_935 = math.exp %sub3A_934 : vector<16xf32>
    %sub3A_936 = arith.subf %get3A_911, %max3A_923 : vector<16xf32>
    %exp3A_937 = math.exp %sub3A_936 : vector<16xf32>
    %sub3A_938 = arith.subf %get3A_916, %max3A_923 : vector<16xf32>
    %exp3A_939 = math.exp %sub3A_938 : vector<16xf32>
    %add3A_940 = arith.addf %exp3A_925, %exp3A_927 : vector<16xf32>
    %add3A_941 = arith.addf %add3A_940, %exp3A_929 : vector<16xf32>
    %add3A_942 = arith.addf %add3A_941, %exp3A_931 : vector<16xf32>
    %add3A_943 = arith.addf %add3A_942, %exp3A_933 : vector<16xf32>
    %add3A_944 = arith.addf %add3A_943, %exp3A_935 : vector<16xf32>
    %add3A_945 = arith.addf %add3A_944, %exp3A_937 : vector<16xf32>
    %add3A_946 = arith.addf %add3A_945, %exp3A_939 : vector<16xf32>
    %div3A_947 = arith.divf %exp3A_925, %add3A_946 : vector<16xf32>
    %div3A_948 = arith.divf %exp3A_927, %add3A_946 : vector<16xf32>
    %div3A_949 = arith.divf %exp3A_929, %add3A_946 : vector<16xf32>
    %div3A_950 = arith.divf %exp3A_931, %add3A_946 : vector<16xf32>
    %div3A_951 = arith.divf %exp3A_933, %add3A_946 : vector<16xf32>
    %div3A_952 = arith.divf %exp3A_935, %add3A_946 : vector<16xf32>
    %div3A_953 = arith.divf %exp3A_937, %add3A_946 : vector<16xf32>
    %div3A_954 = arith.divf %exp3A_939, %add3A_946 : vector<16xf32>
    %max3A_955 = arith.maximumf %div3A_947, %div3A_948 : vector<16xf32>
    %max3A_956 = arith.maximumf %max3A_955, %div3A_949 : vector<16xf32>
    %max3A_957 = arith.maximumf %max3A_956, %div3A_950 : vector<16xf32>
    %max3A_958 = arith.maximumf %max3A_957, %div3A_951 : vector<16xf32>
    %max3A_959 = arith.maximumf %max3A_958, %div3A_952 : vector<16xf32>
    %max3A_960 = arith.maximumf %max3A_959, %div3A_953 : vector<16xf32>
    %max3A_961 = arith.maximumf %max3A_960, %div3A_954 : vector<16xf32>
    %broadcast_in_dim3A_962 = arith.constant 8 : i32
    %broadcast_in_dim3A_963 = vector.broadcast %broadcast_in_dim3A_962 : i32 to vector<16xi32>
    %eq3A_964 = arith.cmpf oeq, %div3A_947, %max3A_961 : vector<16xf32>
    %jit3A_965 = arith.constant 0 : i32
    %jit3A_966 = arith.constant 8 : i32
    %broadcast_in_dim3A_967 = vector.broadcast %jit3A_965 : i32 to vector<16xi32>
    %broadcast_in_dim3A_968 = vector.broadcast %jit3A_966 : i32 to vector<16xi32>
    %select_n3A_969 = arith.select %eq3A_964, %broadcast_in_dim3A_967, %broadcast_in_dim3A_968 : vector<16xi1>, vector<16xi32>
    %min3A_970 = arith.minsi %broadcast_in_dim3A_963, %select_n3A_969 : vector<16xi32>
    %eq3A_971 = arith.cmpf oeq, %div3A_948, %max3A_961 : vector<16xf32>
    %jit3A_972 = arith.constant 1 : i32
    %jit3A_973 = arith.constant 8 : i32
    %broadcast_in_dim3A_974 = vector.broadcast %jit3A_972 : i32 to vector<16xi32>
    %broadcast_in_dim3A_975 = vector.broadcast %jit3A_973 : i32 to vector<16xi32>
    %select_n3A_976 = arith.select %eq3A_971, %broadcast_in_dim3A_974, %broadcast_in_dim3A_975 : vector<16xi1>, vector<16xi32>
    %min3A_977 = arith.minsi %min3A_970, %select_n3A_976 : vector<16xi32>
    %eq3A_978 = arith.cmpf oeq, %div3A_949, %max3A_961 : vector<16xf32>
    %jit3A_979 = arith.constant 2 : i32
    %jit3A_980 = arith.constant 8 : i32
    %broadcast_in_dim3A_981 = vector.broadcast %jit3A_979 : i32 to vector<16xi32>
    %broadcast_in_dim3A_982 = vector.broadcast %jit3A_980 : i32 to vector<16xi32>
    %select_n3A_983 = arith.select %eq3A_978, %broadcast_in_dim3A_981, %broadcast_in_dim3A_982 : vector<16xi1>, vector<16xi32>
    %min3A_984 = arith.minsi %min3A_977, %select_n3A_983 : vector<16xi32>
    %eq3A_985 = arith.cmpf oeq, %div3A_950, %max3A_961 : vector<16xf32>
    %jit3A_986 = arith.constant 3 : i32
    %jit3A_987 = arith.constant 8 : i32
    %broadcast_in_dim3A_988 = vector.broadcast %jit3A_986 : i32 to vector<16xi32>
    %broadcast_in_dim3A_989 = vector.broadcast %jit3A_987 : i32 to vector<16xi32>
    %select_n3A_990 = arith.select %eq3A_985, %broadcast_in_dim3A_988, %broadcast_in_dim3A_989 : vector<16xi1>, vector<16xi32>
    %min3A_991 = arith.minsi %min3A_984, %select_n3A_990 : vector<16xi32>
    %eq3A_992 = arith.cmpf oeq, %div3A_951, %max3A_961 : vector<16xf32>
    %jit3A_993 = arith.constant 4 : i32
    %jit3A_994 = arith.constant 8 : i32
    %broadcast_in_dim3A_995 = vector.broadcast %jit3A_993 : i32 to vector<16xi32>
    %broadcast_in_dim3A_996 = vector.broadcast %jit3A_994 : i32 to vector<16xi32>
    %select_n3A_997 = arith.select %eq3A_992, %broadcast_in_dim3A_995, %broadcast_in_dim3A_996 : vector<16xi1>, vector<16xi32>
    %min3A_998 = arith.minsi %min3A_991, %select_n3A_997 : vector<16xi32>
    %eq3A_999 = arith.cmpf oeq, %div3A_952, %max3A_961 : vector<16xf32>
    %jit3A_1000 = arith.constant 5 : i32
    %jit3A_1001 = arith.constant 8 : i32
    %broadcast_in_dim3A_1002 = vector.broadcast %jit3A_1000 : i32 to vector<16xi32>
    %broadcast_in_dim3A_1003 = vector.broadcast %jit3A_1001 : i32 to vector<16xi32>
    %select_n3A_1004 = arith.select %eq3A_999, %broadcast_in_dim3A_1002, %broadcast_in_dim3A_1003 : vector<16xi1>, vector<16xi32>
    %min3A_1005 = arith.minsi %min3A_998, %select_n3A_1004 : vector<16xi32>
    %eq3A_1006 = arith.cmpf oeq, %div3A_953, %max3A_961 : vector<16xf32>
    %jit3A_1007 = arith.constant 6 : i32
    %jit3A_1008 = arith.constant 8 : i32
    %broadcast_in_dim3A_1009 = vector.broadcast %jit3A_1007 : i32 to vector<16xi32>
    %broadcast_in_dim3A_1010 = vector.broadcast %jit3A_1008 : i32 to vector<16xi32>
    %select_n3A_1011 = arith.select %eq3A_1006, %broadcast_in_dim3A_1009, %broadcast_in_dim3A_1010 : vector<16xi1>, vector<16xi32>
    %min3A_1012 = arith.minsi %min3A_1005, %select_n3A_1011 : vector<16xi32>
    %eq3A_1013 = arith.cmpf oeq, %div3A_954, %max3A_961 : vector<16xf32>
    %jit3A_1014 = arith.constant 7 : i32
    %jit3A_1015 = arith.constant 8 : i32
    %broadcast_in_dim3A_1016 = vector.broadcast %jit3A_1014 : i32 to vector<16xi32>
    %broadcast_in_dim3A_1017 = vector.broadcast %jit3A_1015 : i32 to vector<16xi32>
    %select_n3A_1018 = arith.select %eq3A_1013, %broadcast_in_dim3A_1016, %broadcast_in_dim3A_1017 : vector<16xi1>, vector<16xi32>
    %min3A_1019 = arith.minsi %min3A_1012, %select_n3A_1018 : vector<16xi32>
    %eq3A_1020 = arith.constant 0 : i32
    %eq3A_1021 = vector.broadcast %eq3A_1020 : i32 to vector<16xi32>
    %eq3A_1022 = arith.cmpi eq, %min3A_1019, %eq3A_1021 : vector<16xi32>
    %jit3A_1023 = arith.constant -1.000000e+00 : f32
    %broadcast_in_dim3A_1024 = vector.broadcast %jit3A_1023 : f32 to vector<16xf32>
    %select_n3A_1025 = arith.select %eq3A_1022, %broadcast_in_dim3A_1024, %div3A_947 : vector<16xi1>, vector<16xf32>
    %eq3A_1026 = arith.constant 1 : i32
    %eq3A_1027 = vector.broadcast %eq3A_1026 : i32 to vector<16xi32>
    %eq3A_1028 = arith.cmpi eq, %min3A_1019, %eq3A_1027 : vector<16xi32>
    %jit3A_1029 = arith.constant -1.000000e+00 : f32
    %broadcast_in_dim3A_1030 = vector.broadcast %jit3A_1029 : f32 to vector<16xf32>
    %select_n3A_1031 = arith.select %eq3A_1028, %broadcast_in_dim3A_1030, %div3A_948 : vector<16xi1>, vector<16xf32>
    %eq3A_1032 = arith.constant 2 : i32
    %eq3A_1033 = vector.broadcast %eq3A_1032 : i32 to vector<16xi32>
    %eq3A_1034 = arith.cmpi eq, %min3A_1019, %eq3A_1033 : vector<16xi32>
    %jit3A_1035 = arith.constant -1.000000e+00 : f32
    %broadcast_in_dim3A_1036 = vector.broadcast %jit3A_1035 : f32 to vector<16xf32>
    %select_n3A_1037 = arith.select %eq3A_1034, %broadcast_in_dim3A_1036, %div3A_949 : vector<16xi1>, vector<16xf32>
    %eq3A_1038 = arith.constant 3 : i32
    %eq3A_1039 = vector.broadcast %eq3A_1038 : i32 to vector<16xi32>
    %eq3A_1040 = arith.cmpi eq, %min3A_1019, %eq3A_1039 : vector<16xi32>
    %jit3A_1041 = arith.constant -1.000000e+00 : f32
    %broadcast_in_dim3A_1042 = vector.broadcast %jit3A_1041 : f32 to vector<16xf32>
    %select_n3A_1043 = arith.select %eq3A_1040, %broadcast_in_dim3A_1042, %div3A_950 : vector<16xi1>, vector<16xf32>
    %eq3A_1044 = arith.constant 4 : i32
    %eq3A_1045 = vector.broadcast %eq3A_1044 : i32 to vector<16xi32>
    %eq3A_1046 = arith.cmpi eq, %min3A_1019, %eq3A_1045 : vector<16xi32>
    %jit3A_1047 = arith.constant -1.000000e+00 : f32
    %broadcast_in_dim3A_1048 = vector.broadcast %jit3A_1047 : f32 to vector<16xf32>
    %select_n3A_1049 = arith.select %eq3A_1046, %broadcast_in_dim3A_1048, %div3A_951 : vector<16xi1>, vector<16xf32>
    %eq3A_1050 = arith.constant 5 : i32
    %eq3A_1051 = vector.broadcast %eq3A_1050 : i32 to vector<16xi32>
    %eq3A_1052 = arith.cmpi eq, %min3A_1019, %eq3A_1051 : vector<16xi32>
    %jit3A_1053 = arith.constant -1.000000e+00 : f32
    %broadcast_in_dim3A_1054 = vector.broadcast %jit3A_1053 : f32 to vector<16xf32>
    %select_n3A_1055 = arith.select %eq3A_1052, %broadcast_in_dim3A_1054, %div3A_952 : vector<16xi1>, vector<16xf32>
    %eq3A_1056 = arith.constant 6 : i32
    %eq3A_1057 = vector.broadcast %eq3A_1056 : i32 to vector<16xi32>
    %eq3A_1058 = arith.cmpi eq, %min3A_1019, %eq3A_1057 : vector<16xi32>
    %jit3A_1059 = arith.constant -1.000000e+00 : f32
    %broadcast_in_dim3A_1060 = vector.broadcast %jit3A_1059 : f32 to vector<16xf32>
    %select_n3A_1061 = arith.select %eq3A_1058, %broadcast_in_dim3A_1060, %div3A_953 : vector<16xi1>, vector<16xf32>
    %eq3A_1062 = arith.constant 7 : i32
    %eq3A_1063 = vector.broadcast %eq3A_1062 : i32 to vector<16xi32>
    %eq3A_1064 = arith.cmpi eq, %min3A_1019, %eq3A_1063 : vector<16xi32>
    %jit3A_1065 = arith.constant -1.000000e+00 : f32
    %broadcast_in_dim3A_1066 = vector.broadcast %jit3A_1065 : f32 to vector<16xf32>
    %select_n3A_1067 = arith.select %eq3A_1064, %broadcast_in_dim3A_1066, %div3A_954 : vector<16xi1>, vector<16xf32>
    %max3A_1068 = arith.maximumf %select_n3A_1025, %select_n3A_1031 : vector<16xf32>
    %max3A_1069 = arith.maximumf %max3A_1068, %select_n3A_1037 : vector<16xf32>
    %max3A_1070 = arith.maximumf %max3A_1069, %select_n3A_1043 : vector<16xf32>
    %max3A_1071 = arith.maximumf %max3A_1070, %select_n3A_1049 : vector<16xf32>
    %max3A_1072 = arith.maximumf %max3A_1071, %select_n3A_1055 : vector<16xf32>
    %max3A_1073 = arith.maximumf %max3A_1072, %select_n3A_1061 : vector<16xf32>
    %max3A_1074 = arith.maximumf %max3A_1073, %select_n3A_1067 : vector<16xf32>
    %broadcast_in_dim3A_1075 = arith.constant 8 : i32
    %broadcast_in_dim3A_1076 = vector.broadcast %broadcast_in_dim3A_1075 : i32 to vector<16xi32>
    %eq3A_1077 = arith.cmpf oeq, %select_n3A_1025, %max3A_1074 : vector<16xf32>
    %jit3A_1078 = arith.constant 0 : i32
    %jit3A_1079 = arith.constant 8 : i32
    %broadcast_in_dim3A_1080 = vector.broadcast %jit3A_1078 : i32 to vector<16xi32>
    %broadcast_in_dim3A_1081 = vector.broadcast %jit3A_1079 : i32 to vector<16xi32>
    %select_n3A_1082 = arith.select %eq3A_1077, %broadcast_in_dim3A_1080, %broadcast_in_dim3A_1081 : vector<16xi1>, vector<16xi32>
    %min3A_1083 = arith.minsi %broadcast_in_dim3A_1076, %select_n3A_1082 : vector<16xi32>
    %eq3A_1084 = arith.cmpf oeq, %select_n3A_1031, %max3A_1074 : vector<16xf32>
    %jit3A_1085 = arith.constant 1 : i32
    %jit3A_1086 = arith.constant 8 : i32
    %broadcast_in_dim3A_1087 = vector.broadcast %jit3A_1085 : i32 to vector<16xi32>
    %broadcast_in_dim3A_1088 = vector.broadcast %jit3A_1086 : i32 to vector<16xi32>
    %select_n3A_1089 = arith.select %eq3A_1084, %broadcast_in_dim3A_1087, %broadcast_in_dim3A_1088 : vector<16xi1>, vector<16xi32>
    %min3A_1090 = arith.minsi %min3A_1083, %select_n3A_1089 : vector<16xi32>
    %eq3A_1091 = arith.cmpf oeq, %select_n3A_1037, %max3A_1074 : vector<16xf32>
    %jit3A_1092 = arith.constant 2 : i32
    %jit3A_1093 = arith.constant 8 : i32
    %broadcast_in_dim3A_1094 = vector.broadcast %jit3A_1092 : i32 to vector<16xi32>
    %broadcast_in_dim3A_1095 = vector.broadcast %jit3A_1093 : i32 to vector<16xi32>
    %select_n3A_1096 = arith.select %eq3A_1091, %broadcast_in_dim3A_1094, %broadcast_in_dim3A_1095 : vector<16xi1>, vector<16xi32>
    %min3A_1097 = arith.minsi %min3A_1090, %select_n3A_1096 : vector<16xi32>
    %eq3A_1098 = arith.cmpf oeq, %select_n3A_1043, %max3A_1074 : vector<16xf32>
    %jit3A_1099 = arith.constant 3 : i32
    %jit3A_1100 = arith.constant 8 : i32
    %broadcast_in_dim3A_1101 = vector.broadcast %jit3A_1099 : i32 to vector<16xi32>
    %broadcast_in_dim3A_1102 = vector.broadcast %jit3A_1100 : i32 to vector<16xi32>
    %select_n3A_1103 = arith.select %eq3A_1098, %broadcast_in_dim3A_1101, %broadcast_in_dim3A_1102 : vector<16xi1>, vector<16xi32>
    %min3A_1104 = arith.minsi %min3A_1097, %select_n3A_1103 : vector<16xi32>
    %eq3A_1105 = arith.cmpf oeq, %select_n3A_1049, %max3A_1074 : vector<16xf32>
    %jit3A_1106 = arith.constant 4 : i32
    %jit3A_1107 = arith.constant 8 : i32
    %broadcast_in_dim3A_1108 = vector.broadcast %jit3A_1106 : i32 to vector<16xi32>
    %broadcast_in_dim3A_1109 = vector.broadcast %jit3A_1107 : i32 to vector<16xi32>
    %select_n3A_1110 = arith.select %eq3A_1105, %broadcast_in_dim3A_1108, %broadcast_in_dim3A_1109 : vector<16xi1>, vector<16xi32>
    %min3A_1111 = arith.minsi %min3A_1104, %select_n3A_1110 : vector<16xi32>
    %eq3A_1112 = arith.cmpf oeq, %select_n3A_1055, %max3A_1074 : vector<16xf32>
    %jit3A_1113 = arith.constant 5 : i32
    %jit3A_1114 = arith.constant 8 : i32
    %broadcast_in_dim3A_1115 = vector.broadcast %jit3A_1113 : i32 to vector<16xi32>
    %broadcast_in_dim3A_1116 = vector.broadcast %jit3A_1114 : i32 to vector<16xi32>
    %select_n3A_1117 = arith.select %eq3A_1112, %broadcast_in_dim3A_1115, %broadcast_in_dim3A_1116 : vector<16xi1>, vector<16xi32>
    %min3A_1118 = arith.minsi %min3A_1111, %select_n3A_1117 : vector<16xi32>
    %eq3A_1119 = arith.cmpf oeq, %select_n3A_1061, %max3A_1074 : vector<16xf32>
    %jit3A_1120 = arith.constant 6 : i32
    %jit3A_1121 = arith.constant 8 : i32
    %broadcast_in_dim3A_1122 = vector.broadcast %jit3A_1120 : i32 to vector<16xi32>
    %broadcast_in_dim3A_1123 = vector.broadcast %jit3A_1121 : i32 to vector<16xi32>
    %select_n3A_1124 = arith.select %eq3A_1119, %broadcast_in_dim3A_1122, %broadcast_in_dim3A_1123 : vector<16xi1>, vector<16xi32>
    %min3A_1125 = arith.minsi %min3A_1118, %select_n3A_1124 : vector<16xi32>
    %eq3A_1126 = arith.cmpf oeq, %select_n3A_1067, %max3A_1074 : vector<16xf32>
    %jit3A_1127 = arith.constant 7 : i32
    %jit3A_1128 = arith.constant 8 : i32
    %broadcast_in_dim3A_1129 = vector.broadcast %jit3A_1127 : i32 to vector<16xi32>
    %broadcast_in_dim3A_1130 = vector.broadcast %jit3A_1128 : i32 to vector<16xi32>
    %select_n3A_1131 = arith.select %eq3A_1126, %broadcast_in_dim3A_1129, %broadcast_in_dim3A_1130 : vector<16xi1>, vector<16xi32>
    %min3A_1132 = arith.minsi %min3A_1125, %select_n3A_1131 : vector<16xi32>
    %eq3A_1133 = arith.constant 0 : i32
    %eq3A_1134 = vector.broadcast %eq3A_1133 : i32 to vector<16xi32>
    %eq3A_1135 = arith.cmpi eq, %min3A_1019, %eq3A_1134 : vector<16xi32>
    %eq3A_1136 = arith.constant 0 : i32
    %eq3A_1137 = vector.broadcast %eq3A_1136 : i32 to vector<16xi32>
    %eq3A_1138 = arith.cmpi eq, %min3A_1132, %eq3A_1137 : vector<16xi32>
    %or3A_1139 = arith.ori %eq3A_1135, %eq3A_1138 : vector<16xi1>
    %jit3A_1140 = arith.constant 0.000000e+00 : f32
    %broadcast_in_dim3A_1141 = vector.broadcast %jit3A_1140 : f32 to vector<16xf32>
    %select_n3A_1142 = arith.select %or3A_1139, %div3A_947, %broadcast_in_dim3A_1141 : vector<16xi1>, vector<16xf32>
    %swap3A_1143 = arith.constant 0 : i32
    %swap3A_1144 = arith.index_cast %swap3A_1143 : i32 to index
    %swap3A_1145 = arith.constant 32 : index
    %swap3A_1146 = tpu.vector_load %arg6[%swap3A_1144, %swap3A_1145] {strides = array<i32>} : memref<8x128xf32, #tpu.memory_space<vmem>>, vector<1x16xf32>,
    %swap3A_1147 = vector.shape_cast %swap3A_1146 : vector<1x16xf32> to vector<16xf32>
    %swap3A_1148 = vector.shape_cast %select_n3A_1142 : vector<16xf32> to vector<1x16xf32>
    tpu.vector_store %arg6[%swap3A_1144, %swap3A_1145], %swap3A_1148 {strides = array<i32>} : memref<8x128xf32, #tpu.memory_space<vmem>>, vector<1x16xf32>,
    %jit3A_1149 = arith.constant 1 : i32
    %jit3A_1150 = arith.constant 0 : i32
    %broadcast_in_dim3A_1151 = vector.broadcast %jit3A_1149 : i32 to vector<16xi32>
    %broadcast_in_dim3A_1152 = vector.broadcast %jit3A_1150 : i32 to vector<16xi32>
    %select_n3A_1153 = arith.select %or3A_1139, %broadcast_in_dim3A_1151, %broadcast_in_dim3A_1152 : vector<16xi1>, vector<16xi32>
    %add3A_1154 = arith.addi %add3A_722, %select_n3A_1153 : vector<16xi32>
    %eq3A_1155 = arith.constant 1 : i32
    %eq3A_1156 = vector.broadcast %eq3A_1155 : i32 to vector<16xi32>
    %eq3A_1157 = arith.cmpi eq, %min3A_1019, %eq3A_1156 : vector<16xi32>
    %eq3A_1158 = arith.constant 1 : i32
    %eq3A_1159 = vector.broadcast %eq3A_1158 : i32 to vector<16xi32>
    %eq3A_1160 = arith.cmpi eq, %min3A_1132, %eq3A_1159 : vector<16xi32>
    %or3A_1161 = arith.ori %eq3A_1157, %eq3A_1160 : vector<16xi1>
    %jit3A_1162 = arith.constant 0.000000e+00 : f32
    %broadcast_in_dim3A_1163 = vector.broadcast %jit3A_1162 : f32 to vector<16xf32>
    %select_n3A_1164 = arith.select %or3A_1161, %div3A_948, %broadcast_in_dim3A_1163 : vector<16xi1>, vector<16xf32>
    %swap3A_1165 = arith.constant 1 : i32
    %swap3A_1166 = arith.index_cast %swap3A_1165 : i32 to index
    %swap3A_1167 = arith.constant 32 : index
    %swap3A_1168 = tpu.vector_load %arg6[%swap3A_1166, %swap3A_1167] {strides = array<i32>} : memref<8x128xf32, #tpu.memory_space<vmem>>, vector<1x16xf32>,
    %swap3A_1169 = vector.shape_cast %swap3A_1168 : vector<1x16xf32> to vector<16xf32>
    %swap3A_1170 = vector.shape_cast %select_n3A_1164 : vector<16xf32> to vector<1x16xf32>
    tpu.vector_store %arg6[%swap3A_1166, %swap3A_1167], %swap3A_1170 {strides = array<i32>} : memref<8x128xf32, #tpu.memory_space<vmem>>, vector<1x16xf32>,
    %jit3A_1171 = arith.constant 1 : i32
    %jit3A_1172 = arith.constant 0 : i32
    %broadcast_in_dim3A_1173 = vector.broadcast %jit3A_1171 : i32 to vector<16xi32>
    %broadcast_in_dim3A_1174 = vector.broadcast %jit3A_1172 : i32 to vector<16xi32>
    %select_n3A_1175 = arith.select %or3A_1161, %broadcast_in_dim3A_1173, %broadcast_in_dim3A_1174 : vector<16xi1>, vector<16xi32>
    %add3A_1176 = arith.addi %add3A_744, %select_n3A_1175 : vector<16xi32>
    %eq3A_1177 = arith.constant 2 : i32
    %eq3A_1178 = vector.broadcast %eq3A_1177 : i32 to vector<16xi32>
    %eq3A_1179 = arith.cmpi eq, %min3A_1019, %eq3A_1178 : vector<16xi32>
    %eq3A_1180 = arith.constant 2 : i32
    %eq3A_1181 = vector.broadcast %eq3A_1180 : i32 to vector<16xi32>
    %eq3A_1182 = arith.cmpi eq, %min3A_1132, %eq3A_1181 : vector<16xi32>
    %or3A_1183 = arith.ori %eq3A_1179, %eq3A_1182 : vector<16xi1>
    %jit3A_1184 = arith.constant 0.000000e+00 : f32
    %broadcast_in_dim3A_1185 = vector.broadcast %jit3A_1184 : f32 to vector<16xf32>
    %select_n3A_1186 = arith.select %or3A_1183, %div3A_949, %broadcast_in_dim3A_1185 : vector<16xi1>, vector<16xf32>
    %swap3A_1187 = arith.constant 2 : i32
    %swap3A_1188 = arith.index_cast %swap3A_1187 : i32 to index
    %swap3A_1189 = arith.constant 32 : index
    %swap3A_1190 = tpu.vector_load %arg6[%swap3A_1188, %swap3A_1189] {strides = array<i32>} : memref<8x128xf32, #tpu.memory_space<vmem>>, vector<1x16xf32>,
    %swap3A_1191 = vector.shape_cast %swap3A_1190 : vector<1x16xf32> to vector<16xf32>
    %swap3A_1192 = vector.shape_cast %select_n3A_1186 : vector<16xf32> to vector<1x16xf32>
    tpu.vector_store %arg6[%swap3A_1188, %swap3A_1189], %swap3A_1192 {strides = array<i32>} : memref<8x128xf32, #tpu.memory_space<vmem>>, vector<1x16xf32>,
    %jit3A_1193 = arith.constant 1 : i32
    %jit3A_1194 = arith.constant 0 : i32
    %broadcast_in_dim3A_1195 = vector.broadcast %jit3A_1193 : i32 to vector<16xi32>
    %broadcast_in_dim3A_1196 = vector.broadcast %jit3A_1194 : i32 to vector<16xi32>
    %select_n3A_1197 = arith.select %or3A_1183, %broadcast_in_dim3A_1195, %broadcast_in_dim3A_1196 : vector<16xi1>, vector<16xi32>
    %add3A_1198 = arith.addi %add3A_766, %select_n3A_1197 : vector<16xi32>
    %eq3A_1199 = arith.constant 3 : i32
    %eq3A_1200 = vector.broadcast %eq3A_1199 : i32 to vector<16xi32>
    %eq3A_1201 = arith.cmpi eq, %min3A_1019, %eq3A_1200 : vector<16xi32>
    %eq3A_1202 = arith.constant 3 : i32
    %eq3A_1203 = vector.broadcast %eq3A_1202 : i32 to vector<16xi32>
    %eq3A_1204 = arith.cmpi eq, %min3A_1132, %eq3A_1203 : vector<16xi32>
    %or3A_1205 = arith.ori %eq3A_1201, %eq3A_1204 : vector<16xi1>
    %jit3A_1206 = arith.constant 0.000000e+00 : f32
    %broadcast_in_dim3A_1207 = vector.broadcast %jit3A_1206 : f32 to vector<16xf32>
    %select_n3A_1208 = arith.select %or3A_1205, %div3A_950, %broadcast_in_dim3A_1207 : vector<16xi1>, vector<16xf32>
    %swap3A_1209 = arith.constant 3 : i32
    %swap3A_1210 = arith.index_cast %swap3A_1209 : i32 to index
    %swap3A_1211 = arith.constant 32 : index
    %swap3A_1212 = tpu.vector_load %arg6[%swap3A_1210, %swap3A_1211] {strides = array<i32>} : memref<8x128xf32, #tpu.memory_space<vmem>>, vector<1x16xf32>,
    %swap3A_1213 = vector.shape_cast %swap3A_1212 : vector<1x16xf32> to vector<16xf32>
    %swap3A_1214 = vector.shape_cast %select_n3A_1208 : vector<16xf32> to vector<1x16xf32>
    tpu.vector_store %arg6[%swap3A_1210, %swap3A_1211], %swap3A_1214 {strides = array<i32>} : memref<8x128xf32, #tpu.memory_space<vmem>>, vector<1x16xf32>,
    %jit3A_1215 = arith.constant 1 : i32
    %jit3A_1216 = arith.constant 0 : i32
    %broadcast_in_dim3A_1217 = vector.broadcast %jit3A_1215 : i32 to vector<16xi32>
    %broadcast_in_dim3A_1218 = vector.broadcast %jit3A_1216 : i32 to vector<16xi32>
    %select_n3A_1219 = arith.select %or3A_1205, %broadcast_in_dim3A_1217, %broadcast_in_dim3A_1218 : vector<16xi1>, vector<16xi32>
    %add3A_1220 = arith.addi %add3A_788, %select_n3A_1219 : vector<16xi32>
    %eq3A_1221 = arith.constant 4 : i32
    %eq3A_1222 = vector.broadcast %eq3A_1221 : i32 to vector<16xi32>
    %eq3A_1223 = arith.cmpi eq, %min3A_1019, %eq3A_1222 : vector<16xi32>
    %eq3A_1224 = arith.constant 4 : i32
    %eq3A_1225 = vector.broadcast %eq3A_1224 : i32 to vector<16xi32>
    %eq3A_1226 = arith.cmpi eq, %min3A_1132, %eq3A_1225 : vector<16xi32>
    %or3A_1227 = arith.ori %eq3A_1223, %eq3A_1226 : vector<16xi1>
    %jit3A_1228 = arith.constant 0.000000e+00 : f32
    %broadcast_in_dim3A_1229 = vector.broadcast %jit3A_1228 : f32 to vector<16xf32>
    %select_n3A_1230 = arith.select %or3A_1227, %div3A_951, %broadcast_in_dim3A_1229 : vector<16xi1>, vector<16xf32>
    %swap3A_1231 = arith.constant 4 : i32
    %swap3A_1232 = arith.index_cast %swap3A_1231 : i32 to index
    %swap3A_1233 = arith.constant 32 : index
    %swap3A_1234 = tpu.vector_load %arg6[%swap3A_1232, %swap3A_1233] {strides = array<i32>} : memref<8x128xf32, #tpu.memory_space<vmem>>, vector<1x16xf32>,
    %swap3A_1235 = vector.shape_cast %swap3A_1234 : vector<1x16xf32> to vector<16xf32>
    %swap3A_1236 = vector.shape_cast %select_n3A_1230 : vector<16xf32> to vector<1x16xf32>
    tpu.vector_store %arg6[%swap3A_1232, %swap3A_1233], %swap3A_1236 {strides = array<i32>} : memref<8x128xf32, #tpu.memory_space<vmem>>, vector<1x16xf32>,
    %jit3A_1237 = arith.constant 1 : i32
    %jit3A_1238 = arith.constant 0 : i32
    %broadcast_in_dim3A_1239 = vector.broadcast %jit3A_1237 : i32 to vector<16xi32>
    %broadcast_in_dim3A_1240 = vector.broadcast %jit3A_1238 : i32 to vector<16xi32>
    %select_n3A_1241 = arith.select %or3A_1227, %broadcast_in_dim3A_1239, %broadcast_in_dim3A_1240 : vector<16xi1>, vector<16xi32>
    %add3A_1242 = arith.addi %add3A_810, %select_n3A_1241 : vector<16xi32>
    %eq3A_1243 = arith.constant 5 : i32
    %eq3A_1244 = vector.broadcast %eq3A_1243 : i32 to vector<16xi32>
    %eq3A_1245 = arith.cmpi eq, %min3A_1019, %eq3A_1244 : vector<16xi32>
    %eq3A_1246 = arith.constant 5 : i32
    %eq3A_1247 = vector.broadcast %eq3A_1246 : i32 to vector<16xi32>
    %eq3A_1248 = arith.cmpi eq, %min3A_1132, %eq3A_1247 : vector<16xi32>
    %or3A_1249 = arith.ori %eq3A_1245, %eq3A_1248 : vector<16xi1>
    %jit3A_1250 = arith.constant 0.000000e+00 : f32
    %broadcast_in_dim3A_1251 = vector.broadcast %jit3A_1250 : f32 to vector<16xf32>
    %select_n3A_1252 = arith.select %or3A_1249, %div3A_952, %broadcast_in_dim3A_1251 : vector<16xi1>, vector<16xf32>
    %swap3A_1253 = arith.constant 5 : i32
    %swap3A_1254 = arith.index_cast %swap3A_1253 : i32 to index
    %swap3A_1255 = arith.constant 32 : index
    %swap3A_1256 = tpu.vector_load %arg6[%swap3A_1254, %swap3A_1255] {strides = array<i32>} : memref<8x128xf32, #tpu.memory_space<vmem>>, vector<1x16xf32>,
    %swap3A_1257 = vector.shape_cast %swap3A_1256 : vector<1x16xf32> to vector<16xf32>
    %swap3A_1258 = vector.shape_cast %select_n3A_1252 : vector<16xf32> to vector<1x16xf32>
    tpu.vector_store %arg6[%swap3A_1254, %swap3A_1255], %swap3A_1258 {strides = array<i32>} : memref<8x128xf32, #tpu.memory_space<vmem>>, vector<1x16xf32>,
    %jit3A_1259 = arith.constant 1 : i32
    %jit3A_1260 = arith.constant 0 : i32
    %broadcast_in_dim3A_1261 = vector.broadcast %jit3A_1259 : i32 to vector<16xi32>
    %broadcast_in_dim3A_1262 = vector.broadcast %jit3A_1260 : i32 to vector<16xi32>
    %select_n3A_1263 = arith.select %or3A_1249, %broadcast_in_dim3A_1261, %broadcast_in_dim3A_1262 : vector<16xi1>, vector<16xi32>
    %add3A_1264 = arith.addi %add3A_832, %select_n3A_1263 : vector<16xi32>
    %eq3A_1265 = arith.constant 6 : i32
    %eq3A_1266 = vector.broadcast %eq3A_1265 : i32 to vector<16xi32>
    %eq3A_1267 = arith.cmpi eq, %min3A_1019, %eq3A_1266 : vector<16xi32>
    %eq3A_1268 = arith.constant 6 : i32
    %eq3A_1269 = vector.broadcast %eq3A_1268 : i32 to vector<16xi32>
    %eq3A_1270 = arith.cmpi eq, %min3A_1132, %eq3A_1269 : vector<16xi32>
    %or3A_1271 = arith.ori %eq3A_1267, %eq3A_1270 : vector<16xi1>
    %jit3A_1272 = arith.constant 0.000000e+00 : f32
    %broadcast_in_dim3A_1273 = vector.broadcast %jit3A_1272 : f32 to vector<16xf32>
    %select_n3A_1274 = arith.select %or3A_1271, %div3A_953, %broadcast_in_dim3A_1273 : vector<16xi1>, vector<16xf32>
    %swap3A_1275 = arith.constant 6 : i32
    %swap3A_1276 = arith.index_cast %swap3A_1275 : i32 to index
    %swap3A_1277 = arith.constant 32 : index
    %swap3A_1278 = tpu.vector_load %arg6[%swap3A_1276, %swap3A_1277] {strides = array<i32>} : memref<8x128xf32, #tpu.memory_space<vmem>>, vector<1x16xf32>,
    %swap3A_1279 = vector.shape_cast %swap3A_1278 : vector<1x16xf32> to vector<16xf32>
    %swap3A_1280 = vector.shape_cast %select_n3A_1274 : vector<16xf32> to vector<1x16xf32>
    tpu.vector_store %arg6[%swap3A_1276, %swap3A_1277], %swap3A_1280 {strides = array<i32>} : memref<8x128xf32, #tpu.memory_space<vmem>>, vector<1x16xf32>,
    %jit3A_1281 = arith.constant 1 : i32
    %jit3A_1282 = arith.constant 0 : i32
    %broadcast_in_dim3A_1283 = vector.broadcast %jit3A_1281 : i32 to vector<16xi32>
    %broadcast_in_dim3A_1284 = vector.broadcast %jit3A_1282 : i32 to vector<16xi32>
    %select_n3A_1285 = arith.select %or3A_1271, %broadcast_in_dim3A_1283, %broadcast_in_dim3A_1284 : vector<16xi1>, vector<16xi32>
    %add3A_1286 = arith.addi %add3A_854, %select_n3A_1285 : vector<16xi32>
    %eq3A_1287 = arith.constant 7 : i32
    %eq3A_1288 = vector.broadcast %eq3A_1287 : i32 to vector<16xi32>
    %eq3A_1289 = arith.cmpi eq, %min3A_1019, %eq3A_1288 : vector<16xi32>
    %eq3A_1290 = arith.constant 7 : i32
    %eq3A_1291 = vector.broadcast %eq3A_1290 : i32 to vector<16xi32>
    %eq3A_1292 = arith.cmpi eq, %min3A_1132, %eq3A_1291 : vector<16xi32>
    %or3A_1293 = arith.ori %eq3A_1289, %eq3A_1292 : vector<16xi1>
    %jit3A_1294 = arith.constant 0.000000e+00 : f32
    %broadcast_in_dim3A_1295 = vector.broadcast %jit3A_1294 : f32 to vector<16xf32>
    %select_n3A_1296 = arith.select %or3A_1293, %div3A_954, %broadcast_in_dim3A_1295 : vector<16xi1>, vector<16xf32>
    %swap3A_1297 = arith.constant 7 : i32
    %swap3A_1298 = arith.index_cast %swap3A_1297 : i32 to index
    %swap3A_1299 = arith.constant 32 : index
    %swap3A_1300 = tpu.vector_load %arg6[%swap3A_1298, %swap3A_1299] {strides = array<i32>} : memref<8x128xf32, #tpu.memory_space<vmem>>, vector<1x16xf32>,
    %swap3A_1301 = vector.shape_cast %swap3A_1300 : vector<1x16xf32> to vector<16xf32>
    %swap3A_1302 = vector.shape_cast %select_n3A_1296 : vector<16xf32> to vector<1x16xf32>
    tpu.vector_store %arg6[%swap3A_1298, %swap3A_1299], %swap3A_1302 {strides = array<i32>} : memref<8x128xf32, #tpu.memory_space<vmem>>, vector<1x16xf32>,
    %jit3A_1303 = arith.constant 1 : i32
    %jit3A_1304 = arith.constant 0 : i32
    %broadcast_in_dim3A_1305 = vector.broadcast %jit3A_1303 : i32 to vector<16xi32>
    %broadcast_in_dim3A_1306 = vector.broadcast %jit3A_1304 : i32 to vector<16xi32>
    %select_n3A_1307 = arith.select %or3A_1293, %broadcast_in_dim3A_1305, %broadcast_in_dim3A_1306 : vector<16xi1>, vector<16xi32>
    %add3A_1308 = arith.addi %add3A_876, %select_n3A_1307 : vector<16xi32>
    %get3A_1309 = arith.constant 0 : i32
    %get3A_1310 = arith.index_cast %get3A_1309 : i32 to index
    %get3A_1311 = arith.constant 48 : index
    %get3A_1312 = tpu.vector_load %arg5[%get3A_1310, %get3A_1311] {strides = array<i32>} : memref<8x128xf32, #tpu.memory_space<vmem>>, vector<1x16xf32>,
    %get3A_1313 = vector.shape_cast %get3A_1312 : vector<1x16xf32> to vector<16xf32>
    %get3A_1314 = arith.constant 1 : i32
    %get3A_1315 = arith.index_cast %get3A_1314 : i32 to index
    %get3A_1316 = arith.constant 48 : index
    %get3A_1317 = tpu.vector_load %arg5[%get3A_1315, %get3A_1316] {strides = array<i32>} : memref<8x128xf32, #tpu.memory_space<vmem>>, vector<1x16xf32>,
    %get3A_1318 = vector.shape_cast %get3A_1317 : vector<1x16xf32> to vector<16xf32>
    %get3A_1319 = arith.constant 2 : i32
    %get3A_1320 = arith.index_cast %get3A_1319 : i32 to index
    %get3A_1321 = arith.constant 48 : index
    %get3A_1322 = tpu.vector_load %arg5[%get3A_1320, %get3A_1321] {strides = array<i32>} : memref<8x128xf32, #tpu.memory_space<vmem>>, vector<1x16xf32>,
    %get3A_1323 = vector.shape_cast %get3A_1322 : vector<1x16xf32> to vector<16xf32>
    %get3A_1324 = arith.constant 3 : i32
    %get3A_1325 = arith.index_cast %get3A_1324 : i32 to index
    %get3A_1326 = arith.constant 48 : index
    %get3A_1327 = tpu.vector_load %arg5[%get3A_1325, %get3A_1326] {strides = array<i32>} : memref<8x128xf32, #tpu.memory_space<vmem>>, vector<1x16xf32>,
    %get3A_1328 = vector.shape_cast %get3A_1327 : vector<1x16xf32> to vector<16xf32>
    %get3A_1329 = arith.constant 4 : i32
    %get3A_1330 = arith.index_cast %get3A_1329 : i32 to index
    %get3A_1331 = arith.constant 48 : index
    %get3A_1332 = tpu.vector_load %arg5[%get3A_1330, %get3A_1331] {strides = array<i32>} : memref<8x128xf32, #tpu.memory_space<vmem>>, vector<1x16xf32>,
    %get3A_1333 = vector.shape_cast %get3A_1332 : vector<1x16xf32> to vector<16xf32>
    %get3A_1334 = arith.constant 5 : i32
    %get3A_1335 = arith.index_cast %get3A_1334 : i32 to index
    %get3A_1336 = arith.constant 48 : index
    %get3A_1337 = tpu.vector_load %arg5[%get3A_1335, %get3A_1336] {strides = array<i32>} : memref<8x128xf32, #tpu.memory_space<vmem>>, vector<1x16xf32>,
    %get3A_1338 = vector.shape_cast %get3A_1337 : vector<1x16xf32> to vector<16xf32>
    %get3A_1339 = arith.constant 6 : i32
    %get3A_1340 = arith.index_cast %get3A_1339 : i32 to index
    %get3A_1341 = arith.constant 48 : index
    %get3A_1342 = tpu.vector_load %arg5[%get3A_1340, %get3A_1341] {strides = array<i32>} : memref<8x128xf32, #tpu.memory_space<vmem>>, vector<1x16xf32>,
    %get3A_1343 = vector.shape_cast %get3A_1342 : vector<1x16xf32> to vector<16xf32>
    %get3A_1344 = arith.constant 7 : i32
    %get3A_1345 = arith.index_cast %get3A_1344 : i32 to index
    %get3A_1346 = arith.constant 48 : index
    %get3A_1347 = tpu.vector_load %arg5[%get3A_1345, %get3A_1346] {strides = array<i32>} : memref<8x128xf32, #tpu.memory_space<vmem>>, vector<1x16xf32>,
    %get3A_1348 = vector.shape_cast %get3A_1347 : vector<1x16xf32> to vector<16xf32>
    %max3A_1349 = arith.maximumf %get3A_1313, %get3A_1318 : vector<16xf32>
    %max3A_1350 = arith.maximumf %max3A_1349, %get3A_1323 : vector<16xf32>
    %max3A_1351 = arith.maximumf %max3A_1350, %get3A_1328 : vector<16xf32>
    %max3A_1352 = arith.maximumf %max3A_1351, %get3A_1333 : vector<16xf32>
    %max3A_1353 = arith.maximumf %max3A_1352, %get3A_1338 : vector<16xf32>
    %max3A_1354 = arith.maximumf %max3A_1353, %get3A_1343 : vector<16xf32>
    %max3A_1355 = arith.maximumf %max3A_1354, %get3A_1348 : vector<16xf32>
    %sub3A_1356 = arith.subf %get3A_1313, %max3A_1355 : vector<16xf32>
    %exp3A_1357 = math.exp %sub3A_1356 : vector<16xf32>
    %sub3A_1358 = arith.subf %get3A_1318, %max3A_1355 : vector<16xf32>
    %exp3A_1359 = math.exp %sub3A_1358 : vector<16xf32>
    %sub3A_1360 = arith.subf %get3A_1323, %max3A_1355 : vector<16xf32>
    %exp3A_1361 = math.exp %sub3A_1360 : vector<16xf32>
    %sub3A_1362 = arith.subf %get3A_1328, %max3A_1355 : vector<16xf32>
    %exp3A_1363 = math.exp %sub3A_1362 : vector<16xf32>
    %sub3A_1364 = arith.subf %get3A_1333, %max3A_1355 : vector<16xf32>
    %exp3A_1365 = math.exp %sub3A_1364 : vector<16xf32>
    %sub3A_1366 = arith.subf %get3A_1338, %max3A_1355 : vector<16xf32>
    %exp3A_1367 = math.exp %sub3A_1366 : vector<16xf32>
    %sub3A_1368 = arith.subf %get3A_1343, %max3A_1355 : vector<16xf32>
    %exp3A_1369 = math.exp %sub3A_1368 : vector<16xf32>
    %sub3A_1370 = arith.subf %get3A_1348, %max3A_1355 : vector<16xf32>
    %exp3A_1371 = math.exp %sub3A_1370 : vector<16xf32>
    %add3A_1372 = arith.addf %exp3A_1357, %exp3A_1359 : vector<16xf32>
    %add3A_1373 = arith.addf %add3A_1372, %exp3A_1361 : vector<16xf32>
    %add3A_1374 = arith.addf %add3A_1373, %exp3A_1363 : vector<16xf32>
    %add3A_1375 = arith.addf %add3A_1374, %exp3A_1365 : vector<16xf32>
    %add3A_1376 = arith.addf %add3A_1375, %exp3A_1367 : vector<16xf32>
    %add3A_1377 = arith.addf %add3A_1376, %exp3A_1369 : vector<16xf32>
    %add3A_1378 = arith.addf %add3A_1377, %exp3A_1371 : vector<16xf32>
    %div3A_1379 = arith.divf %exp3A_1357, %add3A_1378 : vector<16xf32>
    %div3A_1380 = arith.divf %exp3A_1359, %add3A_1378 : vector<16xf32>
    %div3A_1381 = arith.divf %exp3A_1361, %add3A_1378 : vector<16xf32>
    %div3A_1382 = arith.divf %exp3A_1363, %add3A_1378 : vector<16xf32>
    %div3A_1383 = arith.divf %exp3A_1365, %add3A_1378 : vector<16xf32>
    %div3A_1384 = arith.divf %exp3A_1367, %add3A_1378 : vector<16xf32>
    %div3A_1385 = arith.divf %exp3A_1369, %add3A_1378 : vector<16xf32>
    %div3A_1386 = arith.divf %exp3A_1371, %add3A_1378 : vector<16xf32>
    %max3A_1387 = arith.maximumf %div3A_1379, %div3A_1380 : vector<16xf32>
    %max3A_1388 = arith.maximumf %max3A_1387, %div3A_1381 : vector<16xf32>
    %max3A_1389 = arith.maximumf %max3A_1388, %div3A_1382 : vector<16xf32>
    %max3A_1390 = arith.maximumf %max3A_1389, %div3A_1383 : vector<16xf32>
    %max3A_1391 = arith.maximumf %max3A_1390, %div3A_1384 : vector<16xf32>
    %max3A_1392 = arith.maximumf %max3A_1391, %div3A_1385 : vector<16xf32>
    %max3A_1393 = arith.maximumf %max3A_1392, %div3A_1386 : vector<16xf32>
    %broadcast_in_dim3A_1394 = arith.constant 8 : i32
    %broadcast_in_dim3A_1395 = vector.broadcast %broadcast_in_dim3A_1394 : i32 to vector<16xi32>
    %eq3A_1396 = arith.cmpf oeq, %div3A_1379, %max3A_1393 : vector<16xf32>
    %jit3A_1397 = arith.constant 0 : i32
    %jit3A_1398 = arith.constant 8 : i32
    %broadcast_in_dim3A_1399 = vector.broadcast %jit3A_1397 : i32 to vector<16xi32>
    %broadcast_in_dim3A_1400 = vector.broadcast %jit3A_1398 : i32 to vector<16xi32>
    %select_n3A_1401 = arith.select %eq3A_1396, %broadcast_in_dim3A_1399, %broadcast_in_dim3A_1400 : vector<16xi1>, vector<16xi32>
    %min3A_1402 = arith.minsi %broadcast_in_dim3A_1395, %select_n3A_1401 : vector<16xi32>
    %eq3A_1403 = arith.cmpf oeq, %div3A_1380, %max3A_1393 : vector<16xf32>
    %jit3A_1404 = arith.constant 1 : i32
    %jit3A_1405 = arith.constant 8 : i32
    %broadcast_in_dim3A_1406 = vector.broadcast %jit3A_1404 : i32 to vector<16xi32>
    %broadcast_in_dim3A_1407 = vector.broadcast %jit3A_1405 : i32 to vector<16xi32>
    %select_n3A_1408 = arith.select %eq3A_1403, %broadcast_in_dim3A_1406, %broadcast_in_dim3A_1407 : vector<16xi1>, vector<16xi32>
    %min3A_1409 = arith.minsi %min3A_1402, %select_n3A_1408 : vector<16xi32>
    %eq3A_1410 = arith.cmpf oeq, %div3A_1381, %max3A_1393 : vector<16xf32>
    %jit3A_1411 = arith.constant 2 : i32
    %jit3A_1412 = arith.constant 8 : i32
    %broadcast_in_dim3A_1413 = vector.broadcast %jit3A_1411 : i32 to vector<16xi32>
    %broadcast_in_dim3A_1414 = vector.broadcast %jit3A_1412 : i32 to vector<16xi32>
    %select_n3A_1415 = arith.select %eq3A_1410, %broadcast_in_dim3A_1413, %broadcast_in_dim3A_1414 : vector<16xi1>, vector<16xi32>
    %min3A_1416 = arith.minsi %min3A_1409, %select_n3A_1415 : vector<16xi32>
    %eq3A_1417 = arith.cmpf oeq, %div3A_1382, %max3A_1393 : vector<16xf32>
    %jit3A_1418 = arith.constant 3 : i32
    %jit3A_1419 = arith.constant 8 : i32
    %broadcast_in_dim3A_1420 = vector.broadcast %jit3A_1418 : i32 to vector<16xi32>
    %broadcast_in_dim3A_1421 = vector.broadcast %jit3A_1419 : i32 to vector<16xi32>
    %select_n3A_1422 = arith.select %eq3A_1417, %broadcast_in_dim3A_1420, %broadcast_in_dim3A_1421 : vector<16xi1>, vector<16xi32>
    %min3A_1423 = arith.minsi %min3A_1416, %select_n3A_1422 : vector<16xi32>
    %eq3A_1424 = arith.cmpf oeq, %div3A_1383, %max3A_1393 : vector<16xf32>
    %jit3A_1425 = arith.constant 4 : i32
    %jit3A_1426 = arith.constant 8 : i32
    %broadcast_in_dim3A_1427 = vector.broadcast %jit3A_1425 : i32 to vector<16xi32>
    %broadcast_in_dim3A_1428 = vector.broadcast %jit3A_1426 : i32 to vector<16xi32>
    %select_n3A_1429 = arith.select %eq3A_1424, %broadcast_in_dim3A_1427, %broadcast_in_dim3A_1428 : vector<16xi1>, vector<16xi32>
    %min3A_1430 = arith.minsi %min3A_1423, %select_n3A_1429 : vector<16xi32>
    %eq3A_1431 = arith.cmpf oeq, %div3A_1384, %max3A_1393 : vector<16xf32>
    %jit3A_1432 = arith.constant 5 : i32
    %jit3A_1433 = arith.constant 8 : i32
    %broadcast_in_dim3A_1434 = vector.broadcast %jit3A_1432 : i32 to vector<16xi32>
    %broadcast_in_dim3A_1435 = vector.broadcast %jit3A_1433 : i32 to vector<16xi32>
    %select_n3A_1436 = arith.select %eq3A_1431, %broadcast_in_dim3A_1434, %broadcast_in_dim3A_1435 : vector<16xi1>, vector<16xi32>
    %min3A_1437 = arith.minsi %min3A_1430, %select_n3A_1436 : vector<16xi32>
    %eq3A_1438 = arith.cmpf oeq, %div3A_1385, %max3A_1393 : vector<16xf32>
    %jit3A_1439 = arith.constant 6 : i32
    %jit3A_1440 = arith.constant 8 : i32
    %broadcast_in_dim3A_1441 = vector.broadcast %jit3A_1439 : i32 to vector<16xi32>
    %broadcast_in_dim3A_1442 = vector.broadcast %jit3A_1440 : i32 to vector<16xi32>
    %select_n3A_1443 = arith.select %eq3A_1438, %broadcast_in_dim3A_1441, %broadcast_in_dim3A_1442 : vector<16xi1>, vector<16xi32>
    %min3A_1444 = arith.minsi %min3A_1437, %select_n3A_1443 : vector<16xi32>
    %eq3A_1445 = arith.cmpf oeq, %div3A_1386, %max3A_1393 : vector<16xf32>
    %jit3A_1446 = arith.constant 7 : i32
    %jit3A_1447 = arith.constant 8 : i32
    %broadcast_in_dim3A_1448 = vector.broadcast %jit3A_1446 : i32 to vector<16xi32>
    %broadcast_in_dim3A_1449 = vector.broadcast %jit3A_1447 : i32 to vector<16xi32>
    %select_n3A_1450 = arith.select %eq3A_1445, %broadcast_in_dim3A_1448, %broadcast_in_dim3A_1449 : vector<16xi1>, vector<16xi32>
    %min3A_1451 = arith.minsi %min3A_1444, %select_n3A_1450 : vector<16xi32>
    %eq3A_1452 = arith.constant 0 : i32
    %eq3A_1453 = vector.broadcast %eq3A_1452 : i32 to vector<16xi32>
    %eq3A_1454 = arith.cmpi eq, %min3A_1451, %eq3A_1453 : vector<16xi32>
    %jit3A_1455 = arith.constant -1.000000e+00 : f32
    %broadcast_in_dim3A_1456 = vector.broadcast %jit3A_1455 : f32 to vector<16xf32>
    %select_n3A_1457 = arith.select %eq3A_1454, %broadcast_in_dim3A_1456, %div3A_1379 : vector<16xi1>, vector<16xf32>
    %eq3A_1458 = arith.constant 1 : i32
    %eq3A_1459 = vector.broadcast %eq3A_1458 : i32 to vector<16xi32>
    %eq3A_1460 = arith.cmpi eq, %min3A_1451, %eq3A_1459 : vector<16xi32>
    %jit3A_1461 = arith.constant -1.000000e+00 : f32
    %broadcast_in_dim3A_1462 = vector.broadcast %jit3A_1461 : f32 to vector<16xf32>
    %select_n3A_1463 = arith.select %eq3A_1460, %broadcast_in_dim3A_1462, %div3A_1380 : vector<16xi1>, vector<16xf32>
    %eq3A_1464 = arith.constant 2 : i32
    %eq3A_1465 = vector.broadcast %eq3A_1464 : i32 to vector<16xi32>
    %eq3A_1466 = arith.cmpi eq, %min3A_1451, %eq3A_1465 : vector<16xi32>
    %jit3A_1467 = arith.constant -1.000000e+00 : f32
    %broadcast_in_dim3A_1468 = vector.broadcast %jit3A_1467 : f32 to vector<16xf32>
    %select_n3A_1469 = arith.select %eq3A_1466, %broadcast_in_dim3A_1468, %div3A_1381 : vector<16xi1>, vector<16xf32>
    %eq3A_1470 = arith.constant 3 : i32
    %eq3A_1471 = vector.broadcast %eq3A_1470 : i32 to vector<16xi32>
    %eq3A_1472 = arith.cmpi eq, %min3A_1451, %eq3A_1471 : vector<16xi32>
    %jit3A_1473 = arith.constant -1.000000e+00 : f32
    %broadcast_in_dim3A_1474 = vector.broadcast %jit3A_1473 : f32 to vector<16xf32>
    %select_n3A_1475 = arith.select %eq3A_1472, %broadcast_in_dim3A_1474, %div3A_1382 : vector<16xi1>, vector<16xf32>
    %eq3A_1476 = arith.constant 4 : i32
    %eq3A_1477 = vector.broadcast %eq3A_1476 : i32 to vector<16xi32>
    %eq3A_1478 = arith.cmpi eq, %min3A_1451, %eq3A_1477 : vector<16xi32>
    %jit3A_1479 = arith.constant -1.000000e+00 : f32
    %broadcast_in_dim3A_1480 = vector.broadcast %jit3A_1479 : f32 to vector<16xf32>
    %select_n3A_1481 = arith.select %eq3A_1478, %broadcast_in_dim3A_1480, %div3A_1383 : vector<16xi1>, vector<16xf32>
    %eq3A_1482 = arith.constant 5 : i32
    %eq3A_1483 = vector.broadcast %eq3A_1482 : i32 to vector<16xi32>
    %eq3A_1484 = arith.cmpi eq, %min3A_1451, %eq3A_1483 : vector<16xi32>
    %jit3A_1485 = arith.constant -1.000000e+00 : f32
    %broadcast_in_dim3A_1486 = vector.broadcast %jit3A_1485 : f32 to vector<16xf32>
    %select_n3A_1487 = arith.select %eq3A_1484, %broadcast_in_dim3A_1486, %div3A_1384 : vector<16xi1>, vector<16xf32>
    %eq3A_1488 = arith.constant 6 : i32
    %eq3A_1489 = vector.broadcast %eq3A_1488 : i32 to vector<16xi32>
    %eq3A_1490 = arith.cmpi eq, %min3A_1451, %eq3A_1489 : vector<16xi32>
    %jit3A_1491 = arith.constant -1.000000e+00 : f32
    %broadcast_in_dim3A_1492 = vector.broadcast %jit3A_1491 : f32 to vector<16xf32>
    %select_n3A_1493 = arith.select %eq3A_1490, %broadcast_in_dim3A_1492, %div3A_1385 : vector<16xi1>, vector<16xf32>
    %eq3A_1494 = arith.constant 7 : i32
    %eq3A_1495 = vector.broadcast %eq3A_1494 : i32 to vector<16xi32>
    %eq3A_1496 = arith.cmpi eq, %min3A_1451, %eq3A_1495 : vector<16xi32>
    %jit3A_1497 = arith.constant -1.000000e+00 : f32
    %broadcast_in_dim3A_1498 = vector.broadcast %jit3A_1497 : f32 to vector<16xf32>
    %select_n3A_1499 = arith.select %eq3A_1496, %broadcast_in_dim3A_1498, %div3A_1386 : vector<16xi1>, vector<16xf32>
    %max3A_1500 = arith.maximumf %select_n3A_1457, %select_n3A_1463 : vector<16xf32>
    %max3A_1501 = arith.maximumf %max3A_1500, %select_n3A_1469 : vector<16xf32>
    %max3A_1502 = arith.maximumf %max3A_1501, %select_n3A_1475 : vector<16xf32>
    %max3A_1503 = arith.maximumf %max3A_1502, %select_n3A_1481 : vector<16xf32>
    %max3A_1504 = arith.maximumf %max3A_1503, %select_n3A_1487 : vector<16xf32>
    %max3A_1505 = arith.maximumf %max3A_1504, %select_n3A_1493 : vector<16xf32>
    %max3A_1506 = arith.maximumf %max3A_1505, %select_n3A_1499 : vector<16xf32>
    %broadcast_in_dim3A_1507 = arith.constant 8 : i32
    %broadcast_in_dim3A_1508 = vector.broadcast %broadcast_in_dim3A_1507 : i32 to vector<16xi32>
    %eq3A_1509 = arith.cmpf oeq, %select_n3A_1457, %max3A_1506 : vector<16xf32>
    %jit3A_1510 = arith.constant 0 : i32
    %jit3A_1511 = arith.constant 8 : i32
    %broadcast_in_dim3A_1512 = vector.broadcast %jit3A_1510 : i32 to vector<16xi32>
    %broadcast_in_dim3A_1513 = vector.broadcast %jit3A_1511 : i32 to vector<16xi32>
    %select_n3A_1514 = arith.select %eq3A_1509, %broadcast_in_dim3A_1512, %broadcast_in_dim3A_1513 : vector<16xi1>, vector<16xi32>
    %min3A_1515 = arith.minsi %broadcast_in_dim3A_1508, %select_n3A_1514 : vector<16xi32>
    %eq3A_1516 = arith.cmpf oeq, %select_n3A_1463, %max3A_1506 : vector<16xf32>
    %jit3A_1517 = arith.constant 1 : i32
    %jit3A_1518 = arith.constant 8 : i32
    %broadcast_in_dim3A_1519 = vector.broadcast %jit3A_1517 : i32 to vector<16xi32>
    %broadcast_in_dim3A_1520 = vector.broadcast %jit3A_1518 : i32 to vector<16xi32>
    %select_n3A_1521 = arith.select %eq3A_1516, %broadcast_in_dim3A_1519, %broadcast_in_dim3A_1520 : vector<16xi1>, vector<16xi32>
    %min3A_1522 = arith.minsi %min3A_1515, %select_n3A_1521 : vector<16xi32>
    %eq3A_1523 = arith.cmpf oeq, %select_n3A_1469, %max3A_1506 : vector<16xf32>
    %jit3A_1524 = arith.constant 2 : i32
    %jit3A_1525 = arith.constant 8 : i32
    %broadcast_in_dim3A_1526 = vector.broadcast %jit3A_1524 : i32 to vector<16xi32>
    %broadcast_in_dim3A_1527 = vector.broadcast %jit3A_1525 : i32 to vector<16xi32>
    %select_n3A_1528 = arith.select %eq3A_1523, %broadcast_in_dim3A_1526, %broadcast_in_dim3A_1527 : vector<16xi1>, vector<16xi32>
    %min3A_1529 = arith.minsi %min3A_1522, %select_n3A_1528 : vector<16xi32>
    %eq3A_1530 = arith.cmpf oeq, %select_n3A_1475, %max3A_1506 : vector<16xf32>
    %jit3A_1531 = arith.constant 3 : i32
    %jit3A_1532 = arith.constant 8 : i32
    %broadcast_in_dim3A_1533 = vector.broadcast %jit3A_1531 : i32 to vector<16xi32>
    %broadcast_in_dim3A_1534 = vector.broadcast %jit3A_1532 : i32 to vector<16xi32>
    %select_n3A_1535 = arith.select %eq3A_1530, %broadcast_in_dim3A_1533, %broadcast_in_dim3A_1534 : vector<16xi1>, vector<16xi32>
    %min3A_1536 = arith.minsi %min3A_1529, %select_n3A_1535 : vector<16xi32>
    %eq3A_1537 = arith.cmpf oeq, %select_n3A_1481, %max3A_1506 : vector<16xf32>
    %jit3A_1538 = arith.constant 4 : i32
    %jit3A_1539 = arith.constant 8 : i32
    %broadcast_in_dim3A_1540 = vector.broadcast %jit3A_1538 : i32 to vector<16xi32>
    %broadcast_in_dim3A_1541 = vector.broadcast %jit3A_1539 : i32 to vector<16xi32>
    %select_n3A_1542 = arith.select %eq3A_1537, %broadcast_in_dim3A_1540, %broadcast_in_dim3A_1541 : vector<16xi1>, vector<16xi32>
    %min3A_1543 = arith.minsi %min3A_1536, %select_n3A_1542 : vector<16xi32>
    %eq3A_1544 = arith.cmpf oeq, %select_n3A_1487, %max3A_1506 : vector<16xf32>
    %jit3A_1545 = arith.constant 5 : i32
    %jit3A_1546 = arith.constant 8 : i32
    %broadcast_in_dim3A_1547 = vector.broadcast %jit3A_1545 : i32 to vector<16xi32>
    %broadcast_in_dim3A_1548 = vector.broadcast %jit3A_1546 : i32 to vector<16xi32>
    %select_n3A_1549 = arith.select %eq3A_1544, %broadcast_in_dim3A_1547, %broadcast_in_dim3A_1548 : vector<16xi1>, vector<16xi32>
    %min3A_1550 = arith.minsi %min3A_1543, %select_n3A_1549 : vector<16xi32>
    %eq3A_1551 = arith.cmpf oeq, %select_n3A_1493, %max3A_1506 : vector<16xf32>
    %jit3A_1552 = arith.constant 6 : i32
    %jit3A_1553 = arith.constant 8 : i32
    %broadcast_in_dim3A_1554 = vector.broadcast %jit3A_1552 : i32 to vector<16xi32>
    %broadcast_in_dim3A_1555 = vector.broadcast %jit3A_1553 : i32 to vector<16xi32>
    %select_n3A_1556 = arith.select %eq3A_1551, %broadcast_in_dim3A_1554, %broadcast_in_dim3A_1555 : vector<16xi1>, vector<16xi32>
    %min3A_1557 = arith.minsi %min3A_1550, %select_n3A_1556 : vector<16xi32>
    %eq3A_1558 = arith.cmpf oeq, %select_n3A_1499, %max3A_1506 : vector<16xf32>
    %jit3A_1559 = arith.constant 7 : i32
    %jit3A_1560 = arith.constant 8 : i32
    %broadcast_in_dim3A_1561 = vector.broadcast %jit3A_1559 : i32 to vector<16xi32>
    %broadcast_in_dim3A_1562 = vector.broadcast %jit3A_1560 : i32 to vector<16xi32>
    %select_n3A_1563 = arith.select %eq3A_1558, %broadcast_in_dim3A_1561, %broadcast_in_dim3A_1562 : vector<16xi1>, vector<16xi32>
    %min3A_1564 = arith.minsi %min3A_1557, %select_n3A_1563 : vector<16xi32>
    %eq3A_1565 = arith.constant 0 : i32
    %eq3A_1566 = vector.broadcast %eq3A_1565 : i32 to vector<16xi32>
    %eq3A_1567 = arith.cmpi eq, %min3A_1451, %eq3A_1566 : vector<16xi32>
    %eq3A_1568 = arith.constant 0 : i32
    %eq3A_1569 = vector.broadcast %eq3A_1568 : i32 to vector<16xi32>
    %eq3A_1570 = arith.cmpi eq, %min3A_1564, %eq3A_1569 : vector<16xi32>
    %or3A_1571 = arith.ori %eq3A_1567, %eq3A_1570 : vector<16xi1>
    %jit3A_1572 = arith.constant 0.000000e+00 : f32
    %broadcast_in_dim3A_1573 = vector.broadcast %jit3A_1572 : f32 to vector<16xf32>
    %select_n3A_1574 = arith.select %or3A_1571, %div3A_1379, %broadcast_in_dim3A_1573 : vector<16xi1>, vector<16xf32>
    %swap3A_1575 = arith.constant 0 : i32
    %swap3A_1576 = arith.index_cast %swap3A_1575 : i32 to index
    %swap3A_1577 = arith.constant 48 : index
    %swap3A_1578 = tpu.vector_load %arg6[%swap3A_1576, %swap3A_1577] {strides = array<i32>} : memref<8x128xf32, #tpu.memory_space<vmem>>, vector<1x16xf32>,
    %swap3A_1579 = vector.shape_cast %swap3A_1578 : vector<1x16xf32> to vector<16xf32>
    %swap3A_1580 = vector.shape_cast %select_n3A_1574 : vector<16xf32> to vector<1x16xf32>
    tpu.vector_store %arg6[%swap3A_1576, %swap3A_1577], %swap3A_1580 {strides = array<i32>} : memref<8x128xf32, #tpu.memory_space<vmem>>, vector<1x16xf32>,
    %jit3A_1581 = arith.constant 1 : i32
    %jit3A_1582 = arith.constant 0 : i32
    %broadcast_in_dim3A_1583 = vector.broadcast %jit3A_1581 : i32 to vector<16xi32>
    %broadcast_in_dim3A_1584 = vector.broadcast %jit3A_1582 : i32 to vector<16xi32>
    %select_n3A_1585 = arith.select %or3A_1571, %broadcast_in_dim3A_1583, %broadcast_in_dim3A_1584 : vector<16xi1>, vector<16xi32>
    %add3A_1586 = arith.addi %add3A_1154, %select_n3A_1585 : vector<16xi32>
    %eq3A_1587 = arith.constant 1 : i32
    %eq3A_1588 = vector.broadcast %eq3A_1587 : i32 to vector<16xi32>
    %eq3A_1589 = arith.cmpi eq, %min3A_1451, %eq3A_1588 : vector<16xi32>
    %eq3A_1590 = arith.constant 1 : i32
    %eq3A_1591 = vector.broadcast %eq3A_1590 : i32 to vector<16xi32>
    %eq3A_1592 = arith.cmpi eq, %min3A_1564, %eq3A_1591 : vector<16xi32>
    %or3A_1593 = arith.ori %eq3A_1589, %eq3A_1592 : vector<16xi1>
    %jit3A_1594 = arith.constant 0.000000e+00 : f32
    %broadcast_in_dim3A_1595 = vector.broadcast %jit3A_1594 : f32 to vector<16xf32>
    %select_n3A_1596 = arith.select %or3A_1593, %div3A_1380, %broadcast_in_dim3A_1595 : vector<16xi1>, vector<16xf32>
    %swap3A_1597 = arith.constant 1 : i32
    %swap3A_1598 = arith.index_cast %swap3A_1597 : i32 to index
    %swap3A_1599 = arith.constant 48 : index
    %swap3A_1600 = tpu.vector_load %arg6[%swap3A_1598, %swap3A_1599] {strides = array<i32>} : memref<8x128xf32, #tpu.memory_space<vmem>>, vector<1x16xf32>,
    %swap3A_1601 = vector.shape_cast %swap3A_1600 : vector<1x16xf32> to vector<16xf32>
    %swap3A_1602 = vector.shape_cast %select_n3A_1596 : vector<16xf32> to vector<1x16xf32>
    tpu.vector_store %arg6[%swap3A_1598, %swap3A_1599], %swap3A_1602 {strides = array<i32>} : memref<8x128xf32, #tpu.memory_space<vmem>>, vector<1x16xf32>,
    %jit3A_1603 = arith.constant 1 : i32
    %jit3A_1604 = arith.constant 0 : i32
    %broadcast_in_dim3A_1605 = vector.broadcast %jit3A_1603 : i32 to vector<16xi32>
    %broadcast_in_dim3A_1606 = vector.broadcast %jit3A_1604 : i32 to vector<16xi32>
    %select_n3A_1607 = arith.select %or3A_1593, %broadcast_in_dim3A_1605, %broadcast_in_dim3A_1606 : vector<16xi1>, vector<16xi32>
    %add3A_1608 = arith.addi %add3A_1176, %select_n3A_1607 : vector<16xi32>
    %eq3A_1609 = arith.constant 2 : i32
    %eq3A_1610 = vector.broadcast %eq3A_1609 : i32 to vector<16xi32>
    %eq3A_1611 = arith.cmpi eq, %min3A_1451, %eq3A_1610 : vector<16xi32>
    %eq3A_1612 = arith.constant 2 : i32
    %eq3A_1613 = vector.broadcast %eq3A_1612 : i32 to vector<16xi32>
    %eq3A_1614 = arith.cmpi eq, %min3A_1564, %eq3A_1613 : vector<16xi32>
    %or3A_1615 = arith.ori %eq3A_1611, %eq3A_1614 : vector<16xi1>
    %jit3A_1616 = arith.constant 0.000000e+00 : f32
    %broadcast_in_dim3A_1617 = vector.broadcast %jit3A_1616 : f32 to vector<16xf32>
    %select_n3A_1618 = arith.select %or3A_1615, %div3A_1381, %broadcast_in_dim3A_1617 : vector<16xi1>, vector<16xf32>
    %swap3A_1619 = arith.constant 2 : i32
    %swap3A_1620 = arith.index_cast %swap3A_1619 : i32 to index
    %swap3A_1621 = arith.constant 48 : index
    %swap3A_1622 = tpu.vector_load %arg6[%swap3A_1620, %swap3A_1621] {strides = array<i32>} : memref<8x128xf32, #tpu.memory_space<vmem>>, vector<1x16xf32>,
    %swap3A_1623 = vector.shape_cast %swap3A_1622 : vector<1x16xf32> to vector<16xf32>
    %swap3A_1624 = vector.shape_cast %select_n3A_1618 : vector<16xf32> to vector<1x16xf32>
    tpu.vector_store %arg6[%swap3A_1620, %swap3A_1621], %swap3A_1624 {strides = array<i32>} : memref<8x128xf32, #tpu.memory_space<vmem>>, vector<1x16xf32>,
    %jit3A_1625 = arith.constant 1 : i32
    %jit3A_1626 = arith.constant 0 : i32
    %broadcast_in_dim3A_1627 = vector.broadcast %jit3A_1625 : i32 to vector<16xi32>
    %broadcast_in_dim3A_1628 = vector.broadcast %jit3A_1626 : i32 to vector<16xi32>
    %select_n3A_1629 = arith.select %or3A_1615, %broadcast_in_dim3A_1627, %broadcast_in_dim3A_1628 : vector<16xi1>, vector<16xi32>
    %add3A_1630 = arith.addi %add3A_1198, %select_n3A_1629 : vector<16xi32>
    %eq3A_1631 = arith.constant 3 : i32
    %eq3A_1632 = vector.broadcast %eq3A_1631 : i32 to vector<16xi32>
    %eq3A_1633 = arith.cmpi eq, %min3A_1451, %eq3A_1632 : vector<16xi32>
    %eq3A_1634 = arith.constant 3 : i32
    %eq3A_1635 = vector.broadcast %eq3A_1634 : i32 to vector<16xi32>
    %eq3A_1636 = arith.cmpi eq, %min3A_1564, %eq3A_1635 : vector<16xi32>
    %or3A_1637 = arith.ori %eq3A_1633, %eq3A_1636 : vector<16xi1>
    %jit3A_1638 = arith.constant 0.000000e+00 : f32
    %broadcast_in_dim3A_1639 = vector.broadcast %jit3A_1638 : f32 to vector<16xf32>
    %select_n3A_1640 = arith.select %or3A_1637, %div3A_1382, %broadcast_in_dim3A_1639 : vector<16xi1>, vector<16xf32>
    %swap3A_1641 = arith.constant 3 : i32
    %swap3A_1642 = arith.index_cast %swap3A_1641 : i32 to index
    %swap3A_1643 = arith.constant 48 : index
    %swap3A_1644 = tpu.vector_load %arg6[%swap3A_1642, %swap3A_1643] {strides = array<i32>} : memref<8x128xf32, #tpu.memory_space<vmem>>, vector<1x16xf32>,
    %swap3A_1645 = vector.shape_cast %swap3A_1644 : vector<1x16xf32> to vector<16xf32>
    %swap3A_1646 = vector.shape_cast %select_n3A_1640 : vector<16xf32> to vector<1x16xf32>
    tpu.vector_store %arg6[%swap3A_1642, %swap3A_1643], %swap3A_1646 {strides = array<i32>} : memref<8x128xf32, #tpu.memory_space<vmem>>, vector<1x16xf32>,
    %jit3A_1647 = arith.constant 1 : i32
    %jit3A_1648 = arith.constant 0 : i32
    %broadcast_in_dim3A_1649 = vector.broadcast %jit3A_1647 : i32 to vector<16xi32>
    %broadcast_in_dim3A_1650 = vector.broadcast %jit3A_1648 : i32 to vector<16xi32>
    %select_n3A_1651 = arith.select %or3A_1637, %broadcast_in_dim3A_1649, %broadcast_in_dim3A_1650 : vector<16xi1>, vector<16xi32>
    %add3A_1652 = arith.addi %add3A_1220, %select_n3A_1651 : vector<16xi32>
    %eq3A_1653 = arith.constant 4 : i32
    %eq3A_1654 = vector.broadcast %eq3A_1653 : i32 to vector<16xi32>
    %eq3A_1655 = arith.cmpi eq, %min3A_1451, %eq3A_1654 : vector<16xi32>
    %eq3A_1656 = arith.constant 4 : i32
    %eq3A_1657 = vector.broadcast %eq3A_1656 : i32 to vector<16xi32>
    %eq3A_1658 = arith.cmpi eq, %min3A_1564, %eq3A_1657 : vector<16xi32>
    %or3A_1659 = arith.ori %eq3A_1655, %eq3A_1658 : vector<16xi1>
    %jit3A_1660 = arith.constant 0.000000e+00 : f32
    %broadcast_in_dim3A_1661 = vector.broadcast %jit3A_1660 : f32 to vector<16xf32>
    %select_n3A_1662 = arith.select %or3A_1659, %div3A_1383, %broadcast_in_dim3A_1661 : vector<16xi1>, vector<16xf32>
    %swap3A_1663 = arith.constant 4 : i32
    %swap3A_1664 = arith.index_cast %swap3A_1663 : i32 to index
    %swap3A_1665 = arith.constant 48 : index
    %swap3A_1666 = tpu.vector_load %arg6[%swap3A_1664, %swap3A_1665] {strides = array<i32>} : memref<8x128xf32, #tpu.memory_space<vmem>>, vector<1x16xf32>,
    %swap3A_1667 = vector.shape_cast %swap3A_1666 : vector<1x16xf32> to vector<16xf32>
    %swap3A_1668 = vector.shape_cast %select_n3A_1662 : vector<16xf32> to vector<1x16xf32>
    tpu.vector_store %arg6[%swap3A_1664, %swap3A_1665], %swap3A_1668 {strides = array<i32>} : memref<8x128xf32, #tpu.memory_space<vmem>>, vector<1x16xf32>,
    %jit3A_1669 = arith.constant 1 : i32
    %jit3A_1670 = arith.constant 0 : i32
    %broadcast_in_dim3A_1671 = vector.broadcast %jit3A_1669 : i32 to vector<16xi32>
    %broadcast_in_dim3A_1672 = vector.broadcast %jit3A_1670 : i32 to vector<16xi32>
    %select_n3A_1673 = arith.select %or3A_1659, %broadcast_in_dim3A_1671, %broadcast_in_dim3A_1672 : vector<16xi1>, vector<16xi32>
    %add3A_1674 = arith.addi %add3A_1242, %select_n3A_1673 : vector<16xi32>
    %eq3A_1675 = arith.constant 5 : i32
    %eq3A_1676 = vector.broadcast %eq3A_1675 : i32 to vector<16xi32>
    %eq3A_1677 = arith.cmpi eq, %min3A_1451, %eq3A_1676 : vector<16xi32>
    %eq3A_1678 = arith.constant 5 : i32
    %eq3A_1679 = vector.broadcast %eq3A_1678 : i32 to vector<16xi32>
    %eq3A_1680 = arith.cmpi eq, %min3A_1564, %eq3A_1679 : vector<16xi32>
    %or3A_1681 = arith.ori %eq3A_1677, %eq3A_1680 : vector<16xi1>
    %jit3A_1682 = arith.constant 0.000000e+00 : f32
    %broadcast_in_dim3A_1683 = vector.broadcast %jit3A_1682 : f32 to vector<16xf32>
    %select_n3A_1684 = arith.select %or3A_1681, %div3A_1384, %broadcast_in_dim3A_1683 : vector<16xi1>, vector<16xf32>
    %swap3A_1685 = arith.constant 5 : i32
    %swap3A_1686 = arith.index_cast %swap3A_1685 : i32 to index
    %swap3A_1687 = arith.constant 48 : index
    %swap3A_1688 = tpu.vector_load %arg6[%swap3A_1686, %swap3A_1687] {strides = array<i32>} : memref<8x128xf32, #tpu.memory_space<vmem>>, vector<1x16xf32>,
    %swap3A_1689 = vector.shape_cast %swap3A_1688 : vector<1x16xf32> to vector<16xf32>
    %swap3A_1690 = vector.shape_cast %select_n3A_1684 : vector<16xf32> to vector<1x16xf32>
    tpu.vector_store %arg6[%swap3A_1686, %swap3A_1687], %swap3A_1690 {strides = array<i32>} : memref<8x128xf32, #tpu.memory_space<vmem>>, vector<1x16xf32>,
    %jit3A_1691 = arith.constant 1 : i32
    %jit3A_1692 = arith.constant 0 : i32
    %broadcast_in_dim3A_1693 = vector.broadcast %jit3A_1691 : i32 to vector<16xi32>
    %broadcast_in_dim3A_1694 = vector.broadcast %jit3A_1692 : i32 to vector<16xi32>
    %select_n3A_1695 = arith.select %or3A_1681, %broadcast_in_dim3A_1693, %broadcast_in_dim3A_1694 : vector<16xi1>, vector<16xi32>
    %add3A_1696 = arith.addi %add3A_1264, %select_n3A_1695 : vector<16xi32>
    %eq3A_1697 = arith.constant 6 : i32
    %eq3A_1698 = vector.broadcast %eq3A_1697 : i32 to vector<16xi32>
    %eq3A_1699 = arith.cmpi eq, %min3A_1451, %eq3A_1698 : vector<16xi32>
    %eq3A_1700 = arith.constant 6 : i32
    %eq3A_1701 = vector.broadcast %eq3A_1700 : i32 to vector<16xi32>
    %eq3A_1702 = arith.cmpi eq, %min3A_1564, %eq3A_1701 : vector<16xi32>
    %or3A_1703 = arith.ori %eq3A_1699, %eq3A_1702 : vector<16xi1>
    %jit3A_1704 = arith.constant 0.000000e+00 : f32
    %broadcast_in_dim3A_1705 = vector.broadcast %jit3A_1704 : f32 to vector<16xf32>
    %select_n3A_1706 = arith.select %or3A_1703, %div3A_1385, %broadcast_in_dim3A_1705 : vector<16xi1>, vector<16xf32>
    %swap3A_1707 = arith.constant 6 : i32
    %swap3A_1708 = arith.index_cast %swap3A_1707 : i32 to index
    %swap3A_1709 = arith.constant 48 : index
    %swap3A_1710 = tpu.vector_load %arg6[%swap3A_1708, %swap3A_1709] {strides = array<i32>} : memref<8x128xf32, #tpu.memory_space<vmem>>, vector<1x16xf32>,
    %swap3A_1711 = vector.shape_cast %swap3A_1710 : vector<1x16xf32> to vector<16xf32>
    %swap3A_1712 = vector.shape_cast %select_n3A_1706 : vector<16xf32> to vector<1x16xf32>
    tpu.vector_store %arg6[%swap3A_1708, %swap3A_1709], %swap3A_1712 {strides = array<i32>} : memref<8x128xf32, #tpu.memory_space<vmem>>, vector<1x16xf32>,
    %jit3A_1713 = arith.constant 1 : i32
    %jit3A_1714 = arith.constant 0 : i32
    %broadcast_in_dim3A_1715 = vector.broadcast %jit3A_1713 : i32 to vector<16xi32>
    %broadcast_in_dim3A_1716 = vector.broadcast %jit3A_1714 : i32 to vector<16xi32>
    %select_n3A_1717 = arith.select %or3A_1703, %broadcast_in_dim3A_1715, %broadcast_in_dim3A_1716 : vector<16xi1>, vector<16xi32>
    %add3A_1718 = arith.addi %add3A_1286, %select_n3A_1717 : vector<16xi32>
    %eq3A_1719 = arith.constant 7 : i32
    %eq3A_1720 = vector.broadcast %eq3A_1719 : i32 to vector<16xi32>
    %eq3A_1721 = arith.cmpi eq, %min3A_1451, %eq3A_1720 : vector<16xi32>
    %eq3A_1722 = arith.constant 7 : i32
    %eq3A_1723 = vector.broadcast %eq3A_1722 : i32 to vector<16xi32>
    %eq3A_1724 = arith.cmpi eq, %min3A_1564, %eq3A_1723 : vector<16xi32>
    %or3A_1725 = arith.ori %eq3A_1721, %eq3A_1724 : vector<16xi1>
    %jit3A_1726 = arith.constant 0.000000e+00 : f32
    %broadcast_in_dim3A_1727 = vector.broadcast %jit3A_1726 : f32 to vector<16xf32>
    %select_n3A_1728 = arith.select %or3A_1725, %div3A_1386, %broadcast_in_dim3A_1727 : vector<16xi1>, vector<16xf32>
    %swap3A_1729 = arith.constant 7 : i32
    %swap3A_1730 = arith.index_cast %swap3A_1729 : i32 to index
    %swap3A_1731 = arith.constant 48 : index
    %swap3A_1732 = tpu.vector_load %arg6[%swap3A_1730, %swap3A_1731] {strides = array<i32>} : memref<8x128xf32, #tpu.memory_space<vmem>>, vector<1x16xf32>,
    %swap3A_1733 = vector.shape_cast %swap3A_1732 : vector<1x16xf32> to vector<16xf32>
    %swap3A_1734 = vector.shape_cast %select_n3A_1728 : vector<16xf32> to vector<1x16xf32>
    tpu.vector_store %arg6[%swap3A_1730, %swap3A_1731], %swap3A_1734 {strides = array<i32>} : memref<8x128xf32, #tpu.memory_space<vmem>>, vector<1x16xf32>,
    %jit3A_1735 = arith.constant 1 : i32
    %jit3A_1736 = arith.constant 0 : i32
    %broadcast_in_dim3A_1737 = vector.broadcast %jit3A_1735 : i32 to vector<16xi32>
    %broadcast_in_dim3A_1738 = vector.broadcast %jit3A_1736 : i32 to vector<16xi32>
    %select_n3A_1739 = arith.select %or3A_1725, %broadcast_in_dim3A_1737, %broadcast_in_dim3A_1738 : vector<16xi1>, vector<16xi32>
    %add3A_1740 = arith.addi %add3A_1308, %select_n3A_1739 : vector<16xi32>
    %get3A_1741 = arith.constant 0 : i32
    %get3A_1742 = arith.index_cast %get3A_1741 : i32 to index
    %get3A_1743 = arith.constant 64 : index
    %get3A_1744 = tpu.vector_load %arg5[%get3A_1742, %get3A_1743] {strides = array<i32>} : memref<8x128xf32, #tpu.memory_space<vmem>>, vector<1x16xf32>,
    %get3A_1745 = vector.shape_cast %get3A_1744 : vector<1x16xf32> to vector<16xf32>
    %get3A_1746 = arith.constant 1 : i32
    %get3A_1747 = arith.index_cast %get3A_1746 : i32 to index
    %get3A_1748 = arith.constant 64 : index
    %get3A_1749 = tpu.vector_load %arg5[%get3A_1747, %get3A_1748] {strides = array<i32>} : memref<8x128xf32, #tpu.memory_space<vmem>>, vector<1x16xf32>,
    %get3A_1750 = vector.shape_cast %get3A_1749 : vector<1x16xf32> to vector<16xf32>
    %get3A_1751 = arith.constant 2 : i32
    %get3A_1752 = arith.index_cast %get3A_1751 : i32 to index
    %get3A_1753 = arith.constant 64 : index
    %get3A_1754 = tpu.vector_load %arg5[%get3A_1752, %get3A_1753] {strides = array<i32>} : memref<8x128xf32, #tpu.memory_space<vmem>>, vector<1x16xf32>,
    %get3A_1755 = vector.shape_cast %get3A_1754 : vector<1x16xf32> to vector<16xf32>
    %get3A_1756 = arith.constant 3 : i32
    %get3A_1757 = arith.index_cast %get3A_1756 : i32 to index
    %get3A_1758 = arith.constant 64 : index
    %get3A_1759 = tpu.vector_load %arg5[%get3A_1757, %get3A_1758] {strides = array<i32>} : memref<8x128xf32, #tpu.memory_space<vmem>>, vector<1x16xf32>,
    %get3A_1760 = vector.shape_cast %get3A_1759 : vector<1x16xf32> to vector<16xf32>
    %get3A_1761 = arith.constant 4 : i32
    %get3A_1762 = arith.index_cast %get3A_1761 : i32 to index
    %get3A_1763 = arith.constant 64 : index
    %get3A_1764 = tpu.vector_load %arg5[%get3A_1762, %get3A_1763] {strides = array<i32>} : memref<8x128xf32, #tpu.memory_space<vmem>>, vector<1x16xf32>,
    %get3A_1765 = vector.shape_cast %get3A_1764 : vector<1x16xf32> to vector<16xf32>
    %get3A_1766 = arith.constant 5 : i32
    %get3A_1767 = arith.index_cast %get3A_1766 : i32 to index
    %get3A_1768 = arith.constant 64 : index
    %get3A_1769 = tpu.vector_load %arg5[%get3A_1767, %get3A_1768] {strides = array<i32>} : memref<8x128xf32, #tpu.memory_space<vmem>>, vector<1x16xf32>,
    %get3A_1770 = vector.shape_cast %get3A_1769 : vector<1x16xf32> to vector<16xf32>
    %get3A_1771 = arith.constant 6 : i32
    %get3A_1772 = arith.index_cast %get3A_1771 : i32 to index
    %get3A_1773 = arith.constant 64 : index
    %get3A_1774 = tpu.vector_load %arg5[%get3A_1772, %get3A_1773] {strides = array<i32>} : memref<8x128xf32, #tpu.memory_space<vmem>>, vector<1x16xf32>,
    %get3A_1775 = vector.shape_cast %get3A_1774 : vector<1x16xf32> to vector<16xf32>
    %get3A_1776 = arith.constant 7 : i32
    %get3A_1777 = arith.index_cast %get3A_1776 : i32 to index
    %get3A_1778 = arith.constant 64 : index
    %get3A_1779 = tpu.vector_load %arg5[%get3A_1777, %get3A_1778] {strides = array<i32>} : memref<8x128xf32, #tpu.memory_space<vmem>>, vector<1x16xf32>,
    %get3A_1780 = vector.shape_cast %get3A_1779 : vector<1x16xf32> to vector<16xf32>
    %max3A_1781 = arith.maximumf %get3A_1745, %get3A_1750 : vector<16xf32>
    %max3A_1782 = arith.maximumf %max3A_1781, %get3A_1755 : vector<16xf32>
    %max3A_1783 = arith.maximumf %max3A_1782, %get3A_1760 : vector<16xf32>
    %max3A_1784 = arith.maximumf %max3A_1783, %get3A_1765 : vector<16xf32>
    %max3A_1785 = arith.maximumf %max3A_1784, %get3A_1770 : vector<16xf32>
    %max3A_1786 = arith.maximumf %max3A_1785, %get3A_1775 : vector<16xf32>
    %max3A_1787 = arith.maximumf %max3A_1786, %get3A_1780 : vector<16xf32>
    %sub3A_1788 = arith.subf %get3A_1745, %max3A_1787 : vector<16xf32>
    %exp3A_1789 = math.exp %sub3A_1788 : vector<16xf32>
    %sub3A_1790 = arith.subf %get3A_1750, %max3A_1787 : vector<16xf32>
    %exp3A_1791 = math.exp %sub3A_1790 : vector<16xf32>
    %sub3A_1792 = arith.subf %get3A_1755, %max3A_1787 : vector<16xf32>
    %exp3A_1793 = math.exp %sub3A_1792 : vector<16xf32>
    %sub3A_1794 = arith.subf %get3A_1760, %max3A_1787 : vector<16xf32>
    %exp3A_1795 = math.exp %sub3A_1794 : vector<16xf32>
    %sub3A_1796 = arith.subf %get3A_1765, %max3A_1787 : vector<16xf32>
    %exp3A_1797 = math.exp %sub3A_1796 : vector<16xf32>
    %sub3A_1798 = arith.subf %get3A_1770, %max3A_1787 : vector<16xf32>
    %exp3A_1799 = math.exp %sub3A_1798 : vector<16xf32>
    %sub3A_1800 = arith.subf %get3A_1775, %max3A_1787 : vector<16xf32>
    %exp3A_1801 = math.exp %sub3A_1800 : vector<16xf32>
    %sub3A_1802 = arith.subf %get3A_1780, %max3A_1787 : vector<16xf32>
    %exp3A_1803 = math.exp %sub3A_1802 : vector<16xf32>
    %add3A_1804 = arith.addf %exp3A_1789, %exp3A_1791 : vector<16xf32>
    %add3A_1805 = arith.addf %add3A_1804, %exp3A_1793 : vector<16xf32>
    %add3A_1806 = arith.addf %add3A_1805, %exp3A_1795 : vector<16xf32>
    %add3A_1807 = arith.addf %add3A_1806, %exp3A_1797 : vector<16xf32>
    %add3A_1808 = arith.addf %add3A_1807, %exp3A_1799 : vector<16xf32>
    %add3A_1809 = arith.addf %add3A_1808, %exp3A_1801 : vector<16xf32>
    %add3A_1810 = arith.addf %add3A_1809, %exp3A_1803 : vector<16xf32>
    %div3A_1811 = arith.divf %exp3A_1789, %add3A_1810 : vector<16xf32>
    %div3A_1812 = arith.divf %exp3A_1791, %add3A_1810 : vector<16xf32>
    %div3A_1813 = arith.divf %exp3A_1793, %add3A_1810 : vector<16xf32>
    %div3A_1814 = arith.divf %exp3A_1795, %add3A_1810 : vector<16xf32>
    %div3A_1815 = arith.divf %exp3A_1797, %add3A_1810 : vector<16xf32>
    %div3A_1816 = arith.divf %exp3A_1799, %add3A_1810 : vector<16xf32>
    %div3A_1817 = arith.divf %exp3A_1801, %add3A_1810 : vector<16xf32>
    %div3A_1818 = arith.divf %exp3A_1803, %add3A_1810 : vector<16xf32>
    %max3A_1819 = arith.maximumf %div3A_1811, %div3A_1812 : vector<16xf32>
    %max3A_1820 = arith.maximumf %max3A_1819, %div3A_1813 : vector<16xf32>
    %max3A_1821 = arith.maximumf %max3A_1820, %div3A_1814 : vector<16xf32>
    %max3A_1822 = arith.maximumf %max3A_1821, %div3A_1815 : vector<16xf32>
    %max3A_1823 = arith.maximumf %max3A_1822, %div3A_1816 : vector<16xf32>
    %max3A_1824 = arith.maximumf %max3A_1823, %div3A_1817 : vector<16xf32>
    %max3A_1825 = arith.maximumf %max3A_1824, %div3A_1818 : vector<16xf32>
    %broadcast_in_dim3A_1826 = arith.constant 8 : i32
    %broadcast_in_dim3A_1827 = vector.broadcast %broadcast_in_dim3A_1826 : i32 to vector<16xi32>
    %eq3A_1828 = arith.cmpf oeq, %div3A_1811, %max3A_1825 : vector<16xf32>
    %jit3A_1829 = arith.constant 0 : i32
    %jit3A_1830 = arith.constant 8 : i32
    %broadcast_in_dim3A_1831 = vector.broadcast %jit3A_1829 : i32 to vector<16xi32>
    %broadcast_in_dim3A_1832 = vector.broadcast %jit3A_1830 : i32 to vector<16xi32>
    %select_n3A_1833 = arith.select %eq3A_1828, %broadcast_in_dim3A_1831, %broadcast_in_dim3A_1832 : vector<16xi1>, vector<16xi32>
    %min3A_1834 = arith.minsi %broadcast_in_dim3A_1827, %select_n3A_1833 : vector<16xi32>
    %eq3A_1835 = arith.cmpf oeq, %div3A_1812, %max3A_1825 : vector<16xf32>
    %jit3A_1836 = arith.constant 1 : i32
    %jit3A_1837 = arith.constant 8 : i32
    %broadcast_in_dim3A_1838 = vector.broadcast %jit3A_1836 : i32 to vector<16xi32>
    %broadcast_in_dim3A_1839 = vector.broadcast %jit3A_1837 : i32 to vector<16xi32>
    %select_n3A_1840 = arith.select %eq3A_1835, %broadcast_in_dim3A_1838, %broadcast_in_dim3A_1839 : vector<16xi1>, vector<16xi32>
    %min3A_1841 = arith.minsi %min3A_1834, %select_n3A_1840 : vector<16xi32>
    %eq3A_1842 = arith.cmpf oeq, %div3A_1813, %max3A_1825 : vector<16xf32>
    %jit3A_1843 = arith.constant 2 : i32
    %jit3A_1844 = arith.constant 8 : i32
    %broadcast_in_dim3A_1845 = vector.broadcast %jit3A_1843 : i32 to vector<16xi32>
    %broadcast_in_dim3A_1846 = vector.broadcast %jit3A_1844 : i32 to vector<16xi32>
    %select_n3A_1847 = arith.select %eq3A_1842, %broadcast_in_dim3A_1845, %broadcast_in_dim3A_1846 : vector<16xi1>, vector<16xi32>
    %min3A_1848 = arith.minsi %min3A_1841, %select_n3A_1847 : vector<16xi32>
    %eq3A_1849 = arith.cmpf oeq, %div3A_1814, %max3A_1825 : vector<16xf32>
    %jit3A_1850 = arith.constant 3 : i32
    %jit3A_1851 = arith.constant 8 : i32
    %broadcast_in_dim3A_1852 = vector.broadcast %jit3A_1850 : i32 to vector<16xi32>
    %broadcast_in_dim3A_1853 = vector.broadcast %jit3A_1851 : i32 to vector<16xi32>
    %select_n3A_1854 = arith.select %eq3A_1849, %broadcast_in_dim3A_1852, %broadcast_in_dim3A_1853 : vector<16xi1>, vector<16xi32>
    %min3A_1855 = arith.minsi %min3A_1848, %select_n3A_1854 : vector<16xi32>
    %eq3A_1856 = arith.cmpf oeq, %div3A_1815, %max3A_1825 : vector<16xf32>
    %jit3A_1857 = arith.constant 4 : i32
    %jit3A_1858 = arith.constant 8 : i32
    %broadcast_in_dim3A_1859 = vector.broadcast %jit3A_1857 : i32 to vector<16xi32>
    %broadcast_in_dim3A_1860 = vector.broadcast %jit3A_1858 : i32 to vector<16xi32>
    %select_n3A_1861 = arith.select %eq3A_1856, %broadcast_in_dim3A_1859, %broadcast_in_dim3A_1860 : vector<16xi1>, vector<16xi32>
    %min3A_1862 = arith.minsi %min3A_1855, %select_n3A_1861 : vector<16xi32>
    %eq3A_1863 = arith.cmpf oeq, %div3A_1816, %max3A_1825 : vector<16xf32>
    %jit3A_1864 = arith.constant 5 : i32
    %jit3A_1865 = arith.constant 8 : i32
    %broadcast_in_dim3A_1866 = vector.broadcast %jit3A_1864 : i32 to vector<16xi32>
    %broadcast_in_dim3A_1867 = vector.broadcast %jit3A_1865 : i32 to vector<16xi32>
    %select_n3A_1868 = arith.select %eq3A_1863, %broadcast_in_dim3A_1866, %broadcast_in_dim3A_1867 : vector<16xi1>, vector<16xi32>
    %min3A_1869 = arith.minsi %min3A_1862, %select_n3A_1868 : vector<16xi32>
    %eq3A_1870 = arith.cmpf oeq, %div3A_1817, %max3A_1825 : vector<16xf32>
    %jit3A_1871 = arith.constant 6 : i32
    %jit3A_1872 = arith.constant 8 : i32
    %broadcast_in_dim3A_1873 = vector.broadcast %jit3A_1871 : i32 to vector<16xi32>
    %broadcast_in_dim3A_1874 = vector.broadcast %jit3A_1872 : i32 to vector<16xi32>
    %select_n3A_1875 = arith.select %eq3A_1870, %broadcast_in_dim3A_1873, %broadcast_in_dim3A_1874 : vector<16xi1>, vector<16xi32>
    %min3A_1876 = arith.minsi %min3A_1869, %select_n3A_1875 : vector<16xi32>
    %eq3A_1877 = arith.cmpf oeq, %div3A_1818, %max3A_1825 : vector<16xf32>
    %jit3A_1878 = arith.constant 7 : i32
    %jit3A_1879 = arith.constant 8 : i32
    %broadcast_in_dim3A_1880 = vector.broadcast %jit3A_1878 : i32 to vector<16xi32>
    %broadcast_in_dim3A_1881 = vector.broadcast %jit3A_1879 : i32 to vector<16xi32>
    %select_n3A_1882 = arith.select %eq3A_1877, %broadcast_in_dim3A_1880, %broadcast_in_dim3A_1881 : vector<16xi1>, vector<16xi32>
    %min3A_1883 = arith.minsi %min3A_1876, %select_n3A_1882 : vector<16xi32>
    %eq3A_1884 = arith.constant 0 : i32
    %eq3A_1885 = vector.broadcast %eq3A_1884 : i32 to vector<16xi32>
    %eq3A_1886 = arith.cmpi eq, %min3A_1883, %eq3A_1885 : vector<16xi32>
    %jit3A_1887 = arith.constant -1.000000e+00 : f32
    %broadcast_in_dim3A_1888 = vector.broadcast %jit3A_1887 : f32 to vector<16xf32>
    %select_n3A_1889 = arith.select %eq3A_1886, %broadcast_in_dim3A_1888, %div3A_1811 : vector<16xi1>, vector<16xf32>
    %eq3A_1890 = arith.constant 1 : i32
    %eq3A_1891 = vector.broadcast %eq3A_1890 : i32 to vector<16xi32>
    %eq3A_1892 = arith.cmpi eq, %min3A_1883, %eq3A_1891 : vector<16xi32>
    %jit3A_1893 = arith.constant -1.000000e+00 : f32
    %broadcast_in_dim3A_1894 = vector.broadcast %jit3A_1893 : f32 to vector<16xf32>
    %select_n3A_1895 = arith.select %eq3A_1892, %broadcast_in_dim3A_1894, %div3A_1812 : vector<16xi1>, vector<16xf32>
    %eq3A_1896 = arith.constant 2 : i32
    %eq3A_1897 = vector.broadcast %eq3A_1896 : i32 to vector<16xi32>
    %eq3A_1898 = arith.cmpi eq, %min3A_1883, %eq3A_1897 : vector<16xi32>
    %jit3A_1899 = arith.constant -1.000000e+00 : f32
    %broadcast_in_dim3A_1900 = vector.broadcast %jit3A_1899 : f32 to vector<16xf32>
    %select_n3A_1901 = arith.select %eq3A_1898, %broadcast_in_dim3A_1900, %div3A_1813 : vector<16xi1>, vector<16xf32>
    %eq3A_1902 = arith.constant 3 : i32
    %eq3A_1903 = vector.broadcast %eq3A_1902 : i32 to vector<16xi32>
    %eq3A_1904 = arith.cmpi eq, %min3A_1883, %eq3A_1903 : vector<16xi32>
    %jit3A_1905 = arith.constant -1.000000e+00 : f32
    %broadcast_in_dim3A_1906 = vector.broadcast %jit3A_1905 : f32 to vector<16xf32>
    %select_n3A_1907 = arith.select %eq3A_1904, %broadcast_in_dim3A_1906, %div3A_1814 : vector<16xi1>, vector<16xf32>
    %eq3A_1908 = arith.constant 4 : i32
    %eq3A_1909 = vector.broadcast %eq3A_1908 : i32 to vector<16xi32>
    %eq3A_1910 = arith.cmpi eq, %min3A_1883, %eq3A_1909 : vector<16xi32>
    %jit3A_1911 = arith.constant -1.000000e+00 : f32
    %broadcast_in_dim3A_1912 = vector.broadcast %jit3A_1911 : f32 to vector<16xf32>
    %select_n3A_1913 = arith.select %eq3A_1910, %broadcast_in_dim3A_1912, %div3A_1815 : vector<16xi1>, vector<16xf32>
    %eq3A_1914 = arith.constant 5 : i32
    %eq3A_1915 = vector.broadcast %eq3A_1914 : i32 to vector<16xi32>
    %eq3A_1916 = arith.cmpi eq, %min3A_1883, %eq3A_1915 : vector<16xi32>
    %jit3A_1917 = arith.constant -1.000000e+00 : f32
    %broadcast_in_dim3A_1918 = vector.broadcast %jit3A_1917 : f32 to vector<16xf32>
    %select_n3A_1919 = arith.select %eq3A_1916, %broadcast_in_dim3A_1918, %div3A_1816 : vector<16xi1>, vector<16xf32>
    %eq3A_1920 = arith.constant 6 : i32
    %eq3A_1921 = vector.broadcast %eq3A_1920 : i32 to vector<16xi32>
    %eq3A_1922 = arith.cmpi eq, %min3A_1883, %eq3A_1921 : vector<16xi32>
    %jit3A_1923 = arith.constant -1.000000e+00 : f32
    %broadcast_in_dim3A_1924 = vector.broadcast %jit3A_1923 : f32 to vector<16xf32>
    %select_n3A_1925 = arith.select %eq3A_1922, %broadcast_in_dim3A_1924, %div3A_1817 : vector<16xi1>, vector<16xf32>
    %eq3A_1926 = arith.constant 7 : i32
    %eq3A_1927 = vector.broadcast %eq3A_1926 : i32 to vector<16xi32>
    %eq3A_1928 = arith.cmpi eq, %min3A_1883, %eq3A_1927 : vector<16xi32>
    %jit3A_1929 = arith.constant -1.000000e+00 : f32
    %broadcast_in_dim3A_1930 = vector.broadcast %jit3A_1929 : f32 to vector<16xf32>
    %select_n3A_1931 = arith.select %eq3A_1928, %broadcast_in_dim3A_1930, %div3A_1818 : vector<16xi1>, vector<16xf32>
    %max3A_1932 = arith.maximumf %select_n3A_1889, %select_n3A_1895 : vector<16xf32>
    %max3A_1933 = arith.maximumf %max3A_1932, %select_n3A_1901 : vector<16xf32>
    %max3A_1934 = arith.maximumf %max3A_1933, %select_n3A_1907 : vector<16xf32>
    %max3A_1935 = arith.maximumf %max3A_1934, %select_n3A_1913 : vector<16xf32>
    %max3A_1936 = arith.maximumf %max3A_1935, %select_n3A_1919 : vector<16xf32>
    %max3A_1937 = arith.maximumf %max3A_1936, %select_n3A_1925 : vector<16xf32>
    %max3A_1938 = arith.maximumf %max3A_1937, %select_n3A_1931 : vector<16xf32>
    %broadcast_in_dim3A_1939 = arith.constant 8 : i32
    %broadcast_in_dim3A_1940 = vector.broadcast %broadcast_in_dim3A_1939 : i32 to vector<16xi32>
    %eq3A_1941 = arith.cmpf oeq, %select_n3A_1889, %max3A_1938 : vector<16xf32>
    %jit3A_1942 = arith.constant 0 : i32
    %jit3A_1943 = arith.constant 8 : i32
    %broadcast_in_dim3A_1944 = vector.broadcast %jit3A_1942 : i32 to vector<16xi32>
    %broadcast_in_dim3A_1945 = vector.broadcast %jit3A_1943 : i32 to vector<16xi32>
    %select_n3A_1946 = arith.select %eq3A_1941, %broadcast_in_dim3A_1944, %broadcast_in_dim3A_1945 : vector<16xi1>, vector<16xi32>
    %min3A_1947 = arith.minsi %broadcast_in_dim3A_1940, %select_n3A_1946 : vector<16xi32>
    %eq3A_1948 = arith.cmpf oeq, %select_n3A_1895, %max3A_1938 : vector<16xf32>
    %jit3A_1949 = arith.constant 1 : i32
    %jit3A_1950 = arith.constant 8 : i32
    %broadcast_in_dim3A_1951 = vector.broadcast %jit3A_1949 : i32 to vector<16xi32>
    %broadcast_in_dim3A_1952 = vector.broadcast %jit3A_1950 : i32 to vector<16xi32>
    %select_n3A_1953 = arith.select %eq3A_1948, %broadcast_in_dim3A_1951, %broadcast_in_dim3A_1952 : vector<16xi1>, vector<16xi32>
    %min3A_1954 = arith.minsi %min3A_1947, %select_n3A_1953 : vector<16xi32>
    %eq3A_1955 = arith.cmpf oeq, %select_n3A_1901, %max3A_1938 : vector<16xf32>
    %jit3A_1956 = arith.constant 2 : i32
    %jit3A_1957 = arith.constant 8 : i32
    %broadcast_in_dim3A_1958 = vector.broadcast %jit3A_1956 : i32 to vector<16xi32>
    %broadcast_in_dim3A_1959 = vector.broadcast %jit3A_1957 : i32 to vector<16xi32>
    %select_n3A_1960 = arith.select %eq3A_1955, %broadcast_in_dim3A_1958, %broadcast_in_dim3A_1959 : vector<16xi1>, vector<16xi32>
    %min3A_1961 = arith.minsi %min3A_1954, %select_n3A_1960 : vector<16xi32>
    %eq3A_1962 = arith.cmpf oeq, %select_n3A_1907, %max3A_1938 : vector<16xf32>
    %jit3A_1963 = arith.constant 3 : i32
    %jit3A_1964 = arith.constant 8 : i32
    %broadcast_in_dim3A_1965 = vector.broadcast %jit3A_1963 : i32 to vector<16xi32>
    %broadcast_in_dim3A_1966 = vector.broadcast %jit3A_1964 : i32 to vector<16xi32>
    %select_n3A_1967 = arith.select %eq3A_1962, %broadcast_in_dim3A_1965, %broadcast_in_dim3A_1966 : vector<16xi1>, vector<16xi32>
    %min3A_1968 = arith.minsi %min3A_1961, %select_n3A_1967 : vector<16xi32>
    %eq3A_1969 = arith.cmpf oeq, %select_n3A_1913, %max3A_1938 : vector<16xf32>
    %jit3A_1970 = arith.constant 4 : i32
    %jit3A_1971 = arith.constant 8 : i32
    %broadcast_in_dim3A_1972 = vector.broadcast %jit3A_1970 : i32 to vector<16xi32>
    %broadcast_in_dim3A_1973 = vector.broadcast %jit3A_1971 : i32 to vector<16xi32>
    %select_n3A_1974 = arith.select %eq3A_1969, %broadcast_in_dim3A_1972, %broadcast_in_dim3A_1973 : vector<16xi1>, vector<16xi32>
    %min3A_1975 = arith.minsi %min3A_1968, %select_n3A_1974 : vector<16xi32>
    %eq3A_1976 = arith.cmpf oeq, %select_n3A_1919, %max3A_1938 : vector<16xf32>
    %jit3A_1977 = arith.constant 5 : i32
    %jit3A_1978 = arith.constant 8 : i32
    %broadcast_in_dim3A_1979 = vector.broadcast %jit3A_1977 : i32 to vector<16xi32>
    %broadcast_in_dim3A_1980 = vector.broadcast %jit3A_1978 : i32 to vector<16xi32>
    %select_n3A_1981 = arith.select %eq3A_1976, %broadcast_in_dim3A_1979, %broadcast_in_dim3A_1980 : vector<16xi1>, vector<16xi32>
    %min3A_1982 = arith.minsi %min3A_1975, %select_n3A_1981 : vector<16xi32>
    %eq3A_1983 = arith.cmpf oeq, %select_n3A_1925, %max3A_1938 : vector<16xf32>
    %jit3A_1984 = arith.constant 6 : i32
    %jit3A_1985 = arith.constant 8 : i32
    %broadcast_in_dim3A_1986 = vector.broadcast %jit3A_1984 : i32 to vector<16xi32>
    %broadcast_in_dim3A_1987 = vector.broadcast %jit3A_1985 : i32 to vector<16xi32>
    %select_n3A_1988 = arith.select %eq3A_1983, %broadcast_in_dim3A_1986, %broadcast_in_dim3A_1987 : vector<16xi1>, vector<16xi32>
    %min3A_1989 = arith.minsi %min3A_1982, %select_n3A_1988 : vector<16xi32>
    %eq3A_1990 = arith.cmpf oeq, %select_n3A_1931, %max3A_1938 : vector<16xf32>
    %jit3A_1991 = arith.constant 7 : i32
    %jit3A_1992 = arith.constant 8 : i32
    %broadcast_in_dim3A_1993 = vector.broadcast %jit3A_1991 : i32 to vector<16xi32>
    %broadcast_in_dim3A_1994 = vector.broadcast %jit3A_1992 : i32 to vector<16xi32>
    %select_n3A_1995 = arith.select %eq3A_1990, %broadcast_in_dim3A_1993, %broadcast_in_dim3A_1994 : vector<16xi1>, vector<16xi32>
    %min3A_1996 = arith.minsi %min3A_1989, %select_n3A_1995 : vector<16xi32>
    %eq3A_1997 = arith.constant 0 : i32
    %eq3A_1998 = vector.broadcast %eq3A_1997 : i32 to vector<16xi32>
    %eq3A_1999 = arith.cmpi eq, %min3A_1883, %eq3A_1998 : vector<16xi32>
    %eq3A_2000 = arith.constant 0 : i32
    %eq3A_2001 = vector.broadcast %eq3A_2000 : i32 to vector<16xi32>
    %eq3A_2002 = arith.cmpi eq, %min3A_1996, %eq3A_2001 : vector<16xi32>
    %or3A_2003 = arith.ori %eq3A_1999, %eq3A_2002 : vector<16xi1>
    %jit3A_2004 = arith.constant 0.000000e+00 : f32
    %broadcast_in_dim3A_2005 = vector.broadcast %jit3A_2004 : f32 to vector<16xf32>
    %select_n3A_2006 = arith.select %or3A_2003, %div3A_1811, %broadcast_in_dim3A_2005 : vector<16xi1>, vector<16xf32>
    %swap3A_2007 = arith.constant 0 : i32
    %swap3A_2008 = arith.index_cast %swap3A_2007 : i32 to index
    %swap3A_2009 = arith.constant 64 : index
    %swap3A_2010 = tpu.vector_load %arg6[%swap3A_2008, %swap3A_2009] {strides = array<i32>} : memref<8x128xf32, #tpu.memory_space<vmem>>, vector<1x16xf32>,
    %swap3A_2011 = vector.shape_cast %swap3A_2010 : vector<1x16xf32> to vector<16xf32>
    %swap3A_2012 = vector.shape_cast %select_n3A_2006 : vector<16xf32> to vector<1x16xf32>
    tpu.vector_store %arg6[%swap3A_2008, %swap3A_2009], %swap3A_2012 {strides = array<i32>} : memref<8x128xf32, #tpu.memory_space<vmem>>, vector<1x16xf32>,
    %jit3A_2013 = arith.constant 1 : i32
    %jit3A_2014 = arith.constant 0 : i32
    %broadcast_in_dim3A_2015 = vector.broadcast %jit3A_2013 : i32 to vector<16xi32>
    %broadcast_in_dim3A_2016 = vector.broadcast %jit3A_2014 : i32 to vector<16xi32>
    %select_n3A_2017 = arith.select %or3A_2003, %broadcast_in_dim3A_2015, %broadcast_in_dim3A_2016 : vector<16xi1>, vector<16xi32>
    %add3A_2018 = arith.addi %add3A_1586, %select_n3A_2017 : vector<16xi32>
    %eq3A_2019 = arith.constant 1 : i32
    %eq3A_2020 = vector.broadcast %eq3A_2019 : i32 to vector<16xi32>
    %eq3A_2021 = arith.cmpi eq, %min3A_1883, %eq3A_2020 : vector<16xi32>
    %eq3A_2022 = arith.constant 1 : i32
    %eq3A_2023 = vector.broadcast %eq3A_2022 : i32 to vector<16xi32>
    %eq3A_2024 = arith.cmpi eq, %min3A_1996, %eq3A_2023 : vector<16xi32>
    %or3A_2025 = arith.ori %eq3A_2021, %eq3A_2024 : vector<16xi1>
    %jit3A_2026 = arith.constant 0.000000e+00 : f32
    %broadcast_in_dim3A_2027 = vector.broadcast %jit3A_2026 : f32 to vector<16xf32>
    %select_n3A_2028 = arith.select %or3A_2025, %div3A_1812, %broadcast_in_dim3A_2027 : vector<16xi1>, vector<16xf32>
    %swap3A_2029 = arith.constant 1 : i32
    %swap3A_2030 = arith.index_cast %swap3A_2029 : i32 to index
    %swap3A_2031 = arith.constant 64 : index
    %swap3A_2032 = tpu.vector_load %arg6[%swap3A_2030, %swap3A_2031] {strides = array<i32>} : memref<8x128xf32, #tpu.memory_space<vmem>>, vector<1x16xf32>,
    %swap3A_2033 = vector.shape_cast %swap3A_2032 : vector<1x16xf32> to vector<16xf32>
    %swap3A_2034 = vector.shape_cast %select_n3A_2028 : vector<16xf32> to vector<1x16xf32>
    tpu.vector_store %arg6[%swap3A_2030, %swap3A_2031], %swap3A_2034 {strides = array<i32>} : memref<8x128xf32, #tpu.memory_space<vmem>>, vector<1x16xf32>,
    %jit3A_2035 = arith.constant 1 : i32
    %jit3A_2036 = arith.constant 0 : i32
    %broadcast_in_dim3A_2037 = vector.broadcast %jit3A_2035 : i32 to vector<16xi32>
    %broadcast_in_dim3A_2038 = vector.broadcast %jit3A_2036 : i32 to vector<16xi32>
    %select_n3A_2039 = arith.select %or3A_2025, %broadcast_in_dim3A_2037, %broadcast_in_dim3A_2038 : vector<16xi1>, vector<16xi32>
    %add3A_2040 = arith.addi %add3A_1608, %select_n3A_2039 : vector<16xi32>
    %eq3A_2041 = arith.constant 2 : i32
    %eq3A_2042 = vector.broadcast %eq3A_2041 : i32 to vector<16xi32>
    %eq3A_2043 = arith.cmpi eq, %min3A_1883, %eq3A_2042 : vector<16xi32>
    %eq3A_2044 = arith.constant 2 : i32
    %eq3A_2045 = vector.broadcast %eq3A_2044 : i32 to vector<16xi32>
    %eq3A_2046 = arith.cmpi eq, %min3A_1996, %eq3A_2045 : vector<16xi32>
    %or3A_2047 = arith.ori %eq3A_2043, %eq3A_2046 : vector<16xi1>
    %jit3A_2048 = arith.constant 0.000000e+00 : f32
    %broadcast_in_dim3A_2049 = vector.broadcast %jit3A_2048 : f32 to vector<16xf32>
    %select_n3A_2050 = arith.select %or3A_2047, %div3A_1813, %broadcast_in_dim3A_2049 : vector<16xi1>, vector<16xf32>
    %swap3A_2051 = arith.constant 2 : i32
    %swap3A_2052 = arith.index_cast %swap3A_2051 : i32 to index
    %swap3A_2053 = arith.constant 64 : index
    %swap3A_2054 = tpu.vector_load %arg6[%swap3A_2052, %swap3A_2053] {strides = array<i32>} : memref<8x128xf32, #tpu.memory_space<vmem>>, vector<1x16xf32>,
    %swap3A_2055 = vector.shape_cast %swap3A_2054 : vector<1x16xf32> to vector<16xf32>
    %swap3A_2056 = vector.shape_cast %select_n3A_2050 : vector<16xf32> to vector<1x16xf32>
    tpu.vector_store %arg6[%swap3A_2052, %swap3A_2053], %swap3A_2056 {strides = array<i32>} : memref<8x128xf32, #tpu.memory_space<vmem>>, vector<1x16xf32>,
    %jit3A_2057 = arith.constant 1 : i32
    %jit3A_2058 = arith.constant 0 : i32
    %broadcast_in_dim3A_2059 = vector.broadcast %jit3A_2057 : i32 to vector<16xi32>
    %broadcast_in_dim3A_2060 = vector.broadcast %jit3A_2058 : i32 to vector<16xi32>
    %select_n3A_2061 = arith.select %or3A_2047, %broadcast_in_dim3A_2059, %broadcast_in_dim3A_2060 : vector<16xi1>, vector<16xi32>
    %add3A_2062 = arith.addi %add3A_1630, %select_n3A_2061 : vector<16xi32>
    %eq3A_2063 = arith.constant 3 : i32
    %eq3A_2064 = vector.broadcast %eq3A_2063 : i32 to vector<16xi32>
    %eq3A_2065 = arith.cmpi eq, %min3A_1883, %eq3A_2064 : vector<16xi32>
    %eq3A_2066 = arith.constant 3 : i32
    %eq3A_2067 = vector.broadcast %eq3A_2066 : i32 to vector<16xi32>
    %eq3A_2068 = arith.cmpi eq, %min3A_1996, %eq3A_2067 : vector<16xi32>
    %or3A_2069 = arith.ori %eq3A_2065, %eq3A_2068 : vector<16xi1>
    %jit3A_2070 = arith.constant 0.000000e+00 : f32
    %broadcast_in_dim3A_2071 = vector.broadcast %jit3A_2070 : f32 to vector<16xf32>
    %select_n3A_2072 = arith.select %or3A_2069, %div3A_1814, %broadcast_in_dim3A_2071 : vector<16xi1>, vector<16xf32>
    %swap3A_2073 = arith.constant 3 : i32
    %swap3A_2074 = arith.index_cast %swap3A_2073 : i32 to index
    %swap3A_2075 = arith.constant 64 : index
    %swap3A_2076 = tpu.vector_load %arg6[%swap3A_2074, %swap3A_2075] {strides = array<i32>} : memref<8x128xf32, #tpu.memory_space<vmem>>, vector<1x16xf32>,
    %swap3A_2077 = vector.shape_cast %swap3A_2076 : vector<1x16xf32> to vector<16xf32>
    %swap3A_2078 = vector.shape_cast %select_n3A_2072 : vector<16xf32> to vector<1x16xf32>
    tpu.vector_store %arg6[%swap3A_2074, %swap3A_2075], %swap3A_2078 {strides = array<i32>} : memref<8x128xf32, #tpu.memory_space<vmem>>, vector<1x16xf32>,
    %jit3A_2079 = arith.constant 1 : i32
    %jit3A_2080 = arith.constant 0 : i32
    %broadcast_in_dim3A_2081 = vector.broadcast %jit3A_2079 : i32 to vector<16xi32>
    %broadcast_in_dim3A_2082 = vector.broadcast %jit3A_2080 : i32 to vector<16xi32>
    %select_n3A_2083 = arith.select %or3A_2069, %broadcast_in_dim3A_2081, %broadcast_in_dim3A_2082 : vector<16xi1>, vector<16xi32>
    %add3A_2084 = arith.addi %add3A_1652, %select_n3A_2083 : vector<16xi32>
    %eq3A_2085 = arith.constant 4 : i32
    %eq3A_2086 = vector.broadcast %eq3A_2085 : i32 to vector<16xi32>
    %eq3A_2087 = arith.cmpi eq, %min3A_1883, %eq3A_2086 : vector<16xi32>
    %eq3A_2088 = arith.constant 4 : i32
    %eq3A_2089 = vector.broadcast %eq3A_2088 : i32 to vector<16xi32>
    %eq3A_2090 = arith.cmpi eq, %min3A_1996, %eq3A_2089 : vector<16xi32>
    %or3A_2091 = arith.ori %eq3A_2087, %eq3A_2090 : vector<16xi1>
    %jit3A_2092 = arith.constant 0.000000e+00 : f32
    %broadcast_in_dim3A_2093 = vector.broadcast %jit3A_2092 : f32 to vector<16xf32>
    %select_n3A_2094 = arith.select %or3A_2091, %div3A_1815, %broadcast_in_dim3A_2093 : vector<16xi1>, vector<16xf32>
    %swap3A_2095 = arith.constant 4 : i32
    %swap3A_2096 = arith.index_cast %swap3A_2095 : i32 to index
    %swap3A_2097 = arith.constant 64 : index
    %swap3A_2098 = tpu.vector_load %arg6[%swap3A_2096, %swap3A_2097] {strides = array<i32>} : memref<8x128xf32, #tpu.memory_space<vmem>>, vector<1x16xf32>,
    %swap3A_2099 = vector.shape_cast %swap3A_2098 : vector<1x16xf32> to vector<16xf32>
    %swap3A_2100 = vector.shape_cast %select_n3A_2094 : vector<16xf32> to vector<1x16xf32>
    tpu.vector_store %arg6[%swap3A_2096, %swap3A_2097], %swap3A_2100 {strides = array<i32>} : memref<8x128xf32, #tpu.memory_space<vmem>>, vector<1x16xf32>,
    %jit3A_2101 = arith.constant 1 : i32
    %jit3A_2102 = arith.constant 0 : i32
    %broadcast_in_dim3A_2103 = vector.broadcast %jit3A_2101 : i32 to vector<16xi32>
    %broadcast_in_dim3A_2104 = vector.broadcast %jit3A_2102 : i32 to vector<16xi32>
    %select_n3A_2105 = arith.select %or3A_2091, %broadcast_in_dim3A_2103, %broadcast_in_dim3A_2104 : vector<16xi1>, vector<16xi32>
    %add3A_2106 = arith.addi %add3A_1674, %select_n3A_2105 : vector<16xi32>
    %eq3A_2107 = arith.constant 5 : i32
    %eq3A_2108 = vector.broadcast %eq3A_2107 : i32 to vector<16xi32>
    %eq3A_2109 = arith.cmpi eq, %min3A_1883, %eq3A_2108 : vector<16xi32>
    %eq3A_2110 = arith.constant 5 : i32
    %eq3A_2111 = vector.broadcast %eq3A_2110 : i32 to vector<16xi32>
    %eq3A_2112 = arith.cmpi eq, %min3A_1996, %eq3A_2111 : vector<16xi32>
    %or3A_2113 = arith.ori %eq3A_2109, %eq3A_2112 : vector<16xi1>
    %jit3A_2114 = arith.constant 0.000000e+00 : f32
    %broadcast_in_dim3A_2115 = vector.broadcast %jit3A_2114 : f32 to vector<16xf32>
    %select_n3A_2116 = arith.select %or3A_2113, %div3A_1816, %broadcast_in_dim3A_2115 : vector<16xi1>, vector<16xf32>
    %swap3A_2117 = arith.constant 5 : i32
    %swap3A_2118 = arith.index_cast %swap3A_2117 : i32 to index
    %swap3A_2119 = arith.constant 64 : index
    %swap3A_2120 = tpu.vector_load %arg6[%swap3A_2118, %swap3A_2119] {strides = array<i32>} : memref<8x128xf32, #tpu.memory_space<vmem>>, vector<1x16xf32>,
    %swap3A_2121 = vector.shape_cast %swap3A_2120 : vector<1x16xf32> to vector<16xf32>
    %swap3A_2122 = vector.shape_cast %select_n3A_2116 : vector<16xf32> to vector<1x16xf32>
    tpu.vector_store %arg6[%swap3A_2118, %swap3A_2119], %swap3A_2122 {strides = array<i32>} : memref<8x128xf32, #tpu.memory_space<vmem>>, vector<1x16xf32>,
    %jit3A_2123 = arith.constant 1 : i32
    %jit3A_2124 = arith.constant 0 : i32
    %broadcast_in_dim3A_2125 = vector.broadcast %jit3A_2123 : i32 to vector<16xi32>
    %broadcast_in_dim3A_2126 = vector.broadcast %jit3A_2124 : i32 to vector<16xi32>
    %select_n3A_2127 = arith.select %or3A_2113, %broadcast_in_dim3A_2125, %broadcast_in_dim3A_2126 : vector<16xi1>, vector<16xi32>
    %add3A_2128 = arith.addi %add3A_1696, %select_n3A_2127 : vector<16xi32>
    %eq3A_2129 = arith.constant 6 : i32
    %eq3A_2130 = vector.broadcast %eq3A_2129 : i32 to vector<16xi32>
    %eq3A_2131 = arith.cmpi eq, %min3A_1883, %eq3A_2130 : vector<16xi32>
    %eq3A_2132 = arith.constant 6 : i32
    %eq3A_2133 = vector.broadcast %eq3A_2132 : i32 to vector<16xi32>
    %eq3A_2134 = arith.cmpi eq, %min3A_1996, %eq3A_2133 : vector<16xi32>
    %or3A_2135 = arith.ori %eq3A_2131, %eq3A_2134 : vector<16xi1>
    %jit3A_2136 = arith.constant 0.000000e+00 : f32
    %broadcast_in_dim3A_2137 = vector.broadcast %jit3A_2136 : f32 to vector<16xf32>
    %select_n3A_2138 = arith.select %or3A_2135, %div3A_1817, %broadcast_in_dim3A_2137 : vector<16xi1>, vector<16xf32>
    %swap3A_2139 = arith.constant 6 : i32
    %swap3A_2140 = arith.index_cast %swap3A_2139 : i32 to index
    %swap3A_2141 = arith.constant 64 : index
    %swap3A_2142 = tpu.vector_load %arg6[%swap3A_2140, %swap3A_2141] {strides = array<i32>} : memref<8x128xf32, #tpu.memory_space<vmem>>, vector<1x16xf32>,
    %swap3A_2143 = vector.shape_cast %swap3A_2142 : vector<1x16xf32> to vector<16xf32>
    %swap3A_2144 = vector.shape_cast %select_n3A_2138 : vector<16xf32> to vector<1x16xf32>
    tpu.vector_store %arg6[%swap3A_2140, %swap3A_2141], %swap3A_2144 {strides = array<i32>} : memref<8x128xf32, #tpu.memory_space<vmem>>, vector<1x16xf32>,
    %jit3A_2145 = arith.constant 1 : i32
    %jit3A_2146 = arith.constant 0 : i32
    %broadcast_in_dim3A_2147 = vector.broadcast %jit3A_2145 : i32 to vector<16xi32>
    %broadcast_in_dim3A_2148 = vector.broadcast %jit3A_2146 : i32 to vector<16xi32>
    %select_n3A_2149 = arith.select %or3A_2135, %broadcast_in_dim3A_2147, %broadcast_in_dim3A_2148 : vector<16xi1>, vector<16xi32>
    %add3A_2150 = arith.addi %add3A_1718, %select_n3A_2149 : vector<16xi32>
    %eq3A_2151 = arith.constant 7 : i32
    %eq3A_2152 = vector.broadcast %eq3A_2151 : i32 to vector<16xi32>
    %eq3A_2153 = arith.cmpi eq, %min3A_1883, %eq3A_2152 : vector<16xi32>
    %eq3A_2154 = arith.constant 7 : i32
    %eq3A_2155 = vector.broadcast %eq3A_2154 : i32 to vector<16xi32>
    %eq3A_2156 = arith.cmpi eq, %min3A_1996, %eq3A_2155 : vector<16xi32>
    %or3A_2157 = arith.ori %eq3A_2153, %eq3A_2156 : vector<16xi1>
    %jit3A_2158 = arith.constant 0.000000e+00 : f32
    %broadcast_in_dim3A_2159 = vector.broadcast %jit3A_2158 : f32 to vector<16xf32>
    %select_n3A_2160 = arith.select %or3A_2157, %div3A_1818, %broadcast_in_dim3A_2159 : vector<16xi1>, vector<16xf32>
    %swap3A_2161 = arith.constant 7 : i32
    %swap3A_2162 = arith.index_cast %swap3A_2161 : i32 to index
    %swap3A_2163 = arith.constant 64 : index
    %swap3A_2164 = tpu.vector_load %arg6[%swap3A_2162, %swap3A_2163] {strides = array<i32>} : memref<8x128xf32, #tpu.memory_space<vmem>>, vector<1x16xf32>,
    %swap3A_2165 = vector.shape_cast %swap3A_2164 : vector<1x16xf32> to vector<16xf32>
    %swap3A_2166 = vector.shape_cast %select_n3A_2160 : vector<16xf32> to vector<1x16xf32>
    tpu.vector_store %arg6[%swap3A_2162, %swap3A_2163], %swap3A_2166 {strides = array<i32>} : memref<8x128xf32, #tpu.memory_space<vmem>>, vector<1x16xf32>,
    %jit3A_2167 = arith.constant 1 : i32
    %jit3A_2168 = arith.constant 0 : i32
    %broadcast_in_dim3A_2169 = vector.broadcast %jit3A_2167 : i32 to vector<16xi32>
    %broadcast_in_dim3A_2170 = vector.broadcast %jit3A_2168 : i32 to vector<16xi32>
    %select_n3A_2171 = arith.select %or3A_2157, %broadcast_in_dim3A_2169, %broadcast_in_dim3A_2170 : vector<16xi1>, vector<16xi32>
    %add3A_2172 = arith.addi %add3A_1740, %select_n3A_2171 : vector<16xi32>
    %get3A_2173 = arith.constant 0 : i32
    %get3A_2174 = arith.index_cast %get3A_2173 : i32 to index
    %get3A_2175 = arith.constant 80 : index
    %get3A_2176 = tpu.vector_load %arg5[%get3A_2174, %get3A_2175] {strides = array<i32>} : memref<8x128xf32, #tpu.memory_space<vmem>>, vector<1x16xf32>,
    %get3A_2177 = vector.shape_cast %get3A_2176 : vector<1x16xf32> to vector<16xf32>
    %get3A_2178 = arith.constant 1 : i32
    %get3A_2179 = arith.index_cast %get3A_2178 : i32 to index
    %get3A_2180 = arith.constant 80 : index
    %get3A_2181 = tpu.vector_load %arg5[%get3A_2179, %get3A_2180] {strides = array<i32>} : memref<8x128xf32, #tpu.memory_space<vmem>>, vector<1x16xf32>,
    %get3A_2182 = vector.shape_cast %get3A_2181 : vector<1x16xf32> to vector<16xf32>
    %get3A_2183 = arith.constant 2 : i32
    %get3A_2184 = arith.index_cast %get3A_2183 : i32 to index
    %get3A_2185 = arith.constant 80 : index
    %get3A_2186 = tpu.vector_load %arg5[%get3A_2184, %get3A_2185] {strides = array<i32>} : memref<8x128xf32, #tpu.memory_space<vmem>>, vector<1x16xf32>,
    %get3A_2187 = vector.shape_cast %get3A_2186 : vector<1x16xf32> to vector<16xf32>
    %get3A_2188 = arith.constant 3 : i32
    %get3A_2189 = arith.index_cast %get3A_2188 : i32 to index
    %get3A_2190 = arith.constant 80 : index
    %get3A_2191 = tpu.vector_load %arg5[%get3A_2189, %get3A_2190] {strides = array<i32>} : memref<8x128xf32, #tpu.memory_space<vmem>>, vector<1x16xf32>,
    %get3A_2192 = vector.shape_cast %get3A_2191 : vector<1x16xf32> to vector<16xf32>
    %get3A_2193 = arith.constant 4 : i32
    %get3A_2194 = arith.index_cast %get3A_2193 : i32 to index
    %get3A_2195 = arith.constant 80 : index
    %get3A_2196 = tpu.vector_load %arg5[%get3A_2194, %get3A_2195] {strides = array<i32>} : memref<8x128xf32, #tpu.memory_space<vmem>>, vector<1x16xf32>,
    %get3A_2197 = vector.shape_cast %get3A_2196 : vector<1x16xf32> to vector<16xf32>
    %get3A_2198 = arith.constant 5 : i32
    %get3A_2199 = arith.index_cast %get3A_2198 : i32 to index
    %get3A_2200 = arith.constant 80 : index
    %get3A_2201 = tpu.vector_load %arg5[%get3A_2199, %get3A_2200] {strides = array<i32>} : memref<8x128xf32, #tpu.memory_space<vmem>>, vector<1x16xf32>,
    %get3A_2202 = vector.shape_cast %get3A_2201 : vector<1x16xf32> to vector<16xf32>
    %get3A_2203 = arith.constant 6 : i32
    %get3A_2204 = arith.index_cast %get3A_2203 : i32 to index
    %get3A_2205 = arith.constant 80 : index
    %get3A_2206 = tpu.vector_load %arg5[%get3A_2204, %get3A_2205] {strides = array<i32>} : memref<8x128xf32, #tpu.memory_space<vmem>>, vector<1x16xf32>,
    %get3A_2207 = vector.shape_cast %get3A_2206 : vector<1x16xf32> to vector<16xf32>
    %get3A_2208 = arith.constant 7 : i32
    %get3A_2209 = arith.index_cast %get3A_2208 : i32 to index
    %get3A_2210 = arith.constant 80 : index
    %get3A_2211 = tpu.vector_load %arg5[%get3A_2209, %get3A_2210] {strides = array<i32>} : memref<8x128xf32, #tpu.memory_space<vmem>>, vector<1x16xf32>,
    %get3A_2212 = vector.shape_cast %get3A_2211 : vector<1x16xf32> to vector<16xf32>
    %max3A_2213 = arith.maximumf %get3A_2177, %get3A_2182 : vector<16xf32>
    %max3A_2214 = arith.maximumf %max3A_2213, %get3A_2187 : vector<16xf32>
    %max3A_2215 = arith.maximumf %max3A_2214, %get3A_2192 : vector<16xf32>
    %max3A_2216 = arith.maximumf %max3A_2215, %get3A_2197 : vector<16xf32>
    %max3A_2217 = arith.maximumf %max3A_2216, %get3A_2202 : vector<16xf32>
    %max3A_2218 = arith.maximumf %max3A_2217, %get3A_2207 : vector<16xf32>
    %max3A_2219 = arith.maximumf %max3A_2218, %get3A_2212 : vector<16xf32>
    %sub3A_2220 = arith.subf %get3A_2177, %max3A_2219 : vector<16xf32>
    %exp3A_2221 = math.exp %sub3A_2220 : vector<16xf32>
    %sub3A_2222 = arith.subf %get3A_2182, %max3A_2219 : vector<16xf32>
    %exp3A_2223 = math.exp %sub3A_2222 : vector<16xf32>
    %sub3A_2224 = arith.subf %get3A_2187, %max3A_2219 : vector<16xf32>
    %exp3A_2225 = math.exp %sub3A_2224 : vector<16xf32>
    %sub3A_2226 = arith.subf %get3A_2192, %max3A_2219 : vector<16xf32>
    %exp3A_2227 = math.exp %sub3A_2226 : vector<16xf32>
    %sub3A_2228 = arith.subf %get3A_2197, %max3A_2219 : vector<16xf32>
    %exp3A_2229 = math.exp %sub3A_2228 : vector<16xf32>
    %sub3A_2230 = arith.subf %get3A_2202, %max3A_2219 : vector<16xf32>
    %exp3A_2231 = math.exp %sub3A_2230 : vector<16xf32>
    %sub3A_2232 = arith.subf %get3A_2207, %max3A_2219 : vector<16xf32>
    %exp3A_2233 = math.exp %sub3A_2232 : vector<16xf32>
    %sub3A_2234 = arith.subf %get3A_2212, %max3A_2219 : vector<16xf32>
    %exp3A_2235 = math.exp %sub3A_2234 : vector<16xf32>
    %add3A_2236 = arith.addf %exp3A_2221, %exp3A_2223 : vector<16xf32>
    %add3A_2237 = arith.addf %add3A_2236, %exp3A_2225 : vector<16xf32>
    %add3A_2238 = arith.addf %add3A_2237, %exp3A_2227 : vector<16xf32>
    %add3A_2239 = arith.addf %add3A_2238, %exp3A_2229 : vector<16xf32>
    %add3A_2240 = arith.addf %add3A_2239, %exp3A_2231 : vector<16xf32>
    %add3A_2241 = arith.addf %add3A_2240, %exp3A_2233 : vector<16xf32>
    %add3A_2242 = arith.addf %add3A_2241, %exp3A_2235 : vector<16xf32>
    %div3A_2243 = arith.divf %exp3A_2221, %add3A_2242 : vector<16xf32>
    %div3A_2244 = arith.divf %exp3A_2223, %add3A_2242 : vector<16xf32>
    %div3A_2245 = arith.divf %exp3A_2225, %add3A_2242 : vector<16xf32>
    %div3A_2246 = arith.divf %exp3A_2227, %add3A_2242 : vector<16xf32>
    %div3A_2247 = arith.divf %exp3A_2229, %add3A_2242 : vector<16xf32>
    %div3A_2248 = arith.divf %exp3A_2231, %add3A_2242 : vector<16xf32>
    %div3A_2249 = arith.divf %exp3A_2233, %add3A_2242 : vector<16xf32>
    %div3A_2250 = arith.divf %exp3A_2235, %add3A_2242 : vector<16xf32>
    %max3A_2251 = arith.maximumf %div3A_2243, %div3A_2244 : vector<16xf32>
    %max3A_2252 = arith.maximumf %max3A_2251, %div3A_2245 : vector<16xf32>
    %max3A_2253 = arith.maximumf %max3A_2252, %div3A_2246 : vector<16xf32>
    %max3A_2254 = arith.maximumf %max3A_2253, %div3A_2247 : vector<16xf32>
    %max3A_2255 = arith.maximumf %max3A_2254, %div3A_2248 : vector<16xf32>
    %max3A_2256 = arith.maximumf %max3A_2255, %div3A_2249 : vector<16xf32>
    %max3A_2257 = arith.maximumf %max3A_2256, %div3A_2250 : vector<16xf32>
    %broadcast_in_dim3A_2258 = arith.constant 8 : i32
    %broadcast_in_dim3A_2259 = vector.broadcast %broadcast_in_dim3A_2258 : i32 to vector<16xi32>
    %eq3A_2260 = arith.cmpf oeq, %div3A_2243, %max3A_2257 : vector<16xf32>
    %jit3A_2261 = arith.constant 0 : i32
    %jit3A_2262 = arith.constant 8 : i32
    %broadcast_in_dim3A_2263 = vector.broadcast %jit3A_2261 : i32 to vector<16xi32>
    %broadcast_in_dim3A_2264 = vector.broadcast %jit3A_2262 : i32 to vector<16xi32>
    %select_n3A_2265 = arith.select %eq3A_2260, %broadcast_in_dim3A_2263, %broadcast_in_dim3A_2264 : vector<16xi1>, vector<16xi32>
    %min3A_2266 = arith.minsi %broadcast_in_dim3A_2259, %select_n3A_2265 : vector<16xi32>
    %eq3A_2267 = arith.cmpf oeq, %div3A_2244, %max3A_2257 : vector<16xf32>
    %jit3A_2268 = arith.constant 1 : i32
    %jit3A_2269 = arith.constant 8 : i32
    %broadcast_in_dim3A_2270 = vector.broadcast %jit3A_2268 : i32 to vector<16xi32>
    %broadcast_in_dim3A_2271 = vector.broadcast %jit3A_2269 : i32 to vector<16xi32>
    %select_n3A_2272 = arith.select %eq3A_2267, %broadcast_in_dim3A_2270, %broadcast_in_dim3A_2271 : vector<16xi1>, vector<16xi32>
    %min3A_2273 = arith.minsi %min3A_2266, %select_n3A_2272 : vector<16xi32>
    %eq3A_2274 = arith.cmpf oeq, %div3A_2245, %max3A_2257 : vector<16xf32>
    %jit3A_2275 = arith.constant 2 : i32
    %jit3A_2276 = arith.constant 8 : i32
    %broadcast_in_dim3A_2277 = vector.broadcast %jit3A_2275 : i32 to vector<16xi32>
    %broadcast_in_dim3A_2278 = vector.broadcast %jit3A_2276 : i32 to vector<16xi32>
    %select_n3A_2279 = arith.select %eq3A_2274, %broadcast_in_dim3A_2277, %broadcast_in_dim3A_2278 : vector<16xi1>, vector<16xi32>
    %min3A_2280 = arith.minsi %min3A_2273, %select_n3A_2279 : vector<16xi32>
    %eq3A_2281 = arith.cmpf oeq, %div3A_2246, %max3A_2257 : vector<16xf32>
    %jit3A_2282 = arith.constant 3 : i32
    %jit3A_2283 = arith.constant 8 : i32
    %broadcast_in_dim3A_2284 = vector.broadcast %jit3A_2282 : i32 to vector<16xi32>
    %broadcast_in_dim3A_2285 = vector.broadcast %jit3A_2283 : i32 to vector<16xi32>
    %select_n3A_2286 = arith.select %eq3A_2281, %broadcast_in_dim3A_2284, %broadcast_in_dim3A_2285 : vector<16xi1>, vector<16xi32>
    %min3A_2287 = arith.minsi %min3A_2280, %select_n3A_2286 : vector<16xi32>
    %eq3A_2288 = arith.cmpf oeq, %div3A_2247, %max3A_2257 : vector<16xf32>
    %jit3A_2289 = arith.constant 4 : i32
    %jit3A_2290 = arith.constant 8 : i32
    %broadcast_in_dim3A_2291 = vector.broadcast %jit3A_2289 : i32 to vector<16xi32>
    %broadcast_in_dim3A_2292 = vector.broadcast %jit3A_2290 : i32 to vector<16xi32>
    %select_n3A_2293 = arith.select %eq3A_2288, %broadcast_in_dim3A_2291, %broadcast_in_dim3A_2292 : vector<16xi1>, vector<16xi32>
    %min3A_2294 = arith.minsi %min3A_2287, %select_n3A_2293 : vector<16xi32>
    %eq3A_2295 = arith.cmpf oeq, %div3A_2248, %max3A_2257 : vector<16xf32>
    %jit3A_2296 = arith.constant 5 : i32
    %jit3A_2297 = arith.constant 8 : i32
    %broadcast_in_dim3A_2298 = vector.broadcast %jit3A_2296 : i32 to vector<16xi32>
    %broadcast_in_dim3A_2299 = vector.broadcast %jit3A_2297 : i32 to vector<16xi32>
    %select_n3A_2300 = arith.select %eq3A_2295, %broadcast_in_dim3A_2298, %broadcast_in_dim3A_2299 : vector<16xi1>, vector<16xi32>
    %min3A_2301 = arith.minsi %min3A_2294, %select_n3A_2300 : vector<16xi32>
    %eq3A_2302 = arith.cmpf oeq, %div3A_2249, %max3A_2257 : vector<16xf32>
    %jit3A_2303 = arith.constant 6 : i32
    %jit3A_2304 = arith.constant 8 : i32
    %broadcast_in_dim3A_2305 = vector.broadcast %jit3A_2303 : i32 to vector<16xi32>
    %broadcast_in_dim3A_2306 = vector.broadcast %jit3A_2304 : i32 to vector<16xi32>
    %select_n3A_2307 = arith.select %eq3A_2302, %broadcast_in_dim3A_2305, %broadcast_in_dim3A_2306 : vector<16xi1>, vector<16xi32>
    %min3A_2308 = arith.minsi %min3A_2301, %select_n3A_2307 : vector<16xi32>
    %eq3A_2309 = arith.cmpf oeq, %div3A_2250, %max3A_2257 : vector<16xf32>
    %jit3A_2310 = arith.constant 7 : i32
    %jit3A_2311 = arith.constant 8 : i32
    %broadcast_in_dim3A_2312 = vector.broadcast %jit3A_2310 : i32 to vector<16xi32>
    %broadcast_in_dim3A_2313 = vector.broadcast %jit3A_2311 : i32 to vector<16xi32>
    %select_n3A_2314 = arith.select %eq3A_2309, %broadcast_in_dim3A_2312, %broadcast_in_dim3A_2313 : vector<16xi1>, vector<16xi32>
    %min3A_2315 = arith.minsi %min3A_2308, %select_n3A_2314 : vector<16xi32>
    %eq3A_2316 = arith.constant 0 : i32
    %eq3A_2317 = vector.broadcast %eq3A_2316 : i32 to vector<16xi32>
    %eq3A_2318 = arith.cmpi eq, %min3A_2315, %eq3A_2317 : vector<16xi32>
    %jit3A_2319 = arith.constant -1.000000e+00 : f32
    %broadcast_in_dim3A_2320 = vector.broadcast %jit3A_2319 : f32 to vector<16xf32>
    %select_n3A_2321 = arith.select %eq3A_2318, %broadcast_in_dim3A_2320, %div3A_2243 : vector<16xi1>, vector<16xf32>
    %eq3A_2322 = arith.constant 1 : i32
    %eq3A_2323 = vector.broadcast %eq3A_2322 : i32 to vector<16xi32>
    %eq3A_2324 = arith.cmpi eq, %min3A_2315, %eq3A_2323 : vector<16xi32>
    %jit3A_2325 = arith.constant -1.000000e+00 : f32
    %broadcast_in_dim3A_2326 = vector.broadcast %jit3A_2325 : f32 to vector<16xf32>
    %select_n3A_2327 = arith.select %eq3A_2324, %broadcast_in_dim3A_2326, %div3A_2244 : vector<16xi1>, vector<16xf32>
    %eq3A_2328 = arith.constant 2 : i32
    %eq3A_2329 = vector.broadcast %eq3A_2328 : i32 to vector<16xi32>
    %eq3A_2330 = arith.cmpi eq, %min3A_2315, %eq3A_2329 : vector<16xi32>
    %jit3A_2331 = arith.constant -1.000000e+00 : f32
    %broadcast_in_dim3A_2332 = vector.broadcast %jit3A_2331 : f32 to vector<16xf32>
    %select_n3A_2333 = arith.select %eq3A_2330, %broadcast_in_dim3A_2332, %div3A_2245 : vector<16xi1>, vector<16xf32>
    %eq3A_2334 = arith.constant 3 : i32
    %eq3A_2335 = vector.broadcast %eq3A_2334 : i32 to vector<16xi32>
    %eq3A_2336 = arith.cmpi eq, %min3A_2315, %eq3A_2335 : vector<16xi32>
    %jit3A_2337 = arith.constant -1.000000e+00 : f32
    %broadcast_in_dim3A_2338 = vector.broadcast %jit3A_2337 : f32 to vector<16xf32>
    %select_n3A_2339 = arith.select %eq3A_2336, %broadcast_in_dim3A_2338, %div3A_2246 : vector<16xi1>, vector<16xf32>
    %eq3A_2340 = arith.constant 4 : i32
    %eq3A_2341 = vector.broadcast %eq3A_2340 : i32 to vector<16xi32>
    %eq3A_2342 = arith.cmpi eq, %min3A_2315, %eq3A_2341 : vector<16xi32>
    %jit3A_2343 = arith.constant -1.000000e+00 : f32
    %broadcast_in_dim3A_2344 = vector.broadcast %jit3A_2343 : f32 to vector<16xf32>
    %select_n3A_2345 = arith.select %eq3A_2342, %broadcast_in_dim3A_2344, %div3A_2247 : vector<16xi1>, vector<16xf32>
    %eq3A_2346 = arith.constant 5 : i32
    %eq3A_2347 = vector.broadcast %eq3A_2346 : i32 to vector<16xi32>
    %eq3A_2348 = arith.cmpi eq, %min3A_2315, %eq3A_2347 : vector<16xi32>
    %jit3A_2349 = arith.constant -1.000000e+00 : f32
    %broadcast_in_dim3A_2350 = vector.broadcast %jit3A_2349 : f32 to vector<16xf32>
    %select_n3A_2351 = arith.select %eq3A_2348, %broadcast_in_dim3A_2350, %div3A_2248 : vector<16xi1>, vector<16xf32>
    %eq3A_2352 = arith.constant 6 : i32
    %eq3A_2353 = vector.broadcast %eq3A_2352 : i32 to vector<16xi32>
    %eq3A_2354 = arith.cmpi eq, %min3A_2315, %eq3A_2353 : vector<16xi32>
    %jit3A_2355 = arith.constant -1.000000e+00 : f32
    %broadcast_in_dim3A_2356 = vector.broadcast %jit3A_2355 : f32 to vector<16xf32>
    %select_n3A_2357 = arith.select %eq3A_2354, %broadcast_in_dim3A_2356, %div3A_2249 : vector<16xi1>, vector<16xf32>
    %eq3A_2358 = arith.constant 7 : i32
    %eq3A_2359 = vector.broadcast %eq3A_2358 : i32 to vector<16xi32>
    %eq3A_2360 = arith.cmpi eq, %min3A_2315, %eq3A_2359 : vector<16xi32>
    %jit3A_2361 = arith.constant -1.000000e+00 : f32
    %broadcast_in_dim3A_2362 = vector.broadcast %jit3A_2361 : f32 to vector<16xf32>
    %select_n3A_2363 = arith.select %eq3A_2360, %broadcast_in_dim3A_2362, %div3A_2250 : vector<16xi1>, vector<16xf32>
    %max3A_2364 = arith.maximumf %select_n3A_2321, %select_n3A_2327 : vector<16xf32>
    %max3A_2365 = arith.maximumf %max3A_2364, %select_n3A_2333 : vector<16xf32>
    %max3A_2366 = arith.maximumf %max3A_2365, %select_n3A_2339 : vector<16xf32>
    %max3A_2367 = arith.maximumf %max3A_2366, %select_n3A_2345 : vector<16xf32>
    %max3A_2368 = arith.maximumf %max3A_2367, %select_n3A_2351 : vector<16xf32>
    %max3A_2369 = arith.maximumf %max3A_2368, %select_n3A_2357 : vector<16xf32>
    %max3A_2370 = arith.maximumf %max3A_2369, %select_n3A_2363 : vector<16xf32>
    %broadcast_in_dim3A_2371 = arith.constant 8 : i32
    %broadcast_in_dim3A_2372 = vector.broadcast %broadcast_in_dim3A_2371 : i32 to vector<16xi32>
    %eq3A_2373 = arith.cmpf oeq, %select_n3A_2321, %max3A_2370 : vector<16xf32>
    %jit3A_2374 = arith.constant 0 : i32
    %jit3A_2375 = arith.constant 8 : i32
    %broadcast_in_dim3A_2376 = vector.broadcast %jit3A_2374 : i32 to vector<16xi32>
    %broadcast_in_dim3A_2377 = vector.broadcast %jit3A_2375 : i32 to vector<16xi32>
    %select_n3A_2378 = arith.select %eq3A_2373, %broadcast_in_dim3A_2376, %broadcast_in_dim3A_2377 : vector<16xi1>, vector<16xi32>
    %min3A_2379 = arith.minsi %broadcast_in_dim3A_2372, %select_n3A_2378 : vector<16xi32>
    %eq3A_2380 = arith.cmpf oeq, %select_n3A_2327, %max3A_2370 : vector<16xf32>
    %jit3A_2381 = arith.constant 1 : i32
    %jit3A_2382 = arith.constant 8 : i32
    %broadcast_in_dim3A_2383 = vector.broadcast %jit3A_2381 : i32 to vector<16xi32>
    %broadcast_in_dim3A_2384 = vector.broadcast %jit3A_2382 : i32 to vector<16xi32>
    %select_n3A_2385 = arith.select %eq3A_2380, %broadcast_in_dim3A_2383, %broadcast_in_dim3A_2384 : vector<16xi1>, vector<16xi32>
    %min3A_2386 = arith.minsi %min3A_2379, %select_n3A_2385 : vector<16xi32>
    %eq3A_2387 = arith.cmpf oeq, %select_n3A_2333, %max3A_2370 : vector<16xf32>
    %jit3A_2388 = arith.constant 2 : i32
    %jit3A_2389 = arith.constant 8 : i32
    %broadcast_in_dim3A_2390 = vector.broadcast %jit3A_2388 : i32 to vector<16xi32>
    %broadcast_in_dim3A_2391 = vector.broadcast %jit3A_2389 : i32 to vector<16xi32>
    %select_n3A_2392 = arith.select %eq3A_2387, %broadcast_in_dim3A_2390, %broadcast_in_dim3A_2391 : vector<16xi1>, vector<16xi32>
    %min3A_2393 = arith.minsi %min3A_2386, %select_n3A_2392 : vector<16xi32>
    %eq3A_2394 = arith.cmpf oeq, %select_n3A_2339, %max3A_2370 : vector<16xf32>
    %jit3A_2395 = arith.constant 3 : i32
    %jit3A_2396 = arith.constant 8 : i32
    %broadcast_in_dim3A_2397 = vector.broadcast %jit3A_2395 : i32 to vector<16xi32>
    %broadcast_in_dim3A_2398 = vector.broadcast %jit3A_2396 : i32 to vector<16xi32>
    %select_n3A_2399 = arith.select %eq3A_2394, %broadcast_in_dim3A_2397, %broadcast_in_dim3A_2398 : vector<16xi1>, vector<16xi32>
    %min3A_2400 = arith.minsi %min3A_2393, %select_n3A_2399 : vector<16xi32>
    %eq3A_2401 = arith.cmpf oeq, %select_n3A_2345, %max3A_2370 : vector<16xf32>
    %jit3A_2402 = arith.constant 4 : i32
    %jit3A_2403 = arith.constant 8 : i32
    %broadcast_in_dim3A_2404 = vector.broadcast %jit3A_2402 : i32 to vector<16xi32>
    %broadcast_in_dim3A_2405 = vector.broadcast %jit3A_2403 : i32 to vector<16xi32>
    %select_n3A_2406 = arith.select %eq3A_2401, %broadcast_in_dim3A_2404, %broadcast_in_dim3A_2405 : vector<16xi1>, vector<16xi32>
    %min3A_2407 = arith.minsi %min3A_2400, %select_n3A_2406 : vector<16xi32>
    %eq3A_2408 = arith.cmpf oeq, %select_n3A_2351, %max3A_2370 : vector<16xf32>
    %jit3A_2409 = arith.constant 5 : i32
    %jit3A_2410 = arith.constant 8 : i32
    %broadcast_in_dim3A_2411 = vector.broadcast %jit3A_2409 : i32 to vector<16xi32>
    %broadcast_in_dim3A_2412 = vector.broadcast %jit3A_2410 : i32 to vector<16xi32>
    %select_n3A_2413 = arith.select %eq3A_2408, %broadcast_in_dim3A_2411, %broadcast_in_dim3A_2412 : vector<16xi1>, vector<16xi32>
    %min3A_2414 = arith.minsi %min3A_2407, %select_n3A_2413 : vector<16xi32>
    %eq3A_2415 = arith.cmpf oeq, %select_n3A_2357, %max3A_2370 : vector<16xf32>
    %jit3A_2416 = arith.constant 6 : i32
    %jit3A_2417 = arith.constant 8 : i32
    %broadcast_in_dim3A_2418 = vector.broadcast %jit3A_2416 : i32 to vector<16xi32>
    %broadcast_in_dim3A_2419 = vector.broadcast %jit3A_2417 : i32 to vector<16xi32>
    %select_n3A_2420 = arith.select %eq3A_2415, %broadcast_in_dim3A_2418, %broadcast_in_dim3A_2419 : vector<16xi1>, vector<16xi32>
    %min3A_2421 = arith.minsi %min3A_2414, %select_n3A_2420 : vector<16xi32>
    %eq3A_2422 = arith.cmpf oeq, %select_n3A_2363, %max3A_2370 : vector<16xf32>
    %jit3A_2423 = arith.constant 7 : i32
    %jit3A_2424 = arith.constant 8 : i32
    %broadcast_in_dim3A_2425 = vector.broadcast %jit3A_2423 : i32 to vector<16xi32>
    %broadcast_in_dim3A_2426 = vector.broadcast %jit3A_2424 : i32 to vector<16xi32>
    %select_n3A_2427 = arith.select %eq3A_2422, %broadcast_in_dim3A_2425, %broadcast_in_dim3A_2426 : vector<16xi1>, vector<16xi32>
    %min3A_2428 = arith.minsi %min3A_2421, %select_n3A_2427 : vector<16xi32>
    %eq3A_2429 = arith.constant 0 : i32
    %eq3A_2430 = vector.broadcast %eq3A_2429 : i32 to vector<16xi32>
    %eq3A_2431 = arith.cmpi eq, %min3A_2315, %eq3A_2430 : vector<16xi32>
    %eq3A_2432 = arith.constant 0 : i32
    %eq3A_2433 = vector.broadcast %eq3A_2432 : i32 to vector<16xi32>
    %eq3A_2434 = arith.cmpi eq, %min3A_2428, %eq3A_2433 : vector<16xi32>
    %or3A_2435 = arith.ori %eq3A_2431, %eq3A_2434 : vector<16xi1>
    %jit3A_2436 = arith.constant 0.000000e+00 : f32
    %broadcast_in_dim3A_2437 = vector.broadcast %jit3A_2436 : f32 to vector<16xf32>
    %select_n3A_2438 = arith.select %or3A_2435, %div3A_2243, %broadcast_in_dim3A_2437 : vector<16xi1>, vector<16xf32>
    %swap3A_2439 = arith.constant 0 : i32
    %swap3A_2440 = arith.index_cast %swap3A_2439 : i32 to index
    %swap3A_2441 = arith.constant 80 : index
    %swap3A_2442 = tpu.vector_load %arg6[%swap3A_2440, %swap3A_2441] {strides = array<i32>} : memref<8x128xf32, #tpu.memory_space<vmem>>, vector<1x16xf32>,
    %swap3A_2443 = vector.shape_cast %swap3A_2442 : vector<1x16xf32> to vector<16xf32>
    %swap3A_2444 = vector.shape_cast %select_n3A_2438 : vector<16xf32> to vector<1x16xf32>
    tpu.vector_store %arg6[%swap3A_2440, %swap3A_2441], %swap3A_2444 {strides = array<i32>} : memref<8x128xf32, #tpu.memory_space<vmem>>, vector<1x16xf32>,
    %jit3A_2445 = arith.constant 1 : i32
    %jit3A_2446 = arith.constant 0 : i32
    %broadcast_in_dim3A_2447 = vector.broadcast %jit3A_2445 : i32 to vector<16xi32>
    %broadcast_in_dim3A_2448 = vector.broadcast %jit3A_2446 : i32 to vector<16xi32>
    %select_n3A_2449 = arith.select %or3A_2435, %broadcast_in_dim3A_2447, %broadcast_in_dim3A_2448 : vector<16xi1>, vector<16xi32>
    %add3A_2450 = arith.addi %add3A_2018, %select_n3A_2449 : vector<16xi32>
    %eq3A_2451 = arith.constant 1 : i32
    %eq3A_2452 = vector.broadcast %eq3A_2451 : i32 to vector<16xi32>
    %eq3A_2453 = arith.cmpi eq, %min3A_2315, %eq3A_2452 : vector<16xi32>
    %eq3A_2454 = arith.constant 1 : i32
    %eq3A_2455 = vector.broadcast %eq3A_2454 : i32 to vector<16xi32>
    %eq3A_2456 = arith.cmpi eq, %min3A_2428, %eq3A_2455 : vector<16xi32>
    %or3A_2457 = arith.ori %eq3A_2453, %eq3A_2456 : vector<16xi1>
    %jit3A_2458 = arith.constant 0.000000e+00 : f32
    %broadcast_in_dim3A_2459 = vector.broadcast %jit3A_2458 : f32 to vector<16xf32>
    %select_n3A_2460 = arith.select %or3A_2457, %div3A_2244, %broadcast_in_dim3A_2459 : vector<16xi1>, vector<16xf32>
    %swap3A_2461 = arith.constant 1 : i32
    %swap3A_2462 = arith.index_cast %swap3A_2461 : i32 to index
    %swap3A_2463 = arith.constant 80 : index
    %swap3A_2464 = tpu.vector_load %arg6[%swap3A_2462, %swap3A_2463] {strides = array<i32>} : memref<8x128xf32, #tpu.memory_space<vmem>>, vector<1x16xf32>,
    %swap3A_2465 = vector.shape_cast %swap3A_2464 : vector<1x16xf32> to vector<16xf32>
    %swap3A_2466 = vector.shape_cast %select_n3A_2460 : vector<16xf32> to vector<1x16xf32>
    tpu.vector_store %arg6[%swap3A_2462, %swap3A_2463], %swap3A_2466 {strides = array<i32>} : memref<8x128xf32, #tpu.memory_space<vmem>>, vector<1x16xf32>,
    %jit3A_2467 = arith.constant 1 : i32
    %jit3A_2468 = arith.constant 0 : i32
    %broadcast_in_dim3A_2469 = vector.broadcast %jit3A_2467 : i32 to vector<16xi32>
    %broadcast_in_dim3A_2470 = vector.broadcast %jit3A_2468 : i32 to vector<16xi32>
    %select_n3A_2471 = arith.select %or3A_2457, %broadcast_in_dim3A_2469, %broadcast_in_dim3A_2470 : vector<16xi1>, vector<16xi32>
    %add3A_2472 = arith.addi %add3A_2040, %select_n3A_2471 : vector<16xi32>
    %eq3A_2473 = arith.constant 2 : i32
    %eq3A_2474 = vector.broadcast %eq3A_2473 : i32 to vector<16xi32>
    %eq3A_2475 = arith.cmpi eq, %min3A_2315, %eq3A_2474 : vector<16xi32>
    %eq3A_2476 = arith.constant 2 : i32
    %eq3A_2477 = vector.broadcast %eq3A_2476 : i32 to vector<16xi32>
    %eq3A_2478 = arith.cmpi eq, %min3A_2428, %eq3A_2477 : vector<16xi32>
    %or3A_2479 = arith.ori %eq3A_2475, %eq3A_2478 : vector<16xi1>
    %jit3A_2480 = arith.constant 0.000000e+00 : f32
    %broadcast_in_dim3A_2481 = vector.broadcast %jit3A_2480 : f32 to vector<16xf32>
    %select_n3A_2482 = arith.select %or3A_2479, %div3A_2245, %broadcast_in_dim3A_2481 : vector<16xi1>, vector<16xf32>
    %swap3A_2483 = arith.constant 2 : i32
    %swap3A_2484 = arith.index_cast %swap3A_2483 : i32 to index
    %swap3A_2485 = arith.constant 80 : index
    %swap3A_2486 = tpu.vector_load %arg6[%swap3A_2484, %swap3A_2485] {strides = array<i32>} : memref<8x128xf32, #tpu.memory_space<vmem>>, vector<1x16xf32>,
    %swap3A_2487 = vector.shape_cast %swap3A_2486 : vector<1x16xf32> to vector<16xf32>
    %swap3A_2488 = vector.shape_cast %select_n3A_2482 : vector<16xf32> to vector<1x16xf32>
    tpu.vector_store %arg6[%swap3A_2484, %swap3A_2485], %swap3A_2488 {strides = array<i32>} : memref<8x128xf32, #tpu.memory_space<vmem>>, vector<1x16xf32>,
    %jit3A_2489 = arith.constant 1 : i32
    %jit3A_2490 = arith.constant 0 : i32
    %broadcast_in_dim3A_2491 = vector.broadcast %jit3A_2489 : i32 to vector<16xi32>
    %broadcast_in_dim3A_2492 = vector.broadcast %jit3A_2490 : i32 to vector<16xi32>
    %select_n3A_2493 = arith.select %or3A_2479, %broadcast_in_dim3A_2491, %broadcast_in_dim3A_2492 : vector<16xi1>, vector<16xi32>
    %add3A_2494 = arith.addi %add3A_2062, %select_n3A_2493 : vector<16xi32>
    %eq3A_2495 = arith.constant 3 : i32
    %eq3A_2496 = vector.broadcast %eq3A_2495 : i32 to vector<16xi32>
    %eq3A_2497 = arith.cmpi eq, %min3A_2315, %eq3A_2496 : vector<16xi32>
    %eq3A_2498 = arith.constant 3 : i32
    %eq3A_2499 = vector.broadcast %eq3A_2498 : i32 to vector<16xi32>
    %eq3A_2500 = arith.cmpi eq, %min3A_2428, %eq3A_2499 : vector<16xi32>
    %or3A_2501 = arith.ori %eq3A_2497, %eq3A_2500 : vector<16xi1>
    %jit3A_2502 = arith.constant 0.000000e+00 : f32
    %broadcast_in_dim3A_2503 = vector.broadcast %jit3A_2502 : f32 to vector<16xf32>
    %select_n3A_2504 = arith.select %or3A_2501, %div3A_2246, %broadcast_in_dim3A_2503 : vector<16xi1>, vector<16xf32>
    %swap3A_2505 = arith.constant 3 : i32
    %swap3A_2506 = arith.index_cast %swap3A_2505 : i32 to index
    %swap3A_2507 = arith.constant 80 : index
    %swap3A_2508 = tpu.vector_load %arg6[%swap3A_2506, %swap3A_2507] {strides = array<i32>} : memref<8x128xf32, #tpu.memory_space<vmem>>, vector<1x16xf32>,
    %swap3A_2509 = vector.shape_cast %swap3A_2508 : vector<1x16xf32> to vector<16xf32>
    %swap3A_2510 = vector.shape_cast %select_n3A_2504 : vector<16xf32> to vector<1x16xf32>
    tpu.vector_store %arg6[%swap3A_2506, %swap3A_2507], %swap3A_2510 {strides = array<i32>} : memref<8x128xf32, #tpu.memory_space<vmem>>, vector<1x16xf32>,
    %jit3A_2511 = arith.constant 1 : i32
    %jit3A_2512 = arith.constant 0 : i32
    %broadcast_in_dim3A_2513 = vector.broadcast %jit3A_2511 : i32 to vector<16xi32>
    %broadcast_in_dim3A_2514 = vector.broadcast %jit3A_2512 : i32 to vector<16xi32>
    %select_n3A_2515 = arith.select %or3A_2501, %broadcast_in_dim3A_2513, %broadcast_in_dim3A_2514 : vector<16xi1>, vector<16xi32>
    %add3A_2516 = arith.addi %add3A_2084, %select_n3A_2515 : vector<16xi32>
    %eq3A_2517 = arith.constant 4 : i32
    %eq3A_2518 = vector.broadcast %eq3A_2517 : i32 to vector<16xi32>
    %eq3A_2519 = arith.cmpi eq, %min3A_2315, %eq3A_2518 : vector<16xi32>
    %eq3A_2520 = arith.constant 4 : i32
    %eq3A_2521 = vector.broadcast %eq3A_2520 : i32 to vector<16xi32>
    %eq3A_2522 = arith.cmpi eq, %min3A_2428, %eq3A_2521 : vector<16xi32>
    %or3A_2523 = arith.ori %eq3A_2519, %eq3A_2522 : vector<16xi1>
    %jit3A_2524 = arith.constant 0.000000e+00 : f32
    %broadcast_in_dim3A_2525 = vector.broadcast %jit3A_2524 : f32 to vector<16xf32>
    %select_n3A_2526 = arith.select %or3A_2523, %div3A_2247, %broadcast_in_dim3A_2525 : vector<16xi1>, vector<16xf32>
    %swap3A_2527 = arith.constant 4 : i32
    %swap3A_2528 = arith.index_cast %swap3A_2527 : i32 to index
    %swap3A_2529 = arith.constant 80 : index
    %swap3A_2530 = tpu.vector_load %arg6[%swap3A_2528, %swap3A_2529] {strides = array<i32>} : memref<8x128xf32, #tpu.memory_space<vmem>>, vector<1x16xf32>,
    %swap3A_2531 = vector.shape_cast %swap3A_2530 : vector<1x16xf32> to vector<16xf32>
    %swap3A_2532 = vector.shape_cast %select_n3A_2526 : vector<16xf32> to vector<1x16xf32>
    tpu.vector_store %arg6[%swap3A_2528, %swap3A_2529], %swap3A_2532 {strides = array<i32>} : memref<8x128xf32, #tpu.memory_space<vmem>>, vector<1x16xf32>,
    %jit3A_2533 = arith.constant 1 : i32
    %jit3A_2534 = arith.constant 0 : i32
    %broadcast_in_dim3A_2535 = vector.broadcast %jit3A_2533 : i32 to vector<16xi32>
    %broadcast_in_dim3A_2536 = vector.broadcast %jit3A_2534 : i32 to vector<16xi32>
    %select_n3A_2537 = arith.select %or3A_2523, %broadcast_in_dim3A_2535, %broadcast_in_dim3A_2536 : vector<16xi1>, vector<16xi32>
    %add3A_2538 = arith.addi %add3A_2106, %select_n3A_2537 : vector<16xi32>
    %eq3A_2539 = arith.constant 5 : i32
    %eq3A_2540 = vector.broadcast %eq3A_2539 : i32 to vector<16xi32>
    %eq3A_2541 = arith.cmpi eq, %min3A_2315, %eq3A_2540 : vector<16xi32>
    %eq3A_2542 = arith.constant 5 : i32
    %eq3A_2543 = vector.broadcast %eq3A_2542 : i32 to vector<16xi32>
    %eq3A_2544 = arith.cmpi eq, %min3A_2428, %eq3A_2543 : vector<16xi32>
    %or3A_2545 = arith.ori %eq3A_2541, %eq3A_2544 : vector<16xi1>
    %jit3A_2546 = arith.constant 0.000000e+00 : f32
    %broadcast_in_dim3A_2547 = vector.broadcast %jit3A_2546 : f32 to vector<16xf32>
    %select_n3A_2548 = arith.select %or3A_2545, %div3A_2248, %broadcast_in_dim3A_2547 : vector<16xi1>, vector<16xf32>
    %swap3A_2549 = arith.constant 5 : i32
    %swap3A_2550 = arith.index_cast %swap3A_2549 : i32 to index
    %swap3A_2551 = arith.constant 80 : index
    %swap3A_2552 = tpu.vector_load %arg6[%swap3A_2550, %swap3A_2551] {strides = array<i32>} : memref<8x128xf32, #tpu.memory_space<vmem>>, vector<1x16xf32>,
    %swap3A_2553 = vector.shape_cast %swap3A_2552 : vector<1x16xf32> to vector<16xf32>
    %swap3A_2554 = vector.shape_cast %select_n3A_2548 : vector<16xf32> to vector<1x16xf32>
    tpu.vector_store %arg6[%swap3A_2550, %swap3A_2551], %swap3A_2554 {strides = array<i32>} : memref<8x128xf32, #tpu.memory_space<vmem>>, vector<1x16xf32>,
    %jit3A_2555 = arith.constant 1 : i32
    %jit3A_2556 = arith.constant 0 : i32
    %broadcast_in_dim3A_2557 = vector.broadcast %jit3A_2555 : i32 to vector<16xi32>
    %broadcast_in_dim3A_2558 = vector.broadcast %jit3A_2556 : i32 to vector<16xi32>
    %select_n3A_2559 = arith.select %or3A_2545, %broadcast_in_dim3A_2557, %broadcast_in_dim3A_2558 : vector<16xi1>, vector<16xi32>
    %add3A_2560 = arith.addi %add3A_2128, %select_n3A_2559 : vector<16xi32>
    %eq3A_2561 = arith.constant 6 : i32
    %eq3A_2562 = vector.broadcast %eq3A_2561 : i32 to vector<16xi32>
    %eq3A_2563 = arith.cmpi eq, %min3A_2315, %eq3A_2562 : vector<16xi32>
    %eq3A_2564 = arith.constant 6 : i32
    %eq3A_2565 = vector.broadcast %eq3A_2564 : i32 to vector<16xi32>
    %eq3A_2566 = arith.cmpi eq, %min3A_2428, %eq3A_2565 : vector<16xi32>
    %or3A_2567 = arith.ori %eq3A_2563, %eq3A_2566 : vector<16xi1>
    %jit3A_2568 = arith.constant 0.000000e+00 : f32
    %broadcast_in_dim3A_2569 = vector.broadcast %jit3A_2568 : f32 to vector<16xf32>
    %select_n3A_2570 = arith.select %or3A_2567, %div3A_2249, %broadcast_in_dim3A_2569 : vector<16xi1>, vector<16xf32>
    %swap3A_2571 = arith.constant 6 : i32
    %swap3A_2572 = arith.index_cast %swap3A_2571 : i32 to index
    %swap3A_2573 = arith.constant 80 : index
    %swap3A_2574 = tpu.vector_load %arg6[%swap3A_2572, %swap3A_2573] {strides = array<i32>} : memref<8x128xf32, #tpu.memory_space<vmem>>, vector<1x16xf32>,
    %swap3A_2575 = vector.shape_cast %swap3A_2574 : vector<1x16xf32> to vector<16xf32>
    %swap3A_2576 = vector.shape_cast %select_n3A_2570 : vector<16xf32> to vector<1x16xf32>
    tpu.vector_store %arg6[%swap3A_2572, %swap3A_2573], %swap3A_2576 {strides = array<i32>} : memref<8x128xf32, #tpu.memory_space<vmem>>, vector<1x16xf32>,
    %jit3A_2577 = arith.constant 1 : i32
    %jit3A_2578 = arith.constant 0 : i32
    %broadcast_in_dim3A_2579 = vector.broadcast %jit3A_2577 : i32 to vector<16xi32>
    %broadcast_in_dim3A_2580 = vector.broadcast %jit3A_2578 : i32 to vector<16xi32>
    %select_n3A_2581 = arith.select %or3A_2567, %broadcast_in_dim3A_2579, %broadcast_in_dim3A_2580 : vector<16xi1>, vector<16xi32>
    %add3A_2582 = arith.addi %add3A_2150, %select_n3A_2581 : vector<16xi32>
    %eq3A_2583 = arith.constant 7 : i32
    %eq3A_2584 = vector.broadcast %eq3A_2583 : i32 to vector<16xi32>
    %eq3A_2585 = arith.cmpi eq, %min3A_2315, %eq3A_2584 : vector<16xi32>
    %eq3A_2586 = arith.constant 7 : i32
    %eq3A_2587 = vector.broadcast %eq3A_2586 : i32 to vector<16xi32>
    %eq3A_2588 = arith.cmpi eq, %min3A_2428, %eq3A_2587 : vector<16xi32>
    %or3A_2589 = arith.ori %eq3A_2585, %eq3A_2588 : vector<16xi1>
    %jit3A_2590 = arith.constant 0.000000e+00 : f32
    %broadcast_in_dim3A_2591 = vector.broadcast %jit3A_2590 : f32 to vector<16xf32>
    %select_n3A_2592 = arith.select %or3A_2589, %div3A_2250, %broadcast_in_dim3A_2591 : vector<16xi1>, vector<16xf32>
    %swap3A_2593 = arith.constant 7 : i32
    %swap3A_2594 = arith.index_cast %swap3A_2593 : i32 to index
    %swap3A_2595 = arith.constant 80 : index
    %swap3A_2596 = tpu.vector_load %arg6[%swap3A_2594, %swap3A_2595] {strides = array<i32>} : memref<8x128xf32, #tpu.memory_space<vmem>>, vector<1x16xf32>,
    %swap3A_2597 = vector.shape_cast %swap3A_2596 : vector<1x16xf32> to vector<16xf32>
    %swap3A_2598 = vector.shape_cast %select_n3A_2592 : vector<16xf32> to vector<1x16xf32>
    tpu.vector_store %arg6[%swap3A_2594, %swap3A_2595], %swap3A_2598 {strides = array<i32>} : memref<8x128xf32, #tpu.memory_space<vmem>>, vector<1x16xf32>,
    %jit3A_2599 = arith.constant 1 : i32
    %jit3A_2600 = arith.constant 0 : i32
    %broadcast_in_dim3A_2601 = vector.broadcast %jit3A_2599 : i32 to vector<16xi32>
    %broadcast_in_dim3A_2602 = vector.broadcast %jit3A_2600 : i32 to vector<16xi32>
    %select_n3A_2603 = arith.select %or3A_2589, %broadcast_in_dim3A_2601, %broadcast_in_dim3A_2602 : vector<16xi1>, vector<16xi32>
    %add3A_2604 = arith.addi %add3A_2172, %select_n3A_2603 : vector<16xi32>
    %get3A_2605 = arith.constant 0 : i32
    %get3A_2606 = arith.index_cast %get3A_2605 : i32 to index
    %get3A_2607 = arith.constant 96 : index
    %get3A_2608 = tpu.vector_load %arg5[%get3A_2606, %get3A_2607] {strides = array<i32>} : memref<8x128xf32, #tpu.memory_space<vmem>>, vector<1x16xf32>,
    %get3A_2609 = vector.shape_cast %get3A_2608 : vector<1x16xf32> to vector<16xf32>
    %get3A_2610 = arith.constant 1 : i32
    %get3A_2611 = arith.index_cast %get3A_2610 : i32 to index
    %get3A_2612 = arith.constant 96 : index
    %get3A_2613 = tpu.vector_load %arg5[%get3A_2611, %get3A_2612] {strides = array<i32>} : memref<8x128xf32, #tpu.memory_space<vmem>>, vector<1x16xf32>,
    %get3A_2614 = vector.shape_cast %get3A_2613 : vector<1x16xf32> to vector<16xf32>
    %get3A_2615 = arith.constant 2 : i32
    %get3A_2616 = arith.index_cast %get3A_2615 : i32 to index
    %get3A_2617 = arith.constant 96 : index
    %get3A_2618 = tpu.vector_load %arg5[%get3A_2616, %get3A_2617] {strides = array<i32>} : memref<8x128xf32, #tpu.memory_space<vmem>>, vector<1x16xf32>,
    %get3A_2619 = vector.shape_cast %get3A_2618 : vector<1x16xf32> to vector<16xf32>
    %get3A_2620 = arith.constant 3 : i32
    %get3A_2621 = arith.index_cast %get3A_2620 : i32 to index
    %get3A_2622 = arith.constant 96 : index
    %get3A_2623 = tpu.vector_load %arg5[%get3A_2621, %get3A_2622] {strides = array<i32>} : memref<8x128xf32, #tpu.memory_space<vmem>>, vector<1x16xf32>,
    %get3A_2624 = vector.shape_cast %get3A_2623 : vector<1x16xf32> to vector<16xf32>
    %get3A_2625 = arith.constant 4 : i32
    %get3A_2626 = arith.index_cast %get3A_2625 : i32 to index
    %get3A_2627 = arith.constant 96 : index
    %get3A_2628 = tpu.vector_load %arg5[%get3A_2626, %get3A_2627] {strides = array<i32>} : memref<8x128xf32, #tpu.memory_space<vmem>>, vector<1x16xf32>,
    %get3A_2629 = vector.shape_cast %get3A_2628 : vector<1x16xf32> to vector<16xf32>
    %get3A_2630 = arith.constant 5 : i32
    %get3A_2631 = arith.index_cast %get3A_2630 : i32 to index
    %get3A_2632 = arith.constant 96 : index
    %get3A_2633 = tpu.vector_load %arg5[%get3A_2631, %get3A_2632] {strides = array<i32>} : memref<8x128xf32, #tpu.memory_space<vmem>>, vector<1x16xf32>,
    %get3A_2634 = vector.shape_cast %get3A_2633 : vector<1x16xf32> to vector<16xf32>
    %get3A_2635 = arith.constant 6 : i32
    %get3A_2636 = arith.index_cast %get3A_2635 : i32 to index
    %get3A_2637 = arith.constant 96 : index
    %get3A_2638 = tpu.vector_load %arg5[%get3A_2636, %get3A_2637] {strides = array<i32>} : memref<8x128xf32, #tpu.memory_space<vmem>>, vector<1x16xf32>,
    %get3A_2639 = vector.shape_cast %get3A_2638 : vector<1x16xf32> to vector<16xf32>
    %get3A_2640 = arith.constant 7 : i32
    %get3A_2641 = arith.index_cast %get3A_2640 : i32 to index
    %get3A_2642 = arith.constant 96 : index
    %get3A_2643 = tpu.vector_load %arg5[%get3A_2641, %get3A_2642] {strides = array<i32>} : memref<8x128xf32, #tpu.memory_space<vmem>>, vector<1x16xf32>,
    %get3A_2644 = vector.shape_cast %get3A_2643 : vector<1x16xf32> to vector<16xf32>
    %max3A_2645 = arith.maximumf %get3A_2609, %get3A_2614 : vector<16xf32>
    %max3A_2646 = arith.maximumf %max3A_2645, %get3A_2619 : vector<16xf32>
    %max3A_2647 = arith.maximumf %max3A_2646, %get3A_2624 : vector<16xf32>
    %max3A_2648 = arith.maximumf %max3A_2647, %get3A_2629 : vector<16xf32>
    %max3A_2649 = arith.maximumf %max3A_2648, %get3A_2634 : vector<16xf32>
    %max3A_2650 = arith.maximumf %max3A_2649, %get3A_2639 : vector<16xf32>
    %max3A_2651 = arith.maximumf %max3A_2650, %get3A_2644 : vector<16xf32>
    %sub3A_2652 = arith.subf %get3A_2609, %max3A_2651 : vector<16xf32>
    %exp3A_2653 = math.exp %sub3A_2652 : vector<16xf32>
    %sub3A_2654 = arith.subf %get3A_2614, %max3A_2651 : vector<16xf32>
    %exp3A_2655 = math.exp %sub3A_2654 : vector<16xf32>
    %sub3A_2656 = arith.subf %get3A_2619, %max3A_2651 : vector<16xf32>
    %exp3A_2657 = math.exp %sub3A_2656 : vector<16xf32>
    %sub3A_2658 = arith.subf %get3A_2624, %max3A_2651 : vector<16xf32>
    %exp3A_2659 = math.exp %sub3A_2658 : vector<16xf32>
    %sub3A_2660 = arith.subf %get3A_2629, %max3A_2651 : vector<16xf32>
    %exp3A_2661 = math.exp %sub3A_2660 : vector<16xf32>
    %sub3A_2662 = arith.subf %get3A_2634, %max3A_2651 : vector<16xf32>
    %exp3A_2663 = math.exp %sub3A_2662 : vector<16xf32>
    %sub3A_2664 = arith.subf %get3A_2639, %max3A_2651 : vector<16xf32>
    %exp3A_2665 = math.exp %sub3A_2664 : vector<16xf32>
    %sub3A_2666 = arith.subf %get3A_2644, %max3A_2651 : vector<16xf32>
    %exp3A_2667 = math.exp %sub3A_2666 : vector<16xf32>
    %add3A_2668 = arith.addf %exp3A_2653, %exp3A_2655 : vector<16xf32>
    %add3A_2669 = arith.addf %add3A_2668, %exp3A_2657 : vector<16xf32>
    %add3A_2670 = arith.addf %add3A_2669, %exp3A_2659 : vector<16xf32>
    %add3A_2671 = arith.addf %add3A_2670, %exp3A_2661 : vector<16xf32>
    %add3A_2672 = arith.addf %add3A_2671, %exp3A_2663 : vector<16xf32>
    %add3A_2673 = arith.addf %add3A_2672, %exp3A_2665 : vector<16xf32>
    %add3A_2674 = arith.addf %add3A_2673, %exp3A_2667 : vector<16xf32>
    %div3A_2675 = arith.divf %exp3A_2653, %add3A_2674 : vector<16xf32>
    %div3A_2676 = arith.divf %exp3A_2655, %add3A_2674 : vector<16xf32>
    %div3A_2677 = arith.divf %exp3A_2657, %add3A_2674 : vector<16xf32>
    %div3A_2678 = arith.divf %exp3A_2659, %add3A_2674 : vector<16xf32>
    %div3A_2679 = arith.divf %exp3A_2661, %add3A_2674 : vector<16xf32>
    %div3A_2680 = arith.divf %exp3A_2663, %add3A_2674 : vector<16xf32>
    %div3A_2681 = arith.divf %exp3A_2665, %add3A_2674 : vector<16xf32>
    %div3A_2682 = arith.divf %exp3A_2667, %add3A_2674 : vector<16xf32>
    %max3A_2683 = arith.maximumf %div3A_2675, %div3A_2676 : vector<16xf32>
    %max3A_2684 = arith.maximumf %max3A_2683, %div3A_2677 : vector<16xf32>
    %max3A_2685 = arith.maximumf %max3A_2684, %div3A_2678 : vector<16xf32>
    %max3A_2686 = arith.maximumf %max3A_2685, %div3A_2679 : vector<16xf32>
    %max3A_2687 = arith.maximumf %max3A_2686, %div3A_2680 : vector<16xf32>
    %max3A_2688 = arith.maximumf %max3A_2687, %div3A_2681 : vector<16xf32>
    %max3A_2689 = arith.maximumf %max3A_2688, %div3A_2682 : vector<16xf32>
    %broadcast_in_dim3A_2690 = arith.constant 8 : i32
    %broadcast_in_dim3A_2691 = vector.broadcast %broadcast_in_dim3A_2690 : i32 to vector<16xi32>
    %eq3A_2692 = arith.cmpf oeq, %div3A_2675, %max3A_2689 : vector<16xf32>
    %jit3A_2693 = arith.constant 0 : i32
    %jit3A_2694 = arith.constant 8 : i32
    %broadcast_in_dim3A_2695 = vector.broadcast %jit3A_2693 : i32 to vector<16xi32>
    %broadcast_in_dim3A_2696 = vector.broadcast %jit3A_2694 : i32 to vector<16xi32>
    %select_n3A_2697 = arith.select %eq3A_2692, %broadcast_in_dim3A_2695, %broadcast_in_dim3A_2696 : vector<16xi1>, vector<16xi32>
    %min3A_2698 = arith.minsi %broadcast_in_dim3A_2691, %select_n3A_2697 : vector<16xi32>
    %eq3A_2699 = arith.cmpf oeq, %div3A_2676, %max3A_2689 : vector<16xf32>
    %jit3A_2700 = arith.constant 1 : i32
    %jit3A_2701 = arith.constant 8 : i32
    %broadcast_in_dim3A_2702 = vector.broadcast %jit3A_2700 : i32 to vector<16xi32>
    %broadcast_in_dim3A_2703 = vector.broadcast %jit3A_2701 : i32 to vector<16xi32>
    %select_n3A_2704 = arith.select %eq3A_2699, %broadcast_in_dim3A_2702, %broadcast_in_dim3A_2703 : vector<16xi1>, vector<16xi32>
    %min3A_2705 = arith.minsi %min3A_2698, %select_n3A_2704 : vector<16xi32>
    %eq3A_2706 = arith.cmpf oeq, %div3A_2677, %max3A_2689 : vector<16xf32>
    %jit3A_2707 = arith.constant 2 : i32
    %jit3A_2708 = arith.constant 8 : i32
    %broadcast_in_dim3A_2709 = vector.broadcast %jit3A_2707 : i32 to vector<16xi32>
    %broadcast_in_dim3A_2710 = vector.broadcast %jit3A_2708 : i32 to vector<16xi32>
    %select_n3A_2711 = arith.select %eq3A_2706, %broadcast_in_dim3A_2709, %broadcast_in_dim3A_2710 : vector<16xi1>, vector<16xi32>
    %min3A_2712 = arith.minsi %min3A_2705, %select_n3A_2711 : vector<16xi32>
    %eq3A_2713 = arith.cmpf oeq, %div3A_2678, %max3A_2689 : vector<16xf32>
    %jit3A_2714 = arith.constant 3 : i32
    %jit3A_2715 = arith.constant 8 : i32
    %broadcast_in_dim3A_2716 = vector.broadcast %jit3A_2714 : i32 to vector<16xi32>
    %broadcast_in_dim3A_2717 = vector.broadcast %jit3A_2715 : i32 to vector<16xi32>
    %select_n3A_2718 = arith.select %eq3A_2713, %broadcast_in_dim3A_2716, %broadcast_in_dim3A_2717 : vector<16xi1>, vector<16xi32>
    %min3A_2719 = arith.minsi %min3A_2712, %select_n3A_2718 : vector<16xi32>
    %eq3A_2720 = arith.cmpf oeq, %div3A_2679, %max3A_2689 : vector<16xf32>
    %jit3A_2721 = arith.constant 4 : i32
    %jit3A_2722 = arith.constant 8 : i32
    %broadcast_in_dim3A_2723 = vector.broadcast %jit3A_2721 : i32 to vector<16xi32>
    %broadcast_in_dim3A_2724 = vector.broadcast %jit3A_2722 : i32 to vector<16xi32>
    %select_n3A_2725 = arith.select %eq3A_2720, %broadcast_in_dim3A_2723, %broadcast_in_dim3A_2724 : vector<16xi1>, vector<16xi32>
    %min3A_2726 = arith.minsi %min3A_2719, %select_n3A_2725 : vector<16xi32>
    %eq3A_2727 = arith.cmpf oeq, %div3A_2680, %max3A_2689 : vector<16xf32>
    %jit3A_2728 = arith.constant 5 : i32
    %jit3A_2729 = arith.constant 8 : i32
    %broadcast_in_dim3A_2730 = vector.broadcast %jit3A_2728 : i32 to vector<16xi32>
    %broadcast_in_dim3A_2731 = vector.broadcast %jit3A_2729 : i32 to vector<16xi32>
    %select_n3A_2732 = arith.select %eq3A_2727, %broadcast_in_dim3A_2730, %broadcast_in_dim3A_2731 : vector<16xi1>, vector<16xi32>
    %min3A_2733 = arith.minsi %min3A_2726, %select_n3A_2732 : vector<16xi32>
    %eq3A_2734 = arith.cmpf oeq, %div3A_2681, %max3A_2689 : vector<16xf32>
    %jit3A_2735 = arith.constant 6 : i32
    %jit3A_2736 = arith.constant 8 : i32
    %broadcast_in_dim3A_2737 = vector.broadcast %jit3A_2735 : i32 to vector<16xi32>
    %broadcast_in_dim3A_2738 = vector.broadcast %jit3A_2736 : i32 to vector<16xi32>
    %select_n3A_2739 = arith.select %eq3A_2734, %broadcast_in_dim3A_2737, %broadcast_in_dim3A_2738 : vector<16xi1>, vector<16xi32>
    %min3A_2740 = arith.minsi %min3A_2733, %select_n3A_2739 : vector<16xi32>
    %eq3A_2741 = arith.cmpf oeq, %div3A_2682, %max3A_2689 : vector<16xf32>
    %jit3A_2742 = arith.constant 7 : i32
    %jit3A_2743 = arith.constant 8 : i32
    %broadcast_in_dim3A_2744 = vector.broadcast %jit3A_2742 : i32 to vector<16xi32>
    %broadcast_in_dim3A_2745 = vector.broadcast %jit3A_2743 : i32 to vector<16xi32>
    %select_n3A_2746 = arith.select %eq3A_2741, %broadcast_in_dim3A_2744, %broadcast_in_dim3A_2745 : vector<16xi1>, vector<16xi32>
    %min3A_2747 = arith.minsi %min3A_2740, %select_n3A_2746 : vector<16xi32>
    %eq3A_2748 = arith.constant 0 : i32
    %eq3A_2749 = vector.broadcast %eq3A_2748 : i32 to vector<16xi32>
    %eq3A_2750 = arith.cmpi eq, %min3A_2747, %eq3A_2749 : vector<16xi32>
    %jit3A_2751 = arith.constant -1.000000e+00 : f32
    %broadcast_in_dim3A_2752 = vector.broadcast %jit3A_2751 : f32 to vector<16xf32>
    %select_n3A_2753 = arith.select %eq3A_2750, %broadcast_in_dim3A_2752, %div3A_2675 : vector<16xi1>, vector<16xf32>
    %eq3A_2754 = arith.constant 1 : i32
    %eq3A_2755 = vector.broadcast %eq3A_2754 : i32 to vector<16xi32>
    %eq3A_2756 = arith.cmpi eq, %min3A_2747, %eq3A_2755 : vector<16xi32>
    %jit3A_2757 = arith.constant -1.000000e+00 : f32
    %broadcast_in_dim3A_2758 = vector.broadcast %jit3A_2757 : f32 to vector<16xf32>
    %select_n3A_2759 = arith.select %eq3A_2756, %broadcast_in_dim3A_2758, %div3A_2676 : vector<16xi1>, vector<16xf32>
    %eq3A_2760 = arith.constant 2 : i32
    %eq3A_2761 = vector.broadcast %eq3A_2760 : i32 to vector<16xi32>
    %eq3A_2762 = arith.cmpi eq, %min3A_2747, %eq3A_2761 : vector<16xi32>
    %jit3A_2763 = arith.constant -1.000000e+00 : f32
    %broadcast_in_dim3A_2764 = vector.broadcast %jit3A_2763 : f32 to vector<16xf32>
    %select_n3A_2765 = arith.select %eq3A_2762, %broadcast_in_dim3A_2764, %div3A_2677 : vector<16xi1>, vector<16xf32>
    %eq3A_2766 = arith.constant 3 : i32
    %eq3A_2767 = vector.broadcast %eq3A_2766 : i32 to vector<16xi32>
    %eq3A_2768 = arith.cmpi eq, %min3A_2747, %eq3A_2767 : vector<16xi32>
    %jit3A_2769 = arith.constant -1.000000e+00 : f32
    %broadcast_in_dim3A_2770 = vector.broadcast %jit3A_2769 : f32 to vector<16xf32>
    %select_n3A_2771 = arith.select %eq3A_2768, %broadcast_in_dim3A_2770, %div3A_2678 : vector<16xi1>, vector<16xf32>
    %eq3A_2772 = arith.constant 4 : i32
    %eq3A_2773 = vector.broadcast %eq3A_2772 : i32 to vector<16xi32>
    %eq3A_2774 = arith.cmpi eq, %min3A_2747, %eq3A_2773 : vector<16xi32>
    %jit3A_2775 = arith.constant -1.000000e+00 : f32
    %broadcast_in_dim3A_2776 = vector.broadcast %jit3A_2775 : f32 to vector<16xf32>
    %select_n3A_2777 = arith.select %eq3A_2774, %broadcast_in_dim3A_2776, %div3A_2679 : vector<16xi1>, vector<16xf32>
    %eq3A_2778 = arith.constant 5 : i32
    %eq3A_2779 = vector.broadcast %eq3A_2778 : i32 to vector<16xi32>
    %eq3A_2780 = arith.cmpi eq, %min3A_2747, %eq3A_2779 : vector<16xi32>
    %jit3A_2781 = arith.constant -1.000000e+00 : f32
    %broadcast_in_dim3A_2782 = vector.broadcast %jit3A_2781 : f32 to vector<16xf32>
    %select_n3A_2783 = arith.select %eq3A_2780, %broadcast_in_dim3A_2782, %div3A_2680 : vector<16xi1>, vector<16xf32>
    %eq3A_2784 = arith.constant 6 : i32
    %eq3A_2785 = vector.broadcast %eq3A_2784 : i32 to vector<16xi32>
    %eq3A_2786 = arith.cmpi eq, %min3A_2747, %eq3A_2785 : vector<16xi32>
    %jit3A_2787 = arith.constant -1.000000e+00 : f32
    %broadcast_in_dim3A_2788 = vector.broadcast %jit3A_2787 : f32 to vector<16xf32>
    %select_n3A_2789 = arith.select %eq3A_2786, %broadcast_in_dim3A_2788, %div3A_2681 : vector<16xi1>, vector<16xf32>
    %eq3A_2790 = arith.constant 7 : i32
    %eq3A_2791 = vector.broadcast %eq3A_2790 : i32 to vector<16xi32>
    %eq3A_2792 = arith.cmpi eq, %min3A_2747, %eq3A_2791 : vector<16xi32>
    %jit3A_2793 = arith.constant -1.000000e+00 : f32
    %broadcast_in_dim3A_2794 = vector.broadcast %jit3A_2793 : f32 to vector<16xf32>
    %select_n3A_2795 = arith.select %eq3A_2792, %broadcast_in_dim3A_2794, %div3A_2682 : vector<16xi1>, vector<16xf32>
    %max3A_2796 = arith.maximumf %select_n3A_2753, %select_n3A_2759 : vector<16xf32>
    %max3A_2797 = arith.maximumf %max3A_2796, %select_n3A_2765 : vector<16xf32>
    %max3A_2798 = arith.maximumf %max3A_2797, %select_n3A_2771 : vector<16xf32>
    %max3A_2799 = arith.maximumf %max3A_2798, %select_n3A_2777 : vector<16xf32>
    %max3A_2800 = arith.maximumf %max3A_2799, %select_n3A_2783 : vector<16xf32>
    %max3A_2801 = arith.maximumf %max3A_2800, %select_n3A_2789 : vector<16xf32>
    %max3A_2802 = arith.maximumf %max3A_2801, %select_n3A_2795 : vector<16xf32>
    %broadcast_in_dim3A_2803 = arith.constant 8 : i32
    %broadcast_in_dim3A_2804 = vector.broadcast %broadcast_in_dim3A_2803 : i32 to vector<16xi32>
    %eq3A_2805 = arith.cmpf oeq, %select_n3A_2753, %max3A_2802 : vector<16xf32>
    %jit3A_2806 = arith.constant 0 : i32
    %jit3A_2807 = arith.constant 8 : i32
    %broadcast_in_dim3A_2808 = vector.broadcast %jit3A_2806 : i32 to vector<16xi32>
    %broadcast_in_dim3A_2809 = vector.broadcast %jit3A_2807 : i32 to vector<16xi32>
    %select_n3A_2810 = arith.select %eq3A_2805, %broadcast_in_dim3A_2808, %broadcast_in_dim3A_2809 : vector<16xi1>, vector<16xi32>
    %min3A_2811 = arith.minsi %broadcast_in_dim3A_2804, %select_n3A_2810 : vector<16xi32>
    %eq3A_2812 = arith.cmpf oeq, %select_n3A_2759, %max3A_2802 : vector<16xf32>
    %jit3A_2813 = arith.constant 1 : i32
    %jit3A_2814 = arith.constant 8 : i32
    %broadcast_in_dim3A_2815 = vector.broadcast %jit3A_2813 : i32 to vector<16xi32>
    %broadcast_in_dim3A_2816 = vector.broadcast %jit3A_2814 : i32 to vector<16xi32>
    %select_n3A_2817 = arith.select %eq3A_2812, %broadcast_in_dim3A_2815, %broadcast_in_dim3A_2816 : vector<16xi1>, vector<16xi32>
    %min3A_2818 = arith.minsi %min3A_2811, %select_n3A_2817 : vector<16xi32>
    %eq3A_2819 = arith.cmpf oeq, %select_n3A_2765, %max3A_2802 : vector<16xf32>
    %jit3A_2820 = arith.constant 2 : i32
    %jit3A_2821 = arith.constant 8 : i32
    %broadcast_in_dim3A_2822 = vector.broadcast %jit3A_2820 : i32 to vector<16xi32>
    %broadcast_in_dim3A_2823 = vector.broadcast %jit3A_2821 : i32 to vector<16xi32>
    %select_n3A_2824 = arith.select %eq3A_2819, %broadcast_in_dim3A_2822, %broadcast_in_dim3A_2823 : vector<16xi1>, vector<16xi32>
    %min3A_2825 = arith.minsi %min3A_2818, %select_n3A_2824 : vector<16xi32>
    %eq3A_2826 = arith.cmpf oeq, %select_n3A_2771, %max3A_2802 : vector<16xf32>
    %jit3A_2827 = arith.constant 3 : i32
    %jit3A_2828 = arith.constant 8 : i32
    %broadcast_in_dim3A_2829 = vector.broadcast %jit3A_2827 : i32 to vector<16xi32>
    %broadcast_in_dim3A_2830 = vector.broadcast %jit3A_2828 : i32 to vector<16xi32>
    %select_n3A_2831 = arith.select %eq3A_2826, %broadcast_in_dim3A_2829, %broadcast_in_dim3A_2830 : vector<16xi1>, vector<16xi32>
    %min3A_2832 = arith.minsi %min3A_2825, %select_n3A_2831 : vector<16xi32>
    %eq3A_2833 = arith.cmpf oeq, %select_n3A_2777, %max3A_2802 : vector<16xf32>
    %jit3A_2834 = arith.constant 4 : i32
    %jit3A_2835 = arith.constant 8 : i32
    %broadcast_in_dim3A_2836 = vector.broadcast %jit3A_2834 : i32 to vector<16xi32>
    %broadcast_in_dim3A_2837 = vector.broadcast %jit3A_2835 : i32 to vector<16xi32>
    %select_n3A_2838 = arith.select %eq3A_2833, %broadcast_in_dim3A_2836, %broadcast_in_dim3A_2837 : vector<16xi1>, vector<16xi32>
    %min3A_2839 = arith.minsi %min3A_2832, %select_n3A_2838 : vector<16xi32>
    %eq3A_2840 = arith.cmpf oeq, %select_n3A_2783, %max3A_2802 : vector<16xf32>
    %jit3A_2841 = arith.constant 5 : i32
    %jit3A_2842 = arith.constant 8 : i32
    %broadcast_in_dim3A_2843 = vector.broadcast %jit3A_2841 : i32 to vector<16xi32>
    %broadcast_in_dim3A_2844 = vector.broadcast %jit3A_2842 : i32 to vector<16xi32>
    %select_n3A_2845 = arith.select %eq3A_2840, %broadcast_in_dim3A_2843, %broadcast_in_dim3A_2844 : vector<16xi1>, vector<16xi32>
    %min3A_2846 = arith.minsi %min3A_2839, %select_n3A_2845 : vector<16xi32>
    %eq3A_2847 = arith.cmpf oeq, %select_n3A_2789, %max3A_2802 : vector<16xf32>
    %jit3A_2848 = arith.constant 6 : i32
    %jit3A_2849 = arith.constant 8 : i32
    %broadcast_in_dim3A_2850 = vector.broadcast %jit3A_2848 : i32 to vector<16xi32>
    %broadcast_in_dim3A_2851 = vector.broadcast %jit3A_2849 : i32 to vector<16xi32>
    %select_n3A_2852 = arith.select %eq3A_2847, %broadcast_in_dim3A_2850, %broadcast_in_dim3A_2851 : vector<16xi1>, vector<16xi32>
    %min3A_2853 = arith.minsi %min3A_2846, %select_n3A_2852 : vector<16xi32>
    %eq3A_2854 = arith.cmpf oeq, %select_n3A_2795, %max3A_2802 : vector<16xf32>
    %jit3A_2855 = arith.constant 7 : i32
    %jit3A_2856 = arith.constant 8 : i32
    %broadcast_in_dim3A_2857 = vector.broadcast %jit3A_2855 : i32 to vector<16xi32>
    %broadcast_in_dim3A_2858 = vector.broadcast %jit3A_2856 : i32 to vector<16xi32>
    %select_n3A_2859 = arith.select %eq3A_2854, %broadcast_in_dim3A_2857, %broadcast_in_dim3A_2858 : vector<16xi1>, vector<16xi32>
    %min3A_2860 = arith.minsi %min3A_2853, %select_n3A_2859 : vector<16xi32>
    %eq3A_2861 = arith.constant 0 : i32
    %eq3A_2862 = vector.broadcast %eq3A_2861 : i32 to vector<16xi32>
    %eq3A_2863 = arith.cmpi eq, %min3A_2747, %eq3A_2862 : vector<16xi32>
    %eq3A_2864 = arith.constant 0 : i32
    %eq3A_2865 = vector.broadcast %eq3A_2864 : i32 to vector<16xi32>
    %eq3A_2866 = arith.cmpi eq, %min3A_2860, %eq3A_2865 : vector<16xi32>
    %or3A_2867 = arith.ori %eq3A_2863, %eq3A_2866 : vector<16xi1>
    %jit3A_2868 = arith.constant 0.000000e+00 : f32
    %broadcast_in_dim3A_2869 = vector.broadcast %jit3A_2868 : f32 to vector<16xf32>
    %select_n3A_2870 = arith.select %or3A_2867, %div3A_2675, %broadcast_in_dim3A_2869 : vector<16xi1>, vector<16xf32>
    %swap3A_2871 = arith.constant 0 : i32
    %swap3A_2872 = arith.index_cast %swap3A_2871 : i32 to index
    %swap3A_2873 = arith.constant 96 : index
    %swap3A_2874 = tpu.vector_load %arg6[%swap3A_2872, %swap3A_2873] {strides = array<i32>} : memref<8x128xf32, #tpu.memory_space<vmem>>, vector<1x16xf32>,
    %swap3A_2875 = vector.shape_cast %swap3A_2874 : vector<1x16xf32> to vector<16xf32>
    %swap3A_2876 = vector.shape_cast %select_n3A_2870 : vector<16xf32> to vector<1x16xf32>
    tpu.vector_store %arg6[%swap3A_2872, %swap3A_2873], %swap3A_2876 {strides = array<i32>} : memref<8x128xf32, #tpu.memory_space<vmem>>, vector<1x16xf32>,
    %jit3A_2877 = arith.constant 1 : i32
    %jit3A_2878 = arith.constant 0 : i32
    %broadcast_in_dim3A_2879 = vector.broadcast %jit3A_2877 : i32 to vector<16xi32>
    %broadcast_in_dim3A_2880 = vector.broadcast %jit3A_2878 : i32 to vector<16xi32>
    %select_n3A_2881 = arith.select %or3A_2867, %broadcast_in_dim3A_2879, %broadcast_in_dim3A_2880 : vector<16xi1>, vector<16xi32>
    %add3A_2882 = arith.addi %add3A_2450, %select_n3A_2881 : vector<16xi32>
    %eq3A_2883 = arith.constant 1 : i32
    %eq3A_2884 = vector.broadcast %eq3A_2883 : i32 to vector<16xi32>
    %eq3A_2885 = arith.cmpi eq, %min3A_2747, %eq3A_2884 : vector<16xi32>
    %eq3A_2886 = arith.constant 1 : i32
    %eq3A_2887 = vector.broadcast %eq3A_2886 : i32 to vector<16xi32>
    %eq3A_2888 = arith.cmpi eq, %min3A_2860, %eq3A_2887 : vector<16xi32>
    %or3A_2889 = arith.ori %eq3A_2885, %eq3A_2888 : vector<16xi1>
    %jit3A_2890 = arith.constant 0.000000e+00 : f32
    %broadcast_in_dim3A_2891 = vector.broadcast %jit3A_2890 : f32 to vector<16xf32>
    %select_n3A_2892 = arith.select %or3A_2889, %div3A_2676, %broadcast_in_dim3A_2891 : vector<16xi1>, vector<16xf32>
    %swap3A_2893 = arith.constant 1 : i32
    %swap3A_2894 = arith.index_cast %swap3A_2893 : i32 to index
    %swap3A_2895 = arith.constant 96 : index
    %swap3A_2896 = tpu.vector_load %arg6[%swap3A_2894, %swap3A_2895] {strides = array<i32>} : memref<8x128xf32, #tpu.memory_space<vmem>>, vector<1x16xf32>,
    %swap3A_2897 = vector.shape_cast %swap3A_2896 : vector<1x16xf32> to vector<16xf32>
    %swap3A_2898 = vector.shape_cast %select_n3A_2892 : vector<16xf32> to vector<1x16xf32>
    tpu.vector_store %arg6[%swap3A_2894, %swap3A_2895], %swap3A_2898 {strides = array<i32>} : memref<8x128xf32, #tpu.memory_space<vmem>>, vector<1x16xf32>,
    %jit3A_2899 = arith.constant 1 : i32
    %jit3A_2900 = arith.constant 0 : i32
    %broadcast_in_dim3A_2901 = vector.broadcast %jit3A_2899 : i32 to vector<16xi32>
    %broadcast_in_dim3A_2902 = vector.broadcast %jit3A_2900 : i32 to vector<16xi32>
    %select_n3A_2903 = arith.select %or3A_2889, %broadcast_in_dim3A_2901, %broadcast_in_dim3A_2902 : vector<16xi1>, vector<16xi32>
    %add3A_2904 = arith.addi %add3A_2472, %select_n3A_2903 : vector<16xi32>
    %eq3A_2905 = arith.constant 2 : i32
    %eq3A_2906 = vector.broadcast %eq3A_2905 : i32 to vector<16xi32>
    %eq3A_2907 = arith.cmpi eq, %min3A_2747, %eq3A_2906 : vector<16xi32>
    %eq3A_2908 = arith.constant 2 : i32
    %eq3A_2909 = vector.broadcast %eq3A_2908 : i32 to vector<16xi32>
    %eq3A_2910 = arith.cmpi eq, %min3A_2860, %eq3A_2909 : vector<16xi32>
    %or3A_2911 = arith.ori %eq3A_2907, %eq3A_2910 : vector<16xi1>
    %jit3A_2912 = arith.constant 0.000000e+00 : f32
    %broadcast_in_dim3A_2913 = vector.broadcast %jit3A_2912 : f32 to vector<16xf32>
    %select_n3A_2914 = arith.select %or3A_2911, %div3A_2677, %broadcast_in_dim3A_2913 : vector<16xi1>, vector<16xf32>
    %swap3A_2915 = arith.constant 2 : i32
    %swap3A_2916 = arith.index_cast %swap3A_2915 : i32 to index
    %swap3A_2917 = arith.constant 96 : index
    %swap3A_2918 = tpu.vector_load %arg6[%swap3A_2916, %swap3A_2917] {strides = array<i32>} : memref<8x128xf32, #tpu.memory_space<vmem>>, vector<1x16xf32>,
    %swap3A_2919 = vector.shape_cast %swap3A_2918 : vector<1x16xf32> to vector<16xf32>
    %swap3A_2920 = vector.shape_cast %select_n3A_2914 : vector<16xf32> to vector<1x16xf32>
    tpu.vector_store %arg6[%swap3A_2916, %swap3A_2917], %swap3A_2920 {strides = array<i32>} : memref<8x128xf32, #tpu.memory_space<vmem>>, vector<1x16xf32>,
    %jit3A_2921 = arith.constant 1 : i32
    %jit3A_2922 = arith.constant 0 : i32
    %broadcast_in_dim3A_2923 = vector.broadcast %jit3A_2921 : i32 to vector<16xi32>
    %broadcast_in_dim3A_2924 = vector.broadcast %jit3A_2922 : i32 to vector<16xi32>
    %select_n3A_2925 = arith.select %or3A_2911, %broadcast_in_dim3A_2923, %broadcast_in_dim3A_2924 : vector<16xi1>, vector<16xi32>
    %add3A_2926 = arith.addi %add3A_2494, %select_n3A_2925 : vector<16xi32>
    %eq3A_2927 = arith.constant 3 : i32
    %eq3A_2928 = vector.broadcast %eq3A_2927 : i32 to vector<16xi32>
    %eq3A_2929 = arith.cmpi eq, %min3A_2747, %eq3A_2928 : vector<16xi32>
    %eq3A_2930 = arith.constant 3 : i32
    %eq3A_2931 = vector.broadcast %eq3A_2930 : i32 to vector<16xi32>
    %eq3A_2932 = arith.cmpi eq, %min3A_2860, %eq3A_2931 : vector<16xi32>
    %or3A_2933 = arith.ori %eq3A_2929, %eq3A_2932 : vector<16xi1>
    %jit3A_2934 = arith.constant 0.000000e+00 : f32
    %broadcast_in_dim3A_2935 = vector.broadcast %jit3A_2934 : f32 to vector<16xf32>
    %select_n3A_2936 = arith.select %or3A_2933, %div3A_2678, %broadcast_in_dim3A_2935 : vector<16xi1>, vector<16xf32>
    %swap3A_2937 = arith.constant 3 : i32
    %swap3A_2938 = arith.index_cast %swap3A_2937 : i32 to index
    %swap3A_2939 = arith.constant 96 : index
    %swap3A_2940 = tpu.vector_load %arg6[%swap3A_2938, %swap3A_2939] {strides = array<i32>} : memref<8x128xf32, #tpu.memory_space<vmem>>, vector<1x16xf32>,
    %swap3A_2941 = vector.shape_cast %swap3A_2940 : vector<1x16xf32> to vector<16xf32>
    %swap3A_2942 = vector.shape_cast %select_n3A_2936 : vector<16xf32> to vector<1x16xf32>
    tpu.vector_store %arg6[%swap3A_2938, %swap3A_2939], %swap3A_2942 {strides = array<i32>} : memref<8x128xf32, #tpu.memory_space<vmem>>, vector<1x16xf32>,
    %jit3A_2943 = arith.constant 1 : i32
    %jit3A_2944 = arith.constant 0 : i32
    %broadcast_in_dim3A_2945 = vector.broadcast %jit3A_2943 : i32 to vector<16xi32>
    %broadcast_in_dim3A_2946 = vector.broadcast %jit3A_2944 : i32 to vector<16xi32>
    %select_n3A_2947 = arith.select %or3A_2933, %broadcast_in_dim3A_2945, %broadcast_in_dim3A_2946 : vector<16xi1>, vector<16xi32>
    %add3A_2948 = arith.addi %add3A_2516, %select_n3A_2947 : vector<16xi32>
    %eq3A_2949 = arith.constant 4 : i32
    %eq3A_2950 = vector.broadcast %eq3A_2949 : i32 to vector<16xi32>
    %eq3A_2951 = arith.cmpi eq, %min3A_2747, %eq3A_2950 : vector<16xi32>
    %eq3A_2952 = arith.constant 4 : i32
    %eq3A_2953 = vector.broadcast %eq3A_2952 : i32 to vector<16xi32>
    %eq3A_2954 = arith.cmpi eq, %min3A_2860, %eq3A_2953 : vector<16xi32>
    %or3A_2955 = arith.ori %eq3A_2951, %eq3A_2954 : vector<16xi1>
    %jit3A_2956 = arith.constant 0.000000e+00 : f32
    %broadcast_in_dim3A_2957 = vector.broadcast %jit3A_2956 : f32 to vector<16xf32>
    %select_n3A_2958 = arith.select %or3A_2955, %div3A_2679, %broadcast_in_dim3A_2957 : vector<16xi1>, vector<16xf32>
    %swap3A_2959 = arith.constant 4 : i32
    %swap3A_2960 = arith.index_cast %swap3A_2959 : i32 to index
    %swap3A_2961 = arith.constant 96 : index
    %swap3A_2962 = tpu.vector_load %arg6[%swap3A_2960, %swap3A_2961] {strides = array<i32>} : memref<8x128xf32, #tpu.memory_space<vmem>>, vector<1x16xf32>,
    %swap3A_2963 = vector.shape_cast %swap3A_2962 : vector<1x16xf32> to vector<16xf32>
    %swap3A_2964 = vector.shape_cast %select_n3A_2958 : vector<16xf32> to vector<1x16xf32>
    tpu.vector_store %arg6[%swap3A_2960, %swap3A_2961], %swap3A_2964 {strides = array<i32>} : memref<8x128xf32, #tpu.memory_space<vmem>>, vector<1x16xf32>,
    %jit3A_2965 = arith.constant 1 : i32
    %jit3A_2966 = arith.constant 0 : i32
    %broadcast_in_dim3A_2967 = vector.broadcast %jit3A_2965 : i32 to vector<16xi32>
    %broadcast_in_dim3A_2968 = vector.broadcast %jit3A_2966 : i32 to vector<16xi32>
    %select_n3A_2969 = arith.select %or3A_2955, %broadcast_in_dim3A_2967, %broadcast_in_dim3A_2968 : vector<16xi1>, vector<16xi32>
    %add3A_2970 = arith.addi %add3A_2538, %select_n3A_2969 : vector<16xi32>
    %eq3A_2971 = arith.constant 5 : i32
    %eq3A_2972 = vector.broadcast %eq3A_2971 : i32 to vector<16xi32>
    %eq3A_2973 = arith.cmpi eq, %min3A_2747, %eq3A_2972 : vector<16xi32>
    %eq3A_2974 = arith.constant 5 : i32
    %eq3A_2975 = vector.broadcast %eq3A_2974 : i32 to vector<16xi32>
    %eq3A_2976 = arith.cmpi eq, %min3A_2860, %eq3A_2975 : vector<16xi32>
    %or3A_2977 = arith.ori %eq3A_2973, %eq3A_2976 : vector<16xi1>
    %jit3A_2978 = arith.constant 0.000000e+00 : f32
    %broadcast_in_dim3A_2979 = vector.broadcast %jit3A_2978 : f32 to vector<16xf32>
    %select_n3A_2980 = arith.select %or3A_2977, %div3A_2680, %broadcast_in_dim3A_2979 : vector<16xi1>, vector<16xf32>
    %swap3A_2981 = arith.constant 5 : i32
    %swap3A_2982 = arith.index_cast %swap3A_2981 : i32 to index
    %swap3A_2983 = arith.constant 96 : index
    %swap3A_2984 = tpu.vector_load %arg6[%swap3A_2982, %swap3A_2983] {strides = array<i32>} : memref<8x128xf32, #tpu.memory_space<vmem>>, vector<1x16xf32>,
    %swap3A_2985 = vector.shape_cast %swap3A_2984 : vector<1x16xf32> to vector<16xf32>
    %swap3A_2986 = vector.shape_cast %select_n3A_2980 : vector<16xf32> to vector<1x16xf32>
    tpu.vector_store %arg6[%swap3A_2982, %swap3A_2983], %swap3A_2986 {strides = array<i32>} : memref<8x128xf32, #tpu.memory_space<vmem>>, vector<1x16xf32>,
    %jit3A_2987 = arith.constant 1 : i32
    %jit3A_2988 = arith.constant 0 : i32
    %broadcast_in_dim3A_2989 = vector.broadcast %jit3A_2987 : i32 to vector<16xi32>
    %broadcast_in_dim3A_2990 = vector.broadcast %jit3A_2988 : i32 to vector<16xi32>
    %select_n3A_2991 = arith.select %or3A_2977, %broadcast_in_dim3A_2989, %broadcast_in_dim3A_2990 : vector<16xi1>, vector<16xi32>
    %add3A_2992 = arith.addi %add3A_2560, %select_n3A_2991 : vector<16xi32>
    %eq3A_2993 = arith.constant 6 : i32
    %eq3A_2994 = vector.broadcast %eq3A_2993 : i32 to vector<16xi32>
    %eq3A_2995 = arith.cmpi eq, %min3A_2747, %eq3A_2994 : vector<16xi32>
    %eq3A_2996 = arith.constant 6 : i32
    %eq3A_2997 = vector.broadcast %eq3A_2996 : i32 to vector<16xi32>
    %eq3A_2998 = arith.cmpi eq, %min3A_2860, %eq3A_2997 : vector<16xi32>
    %or3A_2999 = arith.ori %eq3A_2995, %eq3A_2998 : vector<16xi1>
    %jit3A_3000 = arith.constant 0.000000e+00 : f32
    %broadcast_in_dim3A_3001 = vector.broadcast %jit3A_3000 : f32 to vector<16xf32>
    %select_n3A_3002 = arith.select %or3A_2999, %div3A_2681, %broadcast_in_dim3A_3001 : vector<16xi1>, vector<16xf32>
    %swap3A_3003 = arith.constant 6 : i32
    %swap3A_3004 = arith.index_cast %swap3A_3003 : i32 to index
    %swap3A_3005 = arith.constant 96 : index
    %swap3A_3006 = tpu.vector_load %arg6[%swap3A_3004, %swap3A_3005] {strides = array<i32>} : memref<8x128xf32, #tpu.memory_space<vmem>>, vector<1x16xf32>,
    %swap3A_3007 = vector.shape_cast %swap3A_3006 : vector<1x16xf32> to vector<16xf32>
    %swap3A_3008 = vector.shape_cast %select_n3A_3002 : vector<16xf32> to vector<1x16xf32>
    tpu.vector_store %arg6[%swap3A_3004, %swap3A_3005], %swap3A_3008 {strides = array<i32>} : memref<8x128xf32, #tpu.memory_space<vmem>>, vector<1x16xf32>,
    %jit3A_3009 = arith.constant 1 : i32
    %jit3A_3010 = arith.constant 0 : i32
    %broadcast_in_dim3A_3011 = vector.broadcast %jit3A_3009 : i32 to vector<16xi32>
    %broadcast_in_dim3A_3012 = vector.broadcast %jit3A_3010 : i32 to vector<16xi32>
    %select_n3A_3013 = arith.select %or3A_2999, %broadcast_in_dim3A_3011, %broadcast_in_dim3A_3012 : vector<16xi1>, vector<16xi32>
    %add3A_3014 = arith.addi %add3A_2582, %select_n3A_3013 : vector<16xi32>
    %eq3A_3015 = arith.constant 7 : i32
    %eq3A_3016 = vector.broadcast %eq3A_3015 : i32 to vector<16xi32>
    %eq3A_3017 = arith.cmpi eq, %min3A_2747, %eq3A_3016 : vector<16xi32>
    %eq3A_3018 = arith.constant 7 : i32
    %eq3A_3019 = vector.broadcast %eq3A_3018 : i32 to vector<16xi32>
    %eq3A_3020 = arith.cmpi eq, %min3A_2860, %eq3A_3019 : vector<16xi32>
    %or3A_3021 = arith.ori %eq3A_3017, %eq3A_3020 : vector<16xi1>
    %jit3A_3022 = arith.constant 0.000000e+00 : f32
    %broadcast_in_dim3A_3023 = vector.broadcast %jit3A_3022 : f32 to vector<16xf32>
    %select_n3A_3024 = arith.select %or3A_3021, %div3A_2682, %broadcast_in_dim3A_3023 : vector<16xi1>, vector<16xf32>
    %swap3A_3025 = arith.constant 7 : i32
    %swap3A_3026 = arith.index_cast %swap3A_3025 : i32 to index
    %swap3A_3027 = arith.constant 96 : index
    %swap3A_3028 = tpu.vector_load %arg6[%swap3A_3026, %swap3A_3027] {strides = array<i32>} : memref<8x128xf32, #tpu.memory_space<vmem>>, vector<1x16xf32>,
    %swap3A_3029 = vector.shape_cast %swap3A_3028 : vector<1x16xf32> to vector<16xf32>
    %swap3A_3030 = vector.shape_cast %select_n3A_3024 : vector<16xf32> to vector<1x16xf32>
    tpu.vector_store %arg6[%swap3A_3026, %swap3A_3027], %swap3A_3030 {strides = array<i32>} : memref<8x128xf32, #tpu.memory_space<vmem>>, vector<1x16xf32>,
    %jit3A_3031 = arith.constant 1 : i32
    %jit3A_3032 = arith.constant 0 : i32
    %broadcast_in_dim3A_3033 = vector.broadcast %jit3A_3031 : i32 to vector<16xi32>
    %broadcast_in_dim3A_3034 = vector.broadcast %jit3A_3032 : i32 to vector<16xi32>
    %select_n3A_3035 = arith.select %or3A_3021, %broadcast_in_dim3A_3033, %broadcast_in_dim3A_3034 : vector<16xi1>, vector<16xi32>
    %add3A_3036 = arith.addi %add3A_2604, %select_n3A_3035 : vector<16xi32>
    %get3A_3037 = arith.constant 0 : i32
    %get3A_3038 = arith.index_cast %get3A_3037 : i32 to index
    %get3A_3039 = arith.constant 112 : index
    %get3A_3040 = tpu.vector_load %arg5[%get3A_3038, %get3A_3039] {strides = array<i32>} : memref<8x128xf32, #tpu.memory_space<vmem>>, vector<1x16xf32>,
    %get3A_3041 = vector.shape_cast %get3A_3040 : vector<1x16xf32> to vector<16xf32>
    %get3A_3042 = arith.constant 1 : i32
    %get3A_3043 = arith.index_cast %get3A_3042 : i32 to index
    %get3A_3044 = arith.constant 112 : index
    %get3A_3045 = tpu.vector_load %arg5[%get3A_3043, %get3A_3044] {strides = array<i32>} : memref<8x128xf32, #tpu.memory_space<vmem>>, vector<1x16xf32>,
    %get3A_3046 = vector.shape_cast %get3A_3045 : vector<1x16xf32> to vector<16xf32>
    %get3A_3047 = arith.constant 2 : i32
    %get3A_3048 = arith.index_cast %get3A_3047 : i32 to index
    %get3A_3049 = arith.constant 112 : index
    %get3A_3050 = tpu.vector_load %arg5[%get3A_3048, %get3A_3049] {strides = array<i32>} : memref<8x128xf32, #tpu.memory_space<vmem>>, vector<1x16xf32>,
    %get3A_3051 = vector.shape_cast %get3A_3050 : vector<1x16xf32> to vector<16xf32>
    %get3A_3052 = arith.constant 3 : i32
    %get3A_3053 = arith.index_cast %get3A_3052 : i32 to index
    %get3A_3054 = arith.constant 112 : index
    %get3A_3055 = tpu.vector_load %arg5[%get3A_3053, %get3A_3054] {strides = array<i32>} : memref<8x128xf32, #tpu.memory_space<vmem>>, vector<1x16xf32>,
    %get3A_3056 = vector.shape_cast %get3A_3055 : vector<1x16xf32> to vector<16xf32>
    %get3A_3057 = arith.constant 4 : i32
    %get3A_3058 = arith.index_cast %get3A_3057 : i32 to index
    %get3A_3059 = arith.constant 112 : index
    %get3A_3060 = tpu.vector_load %arg5[%get3A_3058, %get3A_3059] {strides = array<i32>} : memref<8x128xf32, #tpu.memory_space<vmem>>, vector<1x16xf32>,
    %get3A_3061 = vector.shape_cast %get3A_3060 : vector<1x16xf32> to vector<16xf32>
    %get3A_3062 = arith.constant 5 : i32
    %get3A_3063 = arith.index_cast %get3A_3062 : i32 to index
    %get3A_3064 = arith.constant 112 : index
    %get3A_3065 = tpu.vector_load %arg5[%get3A_3063, %get3A_3064] {strides = array<i32>} : memref<8x128xf32, #tpu.memory_space<vmem>>, vector<1x16xf32>,
    %get3A_3066 = vector.shape_cast %get3A_3065 : vector<1x16xf32> to vector<16xf32>
    %get3A_3067 = arith.constant 6 : i32
    %get3A_3068 = arith.index_cast %get3A_3067 : i32 to index
    %get3A_3069 = arith.constant 112 : index
    %get3A_3070 = tpu.vector_load %arg5[%get3A_3068, %get3A_3069] {strides = array<i32>} : memref<8x128xf32, #tpu.memory_space<vmem>>, vector<1x16xf32>,
    %get3A_3071 = vector.shape_cast %get3A_3070 : vector<1x16xf32> to vector<16xf32>
    %get3A_3072 = arith.constant 7 : i32
    %get3A_3073 = arith.index_cast %get3A_3072 : i32 to index
    %get3A_3074 = arith.constant 112 : index
    %get3A_3075 = tpu.vector_load %arg5[%get3A_3073, %get3A_3074] {strides = array<i32>} : memref<8x128xf32, #tpu.memory_space<vmem>>, vector<1x16xf32>,
    %get3A_3076 = vector.shape_cast %get3A_3075 : vector<1x16xf32> to vector<16xf32>
    %max3A_3077 = arith.maximumf %get3A_3041, %get3A_3046 : vector<16xf32>
    %max3A_3078 = arith.maximumf %max3A_3077, %get3A_3051 : vector<16xf32>
    %max3A_3079 = arith.maximumf %max3A_3078, %get3A_3056 : vector<16xf32>
    %max3A_3080 = arith.maximumf %max3A_3079, %get3A_3061 : vector<16xf32>
    %max3A_3081 = arith.maximumf %max3A_3080, %get3A_3066 : vector<16xf32>
    %max3A_3082 = arith.maximumf %max3A_3081, %get3A_3071 : vector<16xf32>
    %max3A_3083 = arith.maximumf %max3A_3082, %get3A_3076 : vector<16xf32>
    %sub3A_3084 = arith.subf %get3A_3041, %max3A_3083 : vector<16xf32>
    %exp3A_3085 = math.exp %sub3A_3084 : vector<16xf32>
    %sub3A_3086 = arith.subf %get3A_3046, %max3A_3083 : vector<16xf32>
    %exp3A_3087 = math.exp %sub3A_3086 : vector<16xf32>
    %sub3A_3088 = arith.subf %get3A_3051, %max3A_3083 : vector<16xf32>
    %exp3A_3089 = math.exp %sub3A_3088 : vector<16xf32>
    %sub3A_3090 = arith.subf %get3A_3056, %max3A_3083 : vector<16xf32>
    %exp3A_3091 = math.exp %sub3A_3090 : vector<16xf32>
    %sub3A_3092 = arith.subf %get3A_3061, %max3A_3083 : vector<16xf32>
    %exp3A_3093 = math.exp %sub3A_3092 : vector<16xf32>
    %sub3A_3094 = arith.subf %get3A_3066, %max3A_3083 : vector<16xf32>
    %exp3A_3095 = math.exp %sub3A_3094 : vector<16xf32>
    %sub3A_3096 = arith.subf %get3A_3071, %max3A_3083 : vector<16xf32>
    %exp3A_3097 = math.exp %sub3A_3096 : vector<16xf32>
    %sub3A_3098 = arith.subf %get3A_3076, %max3A_3083 : vector<16xf32>
    %exp3A_3099 = math.exp %sub3A_3098 : vector<16xf32>
    %add3A_3100 = arith.addf %exp3A_3085, %exp3A_3087 : vector<16xf32>
    %add3A_3101 = arith.addf %add3A_3100, %exp3A_3089 : vector<16xf32>
    %add3A_3102 = arith.addf %add3A_3101, %exp3A_3091 : vector<16xf32>
    %add3A_3103 = arith.addf %add3A_3102, %exp3A_3093 : vector<16xf32>
    %add3A_3104 = arith.addf %add3A_3103, %exp3A_3095 : vector<16xf32>
    %add3A_3105 = arith.addf %add3A_3104, %exp3A_3097 : vector<16xf32>
    %add3A_3106 = arith.addf %add3A_3105, %exp3A_3099 : vector<16xf32>
    %div3A_3107 = arith.divf %exp3A_3085, %add3A_3106 : vector<16xf32>
    %div3A_3108 = arith.divf %exp3A_3087, %add3A_3106 : vector<16xf32>
    %div3A_3109 = arith.divf %exp3A_3089, %add3A_3106 : vector<16xf32>
    %div3A_3110 = arith.divf %exp3A_3091, %add3A_3106 : vector<16xf32>
    %div3A_3111 = arith.divf %exp3A_3093, %add3A_3106 : vector<16xf32>
    %div3A_3112 = arith.divf %exp3A_3095, %add3A_3106 : vector<16xf32>
    %div3A_3113 = arith.divf %exp3A_3097, %add3A_3106 : vector<16xf32>
    %div3A_3114 = arith.divf %exp3A_3099, %add3A_3106 : vector<16xf32>
    %max3A_3115 = arith.maximumf %div3A_3107, %div3A_3108 : vector<16xf32>
    %max3A_3116 = arith.maximumf %max3A_3115, %div3A_3109 : vector<16xf32>
    %max3A_3117 = arith.maximumf %max3A_3116, %div3A_3110 : vector<16xf32>
    %max3A_3118 = arith.maximumf %max3A_3117, %div3A_3111 : vector<16xf32>
    %max3A_3119 = arith.maximumf %max3A_3118, %div3A_3112 : vector<16xf32>
    %max3A_3120 = arith.maximumf %max3A_3119, %div3A_3113 : vector<16xf32>
    %max3A_3121 = arith.maximumf %max3A_3120, %div3A_3114 : vector<16xf32>
    %broadcast_in_dim3A_3122 = arith.constant 8 : i32
    %broadcast_in_dim3A_3123 = vector.broadcast %broadcast_in_dim3A_3122 : i32 to vector<16xi32>
    %eq3A_3124 = arith.cmpf oeq, %div3A_3107, %max3A_3121 : vector<16xf32>
    %jit3A_3125 = arith.constant 0 : i32
    %jit3A_3126 = arith.constant 8 : i32
    %broadcast_in_dim3A_3127 = vector.broadcast %jit3A_3125 : i32 to vector<16xi32>
    %broadcast_in_dim3A_3128 = vector.broadcast %jit3A_3126 : i32 to vector<16xi32>
    %select_n3A_3129 = arith.select %eq3A_3124, %broadcast_in_dim3A_3127, %broadcast_in_dim3A_3128 : vector<16xi1>, vector<16xi32>
    %min3A_3130 = arith.minsi %broadcast_in_dim3A_3123, %select_n3A_3129 : vector<16xi32>
    %eq3A_3131 = arith.cmpf oeq, %div3A_3108, %max3A_3121 : vector<16xf32>
    %jit3A_3132 = arith.constant 1 : i32
    %jit3A_3133 = arith.constant 8 : i32
    %broadcast_in_dim3A_3134 = vector.broadcast %jit3A_3132 : i32 to vector<16xi32>
    %broadcast_in_dim3A_3135 = vector.broadcast %jit3A_3133 : i32 to vector<16xi32>
    %select_n3A_3136 = arith.select %eq3A_3131, %broadcast_in_dim3A_3134, %broadcast_in_dim3A_3135 : vector<16xi1>, vector<16xi32>
    %min3A_3137 = arith.minsi %min3A_3130, %select_n3A_3136 : vector<16xi32>
    %eq3A_3138 = arith.cmpf oeq, %div3A_3109, %max3A_3121 : vector<16xf32>
    %jit3A_3139 = arith.constant 2 : i32
    %jit3A_3140 = arith.constant 8 : i32
    %broadcast_in_dim3A_3141 = vector.broadcast %jit3A_3139 : i32 to vector<16xi32>
    %broadcast_in_dim3A_3142 = vector.broadcast %jit3A_3140 : i32 to vector<16xi32>
    %select_n3A_3143 = arith.select %eq3A_3138, %broadcast_in_dim3A_3141, %broadcast_in_dim3A_3142 : vector<16xi1>, vector<16xi32>
    %min3A_3144 = arith.minsi %min3A_3137, %select_n3A_3143 : vector<16xi32>
    %eq3A_3145 = arith.cmpf oeq, %div3A_3110, %max3A_3121 : vector<16xf32>
    %jit3A_3146 = arith.constant 3 : i32
    %jit3A_3147 = arith.constant 8 : i32
    %broadcast_in_dim3A_3148 = vector.broadcast %jit3A_3146 : i32 to vector<16xi32>
    %broadcast_in_dim3A_3149 = vector.broadcast %jit3A_3147 : i32 to vector<16xi32>
    %select_n3A_3150 = arith.select %eq3A_3145, %broadcast_in_dim3A_3148, %broadcast_in_dim3A_3149 : vector<16xi1>, vector<16xi32>
    %min3A_3151 = arith.minsi %min3A_3144, %select_n3A_3150 : vector<16xi32>
    %eq3A_3152 = arith.cmpf oeq, %div3A_3111, %max3A_3121 : vector<16xf32>
    %jit3A_3153 = arith.constant 4 : i32
    %jit3A_3154 = arith.constant 8 : i32
    %broadcast_in_dim3A_3155 = vector.broadcast %jit3A_3153 : i32 to vector<16xi32>
    %broadcast_in_dim3A_3156 = vector.broadcast %jit3A_3154 : i32 to vector<16xi32>
    %select_n3A_3157 = arith.select %eq3A_3152, %broadcast_in_dim3A_3155, %broadcast_in_dim3A_3156 : vector<16xi1>, vector<16xi32>
    %min3A_3158 = arith.minsi %min3A_3151, %select_n3A_3157 : vector<16xi32>
    %eq3A_3159 = arith.cmpf oeq, %div3A_3112, %max3A_3121 : vector<16xf32>
    %jit3A_3160 = arith.constant 5 : i32
    %jit3A_3161 = arith.constant 8 : i32
    %broadcast_in_dim3A_3162 = vector.broadcast %jit3A_3160 : i32 to vector<16xi32>
    %broadcast_in_dim3A_3163 = vector.broadcast %jit3A_3161 : i32 to vector<16xi32>
    %select_n3A_3164 = arith.select %eq3A_3159, %broadcast_in_dim3A_3162, %broadcast_in_dim3A_3163 : vector<16xi1>, vector<16xi32>
    %min3A_3165 = arith.minsi %min3A_3158, %select_n3A_3164 : vector<16xi32>
    %eq3A_3166 = arith.cmpf oeq, %div3A_3113, %max3A_3121 : vector<16xf32>
    %jit3A_3167 = arith.constant 6 : i32
    %jit3A_3168 = arith.constant 8 : i32
    %broadcast_in_dim3A_3169 = vector.broadcast %jit3A_3167 : i32 to vector<16xi32>
    %broadcast_in_dim3A_3170 = vector.broadcast %jit3A_3168 : i32 to vector<16xi32>
    %select_n3A_3171 = arith.select %eq3A_3166, %broadcast_in_dim3A_3169, %broadcast_in_dim3A_3170 : vector<16xi1>, vector<16xi32>
    %min3A_3172 = arith.minsi %min3A_3165, %select_n3A_3171 : vector<16xi32>
    %eq3A_3173 = arith.cmpf oeq, %div3A_3114, %max3A_3121 : vector<16xf32>
    %jit3A_3174 = arith.constant 7 : i32
    %jit3A_3175 = arith.constant 8 : i32
    %broadcast_in_dim3A_3176 = vector.broadcast %jit3A_3174 : i32 to vector<16xi32>
    %broadcast_in_dim3A_3177 = vector.broadcast %jit3A_3175 : i32 to vector<16xi32>
    %select_n3A_3178 = arith.select %eq3A_3173, %broadcast_in_dim3A_3176, %broadcast_in_dim3A_3177 : vector<16xi1>, vector<16xi32>
    %min3A_3179 = arith.minsi %min3A_3172, %select_n3A_3178 : vector<16xi32>
    %eq3A_3180 = arith.constant 0 : i32
    %eq3A_3181 = vector.broadcast %eq3A_3180 : i32 to vector<16xi32>
    %eq3A_3182 = arith.cmpi eq, %min3A_3179, %eq3A_3181 : vector<16xi32>
    %jit3A_3183 = arith.constant -1.000000e+00 : f32
    %broadcast_in_dim3A_3184 = vector.broadcast %jit3A_3183 : f32 to vector<16xf32>
    %select_n3A_3185 = arith.select %eq3A_3182, %broadcast_in_dim3A_3184, %div3A_3107 : vector<16xi1>, vector<16xf32>
    %eq3A_3186 = arith.constant 1 : i32
    %eq3A_3187 = vector.broadcast %eq3A_3186 : i32 to vector<16xi32>
    %eq3A_3188 = arith.cmpi eq, %min3A_3179, %eq3A_3187 : vector<16xi32>
    %jit3A_3189 = arith.constant -1.000000e+00 : f32
    %broadcast_in_dim3A_3190 = vector.broadcast %jit3A_3189 : f32 to vector<16xf32>
    %select_n3A_3191 = arith.select %eq3A_3188, %broadcast_in_dim3A_3190, %div3A_3108 : vector<16xi1>, vector<16xf32>
    %eq3A_3192 = arith.constant 2 : i32
    %eq3A_3193 = vector.broadcast %eq3A_3192 : i32 to vector<16xi32>
    %eq3A_3194 = arith.cmpi eq, %min3A_3179, %eq3A_3193 : vector<16xi32>
    %jit3A_3195 = arith.constant -1.000000e+00 : f32
    %broadcast_in_dim3A_3196 = vector.broadcast %jit3A_3195 : f32 to vector<16xf32>
    %select_n3A_3197 = arith.select %eq3A_3194, %broadcast_in_dim3A_3196, %div3A_3109 : vector<16xi1>, vector<16xf32>
    %eq3A_3198 = arith.constant 3 : i32
    %eq3A_3199 = vector.broadcast %eq3A_3198 : i32 to vector<16xi32>
    %eq3A_3200 = arith.cmpi eq, %min3A_3179, %eq3A_3199 : vector<16xi32>
    %jit3A_3201 = arith.constant -1.000000e+00 : f32
    %broadcast_in_dim3A_3202 = vector.broadcast %jit3A_3201 : f32 to vector<16xf32>
    %select_n3A_3203 = arith.select %eq3A_3200, %broadcast_in_dim3A_3202, %div3A_3110 : vector<16xi1>, vector<16xf32>
    %eq3A_3204 = arith.constant 4 : i32
    %eq3A_3205 = vector.broadcast %eq3A_3204 : i32 to vector<16xi32>
    %eq3A_3206 = arith.cmpi eq, %min3A_3179, %eq3A_3205 : vector<16xi32>
    %jit3A_3207 = arith.constant -1.000000e+00 : f32
    %broadcast_in_dim3A_3208 = vector.broadcast %jit3A_3207 : f32 to vector<16xf32>
    %select_n3A_3209 = arith.select %eq3A_3206, %broadcast_in_dim3A_3208, %div3A_3111 : vector<16xi1>, vector<16xf32>
    %eq3A_3210 = arith.constant 5 : i32
    %eq3A_3211 = vector.broadcast %eq3A_3210 : i32 to vector<16xi32>
    %eq3A_3212 = arith.cmpi eq, %min3A_3179, %eq3A_3211 : vector<16xi32>
    %jit3A_3213 = arith.constant -1.000000e+00 : f32
    %broadcast_in_dim3A_3214 = vector.broadcast %jit3A_3213 : f32 to vector<16xf32>
    %select_n3A_3215 = arith.select %eq3A_3212, %broadcast_in_dim3A_3214, %div3A_3112 : vector<16xi1>, vector<16xf32>
    %eq3A_3216 = arith.constant 6 : i32
    %eq3A_3217 = vector.broadcast %eq3A_3216 : i32 to vector<16xi32>
    %eq3A_3218 = arith.cmpi eq, %min3A_3179, %eq3A_3217 : vector<16xi32>
    %jit3A_3219 = arith.constant -1.000000e+00 : f32
    %broadcast_in_dim3A_3220 = vector.broadcast %jit3A_3219 : f32 to vector<16xf32>
    %select_n3A_3221 = arith.select %eq3A_3218, %broadcast_in_dim3A_3220, %div3A_3113 : vector<16xi1>, vector<16xf32>
    %eq3A_3222 = arith.constant 7 : i32
    %eq3A_3223 = vector.broadcast %eq3A_3222 : i32 to vector<16xi32>
    %eq3A_3224 = arith.cmpi eq, %min3A_3179, %eq3A_3223 : vector<16xi32>
    %jit3A_3225 = arith.constant -1.000000e+00 : f32
    %broadcast_in_dim3A_3226 = vector.broadcast %jit3A_3225 : f32 to vector<16xf32>
    %select_n3A_3227 = arith.select %eq3A_3224, %broadcast_in_dim3A_3226, %div3A_3114 : vector<16xi1>, vector<16xf32>
    %max3A_3228 = arith.maximumf %select_n3A_3185, %select_n3A_3191 : vector<16xf32>
    %max3A_3229 = arith.maximumf %max3A_3228, %select_n3A_3197 : vector<16xf32>
    %max3A_3230 = arith.maximumf %max3A_3229, %select_n3A_3203 : vector<16xf32>
    %max3A_3231 = arith.maximumf %max3A_3230, %select_n3A_3209 : vector<16xf32>
    %max3A_3232 = arith.maximumf %max3A_3231, %select_n3A_3215 : vector<16xf32>
    %max3A_3233 = arith.maximumf %max3A_3232, %select_n3A_3221 : vector<16xf32>
    %max3A_3234 = arith.maximumf %max3A_3233, %select_n3A_3227 : vector<16xf32>
    %broadcast_in_dim3A_3235 = arith.constant 8 : i32
    %broadcast_in_dim3A_3236 = vector.broadcast %broadcast_in_dim3A_3235 : i32 to vector<16xi32>
    %eq3A_3237 = arith.cmpf oeq, %select_n3A_3185, %max3A_3234 : vector<16xf32>
    %jit3A_3238 = arith.constant 0 : i32
    %jit3A_3239 = arith.constant 8 : i32
    %broadcast_in_dim3A_3240 = vector.broadcast %jit3A_3238 : i32 to vector<16xi32>
    %broadcast_in_dim3A_3241 = vector.broadcast %jit3A_3239 : i32 to vector<16xi32>
    %select_n3A_3242 = arith.select %eq3A_3237, %broadcast_in_dim3A_3240, %broadcast_in_dim3A_3241 : vector<16xi1>, vector<16xi32>
    %min3A_3243 = arith.minsi %broadcast_in_dim3A_3236, %select_n3A_3242 : vector<16xi32>
    %eq3A_3244 = arith.cmpf oeq, %select_n3A_3191, %max3A_3234 : vector<16xf32>
    %jit3A_3245 = arith.constant 1 : i32
    %jit3A_3246 = arith.constant 8 : i32
    %broadcast_in_dim3A_3247 = vector.broadcast %jit3A_3245 : i32 to vector<16xi32>
    %broadcast_in_dim3A_3248 = vector.broadcast %jit3A_3246 : i32 to vector<16xi32>
    %select_n3A_3249 = arith.select %eq3A_3244, %broadcast_in_dim3A_3247, %broadcast_in_dim3A_3248 : vector<16xi1>, vector<16xi32>
    %min3A_3250 = arith.minsi %min3A_3243, %select_n3A_3249 : vector<16xi32>
    %eq3A_3251 = arith.cmpf oeq, %select_n3A_3197, %max3A_3234 : vector<16xf32>
    %jit3A_3252 = arith.constant 2 : i32
    %jit3A_3253 = arith.constant 8 : i32
    %broadcast_in_dim3A_3254 = vector.broadcast %jit3A_3252 : i32 to vector<16xi32>
    %broadcast_in_dim3A_3255 = vector.broadcast %jit3A_3253 : i32 to vector<16xi32>
    %select_n3A_3256 = arith.select %eq3A_3251, %broadcast_in_dim3A_3254, %broadcast_in_dim3A_3255 : vector<16xi1>, vector<16xi32>
    %min3A_3257 = arith.minsi %min3A_3250, %select_n3A_3256 : vector<16xi32>
    %eq3A_3258 = arith.cmpf oeq, %select_n3A_3203, %max3A_3234 : vector<16xf32>
    %jit3A_3259 = arith.constant 3 : i32
    %jit3A_3260 = arith.constant 8 : i32
    %broadcast_in_dim3A_3261 = vector.broadcast %jit3A_3259 : i32 to vector<16xi32>
    %broadcast_in_dim3A_3262 = vector.broadcast %jit3A_3260 : i32 to vector<16xi32>
    %select_n3A_3263 = arith.select %eq3A_3258, %broadcast_in_dim3A_3261, %broadcast_in_dim3A_3262 : vector<16xi1>, vector<16xi32>
    %min3A_3264 = arith.minsi %min3A_3257, %select_n3A_3263 : vector<16xi32>
    %eq3A_3265 = arith.cmpf oeq, %select_n3A_3209, %max3A_3234 : vector<16xf32>
    %jit3A_3266 = arith.constant 4 : i32
    %jit3A_3267 = arith.constant 8 : i32
    %broadcast_in_dim3A_3268 = vector.broadcast %jit3A_3266 : i32 to vector<16xi32>
    %broadcast_in_dim3A_3269 = vector.broadcast %jit3A_3267 : i32 to vector<16xi32>
    %select_n3A_3270 = arith.select %eq3A_3265, %broadcast_in_dim3A_3268, %broadcast_in_dim3A_3269 : vector<16xi1>, vector<16xi32>
    %min3A_3271 = arith.minsi %min3A_3264, %select_n3A_3270 : vector<16xi32>
    %eq3A_3272 = arith.cmpf oeq, %select_n3A_3215, %max3A_3234 : vector<16xf32>
    %jit3A_3273 = arith.constant 5 : i32
    %jit3A_3274 = arith.constant 8 : i32
    %broadcast_in_dim3A_3275 = vector.broadcast %jit3A_3273 : i32 to vector<16xi32>
    %broadcast_in_dim3A_3276 = vector.broadcast %jit3A_3274 : i32 to vector<16xi32>
    %select_n3A_3277 = arith.select %eq3A_3272, %broadcast_in_dim3A_3275, %broadcast_in_dim3A_3276 : vector<16xi1>, vector<16xi32>
    %min3A_3278 = arith.minsi %min3A_3271, %select_n3A_3277 : vector<16xi32>
    %eq3A_3279 = arith.cmpf oeq, %select_n3A_3221, %max3A_3234 : vector<16xf32>
    %jit3A_3280 = arith.constant 6 : i32
    %jit3A_3281 = arith.constant 8 : i32
    %broadcast_in_dim3A_3282 = vector.broadcast %jit3A_3280 : i32 to vector<16xi32>
    %broadcast_in_dim3A_3283 = vector.broadcast %jit3A_3281 : i32 to vector<16xi32>
    %select_n3A_3284 = arith.select %eq3A_3279, %broadcast_in_dim3A_3282, %broadcast_in_dim3A_3283 : vector<16xi1>, vector<16xi32>
    %min3A_3285 = arith.minsi %min3A_3278, %select_n3A_3284 : vector<16xi32>
    %eq3A_3286 = arith.cmpf oeq, %select_n3A_3227, %max3A_3234 : vector<16xf32>
    %jit3A_3287 = arith.constant 7 : i32
    %jit3A_3288 = arith.constant 8 : i32
    %broadcast_in_dim3A_3289 = vector.broadcast %jit3A_3287 : i32 to vector<16xi32>
    %broadcast_in_dim3A_3290 = vector.broadcast %jit3A_3288 : i32 to vector<16xi32>
    %select_n3A_3291 = arith.select %eq3A_3286, %broadcast_in_dim3A_3289, %broadcast_in_dim3A_3290 : vector<16xi1>, vector<16xi32>
    %min3A_3292 = arith.minsi %min3A_3285, %select_n3A_3291 : vector<16xi32>
    %eq3A_3293 = arith.constant 0 : i32
    %eq3A_3294 = vector.broadcast %eq3A_3293 : i32 to vector<16xi32>
    %eq3A_3295 = arith.cmpi eq, %min3A_3179, %eq3A_3294 : vector<16xi32>
    %eq3A_3296 = arith.constant 0 : i32
    %eq3A_3297 = vector.broadcast %eq3A_3296 : i32 to vector<16xi32>
    %eq3A_3298 = arith.cmpi eq, %min3A_3292, %eq3A_3297 : vector<16xi32>
    %or3A_3299 = arith.ori %eq3A_3295, %eq3A_3298 : vector<16xi1>
    %jit3A_3300 = arith.constant 0.000000e+00 : f32
    %broadcast_in_dim3A_3301 = vector.broadcast %jit3A_3300 : f32 to vector<16xf32>
    %select_n3A_3302 = arith.select %or3A_3299, %div3A_3107, %broadcast_in_dim3A_3301 : vector<16xi1>, vector<16xf32>
    %swap3A_3303 = arith.constant 0 : i32
    %swap3A_3304 = arith.index_cast %swap3A_3303 : i32 to index
    %swap3A_3305 = arith.constant 112 : index
    %swap3A_3306 = tpu.vector_load %arg6[%swap3A_3304, %swap3A_3305] {strides = array<i32>} : memref<8x128xf32, #tpu.memory_space<vmem>>, vector<1x16xf32>,
    %swap3A_3307 = vector.shape_cast %swap3A_3306 : vector<1x16xf32> to vector<16xf32>
    %swap3A_3308 = vector.shape_cast %select_n3A_3302 : vector<16xf32> to vector<1x16xf32>
    tpu.vector_store %arg6[%swap3A_3304, %swap3A_3305], %swap3A_3308 {strides = array<i32>} : memref<8x128xf32, #tpu.memory_space<vmem>>, vector<1x16xf32>,
    %jit3A_3309 = arith.constant 1 : i32
    %jit3A_3310 = arith.constant 0 : i32
    %broadcast_in_dim3A_3311 = vector.broadcast %jit3A_3309 : i32 to vector<16xi32>
    %broadcast_in_dim3A_3312 = vector.broadcast %jit3A_3310 : i32 to vector<16xi32>
    %select_n3A_3313 = arith.select %or3A_3299, %broadcast_in_dim3A_3311, %broadcast_in_dim3A_3312 : vector<16xi1>, vector<16xi32>
    %add3A_3314 = arith.addi %add3A_2882, %select_n3A_3313 : vector<16xi32>
    %eq3A_3315 = arith.constant 1 : i32
    %eq3A_3316 = vector.broadcast %eq3A_3315 : i32 to vector<16xi32>
    %eq3A_3317 = arith.cmpi eq, %min3A_3179, %eq3A_3316 : vector<16xi32>
    %eq3A_3318 = arith.constant 1 : i32
    %eq3A_3319 = vector.broadcast %eq3A_3318 : i32 to vector<16xi32>
    %eq3A_3320 = arith.cmpi eq, %min3A_3292, %eq3A_3319 : vector<16xi32>
    %or3A_3321 = arith.ori %eq3A_3317, %eq3A_3320 : vector<16xi1>
    %jit3A_3322 = arith.constant 0.000000e+00 : f32
    %broadcast_in_dim3A_3323 = vector.broadcast %jit3A_3322 : f32 to vector<16xf32>
    %select_n3A_3324 = arith.select %or3A_3321, %div3A_3108, %broadcast_in_dim3A_3323 : vector<16xi1>, vector<16xf32>
    %swap3A_3325 = arith.constant 1 : i32
    %swap3A_3326 = arith.index_cast %swap3A_3325 : i32 to index
    %swap3A_3327 = arith.constant 112 : index
    %swap3A_3328 = tpu.vector_load %arg6[%swap3A_3326, %swap3A_3327] {strides = array<i32>} : memref<8x128xf32, #tpu.memory_space<vmem>>, vector<1x16xf32>,
    %swap3A_3329 = vector.shape_cast %swap3A_3328 : vector<1x16xf32> to vector<16xf32>
    %swap3A_3330 = vector.shape_cast %select_n3A_3324 : vector<16xf32> to vector<1x16xf32>
    tpu.vector_store %arg6[%swap3A_3326, %swap3A_3327], %swap3A_3330 {strides = array<i32>} : memref<8x128xf32, #tpu.memory_space<vmem>>, vector<1x16xf32>,
    %jit3A_3331 = arith.constant 1 : i32
    %jit3A_3332 = arith.constant 0 : i32
    %broadcast_in_dim3A_3333 = vector.broadcast %jit3A_3331 : i32 to vector<16xi32>
    %broadcast_in_dim3A_3334 = vector.broadcast %jit3A_3332 : i32 to vector<16xi32>
    %select_n3A_3335 = arith.select %or3A_3321, %broadcast_in_dim3A_3333, %broadcast_in_dim3A_3334 : vector<16xi1>, vector<16xi32>
    %add3A_3336 = arith.addi %add3A_2904, %select_n3A_3335 : vector<16xi32>
    %eq3A_3337 = arith.constant 2 : i32
    %eq3A_3338 = vector.broadcast %eq3A_3337 : i32 to vector<16xi32>
    %eq3A_3339 = arith.cmpi eq, %min3A_3179, %eq3A_3338 : vector<16xi32>
    %eq3A_3340 = arith.constant 2 : i32
    %eq3A_3341 = vector.broadcast %eq3A_3340 : i32 to vector<16xi32>
    %eq3A_3342 = arith.cmpi eq, %min3A_3292, %eq3A_3341 : vector<16xi32>
    %or3A_3343 = arith.ori %eq3A_3339, %eq3A_3342 : vector<16xi1>
    %jit3A_3344 = arith.constant 0.000000e+00 : f32
    %broadcast_in_dim3A_3345 = vector.broadcast %jit3A_3344 : f32 to vector<16xf32>
    %select_n3A_3346 = arith.select %or3A_3343, %div3A_3109, %broadcast_in_dim3A_3345 : vector<16xi1>, vector<16xf32>
    %swap3A_3347 = arith.constant 2 : i32
    %swap3A_3348 = arith.index_cast %swap3A_3347 : i32 to index
    %swap3A_3349 = arith.constant 112 : index
    %swap3A_3350 = tpu.vector_load %arg6[%swap3A_3348, %swap3A_3349] {strides = array<i32>} : memref<8x128xf32, #tpu.memory_space<vmem>>, vector<1x16xf32>,
    %swap3A_3351 = vector.shape_cast %swap3A_3350 : vector<1x16xf32> to vector<16xf32>
    %swap3A_3352 = vector.shape_cast %select_n3A_3346 : vector<16xf32> to vector<1x16xf32>
    tpu.vector_store %arg6[%swap3A_3348, %swap3A_3349], %swap3A_3352 {strides = array<i32>} : memref<8x128xf32, #tpu.memory_space<vmem>>, vector<1x16xf32>,
    %jit3A_3353 = arith.constant 1 : i32
    %jit3A_3354 = arith.constant 0 : i32
    %broadcast_in_dim3A_3355 = vector.broadcast %jit3A_3353 : i32 to vector<16xi32>
    %broadcast_in_dim3A_3356 = vector.broadcast %jit3A_3354 : i32 to vector<16xi32>
    %select_n3A_3357 = arith.select %or3A_3343, %broadcast_in_dim3A_3355, %broadcast_in_dim3A_3356 : vector<16xi1>, vector<16xi32>
    %add3A_3358 = arith.addi %add3A_2926, %select_n3A_3357 : vector<16xi32>
    %eq3A_3359 = arith.constant 3 : i32
    %eq3A_3360 = vector.broadcast %eq3A_3359 : i32 to vector<16xi32>
    %eq3A_3361 = arith.cmpi eq, %min3A_3179, %eq3A_3360 : vector<16xi32>
    %eq3A_3362 = arith.constant 3 : i32
    %eq3A_3363 = vector.broadcast %eq3A_3362 : i32 to vector<16xi32>
    %eq3A_3364 = arith.cmpi eq, %min3A_3292, %eq3A_3363 : vector<16xi32>
    %or3A_3365 = arith.ori %eq3A_3361, %eq3A_3364 : vector<16xi1>
    %jit3A_3366 = arith.constant 0.000000e+00 : f32
    %broadcast_in_dim3A_3367 = vector.broadcast %jit3A_3366 : f32 to vector<16xf32>
    %select_n3A_3368 = arith.select %or3A_3365, %div3A_3110, %broadcast_in_dim3A_3367 : vector<16xi1>, vector<16xf32>
    %swap3A_3369 = arith.constant 3 : i32
    %swap3A_3370 = arith.index_cast %swap3A_3369 : i32 to index
    %swap3A_3371 = arith.constant 112 : index
    %swap3A_3372 = tpu.vector_load %arg6[%swap3A_3370, %swap3A_3371] {strides = array<i32>} : memref<8x128xf32, #tpu.memory_space<vmem>>, vector<1x16xf32>,
    %swap3A_3373 = vector.shape_cast %swap3A_3372 : vector<1x16xf32> to vector<16xf32>
    %swap3A_3374 = vector.shape_cast %select_n3A_3368 : vector<16xf32> to vector<1x16xf32>
    tpu.vector_store %arg6[%swap3A_3370, %swap3A_3371], %swap3A_3374 {strides = array<i32>} : memref<8x128xf32, #tpu.memory_space<vmem>>, vector<1x16xf32>,
    %jit3A_3375 = arith.constant 1 : i32
    %jit3A_3376 = arith.constant 0 : i32
    %broadcast_in_dim3A_3377 = vector.broadcast %jit3A_3375 : i32 to vector<16xi32>
    %broadcast_in_dim3A_3378 = vector.broadcast %jit3A_3376 : i32 to vector<16xi32>
    %select_n3A_3379 = arith.select %or3A_3365, %broadcast_in_dim3A_3377, %broadcast_in_dim3A_3378 : vector<16xi1>, vector<16xi32>
    %add3A_3380 = arith.addi %add3A_2948, %select_n3A_3379 : vector<16xi32>
    %eq3A_3381 = arith.constant 4 : i32
    %eq3A_3382 = vector.broadcast %eq3A_3381 : i32 to vector<16xi32>
    %eq3A_3383 = arith.cmpi eq, %min3A_3179, %eq3A_3382 : vector<16xi32>
    %eq3A_3384 = arith.constant 4 : i32
    %eq3A_3385 = vector.broadcast %eq3A_3384 : i32 to vector<16xi32>
    %eq3A_3386 = arith.cmpi eq, %min3A_3292, %eq3A_3385 : vector<16xi32>
    %or3A_3387 = arith.ori %eq3A_3383, %eq3A_3386 : vector<16xi1>
    %jit3A_3388 = arith.constant 0.000000e+00 : f32
    %broadcast_in_dim3A_3389 = vector.broadcast %jit3A_3388 : f32 to vector<16xf32>
    %select_n3A_3390 = arith.select %or3A_3387, %div3A_3111, %broadcast_in_dim3A_3389 : vector<16xi1>, vector<16xf32>
    %swap3A_3391 = arith.constant 4 : i32
    %swap3A_3392 = arith.index_cast %swap3A_3391 : i32 to index
    %swap3A_3393 = arith.constant 112 : index
    %swap3A_3394 = tpu.vector_load %arg6[%swap3A_3392, %swap3A_3393] {strides = array<i32>} : memref<8x128xf32, #tpu.memory_space<vmem>>, vector<1x16xf32>,
    %swap3A_3395 = vector.shape_cast %swap3A_3394 : vector<1x16xf32> to vector<16xf32>
    %swap3A_3396 = vector.shape_cast %select_n3A_3390 : vector<16xf32> to vector<1x16xf32>
    tpu.vector_store %arg6[%swap3A_3392, %swap3A_3393], %swap3A_3396 {strides = array<i32>} : memref<8x128xf32, #tpu.memory_space<vmem>>, vector<1x16xf32>,
    %jit3A_3397 = arith.constant 1 : i32
    %jit3A_3398 = arith.constant 0 : i32
    %broadcast_in_dim3A_3399 = vector.broadcast %jit3A_3397 : i32 to vector<16xi32>
    %broadcast_in_dim3A_3400 = vector.broadcast %jit3A_3398 : i32 to vector<16xi32>
    %select_n3A_3401 = arith.select %or3A_3387, %broadcast_in_dim3A_3399, %broadcast_in_dim3A_3400 : vector<16xi1>, vector<16xi32>
    %add3A_3402 = arith.addi %add3A_2970, %select_n3A_3401 : vector<16xi32>
    %eq3A_3403 = arith.constant 5 : i32
    %eq3A_3404 = vector.broadcast %eq3A_3403 : i32 to vector<16xi32>
    %eq3A_3405 = arith.cmpi eq, %min3A_3179, %eq3A_3404 : vector<16xi32>
    %eq3A_3406 = arith.constant 5 : i32
    %eq3A_3407 = vector.broadcast %eq3A_3406 : i32 to vector<16xi32>
    %eq3A_3408 = arith.cmpi eq, %min3A_3292, %eq3A_3407 : vector<16xi32>
    %or3A_3409 = arith.ori %eq3A_3405, %eq3A_3408 : vector<16xi1>
    %jit3A_3410 = arith.constant 0.000000e+00 : f32
    %broadcast_in_dim3A_3411 = vector.broadcast %jit3A_3410 : f32 to vector<16xf32>
    %select_n3A_3412 = arith.select %or3A_3409, %div3A_3112, %broadcast_in_dim3A_3411 : vector<16xi1>, vector<16xf32>
    %swap3A_3413 = arith.constant 5 : i32
    %swap3A_3414 = arith.index_cast %swap3A_3413 : i32 to index
    %swap3A_3415 = arith.constant 112 : index
    %swap3A_3416 = tpu.vector_load %arg6[%swap3A_3414, %swap3A_3415] {strides = array<i32>} : memref<8x128xf32, #tpu.memory_space<vmem>>, vector<1x16xf32>,
    %swap3A_3417 = vector.shape_cast %swap3A_3416 : vector<1x16xf32> to vector<16xf32>
    %swap3A_3418 = vector.shape_cast %select_n3A_3412 : vector<16xf32> to vector<1x16xf32>
    tpu.vector_store %arg6[%swap3A_3414, %swap3A_3415], %swap3A_3418 {strides = array<i32>} : memref<8x128xf32, #tpu.memory_space<vmem>>, vector<1x16xf32>,
    %jit3A_3419 = arith.constant 1 : i32
    %jit3A_3420 = arith.constant 0 : i32
    %broadcast_in_dim3A_3421 = vector.broadcast %jit3A_3419 : i32 to vector<16xi32>
    %broadcast_in_dim3A_3422 = vector.broadcast %jit3A_3420 : i32 to vector<16xi32>
    %select_n3A_3423 = arith.select %or3A_3409, %broadcast_in_dim3A_3421, %broadcast_in_dim3A_3422 : vector<16xi1>, vector<16xi32>
    %add3A_3424 = arith.addi %add3A_2992, %select_n3A_3423 : vector<16xi32>
    %eq3A_3425 = arith.constant 6 : i32
    %eq3A_3426 = vector.broadcast %eq3A_3425 : i32 to vector<16xi32>
    %eq3A_3427 = arith.cmpi eq, %min3A_3179, %eq3A_3426 : vector<16xi32>
    %eq3A_3428 = arith.constant 6 : i32
    %eq3A_3429 = vector.broadcast %eq3A_3428 : i32 to vector<16xi32>
    %eq3A_3430 = arith.cmpi eq, %min3A_3292, %eq3A_3429 : vector<16xi32>
    %or3A_3431 = arith.ori %eq3A_3427, %eq3A_3430 : vector<16xi1>
    %jit3A_3432 = arith.constant 0.000000e+00 : f32
    %broadcast_in_dim3A_3433 = vector.broadcast %jit3A_3432 : f32 to vector<16xf32>
    %select_n3A_3434 = arith.select %or3A_3431, %div3A_3113, %broadcast_in_dim3A_3433 : vector<16xi1>, vector<16xf32>
    %swap3A_3435 = arith.constant 6 : i32
    %swap3A_3436 = arith.index_cast %swap3A_3435 : i32 to index
    %swap3A_3437 = arith.constant 112 : index
    %swap3A_3438 = tpu.vector_load %arg6[%swap3A_3436, %swap3A_3437] {strides = array<i32>} : memref<8x128xf32, #tpu.memory_space<vmem>>, vector<1x16xf32>,
    %swap3A_3439 = vector.shape_cast %swap3A_3438 : vector<1x16xf32> to vector<16xf32>
    %swap3A_3440 = vector.shape_cast %select_n3A_3434 : vector<16xf32> to vector<1x16xf32>
    tpu.vector_store %arg6[%swap3A_3436, %swap3A_3437], %swap3A_3440 {strides = array<i32>} : memref<8x128xf32, #tpu.memory_space<vmem>>, vector<1x16xf32>,
    %jit3A_3441 = arith.constant 1 : i32
    %jit3A_3442 = arith.constant 0 : i32
    %broadcast_in_dim3A_3443 = vector.broadcast %jit3A_3441 : i32 to vector<16xi32>
    %broadcast_in_dim3A_3444 = vector.broadcast %jit3A_3442 : i32 to vector<16xi32>
    %select_n3A_3445 = arith.select %or3A_3431, %broadcast_in_dim3A_3443, %broadcast_in_dim3A_3444 : vector<16xi1>, vector<16xi32>
    %add3A_3446 = arith.addi %add3A_3014, %select_n3A_3445 : vector<16xi32>
    %eq3A_3447 = arith.constant 7 : i32
    %eq3A_3448 = vector.broadcast %eq3A_3447 : i32 to vector<16xi32>
    %eq3A_3449 = arith.cmpi eq, %min3A_3179, %eq3A_3448 : vector<16xi32>
    %eq3A_3450 = arith.constant 7 : i32
    %eq3A_3451 = vector.broadcast %eq3A_3450 : i32 to vector<16xi32>
    %eq3A_3452 = arith.cmpi eq, %min3A_3292, %eq3A_3451 : vector<16xi32>
    %or3A_3453 = arith.ori %eq3A_3449, %eq3A_3452 : vector<16xi1>
    %jit3A_3454 = arith.constant 0.000000e+00 : f32
    %broadcast_in_dim3A_3455 = vector.broadcast %jit3A_3454 : f32 to vector<16xf32>
    %select_n3A_3456 = arith.select %or3A_3453, %div3A_3114, %broadcast_in_dim3A_3455 : vector<16xi1>, vector<16xf32>
    %swap3A_3457 = arith.constant 7 : i32
    %swap3A_3458 = arith.index_cast %swap3A_3457 : i32 to index
    %swap3A_3459 = arith.constant 112 : index
    %swap3A_3460 = tpu.vector_load %arg6[%swap3A_3458, %swap3A_3459] {strides = array<i32>} : memref<8x128xf32, #tpu.memory_space<vmem>>, vector<1x16xf32>,
    %swap3A_3461 = vector.shape_cast %swap3A_3460 : vector<1x16xf32> to vector<16xf32>
    %swap3A_3462 = vector.shape_cast %select_n3A_3456 : vector<16xf32> to vector<1x16xf32>
    tpu.vector_store %arg6[%swap3A_3458, %swap3A_3459], %swap3A_3462 {strides = array<i32>} : memref<8x128xf32, #tpu.memory_space<vmem>>, vector<1x16xf32>,
    %jit3A_3463 = arith.constant 1 : i32
    %jit3A_3464 = arith.constant 0 : i32
    %broadcast_in_dim3A_3465 = vector.broadcast %jit3A_3463 : i32 to vector<16xi32>
    %broadcast_in_dim3A_3466 = vector.broadcast %jit3A_3464 : i32 to vector<16xi32>
    %select_n3A_3467 = arith.select %or3A_3453, %broadcast_in_dim3A_3465, %broadcast_in_dim3A_3466 : vector<16xi1>, vector<16xi32>
    %add3A_3468 = arith.addi %add3A_3036, %select_n3A_3467 : vector<16xi32>
    %swap3A_3469 = arith.constant 0 : index
    %swap3A_3470 = tpu.vector_load %arg7[%swap3A_3469] {strides = array<i32>} : memref<128xi32, #tpu.memory_space<vmem>>, vector<16xi32>,
    %swap3A_3471 = vector.shape_cast %swap3A_3470 : vector<16xi32> to vector<16xi32>
    %swap3A_3472 = vector.shape_cast %add3A_3314 : vector<16xi32> to vector<16xi32>
    tpu.vector_store %arg7[%swap3A_3469], %swap3A_3472 {strides = array<i32>} : memref<128xi32, #tpu.memory_space<vmem>>, vector<16xi32>,
    %swap3A_3473 = arith.constant 16 : index
    %swap3A_3474 = tpu.vector_load %arg7[%swap3A_3473] {strides = array<i32>} : memref<128xi32, #tpu.memory_space<vmem>>, vector<16xi32>,
    %swap3A_3475 = vector.shape_cast %swap3A_3474 : vector<16xi32> to vector<16xi32>
    %swap3A_3476 = vector.shape_cast %add3A_3336 : vector<16xi32> to vector<16xi32>
    tpu.vector_store %arg7[%swap3A_3473], %swap3A_3476 {strides = array<i32>} : memref<128xi32, #tpu.memory_space<vmem>>, vector<16xi32>,
    %swap3A_3477 = arith.constant 32 : index
    %swap3A_3478 = tpu.vector_load %arg7[%swap3A_3477] {strides = array<i32>} : memref<128xi32, #tpu.memory_space<vmem>>, vector<16xi32>,
    %swap3A_3479 = vector.shape_cast %swap3A_3478 : vector<16xi32> to vector<16xi32>
    %swap3A_3480 = vector.shape_cast %add3A_3358 : vector<16xi32> to vector<16xi32>
    tpu.vector_store %arg7[%swap3A_3477], %swap3A_3480 {strides = array<i32>} : memref<128xi32, #tpu.memory_space<vmem>>, vector<16xi32>,
    %swap3A_3481 = arith.constant 48 : index
    %swap3A_3482 = tpu.vector_load %arg7[%swap3A_3481] {strides = array<i32>} : memref<128xi32, #tpu.memory_space<vmem>>, vector<16xi32>,
    %swap3A_3483 = vector.shape_cast %swap3A_3482 : vector<16xi32> to vector<16xi32>
    %swap3A_3484 = vector.shape_cast %add3A_3380 : vector<16xi32> to vector<16xi32>
    tpu.vector_store %arg7[%swap3A_3481], %swap3A_3484 {strides = array<i32>} : memref<128xi32, #tpu.memory_space<vmem>>, vector<16xi32>,
    %swap3A_3485 = arith.constant 64 : index
    %swap3A_3486 = tpu.vector_load %arg7[%swap3A_3485] {strides = array<i32>} : memref<128xi32, #tpu.memory_space<vmem>>, vector<16xi32>,
    %swap3A_3487 = vector.shape_cast %swap3A_3486 : vector<16xi32> to vector<16xi32>
    %swap3A_3488 = vector.shape_cast %add3A_3402 : vector<16xi32> to vector<16xi32>
    tpu.vector_store %arg7[%swap3A_3485], %swap3A_3488 {strides = array<i32>} : memref<128xi32, #tpu.memory_space<vmem>>, vector<16xi32>,
    %swap3A_3489 = arith.constant 80 : index
    %swap3A_3490 = tpu.vector_load %arg7[%swap3A_3489] {strides = array<i32>} : memref<128xi32, #tpu.memory_space<vmem>>, vector<16xi32>,
    %swap3A_3491 = vector.shape_cast %swap3A_3490 : vector<16xi32> to vector<16xi32>
    %swap3A_3492 = vector.shape_cast %add3A_3424 : vector<16xi32> to vector<16xi32>
    tpu.vector_store %arg7[%swap3A_3489], %swap3A_3492 {strides = array<i32>} : memref<128xi32, #tpu.memory_space<vmem>>, vector<16xi32>,
    %swap3A_3493 = arith.constant 96 : index
    %swap3A_3494 = tpu.vector_load %arg7[%swap3A_3493] {strides = array<i32>} : memref<128xi32, #tpu.memory_space<vmem>>, vector<16xi32>,
    %swap3A_3495 = vector.shape_cast %swap3A_3494 : vector<16xi32> to vector<16xi32>
    %swap3A_3496 = vector.shape_cast %add3A_3446 : vector<16xi32> to vector<16xi32>
    tpu.vector_store %arg7[%swap3A_3493], %swap3A_3496 {strides = array<i32>} : memref<128xi32, #tpu.memory_space<vmem>>, vector<16xi32>,
    %swap3A_3497 = arith.constant 112 : index
    %swap3A_3498 = tpu.vector_load %arg7[%swap3A_3497] {strides = array<i32>} : memref<128xi32, #tpu.memory_space<vmem>>, vector<16xi32>,
    %swap3A_3499 = vector.shape_cast %swap3A_3498 : vector<16xi32> to vector<16xi32>
    %swap3A_3500 = vector.shape_cast %add3A_3468 : vector<16xi32> to vector<16xi32>
    tpu.vector_store %arg7[%swap3A_3497], %swap3A_3500 {strides = array<i32>} : memref<128xi32, #tpu.memory_space<vmem>>, vector<16xi32>,
    %dma_start3A_3501 = arith.constant 0 : i32
    %dma_start3A_3502 = tpu.memref_slice %arg4[%add3A, %dma_start3A_3501] : memref<32x128xi32, #tpu.memory_space<hbm>> -> memref<1x128xi32, #tpu.memory_space<hbm>>
    %dma_start3A_3503 = tpu.memref_squeeze %dma_start3A_3502 : memref<1x128xi32, #tpu.memory_space<hbm>> -> memref<128xi32, #tpu.memory_space<hbm>>
    %dma_start3A_3504 = arith.constant 0 : i32
    %dma_start3A_3505 = tpu.memref_slice %arg4[%add3A, %dma_start3A_3504] : memref<32x128xi32, #tpu.memory_space<hbm>> -> memref<1x128xi32, #tpu.memory_space<hbm>>
    %dma_start3A_3506 = tpu.memref_squeeze %dma_start3A_3505 : memref<1x128xi32, #tpu.memory_space<hbm>> -> memref<128xi32, #tpu.memory_space<hbm>>
    tpu.enqueue_dma source(%arg7 : memref<128xi32, #tpu.memory_space<vmem>>) target(%dma_start3A_3506 : memref<128xi32, #tpu.memory_space<hbm>>) target_semaphore(%arg8 : memref<!tpu.dma_semaphore, #tpu.memory_space<semaphore_mem>>)
    %dma_start3A_3507 = arith.constant 0 : i32
    %dma_start3A_3508 = tpu.memref_slice %arg3[%dma_start3A_3507, %mul3A_2] : memref<8x4096xf32, #tpu.memory_space<hbm>> -> memref<8x128xf32, #tpu.memory_space<hbm>>
    %dma_start3A_3509 = arith.constant 0 : i32
    %dma_start3A_3510 = tpu.memref_slice %arg3[%dma_start3A_3509, %mul3A_2] : memref<8x4096xf32, #tpu.memory_space<hbm>> -> memref<8x128xf32, #tpu.memory_space<hbm>>
    tpu.enqueue_dma source(%arg6 : memref<8x128xf32, #tpu.memory_space<vmem>>) target(%dma_start3A_3510 : memref<8x128xf32, #tpu.memory_space<hbm>>) target_semaphore(%arg8 : memref<!tpu.dma_semaphore, #tpu.memory_space<semaphore_mem>>)
    %dma_wait3A_3511 = arith.constant 0 : i32
    %dma_wait3A_3512 = tpu.memref_slice %arg4[%add3A, %dma_wait3A_3511] : memref<32x128xi32, #tpu.memory_space<hbm>> -> memref<1x128xi32, #tpu.memory_space<hbm>>
    %dma_wait3A_3513 = tpu.memref_squeeze %dma_wait3A_3512 : memref<1x128xi32, #tpu.memory_space<hbm>> -> memref<128xi32, #tpu.memory_space<hbm>>
    %dma_wait3A_3514 = arith.constant 0 : i32
    %dma_wait3A_3515 = tpu.memref_slice %arg4[%add3A, %dma_wait3A_3514] : memref<32x128xi32, #tpu.memory_space<hbm>> -> memref<1x128xi32, #tpu.memory_space<hbm>>
    %dma_wait3A_3516 = tpu.memref_squeeze %dma_wait3A_3515 : memref<1x128xi32, #tpu.memory_space<hbm>> -> memref<128xi32, #tpu.memory_space<hbm>>
    tpu.wait_dma2 semaphore(%arg8 : memref<!tpu.dma_semaphore, #tpu.memory_space<semaphore_mem>>) src(%arg7 : memref<128xi32, #tpu.memory_space<vmem>>) dst(%dma_wait3A_3516 : memref<128xi32, #tpu.memory_space<hbm>>)
    %dma_wait3A_3517 = arith.constant 0 : i32
    %dma_wait3A_3518 = tpu.memref_slice %arg3[%dma_wait3A_3517, %mul3A_2] : memref<8x4096xf32, #tpu.memory_space<hbm>> -> memref<8x128xf32, #tpu.memory_space<hbm>>
    %dma_wait3A_3519 = arith.constant 0 : i32
    %dma_wait3A_3520 = tpu.memref_slice %arg3[%dma_wait3A_3519, %mul3A_2] : memref<8x4096xf32, #tpu.memory_space<hbm>> -> memref<8x128xf32, #tpu.memory_space<hbm>>
    tpu.wait_dma2 semaphore(%arg8 : memref<!tpu.dma_semaphore, #tpu.memory_space<semaphore_mem>>) src(%arg6 : memref<8x128xf32, #tpu.memory_space<vmem>>) dst(%dma_wait3A_3520 : memref<8x128xf32, #tpu.memory_space<hbm>>)
    return
  }
}

module attributes {stable_mosaic.version = 14 : i64} {
  func.func @_logits_kernel(%arg0: i32, %arg1: memref<512x1024xf32, #tpu.memory_space<vmem>>, %arg2: memref<8x1024xf32, #tpu.memory_space<vmem>>, %arg3: memref<8x512xf32, #tpu.memory_space<vmem>>, %arg4: memref<4096x1024xf32, #tpu.memory_space<hbm>>, %arg5: memref<512x1024xf32, #tpu.memory_space<vmem>>, %arg6: memref<!tpu.dma_semaphore, #tpu.memory_space<semaphore_mem>>) attributes {dimension_semantics = [#tpu.dimension_semantics<arbitrary>], iteration_bounds = array<i64: 8>, scalar_prefetch = 0 : i64, scratch_operands = 2 : i64, tpu.core_type = #tpu.core_type<tc>, window_params = [{transform_indices = @transform_0, window_bounds = array<i64: 512, 1024>}, {pipeline_mode = #tpu.pipeline_mode<synchronous>, transform_indices = @transform_1, window_bounds = array<i64: 8, 1024>}, {transform_indices = @transform_2, window_bounds = array<i64: 8, 512>}, {}]} {
    %eq3A = arith.constant 0 : i32
    %eq3A_0 = arith.cmpi eq, %arg0, %eq3A : i32
    %convert_element_type3A = arith.extui %eq3A_0 : i1 to i32
    %cond3A = arith.constant 0 : i32
    %cond3A_1 = arith.cmpi ne, %convert_element_type3A, %cond3A : i32
    scf.if %cond3A_1 {
      %broadcast_in_dim3A = arith.constant 0.000000e+00 : f32
      %broadcast_in_dim3A_17 = vector.broadcast %broadcast_in_dim3A : f32 to vector<512x1024xf32>
      %swap3A_18 = arith.constant 0 : index
      %swap3A_19 = arith.constant 0 : index
      %swap3A_20 = vector.load %arg5[%swap3A_18, %swap3A_19] : memref<512x1024xf32, #tpu.memory_space<vmem>>, vector<512x1024xf32>
      tpu.vector_store %arg5[%swap3A_18, %swap3A_19], %broadcast_in_dim3A_17 {strides = array<i32>} : memref<512x1024xf32, #tpu.memory_space<vmem>>, vector<512x1024xf32>,
    } else {
    }
    %mul3A = arith.constant 512 : i32
    %mul3A_2 = arith.muli %arg0, %mul3A : i32
    %dma_start3A = arith.constant 0 : i32
    %dma_start3A_3 = tpu.memref_slice %arg4[%mul3A_2, %dma_start3A] : memref<4096x1024xf32, #tpu.memory_space<hbm>> -> memref<512x1024xf32, #tpu.memory_space<hbm>>
    tpu.enqueue_dma source(%arg5 : memref<512x1024xf32, #tpu.memory_space<vmem>>) target(%dma_start3A_3 : memref<512x1024xf32, #tpu.memory_space<hbm>>) target_semaphore(%arg6 : memref<!tpu.dma_semaphore, #tpu.memory_space<semaphore_mem>>)
    %get3A = arith.constant 0 : index
    %get3A_4 = arith.constant 0 : index
    %get3A_5 = vector.load %arg1[%get3A, %get3A_4] : memref<512x1024xf32, #tpu.memory_space<vmem>>, vector<512x1024xf32>
    %get3A_6 = arith.constant 0 : index
    %get3A_7 = arith.constant 0 : index
    %get3A_8 = vector.load %arg2[%get3A_6, %get3A_7] : memref<8x1024xf32, #tpu.memory_space<vmem>>, vector<8x1024xf32>
    %dot_general3A = arith.constant dense<0.000000e+00> : vector<512x8xf32>
    %dot_general3A_9 = tpu.matmul %get3A_5, %get3A_8, %dot_general3A {dimension_numbers = #tpu.dot_dimension_numbers<[1], [1], [0], [0], [0, 0, 1, 0], [], []>, transpose_lhs_hint = false} : vector<512x1024xf32>, vector<8x1024xf32>, vector<512x8xf32> -> vector<512x8xf32>
    %transpose3A = tpu.transpose %dot_general3A_9, [1, 0] : vector<512x8xf32> -> vector<8x512xf32>
    %swap3A = arith.constant 0 : index
    %swap3A_10 = arith.constant 0 : index
    %swap3A_11 = vector.load %arg3[%swap3A, %swap3A_10] : memref<8x512xf32, #tpu.memory_space<vmem>>, vector<8x512xf32>
    tpu.vector_store %arg3[%swap3A, %swap3A_10], %transpose3A {strides = array<i32>} : memref<8x512xf32, #tpu.memory_space<vmem>>, vector<8x512xf32>,
    %eq3A_12 = arith.constant 7 : i32
    %eq3A_13 = arith.cmpi eq, %arg0, %eq3A_12 : i32
    %convert_element_type3A_14 = arith.extui %eq3A_13 : i1 to i32
    %cond3A_15 = arith.constant 0 : i32
    %cond3A_16 = arith.cmpi ne, %convert_element_type3A_14, %cond3A_15 : i32
    scf.if %cond3A_16 {
      %dma_wait3A = arith.constant 0 : i32
      %dma_wait3A_17 = arith.constant 0 : i32
      %dma_wait3A_18 = tpu.memref_slice %arg4[%dma_wait3A, %dma_wait3A_17] : memref<4096x1024xf32, #tpu.memory_space<hbm>> -> memref<512x1024xf32, #tpu.memory_space<hbm>>
      tpu.wait_dma2 semaphore(%arg6 : memref<!tpu.dma_semaphore, #tpu.memory_space<semaphore_mem>>) src(%arg5 : memref<512x1024xf32, #tpu.memory_space<vmem>>) dst(%dma_wait3A_18 : memref<512x1024xf32, #tpu.memory_space<hbm>>)
      %dma_wait3A_19 = arith.constant 0 : i32
      %dma_wait3A_20 = arith.constant 0 : i32
      %dma_wait3A_21 = tpu.memref_slice %arg4[%dma_wait3A_19, %dma_wait3A_20] : memref<4096x1024xf32, #tpu.memory_space<hbm>> -> memref<512x1024xf32, #tpu.memory_space<hbm>>
      tpu.wait_dma2 semaphore(%arg6 : memref<!tpu.dma_semaphore, #tpu.memory_space<semaphore_mem>>) src(%arg5 : memref<512x1024xf32, #tpu.memory_space<vmem>>) dst(%dma_wait3A_21 : memref<512x1024xf32, #tpu.memory_space<hbm>>)
      %dma_wait3A_22 = arith.constant 0 : i32
      %dma_wait3A_23 = arith.constant 0 : i32
      %dma_wait3A_24 = tpu.memref_slice %arg4[%dma_wait3A_22, %dma_wait3A_23] : memref<4096x1024xf32, #tpu.memory_space<hbm>> -> memref<512x1024xf32, #tpu.memory_space<hbm>>
      tpu.wait_dma2 semaphore(%arg6 : memref<!tpu.dma_semaphore, #tpu.memory_space<semaphore_mem>>) src(%arg5 : memref<512x1024xf32, #tpu.memory_space<vmem>>) dst(%dma_wait3A_24 : memref<512x1024xf32, #tpu.memory_space<hbm>>)
      %dma_wait3A_25 = arith.constant 0 : i32
      %dma_wait3A_26 = arith.constant 0 : i32
      %dma_wait3A_27 = tpu.memref_slice %arg4[%dma_wait3A_25, %dma_wait3A_26] : memref<4096x1024xf32, #tpu.memory_space<hbm>> -> memref<512x1024xf32, #tpu.memory_space<hbm>>
      tpu.wait_dma2 semaphore(%arg6 : memref<!tpu.dma_semaphore, #tpu.memory_space<semaphore_mem>>) src(%arg5 : memref<512x1024xf32, #tpu.memory_space<vmem>>) dst(%dma_wait3A_27 : memref<512x1024xf32, #tpu.memory_space<hbm>>)
      %dma_wait3A_28 = arith.constant 0 : i32
      %dma_wait3A_29 = arith.constant 0 : i32
      %dma_wait3A_30 = tpu.memref_slice %arg4[%dma_wait3A_28, %dma_wait3A_29] : memref<4096x1024xf32, #tpu.memory_space<hbm>> -> memref<512x1024xf32, #tpu.memory_space<hbm>>
      tpu.wait_dma2 semaphore(%arg6 : memref<!tpu.dma_semaphore, #tpu.memory_space<semaphore_mem>>) src(%arg5 : memref<512x1024xf32, #tpu.memory_space<vmem>>) dst(%dma_wait3A_30 : memref<512x1024xf32, #tpu.memory_space<hbm>>)
      %dma_wait3A_31 = arith.constant 0 : i32
      %dma_wait3A_32 = arith.constant 0 : i32
      %dma_wait3A_33 = tpu.memref_slice %arg4[%dma_wait3A_31, %dma_wait3A_32] : memref<4096x1024xf32, #tpu.memory_space<hbm>> -> memref<512x1024xf32, #tpu.memory_space<hbm>>
      tpu.wait_dma2 semaphore(%arg6 : memref<!tpu.dma_semaphore, #tpu.memory_space<semaphore_mem>>) src(%arg5 : memref<512x1024xf32, #tpu.memory_space<vmem>>) dst(%dma_wait3A_33 : memref<512x1024xf32, #tpu.memory_space<hbm>>)
      %dma_wait3A_34 = arith.constant 0 : i32
      %dma_wait3A_35 = arith.constant 0 : i32
      %dma_wait3A_36 = tpu.memref_slice %arg4[%dma_wait3A_34, %dma_wait3A_35] : memref<4096x1024xf32, #tpu.memory_space<hbm>> -> memref<512x1024xf32, #tpu.memory_space<hbm>>
      tpu.wait_dma2 semaphore(%arg6 : memref<!tpu.dma_semaphore, #tpu.memory_space<semaphore_mem>>) src(%arg5 : memref<512x1024xf32, #tpu.memory_space<vmem>>) dst(%dma_wait3A_36 : memref<512x1024xf32, #tpu.memory_space<hbm>>)
      %dma_wait3A_37 = arith.constant 0 : i32
      %dma_wait3A_38 = arith.constant 0 : i32
      %dma_wait3A_39 = tpu.memref_slice %arg4[%dma_wait3A_37, %dma_wait3A_38] : memref<4096x1024xf32, #tpu.memory_space<hbm>> -> memref<512x1024xf32, #tpu.memory_space<hbm>>
      tpu.wait_dma2 semaphore(%arg6 : memref<!tpu.dma_semaphore, #tpu.memory_space<semaphore_mem>>) src(%arg5 : memref<512x1024xf32, #tpu.memory_space<vmem>>) dst(%dma_wait3A_39 : memref<512x1024xf32, #tpu.memory_space<hbm>>)
    } else {
    }
    return
  }
  func.func @transform_0(%arg0: i32) -> (i32, i32) {
    %c0_i32 = arith.constant 0 : i32
    %c0_i32_0 = arith.constant 0 : i32
    return %arg0, %c0_i32 : i32, i32
  }
  func.func @transform_1(%arg0: i32) -> (i32, i32) {
    %c0_i32 = arith.constant 0 : i32
    %c0_i32_0 = arith.constant 0 : i32
    %c0_i32_1 = arith.constant 0 : i32
    return %c0_i32, %c0_i32_0 : i32, i32
  }
  func.func @transform_2(%arg0: i32) -> (i32, i32) {
    %c0_i32 = arith.constant 0 : i32
    %c0_i32_0 = arith.constant 0 : i32
    return %c0_i32, %arg0 : i32, i32
  }
}

module attributes {stable_mosaic.version = 14 : i64} {
  func.func @_ffn_kernel(%arg0: memref<32x128xi32, #tpu.memory_space<vmem>>, %arg1: memref<4096x1024xf32, #tpu.memory_space<hbm>>, %arg2: memref<4096x1024xf32, #tpu.memory_space<hbm>>, %arg3: memref<8x4096xf32, #tpu.memory_space<hbm>>, %arg4: memref<8x1024x1024xf32, #tpu.memory_space<hbm>>, %arg5: memref<8x1x1024xf32, #tpu.memory_space<hbm>>, %arg6: memref<8x1024x1024xf32, #tpu.memory_space<hbm>>, %arg7: memref<8x1x1024xf32, #tpu.memory_space<hbm>>, %arg8: memref<4096x1024xf32, #tpu.memory_space<hbm>>, %arg9: memref<9xi32, #tpu.memory_space<smem>>, %arg10: memref<4096x1024xf32, #tpu.memory_space<vmem>>, %arg11: memref<512x1024xf32, #tpu.memory_space<vmem>>, %arg12: memref<8x512xf32, #tpu.memory_space<vmem>>, %arg13: memref<1024x1024xf32, #tpu.memory_space<vmem>>, %arg14: memref<1024x1024xf32, #tpu.memory_space<vmem>>, %arg15: memref<1x1024xf32, #tpu.memory_space<vmem>>, %arg16: memref<1x1024xf32, #tpu.memory_space<vmem>>, %arg17: memref<!tpu.dma_semaphore, #tpu.memory_space<semaphore_mem>>, %arg18: memref<!tpu.dma_semaphore, #tpu.memory_space<semaphore_mem>>, %arg19: memref<!tpu.dma_semaphore, #tpu.memory_space<semaphore_mem>>, %arg20: memref<!tpu.dma_semaphore, #tpu.memory_space<semaphore_mem>>, %arg21: memref<!tpu.dma_semaphore, #tpu.memory_space<semaphore_mem>>, %arg22: memref<!tpu.dma_semaphore, #tpu.memory_space<semaphore_mem>>, %arg23: memref<!tpu.dma_semaphore, #tpu.memory_space<semaphore_mem>>) attributes {dimension_semantics = [], scalar_prefetch = 0 : i64, scratch_operands = 15 : i64, tpu.core_type = #tpu.core_type<tc>} {
    %get3A = arith.constant 0 : index
    %get3A_0 = arith.constant 0 : index
    %get3A_1 = vector.load %arg0[%get3A, %get3A_0] : memref<32x128xi32, #tpu.memory_space<vmem>>, vector<32x128xi32>
    %slice3A = vector.extract_strided_slice %get3A_1 {offsets = [0, 0], sizes = [32, 16], strides = [1, 1]} : vector<32x128xi32> to vector<32x16xi32>
    %reduce_sum3A = vector.shape_cast %slice3A : vector<32x16xi32> to vector<1x32x16xi32>
    %reduce_sum3A_2 = arith.constant dense<0> : vector<1xi32>
    %reduce_sum3A_3 = vector.multi_reduction <add>, %reduce_sum3A, %reduce_sum3A_2 [1, 2] : vector<1x32x16xi32> to vector<1xi32>
    %reduce_sum3A_4 = vector.shape_cast %reduce_sum3A_3 : vector<1xi32> to vector<1x1x1xi32>
    %reduce_sum3A_5 = vector.extract %reduce_sum3A_4[0, 0, 0] : i32 from vector<1x1x1xi32>
    %gt3A = arith.constant 0 : i32
    %gt3A_6 = arith.cmpi sgt, %reduce_sum3A_5, %gt3A : i32
    %le3A = arith.constant 640 : i32
    %le3A_7 = arith.cmpi sle, %reduce_sum3A_5, %le3A : i32
    %and3A = arith.andi %gt3A_6, %le3A_7 : i1
    %convert_element_type3A = arith.extui %and3A : i1 to i32
    %swap3A = arith.constant 0 : index
    %swap3A_8 = memref.load %arg9[%swap3A] : memref<9xi32, #tpu.memory_space<smem>>
    memref.store %convert_element_type3A, %arg9[%swap3A] : memref<9xi32, #tpu.memory_space<smem>>
    %max3A = arith.constant 0 : i32
    %max3A_9 = arith.maxsi %max3A, %convert_element_type3A : i32
    %slice3A_10 = vector.extract_strided_slice %get3A_1 {offsets = [0, 16], sizes = [32, 16], strides = [1, 1]} : vector<32x128xi32> to vector<32x16xi32>
    %reduce_sum3A_11 = vector.shape_cast %slice3A_10 : vector<32x16xi32> to vector<1x32x16xi32>
    %reduce_sum3A_12 = arith.constant dense<0> : vector<1xi32>
    %reduce_sum3A_13 = vector.multi_reduction <add>, %reduce_sum3A_11, %reduce_sum3A_12 [1, 2] : vector<1x32x16xi32> to vector<1xi32>
    %reduce_sum3A_14 = vector.shape_cast %reduce_sum3A_13 : vector<1xi32> to vector<1x1x1xi32>
    %reduce_sum3A_15 = vector.extract %reduce_sum3A_14[0, 0, 0] : i32 from vector<1x1x1xi32>
    %gt3A_16 = arith.constant 0 : i32
    %gt3A_17 = arith.cmpi sgt, %reduce_sum3A_15, %gt3A_16 : i32
    %le3A_18 = arith.constant 640 : i32
    %le3A_19 = arith.cmpi sle, %reduce_sum3A_15, %le3A_18 : i32
    %and3A_20 = arith.andi %gt3A_17, %le3A_19 : i1
    %convert_element_type3A_21 = arith.extui %and3A_20 : i1 to i32
    %swap3A_22 = arith.constant 1 : index
    %swap3A_23 = memref.load %arg9[%swap3A_22] : memref<9xi32, #tpu.memory_space<smem>>
    memref.store %convert_element_type3A_21, %arg9[%swap3A_22] : memref<9xi32, #tpu.memory_space<smem>>
    %max3A_24 = arith.maxsi %max3A_9, %convert_element_type3A_21 : i32
    %slice3A_25 = vector.extract_strided_slice %get3A_1 {offsets = [0, 32], sizes = [32, 16], strides = [1, 1]} : vector<32x128xi32> to vector<32x16xi32>
    %reduce_sum3A_26 = vector.shape_cast %slice3A_25 : vector<32x16xi32> to vector<1x32x16xi32>
    %reduce_sum3A_27 = arith.constant dense<0> : vector<1xi32>
    %reduce_sum3A_28 = vector.multi_reduction <add>, %reduce_sum3A_26, %reduce_sum3A_27 [1, 2] : vector<1x32x16xi32> to vector<1xi32>
    %reduce_sum3A_29 = vector.shape_cast %reduce_sum3A_28 : vector<1xi32> to vector<1x1x1xi32>
    %reduce_sum3A_30 = vector.extract %reduce_sum3A_29[0, 0, 0] : i32 from vector<1x1x1xi32>
    %gt3A_31 = arith.constant 0 : i32
    %gt3A_32 = arith.cmpi sgt, %reduce_sum3A_30, %gt3A_31 : i32
    %le3A_33 = arith.constant 640 : i32
    %le3A_34 = arith.cmpi sle, %reduce_sum3A_30, %le3A_33 : i32
    %and3A_35 = arith.andi %gt3A_32, %le3A_34 : i1
    %convert_element_type3A_36 = arith.extui %and3A_35 : i1 to i32
    %swap3A_37 = arith.constant 2 : index
    %swap3A_38 = memref.load %arg9[%swap3A_37] : memref<9xi32, #tpu.memory_space<smem>>
    memref.store %convert_element_type3A_36, %arg9[%swap3A_37] : memref<9xi32, #tpu.memory_space<smem>>
    %max3A_39 = arith.maxsi %max3A_24, %convert_element_type3A_36 : i32
    %slice3A_40 = vector.extract_strided_slice %get3A_1 {offsets = [0, 48], sizes = [32, 16], strides = [1, 1]} : vector<32x128xi32> to vector<32x16xi32>
    %reduce_sum3A_41 = vector.shape_cast %slice3A_40 : vector<32x16xi32> to vector<1x32x16xi32>
    %reduce_sum3A_42 = arith.constant dense<0> : vector<1xi32>
    %reduce_sum3A_43 = vector.multi_reduction <add>, %reduce_sum3A_41, %reduce_sum3A_42 [1, 2] : vector<1x32x16xi32> to vector<1xi32>
    %reduce_sum3A_44 = vector.shape_cast %reduce_sum3A_43 : vector<1xi32> to vector<1x1x1xi32>
    %reduce_sum3A_45 = vector.extract %reduce_sum3A_44[0, 0, 0] : i32 from vector<1x1x1xi32>
    %gt3A_46 = arith.constant 0 : i32
    %gt3A_47 = arith.cmpi sgt, %reduce_sum3A_45, %gt3A_46 : i32
    %le3A_48 = arith.constant 640 : i32
    %le3A_49 = arith.cmpi sle, %reduce_sum3A_45, %le3A_48 : i32
    %and3A_50 = arith.andi %gt3A_47, %le3A_49 : i1
    %convert_element_type3A_51 = arith.extui %and3A_50 : i1 to i32
    %swap3A_52 = arith.constant 3 : index
    %swap3A_53 = memref.load %arg9[%swap3A_52] : memref<9xi32, #tpu.memory_space<smem>>
    memref.store %convert_element_type3A_51, %arg9[%swap3A_52] : memref<9xi32, #tpu.memory_space<smem>>
    %max3A_54 = arith.maxsi %max3A_39, %convert_element_type3A_51 : i32
    %slice3A_55 = vector.extract_strided_slice %get3A_1 {offsets = [0, 64], sizes = [32, 16], strides = [1, 1]} : vector<32x128xi32> to vector<32x16xi32>
    %reduce_sum3A_56 = vector.shape_cast %slice3A_55 : vector<32x16xi32> to vector<1x32x16xi32>
    %reduce_sum3A_57 = arith.constant dense<0> : vector<1xi32>
    %reduce_sum3A_58 = vector.multi_reduction <add>, %reduce_sum3A_56, %reduce_sum3A_57 [1, 2] : vector<1x32x16xi32> to vector<1xi32>
    %reduce_sum3A_59 = vector.shape_cast %reduce_sum3A_58 : vector<1xi32> to vector<1x1x1xi32>
    %reduce_sum3A_60 = vector.extract %reduce_sum3A_59[0, 0, 0] : i32 from vector<1x1x1xi32>
    %gt3A_61 = arith.constant 0 : i32
    %gt3A_62 = arith.cmpi sgt, %reduce_sum3A_60, %gt3A_61 : i32
    %le3A_63 = arith.constant 640 : i32
    %le3A_64 = arith.cmpi sle, %reduce_sum3A_60, %le3A_63 : i32
    %and3A_65 = arith.andi %gt3A_62, %le3A_64 : i1
    %convert_element_type3A_66 = arith.extui %and3A_65 : i1 to i32
    %swap3A_67 = arith.constant 4 : index
    %swap3A_68 = memref.load %arg9[%swap3A_67] : memref<9xi32, #tpu.memory_space<smem>>
    memref.store %convert_element_type3A_66, %arg9[%swap3A_67] : memref<9xi32, #tpu.memory_space<smem>>
    %max3A_69 = arith.maxsi %max3A_54, %convert_element_type3A_66 : i32
    %slice3A_70 = vector.extract_strided_slice %get3A_1 {offsets = [0, 80], sizes = [32, 16], strides = [1, 1]} : vector<32x128xi32> to vector<32x16xi32>
    %reduce_sum3A_71 = vector.shape_cast %slice3A_70 : vector<32x16xi32> to vector<1x32x16xi32>
    %reduce_sum3A_72 = arith.constant dense<0> : vector<1xi32>
    %reduce_sum3A_73 = vector.multi_reduction <add>, %reduce_sum3A_71, %reduce_sum3A_72 [1, 2] : vector<1x32x16xi32> to vector<1xi32>
    %reduce_sum3A_74 = vector.shape_cast %reduce_sum3A_73 : vector<1xi32> to vector<1x1x1xi32>
    %reduce_sum3A_75 = vector.extract %reduce_sum3A_74[0, 0, 0] : i32 from vector<1x1x1xi32>
    %gt3A_76 = arith.constant 0 : i32
    %gt3A_77 = arith.cmpi sgt, %reduce_sum3A_75, %gt3A_76 : i32
    %le3A_78 = arith.constant 640 : i32
    %le3A_79 = arith.cmpi sle, %reduce_sum3A_75, %le3A_78 : i32
    %and3A_80 = arith.andi %gt3A_77, %le3A_79 : i1
    %convert_element_type3A_81 = arith.extui %and3A_80 : i1 to i32
    %swap3A_82 = arith.constant 5 : index
    %swap3A_83 = memref.load %arg9[%swap3A_82] : memref<9xi32, #tpu.memory_space<smem>>
    memref.store %convert_element_type3A_81, %arg9[%swap3A_82] : memref<9xi32, #tpu.memory_space<smem>>
    %max3A_84 = arith.maxsi %max3A_69, %convert_element_type3A_81 : i32
    %slice3A_85 = vector.extract_strided_slice %get3A_1 {offsets = [0, 96], sizes = [32, 16], strides = [1, 1]} : vector<32x128xi32> to vector<32x16xi32>
    %reduce_sum3A_86 = vector.shape_cast %slice3A_85 : vector<32x16xi32> to vector<1x32x16xi32>
    %reduce_sum3A_87 = arith.constant dense<0> : vector<1xi32>
    %reduce_sum3A_88 = vector.multi_reduction <add>, %reduce_sum3A_86, %reduce_sum3A_87 [1, 2] : vector<1x32x16xi32> to vector<1xi32>
    %reduce_sum3A_89 = vector.shape_cast %reduce_sum3A_88 : vector<1xi32> to vector<1x1x1xi32>
    %reduce_sum3A_90 = vector.extract %reduce_sum3A_89[0, 0, 0] : i32 from vector<1x1x1xi32>
    %gt3A_91 = arith.constant 0 : i32
    %gt3A_92 = arith.cmpi sgt, %reduce_sum3A_90, %gt3A_91 : i32
    %le3A_93 = arith.constant 640 : i32
    %le3A_94 = arith.cmpi sle, %reduce_sum3A_90, %le3A_93 : i32
    %and3A_95 = arith.andi %gt3A_92, %le3A_94 : i1
    %convert_element_type3A_96 = arith.extui %and3A_95 : i1 to i32
    %swap3A_97 = arith.constant 6 : index
    %swap3A_98 = memref.load %arg9[%swap3A_97] : memref<9xi32, #tpu.memory_space<smem>>
    memref.store %convert_element_type3A_96, %arg9[%swap3A_97] : memref<9xi32, #tpu.memory_space<smem>>
    %max3A_99 = arith.maxsi %max3A_84, %convert_element_type3A_96 : i32
    %slice3A_100 = vector.extract_strided_slice %get3A_1 {offsets = [0, 112], sizes = [32, 16], strides = [1, 1]} : vector<32x128xi32> to vector<32x16xi32>
    %reduce_sum3A_101 = vector.shape_cast %slice3A_100 : vector<32x16xi32> to vector<1x32x16xi32>
    %reduce_sum3A_102 = arith.constant dense<0> : vector<1xi32>
    %reduce_sum3A_103 = vector.multi_reduction <add>, %reduce_sum3A_101, %reduce_sum3A_102 [1, 2] : vector<1x32x16xi32> to vector<1xi32>
    %reduce_sum3A_104 = vector.shape_cast %reduce_sum3A_103 : vector<1xi32> to vector<1x1x1xi32>
    %reduce_sum3A_105 = vector.extract %reduce_sum3A_104[0, 0, 0] : i32 from vector<1x1x1xi32>
    %gt3A_106 = arith.constant 0 : i32
    %gt3A_107 = arith.cmpi sgt, %reduce_sum3A_105, %gt3A_106 : i32
    %le3A_108 = arith.constant 640 : i32
    %le3A_109 = arith.cmpi sle, %reduce_sum3A_105, %le3A_108 : i32
    %and3A_110 = arith.andi %gt3A_107, %le3A_109 : i1
    %convert_element_type3A_111 = arith.extui %and3A_110 : i1 to i32
    %swap3A_112 = arith.constant 7 : index
    %swap3A_113 = memref.load %arg9[%swap3A_112] : memref<9xi32, #tpu.memory_space<smem>>
    memref.store %convert_element_type3A_111, %arg9[%swap3A_112] : memref<9xi32, #tpu.memory_space<smem>>
    %max3A_114 = arith.maxsi %max3A_99, %convert_element_type3A_111 : i32
    %swap3A_115 = arith.constant 8 : index
    %swap3A_116 = memref.load %arg9[%swap3A_115] : memref<9xi32, #tpu.memory_space<smem>>
    memref.store %max3A_114, %arg9[%swap3A_115] : memref<9xi32, #tpu.memory_space<smem>>
    %ne3A = arith.constant 0 : i32
    %ne3A_117 = arith.cmpi ne, %max3A_114, %ne3A : i32
    %convert_element_type3A_118 = arith.extui %ne3A_117 : i1 to i32
    %cond3A = arith.constant 0 : i32
    %cond3A_119 = arith.cmpi ne, %convert_element_type3A_118, %cond3A : i32
    scf.if %cond3A_119 {
      %broadcast_in_dim3A = arith.constant 0.000000e+00 : f32
      %broadcast_in_dim3A_120 = vector.broadcast %broadcast_in_dim3A : f32 to vector<4096x1024xf32>
      %swap3A_121 = arith.constant 0 : index
      %swap3A_122 = arith.constant 0 : index
      %swap3A_123 = vector.load %arg10[%swap3A_121, %swap3A_122] : memref<4096x1024xf32, #tpu.memory_space<vmem>>, vector<4096x1024xf32>
      tpu.vector_store %arg10[%swap3A_121, %swap3A_122], %broadcast_in_dim3A_120 {strides = array<i32>} : memref<4096x1024xf32, #tpu.memory_space<vmem>>, vector<4096x1024xf32>,
      %scan3A = arith.constant 0 : i32
      %scan3A_124 = arith.constant 8 : i32
      %scan3A_125 = arith.addi %scan3A, %scan3A_124 : i32
      %scan3A_126 = arith.constant 1 : i32
      scf.for %scan3A_133 = %scan3A to %scan3A_125 step %scan3A_126  : i32 {
        %get3A_134 = arith.index_cast %scan3A_133 : i32 to index
        %get3A_135 = memref.load %arg9[%get3A_134] : memref<9xi32, #tpu.memory_space<smem>>
        %ne3A_136 = arith.constant 0 : i32
        %ne3A_137 = arith.cmpi ne, %get3A_135, %ne3A_136 : i32
        %convert_element_type3A_138 = arith.extui %ne3A_137 : i1 to i32
        %cond3A_139 = arith.constant 0 : i32
        %cond3A_140 = arith.cmpi ne, %convert_element_type3A_138, %cond3A_139 : i32
        scf.if %cond3A_140 {
          %dma_start3A = arith.constant 0 : i32
          %dma_start3A_141 = arith.constant 0 : i32
          %dma_start3A_142 = tpu.memref_slice %arg4[%scan3A_133, %dma_start3A, %dma_start3A_141] : memref<8x1024x1024xf32, #tpu.memory_space<hbm>> -> memref<1x1024x1024xf32, #tpu.memory_space<hbm>>
          %dma_start3A_143 = tpu.memref_squeeze %dma_start3A_142 : memref<1x1024x1024xf32, #tpu.memory_space<hbm>> -> memref<1024x1024xf32, #tpu.memory_space<hbm>>
          tpu.enqueue_dma source(%dma_start3A_143 : memref<1024x1024xf32, #tpu.memory_space<hbm>>) target(%arg13 : memref<1024x1024xf32, #tpu.memory_space<vmem>>) target_semaphore(%arg20 : memref<!tpu.dma_semaphore, #tpu.memory_space<semaphore_mem>>)
          %dma_start3A_144 = arith.constant 0 : i32
          %dma_start3A_145 = arith.constant 0 : i32
          %dma_start3A_146 = tpu.memref_slice %arg6[%scan3A_133, %dma_start3A_144, %dma_start3A_145] : memref<8x1024x1024xf32, #tpu.memory_space<hbm>> -> memref<1x1024x1024xf32, #tpu.memory_space<hbm>>
          %dma_start3A_147 = tpu.memref_squeeze %dma_start3A_146 : memref<1x1024x1024xf32, #tpu.memory_space<hbm>> -> memref<1024x1024xf32, #tpu.memory_space<hbm>>
          tpu.enqueue_dma source(%dma_start3A_147 : memref<1024x1024xf32, #tpu.memory_space<hbm>>) target(%arg14 : memref<1024x1024xf32, #tpu.memory_space<vmem>>) target_semaphore(%arg21 : memref<!tpu.dma_semaphore, #tpu.memory_space<semaphore_mem>>)
          %dma_start3A_148 = arith.constant 0 : i32
          %dma_start3A_149 = arith.constant 0 : i32
          %dma_start3A_150 = tpu.memref_slice %arg5[%scan3A_133, %dma_start3A_148, %dma_start3A_149] : memref<8x1x1024xf32, #tpu.memory_space<hbm>> -> memref<1x1x1024xf32, #tpu.memory_space<hbm>>
          %dma_start3A_151 = tpu.memref_squeeze %dma_start3A_150 : memref<1x1x1024xf32, #tpu.memory_space<hbm>> -> memref<1x1024xf32, #tpu.memory_space<hbm>>
          tpu.enqueue_dma source(%dma_start3A_151 : memref<1x1024xf32, #tpu.memory_space<hbm>>) target(%arg15 : memref<1x1024xf32, #tpu.memory_space<vmem>>) target_semaphore(%arg22 : memref<!tpu.dma_semaphore, #tpu.memory_space<semaphore_mem>>)
          %dma_start3A_152 = arith.constant 0 : i32
          %dma_start3A_153 = arith.constant 0 : i32
          %dma_start3A_154 = tpu.memref_slice %arg7[%scan3A_133, %dma_start3A_152, %dma_start3A_153] : memref<8x1x1024xf32, #tpu.memory_space<hbm>> -> memref<1x1x1024xf32, #tpu.memory_space<hbm>>
          %dma_start3A_155 = tpu.memref_squeeze %dma_start3A_154 : memref<1x1x1024xf32, #tpu.memory_space<hbm>> -> memref<1x1024xf32, #tpu.memory_space<hbm>>
          tpu.enqueue_dma source(%dma_start3A_155 : memref<1x1024xf32, #tpu.memory_space<hbm>>) target(%arg16 : memref<1x1024xf32, #tpu.memory_space<vmem>>) target_semaphore(%arg23 : memref<!tpu.dma_semaphore, #tpu.memory_space<semaphore_mem>>)
          %dma_wait3A = arith.constant 0 : i32
          %dma_wait3A_156 = arith.constant 0 : i32
          %dma_wait3A_157 = tpu.memref_slice %arg4[%scan3A_133, %dma_wait3A, %dma_wait3A_156] : memref<8x1024x1024xf32, #tpu.memory_space<hbm>> -> memref<1x1024x1024xf32, #tpu.memory_space<hbm>>
          %dma_wait3A_158 = tpu.memref_squeeze %dma_wait3A_157 : memref<1x1024x1024xf32, #tpu.memory_space<hbm>> -> memref<1024x1024xf32, #tpu.memory_space<hbm>>
          tpu.wait_dma2 semaphore(%arg20 : memref<!tpu.dma_semaphore, #tpu.memory_space<semaphore_mem>>) src(%dma_wait3A_158 : memref<1024x1024xf32, #tpu.memory_space<hbm>>) dst(%arg13 : memref<1024x1024xf32, #tpu.memory_space<vmem>>)
          %dma_wait3A_159 = arith.constant 0 : i32
          %dma_wait3A_160 = arith.constant 0 : i32
          %dma_wait3A_161 = tpu.memref_slice %arg6[%scan3A_133, %dma_wait3A_159, %dma_wait3A_160] : memref<8x1024x1024xf32, #tpu.memory_space<hbm>> -> memref<1x1024x1024xf32, #tpu.memory_space<hbm>>
          %dma_wait3A_162 = tpu.memref_squeeze %dma_wait3A_161 : memref<1x1024x1024xf32, #tpu.memory_space<hbm>> -> memref<1024x1024xf32, #tpu.memory_space<hbm>>
          tpu.wait_dma2 semaphore(%arg21 : memref<!tpu.dma_semaphore, #tpu.memory_space<semaphore_mem>>) src(%dma_wait3A_162 : memref<1024x1024xf32, #tpu.memory_space<hbm>>) dst(%arg14 : memref<1024x1024xf32, #tpu.memory_space<vmem>>)
          %dma_wait3A_163 = arith.constant 0 : i32
          %dma_wait3A_164 = arith.constant 0 : i32
          %dma_wait3A_165 = tpu.memref_slice %arg5[%scan3A_133, %dma_wait3A_163, %dma_wait3A_164] : memref<8x1x1024xf32, #tpu.memory_space<hbm>> -> memref<1x1x1024xf32, #tpu.memory_space<hbm>>
          %dma_wait3A_166 = tpu.memref_squeeze %dma_wait3A_165 : memref<1x1x1024xf32, #tpu.memory_space<hbm>> -> memref<1x1024xf32, #tpu.memory_space<hbm>>
          tpu.wait_dma2 semaphore(%arg22 : memref<!tpu.dma_semaphore, #tpu.memory_space<semaphore_mem>>) src(%dma_wait3A_166 : memref<1x1024xf32, #tpu.memory_space<hbm>>) dst(%arg15 : memref<1x1024xf32, #tpu.memory_space<vmem>>)
          %dma_wait3A_167 = arith.constant 0 : i32
          %dma_wait3A_168 = arith.constant 0 : i32
          %dma_wait3A_169 = tpu.memref_slice %arg7[%scan3A_133, %dma_wait3A_167, %dma_wait3A_168] : memref<8x1x1024xf32, #tpu.memory_space<hbm>> -> memref<1x1x1024xf32, #tpu.memory_space<hbm>>
          %dma_wait3A_170 = tpu.memref_squeeze %dma_wait3A_169 : memref<1x1x1024xf32, #tpu.memory_space<hbm>> -> memref<1x1024xf32, #tpu.memory_space<hbm>>
          tpu.wait_dma2 semaphore(%arg23 : memref<!tpu.dma_semaphore, #tpu.memory_space<semaphore_mem>>) src(%dma_wait3A_170 : memref<1x1024xf32, #tpu.memory_space<hbm>>) dst(%arg16 : memref<1x1024xf32, #tpu.memory_space<vmem>>)
          %scan3A_171 = arith.constant 0 : i32
          %scan3A_172 = arith.constant 8 : i32
          %scan3A_173 = arith.addi %scan3A_171, %scan3A_172 : i32
          %scan3A_174 = arith.constant 1 : i32
          scf.for %scan3A_176 = %scan3A_171 to %scan3A_173 step %scan3A_174  : i32 {
            %mul3A = arith.constant 512 : i32
            %mul3A_177 = arith.muli %scan3A_176, %mul3A : i32
            %dma_start3A_178 = arith.constant 0 : i32
            %dma_start3A_179 = tpu.memref_slice %arg2[%mul3A_177, %dma_start3A_178] : memref<4096x1024xf32, #tpu.memory_space<hbm>> -> memref<512x1024xf32, #tpu.memory_space<hbm>>
            tpu.enqueue_dma source(%dma_start3A_179 : memref<512x1024xf32, #tpu.memory_space<hbm>>) target(%arg11 : memref<512x1024xf32, #tpu.memory_space<vmem>>) target_semaphore(%arg17 : memref<!tpu.dma_semaphore, #tpu.memory_space<semaphore_mem>>)
            %dma_start3A_180 = arith.constant 0 : i32
            %dma_start3A_181 = tpu.memref_slice %arg3[%dma_start3A_180, %mul3A_177] : memref<8x4096xf32, #tpu.memory_space<hbm>> -> memref<8x512xf32, #tpu.memory_space<hbm>>
            tpu.enqueue_dma source(%dma_start3A_181 : memref<8x512xf32, #tpu.memory_space<hbm>>) target(%arg12 : memref<8x512xf32, #tpu.memory_space<vmem>>) target_semaphore(%arg18 : memref<!tpu.dma_semaphore, #tpu.memory_space<semaphore_mem>>)
            %dma_wait3A_182 = arith.constant 0 : i32
            %dma_wait3A_183 = tpu.memref_slice %arg2[%mul3A_177, %dma_wait3A_182] : memref<4096x1024xf32, #tpu.memory_space<hbm>> -> memref<512x1024xf32, #tpu.memory_space<hbm>>
            tpu.wait_dma2 semaphore(%arg17 : memref<!tpu.dma_semaphore, #tpu.memory_space<semaphore_mem>>) src(%dma_wait3A_183 : memref<512x1024xf32, #tpu.memory_space<hbm>>) dst(%arg11 : memref<512x1024xf32, #tpu.memory_space<vmem>>)
            %dma_wait3A_184 = arith.constant 0 : i32
            %dma_wait3A_185 = tpu.memref_slice %arg3[%dma_wait3A_184, %mul3A_177] : memref<8x4096xf32, #tpu.memory_space<hbm>> -> memref<8x512xf32, #tpu.memory_space<hbm>>
            tpu.wait_dma2 semaphore(%arg18 : memref<!tpu.dma_semaphore, #tpu.memory_space<semaphore_mem>>) src(%dma_wait3A_185 : memref<8x512xf32, #tpu.memory_space<hbm>>) dst(%arg12 : memref<8x512xf32, #tpu.memory_space<vmem>>)
            %get3A_186 = arith.constant 0 : index
            %get3A_187 = arith.constant 0 : index
            %get3A_188 = vector.load %arg11[%get3A_186, %get3A_187] : memref<512x1024xf32, #tpu.memory_space<vmem>>, vector<512x1024xf32>
            %get3A_189 = arith.constant 0 : index
            %get3A_190 = arith.constant 0 : index
            %get3A_191 = vector.load %arg13[%get3A_189, %get3A_190] : memref<1024x1024xf32, #tpu.memory_space<vmem>>, vector<1024x1024xf32>
            %dot_general3A = arith.constant dense<0.000000e+00> : vector<512x1024xf32>
            %dot_general3A_192 = tpu.matmul %get3A_188, %get3A_191, %dot_general3A {dimension_numbers = #tpu.dot_dimension_numbers<[1], [1], [0], [0], [0, 0, 1, 0], [], []>, transpose_lhs_hint = false} : vector<512x1024xf32>, vector<1024x1024xf32>, vector<512x1024xf32> -> vector<512x1024xf32>
            %get3A_193 = arith.constant 0 : index
            %get3A_194 = arith.constant 0 : index
            %get3A_195 = vector.load %arg15[%get3A_193, %get3A_194] : memref<1x1024xf32, #tpu.memory_space<vmem>>, vector<1x1024xf32>
            %add3A = vector.broadcast %get3A_195 : vector<1x1024xf32> to vector<512x1024xf32>
            %add3A_196 = arith.addf %dot_general3A_192, %add3A : vector<512x1024xf32>
            %max3A_197 = arith.constant 0.000000e+00 : f32
            %max3A_198 = vector.broadcast %max3A_197 : f32 to vector<512x1024xf32>
            %max3A_199 = arith.maximumf %add3A_196, %max3A_198 : vector<512x1024xf32>
            %get3A_200 = arith.constant 0 : index
            %get3A_201 = arith.constant 0 : index
            %get3A_202 = vector.load %arg14[%get3A_200, %get3A_201] : memref<1024x1024xf32, #tpu.memory_space<vmem>>, vector<1024x1024xf32>
            %dot_general3A_203 = arith.constant dense<0.000000e+00> : vector<512x1024xf32>
            %dot_general3A_204 = tpu.matmul %max3A_199, %get3A_202, %dot_general3A_203 {dimension_numbers = #tpu.dot_dimension_numbers<[1], [1], [0], [0], [0, 0, 1, 0], [], []>, transpose_lhs_hint = false} : vector<512x1024xf32>, vector<1024x1024xf32>, vector<512x1024xf32> -> vector<512x1024xf32>
            %get3A_205 = arith.constant 0 : index
            %get3A_206 = arith.constant 0 : index
            %get3A_207 = vector.load %arg16[%get3A_205, %get3A_206] : memref<1x1024xf32, #tpu.memory_space<vmem>>, vector<1x1024xf32>
            %add3A_208 = vector.broadcast %get3A_207 : vector<1x1024xf32> to vector<512x1024xf32>
            %add3A_209 = arith.addf %dot_general3A_204, %add3A_208 : vector<512x1024xf32>
            %get3A_210 = arith.constant 0 : index
            %get3A_211 = arith.constant 0 : index
            %get3A_212 = vector.load %arg12[%get3A_210, %get3A_211] : memref<8x512xf32, #tpu.memory_space<vmem>>, vector<8x512xf32>
            %transpose3A = tpu.transpose %get3A_212, [1, 0] : vector<8x512xf32> -> vector<512x8xf32>
            %iota3A = tpu.iota {dimensions = array<i32: 1>} : vector<512x8xi32>
            %eq3A = vector.broadcast %scan3A_133 : i32 to vector<512x8xi32>
            %eq3A_213 = arith.cmpi eq, %iota3A, %eq3A : vector<512x8xi32>
            %jit3A = arith.constant 0.000000e+00 : f32
            %broadcast_in_dim3A_214 = vector.broadcast %jit3A : f32 to vector<512x8xf32>
            %select_n3A = arith.select %eq3A_213, %transpose3A, %broadcast_in_dim3A_214 : vector<512x8xi1>, vector<512x8xf32>
            %reduce_sum3A_215 = arith.constant dense<0.000000e+00> : vector<512xf32>
            %reduce_sum3A_216 = vector.multi_reduction <add>, %select_n3A, %reduce_sum3A_215 [1] : vector<512x8xf32> to vector<512xf32>
            %broadcast_in_dim3A_217 = vector.shape_cast %reduce_sum3A_216 : vector<512xf32> to vector<512x1xf32>
            %get3A_218 = arith.index_cast %mul3A_177 : i32 to index
            %get3A_219 = arith.constant 0 : index
            %get3A_220 = vector.load %arg10[%get3A_218, %get3A_219] : memref<4096x1024xf32, #tpu.memory_space<vmem>>, vector<512x1024xf32>
            %mul3A_221 = vector.broadcast %broadcast_in_dim3A_217 : vector<512x1xf32> to vector<512x1024xf32>
            %mul3A_222 = arith.mulf %add3A_209, %mul3A_221 : vector<512x1024xf32>
            %add3A_223 = arith.addf %get3A_220, %mul3A_222 : vector<512x1024xf32>
            %swap3A_224 = arith.index_cast %mul3A_177 : i32 to index
            %swap3A_225 = arith.constant 0 : index
            %swap3A_226 = vector.load %arg10[%swap3A_224, %swap3A_225] : memref<4096x1024xf32, #tpu.memory_space<vmem>>, vector<512x1024xf32>
            tpu.vector_store %arg10[%swap3A_224, %swap3A_225], %add3A_223 {strides = array<i32>} : memref<4096x1024xf32, #tpu.memory_space<vmem>>, vector<512x1024xf32>,
          }
          %scan3A_175 = arith.constant 8 : i32
        } else {
        }
      }
      %scan3A_127 = arith.constant 8 : i32
      %scan3A_128 = arith.constant 0 : i32
      %scan3A_129 = arith.constant 8 : i32
      %scan3A_130 = arith.addi %scan3A_128, %scan3A_129 : i32
      %scan3A_131 = arith.constant 1 : i32
      scf.for %scan3A_133 = %scan3A_128 to %scan3A_130 step %scan3A_131  : i32 {
        %mul3A = arith.constant 512 : i32
        %mul3A_134 = arith.muli %scan3A_133, %mul3A : i32
        %dma_start3A = arith.constant 0 : i32
        %dma_start3A_135 = tpu.memref_slice %arg8[%mul3A_134, %dma_start3A] : memref<4096x1024xf32, #tpu.memory_space<hbm>> -> memref<512x1024xf32, #tpu.memory_space<hbm>>
        %dma_start3A_136 = arith.constant 0 : i32
        %dma_start3A_137 = tpu.memref_slice %arg10[%mul3A_134, %dma_start3A_136] : memref<4096x1024xf32, #tpu.memory_space<vmem>> -> memref<512x1024xf32, #tpu.memory_space<vmem>>
        tpu.enqueue_dma source(%dma_start3A_137 : memref<512x1024xf32, #tpu.memory_space<vmem>>) target(%dma_start3A_135 : memref<512x1024xf32, #tpu.memory_space<hbm>>) target_semaphore(%arg19 : memref<!tpu.dma_semaphore, #tpu.memory_space<semaphore_mem>>)
        %dma_wait3A = arith.constant 0 : i32
        %dma_wait3A_138 = tpu.memref_slice %arg8[%mul3A_134, %dma_wait3A] : memref<4096x1024xf32, #tpu.memory_space<hbm>> -> memref<512x1024xf32, #tpu.memory_space<hbm>>
        %dma_wait3A_139 = arith.constant 0 : i32
        %dma_wait3A_140 = tpu.memref_slice %arg10[%mul3A_134, %dma_wait3A_139] : memref<4096x1024xf32, #tpu.memory_space<vmem>> -> memref<512x1024xf32, #tpu.memory_space<vmem>>
        tpu.wait_dma2 semaphore(%arg19 : memref<!tpu.dma_semaphore, #tpu.memory_space<semaphore_mem>>) src(%dma_wait3A_140 : memref<512x1024xf32, #tpu.memory_space<vmem>>) dst(%dma_wait3A_138 : memref<512x1024xf32, #tpu.memory_space<hbm>>)
      }
      %scan3A_132 = arith.constant 8 : i32
    } else {
    }
    return
  }
}

</mosaic_0001>

<sc_bundles>
// kernel: kernel.5.cloned.1.call-start
scs
__scs_entry_jumppad:
0x0: {  	(pc) =	sbr.rel $0x88, $3  }
0x1: {  	(tag) =	ssettag $0x0;
	lr =	simm.s32 $0x1  }
0x2: {  	[smem:$0x3F9B] =	sst lr;
	_ =	strace $0xD0000000  }
0x3: {  	_ = 	snop  }
0x4: {  	_ = 	snop  }
0x5: {  	_ = 	snop  }
0x6: {  	_ = 	snop  }
0x7: {  	_ = 	snop  }
__scs_overlays_trampoline_lowered:
0x8: {  	[smem:$0x3FAA] =	sst s0  }
0x9: {  	[smem:$0x3FAB] =	sst s1  }
0xa: {  	[smem:$0x3FAC] =	sst s2  }
0xb: {  	[smem:$0x3FAD] =	sst s3  }
0xc: {  	[smem:$0x3FAE] =	sst s4  }
0xd: {  	[smem:$0x3FAF] =	sst s5  }
0xe: {  	[smem:$0x3FB0] =	sst s6  }
0xf: {  	[smem:$0x3FB1] =	sst s7  }
0x10: {  	[smem:$0x3FB2] =	sst s8  }
0x11: {  	[smem:$0x3FB3] =	sst s9;
	s0 =	simm.s32 @!p0 $0x0  }
0x12: {  	s1 =	sld [smem:$0x3F99];
	s0 =	simm.s32 @p0 $0x1  }
0x13: {  	[smem:$0x3FB4] =	sst s0;
	s0 =	simm.s32 @!p1 $0x0  }
0x14: {  	s2 =	sld [smem:$0x3F98];
	s0 =	simm.s32 @p1 $0x1  }
0x15: {  	[smem:$0x3FB5] =	sst s0;
	s0 =	simm.s32 @!p2 $0x0  }
0x16: {  	s3 =	sld [smem:$0x3FDB];
	s0 =	simm.s32 @p2 $0x1  }
0x17: {  	s4 =	simm.s32 $0x1BF5;
	[smem:$0x3FB7] =	sst s0  }
0x18: {  	s0 =	sld [smem:$0x3F9A];
	_ =	swait.ge [sflag:s4], $0x0  }
0x19: {  	s7 =	sld [smem:$0x3F9B]  }
0x1a: {  	s8 =	sadd.s32 $0xFFFFE003, lr  }
0x1b: {  	s9 =	sadd.s32 $0xFFFFFEF7, lr;
	s5 =	simm.s32 $0xFFFFFFFF;
	p2 =	slt.u32 s8, $0xFFFFF086  }
0x1c: {  	p1 =	slt.u32 s9, $0xF7A;
	s5 =	simm.s32 @!p2 $0x0  }
0x1d: {  	s5 =	simm.s32 @p1 $0x1;
	p0 =	seq.s32 s7, s2  }
0x1e: {  	s7 =	smul.u32 @!p0 $0xF7A, s2;
	p2 =	seq.s32 @!p0 s5, $0x0  }
0x1f: {  	s9 =	smul.u32 $0xF7A, s1;
	s8 =	simm.s32 @!p0 $0x1BF5;
	p2 =	por !p2, p0  }
0x20: {  	[sflag:s8] =	ssyncset.s32 @!p0 $0xFFFFF086;
	s6 =	sadd.s32 @!p0 s3, s7;
	s7 =	simm.s32 @!p0 $0x108  }
0x21: {  	s3 =	sadd.s32 s3, s9;
	s6 =	sadd.s32 @!p0 $0x88, s6;
	s7 =	simm.s32 @p2 $0x1082  }
0x22: {  	[simem:s7], [sflag:s8] =	dma.local @!p0 [hbm:s6], $0xF7A  }
0x23: {  	s9 =	sor.u32 $0xD0000000, s2;
	s6 =	simm.s32 $0x108;
	_ =	swait.ge @!p0 [sflag:s8], $0x0  }
0x24: {  	s3 =	sadd.s32 $0x88, s3;
	s6 =	simm.s32 @!p1 $0x1082;
	[sflag:s4] =	ssyncset.s32 $0xFFFFF086  }
0x25: {  	[simem:s6], [sflag:s4] =	dma.local [hbm:s3], $0xF7A  }
0x26: {  	[smem:$0x3F9B] =	sst s1;
	(tag) =	ssettag s2;
	_ =	strace s9  }
0x27: {  	s1 =	sld [smem:$0x3FAB]  }
0x28: {  	s2 =	sld [smem:$0x3FAC]  }
0x29: {  	s4 =	sld [smem:$0x3FAE]  }
0x2a: {  	p0 =	seq.s32 s5, $0x0;
	s5 =	sld [smem:$0x3FAF]  }
0x2b: {  	s6 =	sld [smem:$0x3FB0]  }
0x2c: {  	s7 =	sld [smem:$0x3FB1]  }
0x2d: {  	s3 =	simm.s32 $0x108;
	s8 =	sld [smem:$0x3FB2]  }
0x2e: {  	s3 =	simm.s32 @!p0 $0x1082;
	s9 =	sld [smem:$0x3FB3]  }
0x2f: {  	lr =	sadd.s32 s0, s3;
	s0 =	sld [smem:$0x3FAA]  }
0x30: {  	s3 =	sld [smem:$0x3FAD]  }
0x31: {  	[smem:$0x3FB6] =	sst s10  }
0x32: {  	s10 =	sld [smem:$0x3FB4];
	_ =	sdelay $0x3  }
0x33: {  	p0 =	seq.s32 s10, $0x1;
	s10 =	sld [smem:$0x3FB6];
	_ =	sdelay $0x3  }
0x34: {  	[smem:$0x3FB6] =	sst s10  }
0x35: {  	s10 =	sld [smem:$0x3FB5];
	_ =	sdelay $0x3  }
0x36: {  	p1 =	seq.s32 s10, $0x1;
	s10 =	sld [smem:$0x3FB6];
	_ =	sdelay $0x3  }
0x37: {  	[smem:$0x3FB6] =	sst s10  }
0x38: {  	s10 =	sld [smem:$0x3FB7]  }
0x39: {  	_ = 	snop;
	(pc) =	sbr.ind lr, $3  }
0x3a: {  	_ = 	snop  }
0x3b: {  	_ = 	snop  }
0x3c: {  	p2 =	seq.s32 s10, $0x1;
	s10 =	sld [smem:$0x3FB6]  }
0x3d: {  	_ =	shalt  }
0x3e: {  	_ =	shalt  }
0x3f: {  	_ =	shalt  }
0x40: {  	_ =	shalt  }
0x41: {  	_ =	shalt  }
0x42: {  	_ =	shalt  }
0x43: {  	_ =	shalt  }
0x44: {  	_ =	shalt  }
0x45: {  	_ =	shalt  }
0x46: {  	_ =	shalt  }
0x47: {  	_ =	shalt  }
0x48: {  	_ =	shalt  }
0x49: {  	_ =	shalt  }
0x4a: {  	_ =	shalt  }
0x4b: {  	_ =	shalt  }
0x4c: {  	_ =	shalt  }
0x4d: {  	_ =	shalt  }
0x4e: {  	_ =	shalt  }
0x4f: {  	_ =	shalt  }
0x50: {  	_ =	shalt  }
0x51: {  	_ =	shalt  }
0x52: {  	_ =	shalt  }
0x53: {  	_ =	shalt  }
0x54: {  	_ =	shalt  }
0x55: {  	_ =	shalt  }
0x56: {  	_ =	shalt  }
0x57: {  	_ =	shalt  }
0x58: {  	_ =	shalt  }
0x59: {  	_ =	shalt  }
0x5a: {  	_ =	shalt  }
0x5b: {  	_ =	shalt  }
0x5c: {  	_ =	shalt  }
0x5d: {  	_ =	shalt  }
0x5e: {  	_ =	shalt  }
0x5f: {  	_ =	shalt  }
0x60: {  	_ =	shalt  }
0x61: {  	_ =	shalt  }
0x62: {  	_ =	shalt  }
0x63: {  	_ =	shalt  }
0x64: {  	_ =	shalt  }
0x65: {  	_ =	shalt  }
0x66: {  	_ =	shalt  }
0x67: {  	_ =	shalt  }
0x68: {  	_ =	shalt  }
0x69: {  	_ =	shalt  }
0x6a: {  	_ =	shalt  }
0x6b: {  	_ =	shalt  }
0x6c: {  	_ =	shalt  }
0x6d: {  	_ =	shalt  }
0x6e: {  	_ =	shalt  }
0x6f: {  	_ =	shalt  }
0x70: {  	_ =	shalt  }
0x71: {  	_ =	shalt  }
0x72: {  	_ =	shalt  }
0x73: {  	_ =	shalt  }
0x74: {  	_ =	shalt  }
0x75: {  	_ =	shalt  }
0x76: {  	_ =	shalt  }
0x77: {  	_ =	shalt  }
0x78: {  	_ =	shalt  }
0x79: {  	_ =	shalt  }
0x7a: {  	_ =	shalt  }
0x7b: {  	_ =	shalt  }
0x7c: {  	_ =	shalt  }
0x7d: {  	_ =	shalt  }
0x7e: {  	_ =	shalt  }
0x7f: {  	_ =	shalt  }
0x80: {  	_ =	shalt  }
0x81: {  	_ =	shalt  }
0x82: {  	_ =	shalt  }
0x83: {  	_ =	shalt  }
0x84: {  	_ =	shalt  }
0x85: {  	_ =	shalt  }
0x86: {  	_ =	shalt  }
0x87: {  	_ =	shalt  }
.Lfunc_end0:
.L_simem_size_0:
called_computation_lowered:
.L_overlay_start_0:
0x88: {  	s2 =	sld [smem:$0x3FD9]  }
0x89: {  	s3 =	sld [smem:$0x3FFE];
	_ =	sdelay $0x1  }
0x8a: {  	s1 =	srdreg.scid  }
0x8b: {  	s0 =	sand.u32 $0x1, s1  }
0x8c: {  	s16 =	sshll.u32 s0, $0xA;
	s2 =	sadd.s32 s3, s2  }
0x8d: {  	s2 =	sadd.s32 s2, s16  }
0x8e: {  	[smem:$0x3FC2] =	sst s2  }
0x8f: {  	_ = 	snop  }
0x90: {  	(tm) =	ssettm $0x1  }
0x91: {  	s17 =	sld [smem:$0x3FFB];
	_ =	sdelay $0x3  }
0x92: {  	_ =	strace s17  }
0x93: {  	s2 =	sld [smem:$0x3FFC];
	_ =	sdelay $0x3  }
0x94: {  	_ =	strace s2  }
0x95: {  	s2 =	sld [smem:$0x3FFD];
	_ =	sdelay $0x3  }
0x96: {  	_ =	strace s2  }
0x97: {  	_ =	strace $0x8FFFFFFF  }
0x98: {  	s18 =	sld [smem:$0x3FDB];
	_ =	sdelay $0x1  }
0x99: {  	s19 =	simm.s32 $_scs_section_size  }
0x9a: {  	s4 =	simm.s32 $_size__tile_overlayer_lowered;
	s5 =	simm.s32 $_tile_overlayer_lowered  }
0x9b: {  	s22 =	simm.s32 $0x1BFF;
	s21 =	sshll.u32 s5, $0x1;
	s2 =	sadd.s32 s19, s18  }
0x9c: {  	s6 =	simm.s32 $0x0;
	s20 =	sshll.u32 s4, $0x1;
	s4 =	sadd.s32 s21, s2  }
0x9d: {  	[timem:s6], [sflag:s22] =	dma.local [hbm:s4], s20  }
0x9e: {  	_ =	swait.ge [sflag:s22], s20  }
0x9f: {  	s3 =	ssub.s32 $0x0, s20;
	[sflag:s22] =	ssyncset.done $0x0  }
0xa0: {  	[sflag:s22] =	ssyncadd.s32 s3;
	_ =	sdelay $0x1  }
0xa1: {  	s23 =	simm.s32 $0x1B8B  }
0xa2: {  	_ =	swait.ge [sflag:s23], $0x1  }
0xa3: {  	[sflag:s23] =	ssyncset.done $0x0  }
0xa4: {  	s25 =	simm.s32 $0x1B8E;
	s24 =	sld [smem:$0x3FFE];
	[sflag:s23] =	ssyncadd.s32 $0xFFFFFFFF  }
0xa5: {  	s26 =	simm.s32 $execute0_lowered;
	[smem:$0x3FD2] =	sst s25  }
0xa6: {  	s4 =	sshll.u32 s26, $0x1;
	_ =	strace $0x80000046;
	[dreg:$0x1] =	wrdreg $0xFFFFFFFF  }
0xa7: {  	s28 =	simm.s32 $_size_execute0_lowered;
	s2 =	sadd.s32 s2, s4;
	[dreg:$0x0] =	wrdreg $0x0  }
0xa8: {  	s4 =	sshll.u32 s28, $0x1;
	[dreg:$0x2] =	wrdreg s2  }
0xa9: {  	[dreg:$0x3] =	wrdreg s4  }
0xaa: {  	[dreg:$0x4] =	wrdreg $0xC0  }
0xab: {  	_ =	task [dreg:s6], $0x5FFFF  }
0xac: {  	[dreg:$0x1] =	wrdreg $0xFFFFFFFF  }
0xad: {  	[dreg:$0x0] =	wrdreg $0x60  }
0xae: {  	[dreg:$0x2] =	wrdreg s24  }
0xaf: {  	[dreg:$0x3] =	wrdreg $0x9  }
0xb0: {  	_ =	task.clear_ibuf [dreg:s6], $0x4FFFF;
	_ =	strace $0x90000046  }
0xb1: {  	s29 =	simm.s32 $0x9;
	_ =	strace $0x80000048  }
0xb2: {  	_ =	swait.ge [sflag:s29], $0x1  }
0xb3: {  	[sflag:s29] =	ssyncadd.s32 $0xFFFFFFFF  }
0xb4: {  	_ =	strace $0x90000048  }
0xb5: {  	_ =	sfence  }
0xb6: {  	s30 =	sld [smem:$0x0];
	_ =	sdelay $0x2  }
0xb7: {  	s31 =	sshll.u32 s1, $0xD;
	s1 =	sshrl.u32 s1, $0x2  }
0xb8: {  	s3 =	sand.u32 $0x4000, s31;
	s1 =	sadd.s32 s1, s30  }
0xb9: {  	s0 =	sor.u32 s3, s0;
	s1 =	sshll.u32 s1, $0x11  }
0xba: {  	s0 =	sor.u32 s1, s0  }
0xbb: {  	s0 =	sadd.s32 $0x8F2B, s0  }
0xbc: {  	[sflag:s0] =	ssyncadd.remote.s32 $0x1  }
0xbd: {  	_ =	sfence.sel $0xFFFF  }
0xbe: {  	[dreg:$0x0] =	wrdreg $0xFFFFFFFF;
	(pc) =	sbr.abs _section_cstart, $3  }
0xbf: {  	[dreg:$0x1] =	wrdreg $0xFFFFFFFF  }
0xc0: {  	_ =	task.clear_ibuf [dreg:s6], $0x2FFFF;
	_ =	strace $0x9FFFFFFF  }
0xc1: {  	(tm) =	ssettm $0x7FFFFFFF  }
tec
execute0_lowered:
.L_overlay_start_1:
0x0: {  	(tag) =	ssettag $0x1  }
0x1: {  	s3 =	rddreg [dreg:$0x0]  }
0x2: {  	s0 =	rddreg [dreg:$0x1];
	s4 =	srdreg.scid  }
0x3: {  	s2 =	simm.s32 $0x0;
	s1 =	stileid.u32;
	s4 =	sand.u32 $0x1, s4  }
0x4: {  	s8 =	simm.s32 $0x800;
	s5 =	sshll.u32 s1, $0x8;
	s6 =	sshll.u32 s4, $0x7  }
0x5: {  	s9 =	simm.s32 $0x400;
	[smem:$0x7FF] =	sst s2;
	s5 =	sor.u32 s6, s5  }
0x6: {  	s4 =	ssub.s32 $0x2, s4;
	s6 =	sadd.s32 s5, s3;
	s5 =	sshrl.u32 s5, $0x3  }
0x7: {  	_ =	strace $0x80000047;
	s7 =	sshrl.u32 s4, $0x1;
	s5 =	sadd.s32 s5, s3  }
0x8: {  	s7 =	ssub.s32 s4, s7;
	s3 =	sadd.s32 $0x1A00, s6;
	s4 =	sadd.s32 $0x3A00, s5  }
0x9: {  	v37 =	vimm.s32 $0x0;
	s5 =	sadd.s32 $0x2A00, s6;
	s6 =	smax.u32 s7, $0x1;
	s7 =	simm.s32 $0x1  }
.LBB2_1:
0xa: {  	[tilespmem:s2], [sflag:$0x1] =	stream.linear.gather [hbm4b:s3+s2], $0x400, $0x38;
	[tilespmem:$0x880] =	vst v63  }
0xb: {  	_ =	swait.ge [sflag:s7], $0x400  }
0xc: {  	[sflag:s7] =	ssyncset.done $0x0  }
0xd: {  	[sflag:s7] =	ssyncadd.s32 $0xFFFFFC00  }
0xe: {  	v0 =	vld [tilespmem:$0x0]  }
0xf: {  	v2 =	vld [tilespmem:$0x80]  }
0x10: {  	v3 =	vld [tilespmem:$0x100]  }
0x11: {  	v4 =	vld [tilespmem:$0x180]  }
0x12: {  	v5 =	vld [tilespmem:$0x200]  }
0x13: {  	v6 =	vld [tilespmem:$0x280]  }
0x14: {  	v7 =	vld [tilespmem:$0x300];
	v8 =	vmax.f32 v0, v2  }
0x15: {  	v9 =	vld [tilespmem:$0x380];
	v8 =	vmax.f32 v8, v3  }
0x16: {  	v8 =	vmax.f32 v8, v4  }
0x17: {  	v8 =	vmax.f32 v8, v5  }
0x18: {  	v8 =	vmax.f32 v8, v6  }
0x19: {  	v8 =	vmax.f32 v8, v7  }
0x1a: {  	v8 =	vmax.f32 v8, v9  }
0x1b: {  	v0 =	vsub.f32 v0, v8  }
0x1c: {  	v2 =	vsub.f32 v2, v8  }
0x1d: {  	v0 =	vmul.f32 $1.442695020e+00, v0  }
0x1e: {  	v3 =	vsub.f32 v3, v8;
	v2 =	vmul.f32 $1.442695020e+00, v2  }
0x1f: {  	(erf) = vpow2.f32 v0  }
0x20: {  	v35 =	vsub.f32 v4, v8;
	v34 =	vmul.f32 $1.442695020e+00, v3;
	(erf) = vpow2.f32 v2;
	_ =	sdelay $0x1  }
0x21: {  	v38 =	vsub.f32 v5, v8;
	v36 =	vmul.f32 $1.442695020e+00, v35;
	(erf) = vpow2.f32 v34;
	_ =	sdelay $0x1  }
0x22: {  	v40 =	vsub.f32 v6, v8;
	v39 =	vmul.f32 $1.442695020e+00, v38;
	(erf) = vpow2.f32 v36;
	_ =	sdelay $0x1  }
0x23: {  	v42 =	vsub.f32 v7, v8;
	v41 =	vmul.f32 $1.442695020e+00, v40;
	(erf) = vpow2.f32 v39;
	_ =	sdelay $0x1  }
0x24: {  	v45 =	vsub.f32 v9, v8;
	v44 =	vmul.f32 $1.442695020e+00, v42;
	(erf) = vpow2.f32 v41;
	v43 =	vpop (erf)  }
0x25: {  	v46 =	vpop (erf)  }
0x26: {  	v47 =	vmul.f32 $1.442695020e+00, v45;
	(erf) = vpow2.f32 v44;
	v48 =	vadd.f32 v46, v43  }
0x27: {  	v49 =	vpop (erf)  }
0x28: {  	(erf) = vpow2.f32 v47;
	v50 =	vadd.f32 v48, v49  }
0x29: {  	v51 =	vpop (erf)  }
0x2a: {  	v0 =	vadd.f32 v50, v51  }
0x2b: {  	v52 =	vpop (erf)  }
0x2c: {  	v0 =	vadd.f32 v0, v52  }
0x2d: {  	v53 =	vpop (erf)  }
0x2e: {  	v0 =	vadd.f32 v0, v53  }
0x2f: {  	v54 =	vpop (erf)  }
0x30: {  	v0 =	vadd.f32 v0, v54  }
0x31: {  	v10 =	vpop (erf)  }
0x32: {  	v11 =	vld [tilespmem:$0x10];
	v0 =	vadd.f32 v0, v10  }
0x33: {  	v12 =	vld [tilespmem:$0x90]  }
0x34: {  	v13 =	vld [tilespmem:$0x110];
	(erf) = vrcp.f32 v0  }
0x35: {  	v14 =	vld [tilespmem:$0x190]  }
0x36: {  	v17 =	vld [tilespmem:$0x210]  }
0x37: {  	v18 =	vld [tilespmem:$0x290]  }
0x38: {  	v19 =	vld [tilespmem:$0x310];
	v33 =	vmax.f32 v11, v12  }
0x39: {  	v20 =	vmax.f32 v33, v13;
	v34 =	vld [tilespmem:$0x390]  }
0x3a: {  	v20 =	vmax.f32 v20, v14  }
0x3b: {  	v36 =	vmax.f32 v20, v17  }
0x3c: {  	v9 =	vmax.f32 v36, v18  }
0x3d: {  	v9 =	vmax.f32 v9, v19;
	v0 =	vpop (erf)  }
0x3e: {  	v9 =	vmax.f32 v9, v34;
	v15 =	vmul.f32 v0, v43;
	v16 =	vmul.f32 v0, v46  }
0x3f: {  	v40 =	vimm.s32 $0x8;
	v38 =	vsub.f32 v11, v9;
	v55 =	vmul.f32 v0, v49  }
0x40: {  	v12 =	vsub.f32 v12, v9;
	v5 =	vmul.f32 v0, v51;
	v32 =	vmax.f32 v15, v16  }
0x41: {  	v13 =	vsub.f32 v13, v9;
	v4 =	vmul.f32 v0, v52;
	v2 =	vmax.f32 v32, v55  }
0x42: {  	v42 =	vsub.f32 v14, v9;
	v3 =	vmul.f32 v0, v53;
	v35 =	vmax.f32 v2, v5  }
0x43: {  	v44 =	vsub.f32 v17, v9;
	v2 =	vmul.f32 v0, v54;
	v8 =	vmax.f32 v35, v4  }
0x44: {  	v7 =	vsub.f32 v34, v9;
	v0 =	vmul.f32 v0, v10;
	v8 =	vmax.f32 v8, v3  }
0x45: {  	v12 =	vmul.f32 $1.442695020e+00, v12;
	v41 =	vmul.f32 $1.442695020e+00, v13;
	v8 =	vmax.f32 v8, v2  }
0x46: {  	v45 =	vmul.f32 $1.442695020e+00, v44;
	v10 =	vmul.f32 $1.442695020e+00, v38;
	v8 =	vmax.f32 v8, v0  }
0x47: {  	v7 =	vmul.f32 $1.442695020e+00, v7;
	v48 =	vsub.f32 v19, v9;
	vm1 =	veq.f32 v0, v8  }
0x48: {  	(erf) = vpow2.f32 v10;
	vm2 =	veq.f32 v2, v8;
	v39 =	vsel vm1, $0x7, v40  }
0x49: {  	(erf) = vpow2.f32 v12;
	vm8 =	veq.f32 v3, v8;
	v11 =	vsel vm2, $0x6, v39  }
0x4a: {  	v43 =	vmul.f32 $1.442695020e+00, v42;
	vm0 =	veq.f32 v4, v8;
	v11 =	vsel vm8, $0x5, v11  }
0x4b: {  	(erf) = vpow2.f32 v41;
	vm9 =	veq.f32 v5, v8;
	v11 =	vsel vm0, $0x4, v11  }
0x4c: {  	v46 =	vsub.f32 v18, v9;
	v38 =	vld [tilespmem:$0x20];
	vm10 =	veq.f32 v55, v8;
	v11 =	vsel vm9, $0x3, v11  }
0x4d: {  	vm11 =	veq.f32 v16, v8;
	(erf) = vpow2.f32 v43;
	v43 =	vld [tilespmem:$0xA0];
	v11 =	vsel vm10, $0x2, v11  }
0x4e: {  	v47 =	vmul.f32 $1.442695020e+00, v46;
	vm12 =	vne.f32 v15, v8;
	v11 =	vsel vm11, $0x1, v11  }
0x4f: {  	vm3 =	veq.f32 v15, v8;
	(erf) = vpow2.f32 v45;
	vm7 =	vmand vm12, vm11  }
0x50: {  	v50 =	vmul.f32 $1.442695020e+00, v48;
	v57 =	vsel vm3, $0xBF800000, v15;
	v58 =	vsel vm7, $0xBF800000, v16  }
0x51: {  	v62 =	vmax.f32 v57, v58;
	v49 =	vsel vm3, $0x0, v11;
	v11 =	vpop (erf);
	(erf) = vpow2.f32 v47  }
0x52: {  	v54 =	vmax.f32 v38, v43;
	vm4 =	veq.s32 v49, $0x2;
	vm6 =	veq.s32 v49, $0x3;
	v51 =	vpop (erf)  }
0x53: {  	vm5 =	veq.s32 v49, $0x4;
	(erf) = vpow2.f32 v50;
	v56 =	vadd.f32 v51, v11  }
0x54: {  	vm0 =	veq.s32 v49, $0x5;
	v59 =	vsel vm4, $0xBF800000, v55;
	v61 =	vsel vm6, $0xBF800000, v5;
	v17 =	vpop (erf)  }
0x55: {  	v45 =	vld [tilespmem:$0x120];
	v18 =	vmax.f32 v62, v59;
	(erf) = vpow2.f32 v7;
	v60 =	vadd.f32 v56, v17  }
0x56: {  	vm2 =	veq.s32 v49, $0x6;
	v28 =	vsel vm5, $0xBF800000, v4;
	v18 =	vmax.f32 v18, v61;
	v63 =	vpop (erf)  }
0x57: {  	v21 =	vsel vm0, $0xBF800000, v3;
	v18 =	vmax.f32 v18, v28;
	v7 =	vadd.f32 v60, v63  }
0x58: {  	vm1 =	veq.s32 v49, $0x7;
	v23 =	vsel vm2, $0xBF800000, v2;
	v22 =	vpop (erf);
	v29 =	vmax.f32 v18, v21  }
0x59: {  	v24 =	vsel vm1, $0xBF800000, v0;
	v8 =	vmax.f32 v29, v23;
	v7 =	vadd.f32 v7, v22  }
0x5a: {  	v10 =	vmax.f32 v54, v45;
	v8 =	vmax.f32 v8, v24;
	v30 =	vpop (erf)  }
0x5b: {  	v48 =	vld [tilespmem:$0x1A0];
	vm8 =	veq.f32 v24, v8;
	vm9 =	veq.f32 v23, v8;
	v7 =	vadd.f32 v7, v30  }
0x5c: {  	vm13 =	veq.f32 v21, v8;
	vm14 =	veq.f32 v28, v8;
	vm15 =	veq.f32 v61, v8;
	v25 =	vpop (erf)  }
0x5d: {  	v50 =	vld [tilespmem:$0x220];
	vm10 =	veq.f32 v57, v8;
	v31 =	vsel vm8, $0x7, v40;
	v7 =	vadd.f32 v7, v25  }
0x5e: {  	v52 =	vld [tilespmem:$0x2A0];
	vm12 =	veq.f32 v59, v8;
	vm3 =	vmor vm3, vm10;
	v33 =	vsel vm9, $0x6, v31;
	v32 =	vpop (erf)  }
0x5f: {  	v53 =	vld [tilespmem:$0x320];
	v39 =	vnsel vm3, $0x0, v15;
	v1 =	vsel vm3, $0x1, v37;
	v7 =	vadd.f32 v7, v32  }
0x60: {  	v34 =	vsel vm13, $0x5, v33;
	vm13 =	veq.f32 v58, v8;
	v58 =	vmax.f32 v10, v48  }
0x61: {  	[tilespmem:$0x400] =	vst v39;
	v39 =	vimm.s32 $0x0;
	v35 =	vsel vm14, $0x4, v34;
	(erf) = vrcp.f32 v7  }
0x62: {  	vm14 =	vne.f32 v57, v8;
	v18 =	vmax.f32 v58, v50;
	v36 =	vsel vm15, $0x3, v35  }
0x63: {  	vm8 =	vmand vm14, vm13;
	v18 =	vmax.f32 v18, v52;
	v7 =	vsel vm12, $0x2, v36  }
0x64: {  	vm7 =	vmor vm7, vm8;
	v18 =	vmax.f32 v18, v53;
	v7 =	vsel vm13, $0x1, v7  }
0x65: {  	v41 =	vnsel vm7, $0x0, v16;
	v42 =	vsel vm7, $0x1, v37;
	v12 =	vsel vm10, $0x0, v7  }
0x66: {  	vm15 =	veq.s32 v12, $0x2;
	vm13 =	veq.s32 v12, $0x3;
	vm8 =	veq.s32 v12, $0x5  }
0x67: {  	v56 =	vld [tilespmem:$0x3A0];
	vm12 =	vmor vm4, vm15;
	vm14 =	vmor vm6, vm13;
	vm15 =	veq.s32 v12, $0x4  }
0x68: {  	vm0 =	vmor vm0, vm8;
	v55 =	vnsel vm12, $0x0, v55;
	v44 =	vsel vm12, $0x1, v37  }
0x69: {  	v57 =	vnsel vm14, $0x0, v5;
	v46 =	vsel vm14, $0x1, v37;
	vm7 =	vmor vm5, vm15  }
0x6a: {  	v61 =	vnsel vm0, $0x0, v3;
	vm15 =	veq.s32 v12, $0x6;
	v49 =	vnsel vm7, $0x0, v4;
	v47 =	vpop (erf)  }
0x6b: {  	vm2 =	vmor vm2, vm15;
	v8 =	vmul.f32 v47, v11;
	v6 =	vmul.f32 v47, v51  }
0x6c: {  	v51 =	vsel vm7, $0x1, v37;
	v5 =	vmul.f32 v47, v63;
	v63 =	vmax.f32 v18, v56  }
0x6d: {  	v7 =	vmul.f32 v47, v17;
	v4 =	vmul.f32 v47, v22;
	v13 =	vsub.f32 v38, v63  }
0x6e: {  	v11 =	vmul.f32 v47, v30;
	v14 =	vsub.f32 v43, v63;
	v15 =	vsub.f32 v45, v63  }
0x6f: {  	v10 =	vmul.f32 v47, v25;
	v24 =	vsub.f32 v48, v63;
	v28 =	vsub.f32 v50, v63  }
0x70: {  	v25 =	vsel vm0, $0x1, v37;
	v30 =	vsub.f32 v52, v63;
	v33 =	vsub.f32 v53, v63  }
0x71: {  	v36 =	vsub.f32 v56, v63;
	v52 =	vnsel vm2, $0x0, v2;
	v9 =	vmax.f32 v8, v6  }
0x72: {  	v56 =	vsel vm2, $0x1, v37;
	v9 =	vmax.f32 v9, v7;
	v13 =	vmul.f32 $1.442695020e+00, v13  }
0x73: {  	v14 =	vmul.f32 $1.442695020e+00, v14;
	v23 =	vmul.f32 $1.442695020e+00, v15;
	v9 =	vmax.f32 v9, v5  }
0x74: {  	v27 =	vmul.f32 $1.442695020e+00, v24;
	v29 =	vmul.f32 $1.442695020e+00, v28;
	v59 =	vmax.f32 v9, v4  }
0x75: {  	v9 =	vmul.f32 v47, v32;
	(erf) = vpow2.f32 v13;
	v60 =	vmax.f32 v59, v11  }
0x76: {  	v35 =	vmul.f32 $1.442695020e+00, v33;
	(erf) = vpow2.f32 v14;
	v16 =	vmax.f32 v60, v10  }
0x77: {  	[tilespmem:$0x1FE90] =	vst v42;
	v42 =	vmul.f32 $1.442695020e+00, v36;
	(erf) = vpow2.f32 v23;
	v62 =	vmax.f32 v16, v9  }
0x78: {  	v32 =	vmul.f32 $1.442695020e+00, v30;
	(erf) = vpow2.f32 v27;
	vm9 =	veq.f32 v4, v62  }
0x79: {  	vm10 =	veq.f32 v9, v62;
	vm11 =	veq.f32 v10, v62;
	vm12 =	veq.f32 v11, v62  }
0x7a: {  	[tilespmem:$0x1FE70] =	vst v1;
	vm13 =	veq.f32 v5, v62;
	vm14 =	veq.f32 v7, v62;
	v1 =	vsel vm10, $0x7, v40  }
0x7b: {  	vm7 =	veq.f32 v8, v62;
	(erf) = vpow2.f32 v29;
	v18 =	vsel vm11, $0x6, v1  }
0x7c: {  	vm11 =	veq.f32 v6, v62;
	v18 =	vsel vm12, $0x5, v18;
	vm12 =	vne.f32 v8, v62  }
0x7d: {  	v34 =	vsel vm7, $0xBF800000, v8;
	v18 =	vsel vm9, $0x4, v18;
	vm8 =	vmand vm12, vm11  }
0x7e: {  	v26 =	vsel vm13, $0x3, v18;
	v17 =	vpop (erf);
	(erf) = vpow2.f32 v32;
	v38 =	vsel vm8, $0xBF800000, v6  }
0x7f: {  	[tilespmem:$0x1FED0] =	vst v46;
	vm13 =	veq.s32 v12, $0x7;
	v15 =	vsel vm14, $0x2, v26;
	v46 =	vmax.f32 v34, v38  }
0x80: {  	vm1 =	vmor vm1, vm13;
	v31 =	vsel vm11, $0x1, v15;
	v18 =	vpop (erf);
	(erf) = vpow2.f32 v35  }
0x81: {  	v3 =	vsel vm7, $0x0, v31;
	v43 =	vadd.f32 v18, v17;
	v21 =	vpop (erf);
	(erf) = vpow2.f32 v42  }
0x82: {  	[tilespmem:$0x1FEB0] =	vst v44;
	vm9 =	veq.s32 v3, $0x2;
	vm6 =	veq.s32 v3, $0x3;
	vm5 =	veq.s32 v3, $0x4  }
0x83: {  	[tilespmem:$0x1FBC0] =	vst v61;
	v61 =	vld [tilespmem:$0x30];
	vm4 =	veq.s32 v3, $0x5;
	v44 =	vsel vm9, $0xBF800000, v7;
	v47 =	vadd.f32 v43, v21  }
0x84: {  	v62 =	vld [tilespmem:$0xB0];
	v23 =	vpop (erf);
	vm3 =	veq.s32 v3, $0x6;
	v45 =	vsel vm6, $0xBF800000, v5;
	v22 =	vmax.f32 v46, v44  }
0x85: {  	v48 =	vsel vm5, $0xBF800000, v4;
	v22 =	vmax.f32 v22, v45;
	v13 =	vadd.f32 v47, v23  }
0x86: {  	[tilespmem:$0x1FBB0] =	vst v49;
	vm0 =	veq.s32 v3, $0x7;
	v49 =	vsel vm4, $0xBF800000, v11;
	v26 =	vpop (erf);
	v22 =	vmax.f32 v22, v48  }
0x87: {  	[tilespmem:$0x1FF10] =	vst v25;
	v25 =	vsel vm3, $0xBF800000, v10;
	v50 =	vmax.f32 v22, v49;
	v13 =	vadd.f32 v13, v26  }
0x88: {  	[tilespmem:$0x1FEF0] =	vst v51;
	v0 =	vnsel vm1, $0x0, v0;
	v51 =	vsel vm0, $0xBF800000, v9;
	v3 =	vmax.f32 v50, v25  }
0x89: {  	v60 =	vsel vm1, $0x1, v37;
	v46 =	vmax.f32 v61, v62;
	v30 =	vpop (erf);
	v53 =	vmax.f32 v3, v51  }
0x8a: {  	v54 =	vadd.f32 v13, v30;
	vm14 =	veq.f32 v51, v53;
	vm11 =	veq.f32 v25, v53  }
0x8b: {  	vm15 =	veq.f32 v49, v53;
	vm12 =	veq.f32 v48, v53;
	v13 =	vpop (erf);
	v58 =	vsel vm14, $0x7, v40  }
0x8c: {  	vm13 =	veq.f32 v45, v53;
	v3 =	vadd.f32 v54, v13;
	v12 =	vsel vm11, $0x6, v58  }
0x8d: {  	vm14 =	veq.f32 v44, v53;
	v22 =	vpop (erf);
	v12 =	vsel vm15, $0x5, v12;
	vm15 =	veq.f32 v38, v53  }
0x8e: {  	v63 =	vld [tilespmem:$0x130];
	v3 =	vadd.f32 v3, v22;
	v59 =	vsel vm12, $0x4, v12;
	vm12 =	vne.f32 v34, v53  }
0x8f: {  	v33 =	vld [tilespmem:$0x1B0];
	[tilespmem:$0x1FBF0] =	vst v0;
	v0 =	vsel vm13, $0x3, v59;
	vm13 =	veq.f32 v34, v53;
	vm1 =	vmand vm12, vm15  }
0x90: {  	(erf) = vrcp.f32 v3;
	v0 =	vsel vm14, $0x2, v0;
	vm7 =	vmor vm7, vm13  }
0x91: {  	v36 =	vld [tilespmem:$0x230];
	vm1 =	vmor vm8, vm1;
	v0 =	vsel vm15, $0x1, v0;
	v32 =	vnsel vm7, $0x0, v8  }
0x92: {  	v34 =	vsel vm7, $0x1, v37;
	v35 =	vnsel vm1, $0x0, v6;
	v12 =	vsel vm13, $0x0, v0  }
0x93: {  	v43 =	vld [tilespmem:$0x2B0];
	v38 =	vsel vm1, $0x1, v37;
	v0 =	vmax.f32 v46, v63;
	vm14 =	veq.s32 v12, $0x2  }
0x94: {  	v45 =	vld [tilespmem:$0x330];
	vm15 =	veq.s32 v12, $0x3;
	v0 =	vmax.f32 v0, v33;
	vm8 =	veq.s32 v12, $0x5  }
0x95: {  	v31 =	vld [tilespmem:$0x3B0];
	vm13 =	veq.s32 v12, $0x6;
	vm2 =	vmor vm9, vm14;
	vm1 =	vmor vm6, vm15  }
0x96: {  	vm6 =	veq.s32 v12, $0x4;
	v50 =	vmax.f32 v0, v36;
	vm9 =	vmor vm4, vm8  }
0x97: {  	vm15 =	vmor vm3, vm13;
	v42 =	vnsel vm2, $0x0, v7;
	v44 =	vsel vm2, $0x1, v37  }
0x98: {  	v47 =	vnsel vm1, $0x0, v5;
	v48 =	vsel vm1, $0x1, v37;
	v5 =	vmax.f32 v50, v43  }
0x99: {  	[tilespmem:$0x1FF40] =	vst v56;
	vm7 =	vmor vm5, vm6;
	v19 =	vnsel vm9, $0x0, v11;
	v53 =	vmax.f32 v5, v45  }
0x9a: {  	[tilespmem:$0x1FEE0] =	vst v48;
	v51 =	vnsel vm7, $0x0, v4;
	v48 =	vnsel vm15, $0x0, v10;
	v56 =	vmax.f32 v53, v31;
	v49 =	vpop (erf)  }
0x9b: {  	[tilespmem:$0x1FCB0] =	vst v19;
	v19 =	vimm.s32 $0x0;
	v14 =	vsub.f32 v61, v56;
	v3 =	vmul.f32 v49, v17  }
0x9c: {  	v15 =	vsub.f32 v62, v56;
	v2 =	vmul.f32 v49, v18;
	v0 =	vmul.f32 v49, v21  }
0x9d: {  	v16 =	vsub.f32 v63, v56;
	v4 =	vmul.f32 v49, v23;
	v5 =	vmul.f32 v49, v26  }
0x9e: {  	[tilespmem:$0x1FF60] =	vst v60;
	v60 =	vsub.f32 v33, v56;
	v6 =	vmul.f32 v49, v30;
	v7 =	vmul.f32 v49, v13  }
0x9f: {  	v63 =	vsub.f32 v36, v56;
	v8 =	vmul.f32 v49, v22;
	v14 =	vmul.f32 $1.442695020e+00, v14  }
0xa0: {  	v61 =	vsel vm7, $0x1, v37;
	v15 =	vmul.f32 $1.442695020e+00, v15;
	v59 =	vmul.f32 $1.442695020e+00, v16  }
0xa1: {  	v28 =	vsub.f32 v31, v56;
	v62 =	vmul.f32 $1.442695020e+00, v60;
	v21 =	vmul.f32 $1.442695020e+00, v63  }
0xa2: {  	[tilespmem:$0x1FBD0] =	vst v52;
	v22 =	vsub.f32 v43, v56;
	v52 =	vmax.f32 v3, v2;
	(erf) = vpow2.f32 v14  }
0xa3: {  	v23 =	vsel vm9, $0x1, v37;
	v54 =	vmax.f32 v52, v0;
	(erf) = vpow2.f32 v15  }
0xa4: {  	v26 =	vsub.f32 v45, v56;
	v49 =	vsel vm15, $0x1, v37;
	v17 =	vmax.f32 v54, v4  }
0xa5: {  	vm15 =	veq.s32 v12, $0x7;
	(erf) = vpow2.f32 v59;
	v58 =	vmax.f32 v17, v5  }
0xa6: {  	[tilespmem:$0x1FE80] =	vst v34;
	v34 =	vmul.f32 $1.442695020e+00, v28;
	vm7 =	vmor vm0, vm15;
	v13 =	vmax.f32 v58, v6  }
0xa7: {  	v24 =	vmul.f32 $1.442695020e+00, v22;
	(erf) = vpow2.f32 v62;
	v13 =	vmax.f32 v13, v7  }
0xa8: {  	v27 =	vmul.f32 $1.442695020e+00, v26;
	(erf) = vpow2.f32 v21;
	v13 =	vmax.f32 v13, v8  }
0xa9: {  	vm10 =	veq.f32 v8, v13;
	vm11 =	veq.f32 v7, v13;
	vm12 =	veq.f32 v6, v13  }
0xaa: {  	vm14 =	veq.f32 v5, v13;
	vm5 =	veq.f32 v3, v13;
	v20 =	vsel vm10, $0x7, v40  }
0xab: {  	[tilespmem:$0x1FEA0] =	vst v38;
	vm13 =	veq.f32 v0, v13;
	v38 =	vsel vm5, $0xBF800000, v3;
	v11 =	vsel vm11, $0x6, v20;
	v16 =	vpop (erf)  }
0xac: {  	(erf) = vpow2.f32 v24;
	vm11 =	veq.f32 v4, v13;
	v11 =	vsel vm12, $0x5, v11;
	v29 =	vpop (erf)  }
0xad: {  	[tilespmem:$0x1FC20] =	vst v35;
	(erf) = vpow2.f32 v27;
	v11 =	vsel vm14, $0x4, v11;
	v35 =	vadd.f32 v29, v16  }
0xae: {  	vm12 =	veq.f32 v2, v13;
	v18 =	vpop (erf);
	vm14 =	vne.f32 v3, v13;
	v11 =	vsel vm11, $0x3, v11  }
0xaf: {  	[tilespmem:$0x1FC40] =	vst v42;
	vm6 =	vmand vm14, vm12;
	v11 =	vsel vm13, $0x2, v11;
	v36 =	vadd.f32 v35, v18  }
0xb0: {  	[tilespmem:$0x1FC80] =	vst v51;
	v51 =	vld [tilespmem:$0xC0];
	(erf) = vpow2.f32 v34;
	v13 =	vpop (erf);
	v42 =	vsel vm6, $0xBF800000, v2;
	v11 =	vsel vm12, $0x1, v11  }
0xb1: {  	[tilespmem:$0x1FEC0] =	vst v44;
	v35 =	vld [tilespmem:$0x40];
	v44 =	vmax.f32 v38, v42;
	v11 =	vsel vm5, $0x0, v11;
	v14 =	vadd.f32 v36, v13  }
0xb2: {  	v52 =	vld [tilespmem:$0x140];
	vm9 =	veq.s32 v11, $0x2;
	vm1 =	veq.s32 v11, $0x3;
	vm8 =	veq.s32 v11, $0x4  }
0xb3: {  	v54 =	vld [tilespmem:$0x1C0];
	v20 =	vpop (erf);
	vm2 =	veq.s32 v11, $0x5;
	vm4 =	veq.s32 v11, $0x6;
	vm3 =	veq.s32 v11, $0x7  }
0xb4: {  	v59 =	vld [tilespmem:$0x240];
	v21 =	vsel vm9, $0xBF800000, v0;
	v14 =	vadd.f32 v14, v20;
	v43 =	vsel vm1, $0xBF800000, v4  }
0xb5: {  	v60 =	vld [tilespmem:$0x2C0];
	[tilespmem:$0x1FF20] =	vst v23;
	v45 =	vsel vm8, $0xBF800000, v5;
	v46 =	vsel vm2, $0xBF800000, v6;
	v23 =	vmax.f32 v44, v21  }
0xb6: {  	[tilespmem:$0x1FF00] =	vst v61;
	v61 =	vld [tilespmem:$0x340];
	v33 =	vsel vm4, $0xBF800000, v7;
	v24 =	vpop (erf);
	v62 =	vmax.f32 v35, v51;
	v23 =	vmax.f32 v23, v43  }
0xb7: {  	[tilespmem:$0x1FC10] =	vst v32;
	v14 =	vadd.f32 v14, v24;
	v26 =	vmax.f32 v62, v52;
	v23 =	vmax.f32 v23, v45  }
0xb8: {  	[tilespmem:$0x1FC60] =	vst v47;
	v63 =	vld [tilespmem:$0x3C0];
	v34 =	vsel vm3, $0xBF800000, v8;
	v32 =	vpop (erf);
	v1 =	vmax.f32 v26, v54;
	v47 =	vmax.f32 v23, v46  }
0xb9: {  	v14 =	vadd.f32 v14, v32;
	v15 =	vmax.f32 v1, v59;
	v11 =	vmax.f32 v47, v33  }
0xba: {  	v56 =	vnsel vm7, $0x0, v9;
	v10 =	vmax.f32 v15, v60;
	v23 =	vpop (erf);
	v50 =	vmax.f32 v11, v34  }
0xbb: {  	v10 =	vmax.f32 v10, v61;
	v14 =	vadd.f32 v14, v23;
	vm12 =	veq.f32 v34, v50  }
0xbc: {  	vm13 =	veq.f32 v33, v50;
	vm14 =	veq.f32 v46, v50;
	vm0 =	vne.f32 v38, v50  }
0xbd: {  	vm15 =	veq.f32 v45, v50;
	v10 =	vmax.f32 v10, v63;
	v46 =	vimm.s32 $0x0  }
0xbe: {  	v53 =	vsel vm12, $0x7, v40;
	v36 =	vsub.f32 v35, v10;
	v11 =	vsub.f32 v51, v10  }
0xbf: {  	vm12 =	veq.f32 v43, v50;
	v12 =	vsub.f32 v52, v10;
	v45 =	vsub.f32 v54, v10  }
0xc0: {  	[tilespmem:$0x1FCC0] =	vst v48;
	v48 =	vsub.f32 v59, v10;
	v52 =	vsub.f32 v61, v10;
	(erf) = vrcp.f32 v14  }
0xc1: {  	v58 =	vsel vm13, $0x6, v53;
	vm13 =	veq.f32 v21, v50;
	v21 =	vimm.s32 $0x0  }
0xc2: {  	v9 =	vsel vm14, $0x5, v58;
	v11 =	vmul.f32 $1.442695020e+00, v11;
	v44 =	vmul.f32 $1.442695020e+00, v12  }
0xc3: {  	[tilespmem:$0x1FF50] =	vst v49;
	vm14 =	veq.f32 v42, v50;
	v47 =	vmul.f32 $1.442695020e+00, v45;
	v49 =	vmul.f32 $1.442695020e+00, v48  }
0xc4: {  	v53 =	vmul.f32 $1.442695020e+00, v52;
	v9 =	vsel vm15, $0x4, v9;
	vm15 =	veq.f32 v38, v50  }
0xc5: {  	vm0 =	vmand vm0, vm14;
	v50 =	vsub.f32 v60, v10;
	v9 =	vsel vm12, $0x3, v9  }
0xc6: {  	v10 =	vsub.f32 v63, v10;
	vm0 =	vmor vm6, vm0;
	v9 =	vsel vm13, $0x2, v9  }
0xc7: {  	vm5 =	vmor vm5, vm15;
	v1 =	vsel vm0, $0xFFFFFFFF, v19;
	v9 =	vsel vm14, $0x1, v9  }
0xc8: {  	v51 =	vmul.f32 $1.442695020e+00, v50;
	v10 =	vmul.f32 $1.442695020e+00, v10;
	v9 =	vsel vm15, $0x0, v9  }
0xc9: {  	vm6 =	veq.s32 v9, $0x2;
	vm10 =	veq.s32 v9, $0x3;
	vm11 =	veq.s32 v9, $0x4  }
0xca: {  	vm12 =	veq.s32 v9, $0x5;
	vm0 =	vmor vm9, vm6;
	vm6 =	vmor vm1, vm10;
	v26 =	vpop (erf)  }
0xcb: {  	vm8 =	vmor vm8, vm11;
	vm2 =	vmor vm2, vm12;
	v42 =	vmul.f32 v26, v16  }
0xcc: {  	[tilespmem:$0x1FB90] =	vst v1;
	v1 =	vsel vm0, $0xFFFFFFFF, v46;
	v28 =	vmul.f32 v26, v29;
	v16 =	vmul.f32 $1.442695020e+00, v36  }
0xcd: {  	vm0 =	veq.s32 v9, $0x6;
	v30 =	vmul.f32 v26, v18;
	v31 =	vmul.f32 v26, v13  }
0xce: {  	v25 =	vld [tilespmem:$0xD0];
	v35 =	vmul.f32 v26, v20;
	v38 =	vmax.f32 v42, v28;
	(erf) = vpow2.f32 v16  }
0xcf: {  	v63 =	vld [tilespmem:$0x50];
	v43 =	vmul.f32 v26, v24;
	v13 =	vmax.f32 v38, v30;
	(erf) = vpow2.f32 v11  }
0xd0: {  	v29 =	vmul.f32 v26, v32;
	v13 =	vmax.f32 v13, v31;
	(erf) = vpow2.f32 v44  }
0xd1: {  	v27 =	vmul.f32 v26, v23;
	v36 =	vsel vm7, $0x1, v37;
	v13 =	vmax.f32 v13, v35  }
0xd2: {  	vm11 =	vmor vm4, vm0;
	(erf) = vpow2.f32 v47;
	v13 =	vmax.f32 v13, v43  }
0xd3: {  	vm4 =	veq.s32 v9, $0x7;
	(erf) = vpow2.f32 v49;
	v13 =	vmax.f32 v13, v29  }
0xd4: {  	v49 =	vmax.f32 v63, v25;
	(erf) = vpow2.f32 v51;
	v13 =	vmax.f32 v13, v27  }
0xd5: {  	vm13 =	veq.f32 v27, v13;
	vm14 =	veq.f32 v29, v13;
	vm15 =	veq.f32 v35, v13  }
0xd6: {  	v58 =	vmovc v43;
	[tilespmem:$0x1FC90] =	vst v43;
	vm1 =	veq.f32 v43, v13;
	vm12 =	vne.f32 v42, v13;
	v43 =	vld [tilespmem:$0x150];
	v54 =	vsel vm13, $0x7, v40  }
0xd7: {  	v44 =	vld [tilespmem:$0x1D0];
	vm13 =	veq.f32 v31, v13;
	v14 =	vpop (erf);
	v12 =	vsel vm14, $0x6, v54;
	vm14 =	veq.f32 v30, v13  }
0xd8: {  	v45 =	vld [tilespmem:$0x250];
	v15 =	vpop (erf);
	(erf) = vpow2.f32 v53;
	v12 =	vsel vm1, $0x5, v12;
	vm1 =	veq.f32 v42, v13  }
0xd9: {  	[tilespmem:$0x1FCD0] =	vst v56;
	v46 =	vld [tilespmem:$0x2D0];
	v56 =	vadd.f32 v15, v14;
	v16 =	vpop (erf);
	(erf) = vpow2.f32 v10;
	v60 =	vsel vm15, $0x4, v12  }
0xda: {  	vm15 =	veq.f32 v28, v13;
	v17 =	vsel vm1, $0xBF800000, v42;
	v11 =	vsel vm13, $0x3, v60  }
0xdb: {  	v49 =	vmax.f32 v49, v43;
	v59 =	vadd.f32 v56, v16;
	v11 =	vsel vm14, $0x2, v11  }
0xdc: {  	v12 =	vpop (erf);
	v49 =	vmax.f32 v49, v44;
	v11 =	vsel vm15, $0x1, v11;
	vm15 =	vmand vm12, vm15  }
0xdd: {  	v49 =	vmax.f32 v49, v45;
	v10 =	vadd.f32 v59, v12;
	v11 =	vsel vm1, $0x0, v11  }
0xde: {  	v18 =	vsel vm15, $0xBF800000, v28;
	v56 =	vmax.f32 v49, v46;
	vm14 =	veq.s32 v11, $0x2  }
0xdf: {  	v48 =	vld [tilespmem:$0x350];
	v13 =	vpop (erf);
	vm12 =	veq.s32 v11, $0x3;
	v62 =	vmax.f32 v17, v18;
	vm13 =	veq.s32 v11, $0x4  }
0xe0: {  	v59 =	vld [tilespmem:$0x3D0];
	vm10 =	veq.s32 v11, $0x5;
	vm9 =	veq.s32 v11, $0x6;
	v10 =	vadd.f32 v10, v13  }
0xe1: {  	v19 =	vpop (erf);
	vm7 =	veq.s32 v11, $0x7;
	v20 =	vsel vm14, $0xBF800000, v30;
	v61 =	vsel vm12, $0xBF800000, v31  }
0xe2: {  	v38 =	vsel vm13, $0xBF800000, v35;
	v52 =	vsel vm10, $0xBF800000, v58;
	v10 =	vadd.f32 v10, v19  }
0xe3: {  	v54 =	vsel vm9, $0xBF800000, v29;
	v47 =	vsel vm7, $0xBF800000, v27;
	v22 =	vmax.f32 v62, v20;
	v23 =	vpop (erf)  }
0xe4: {  	v58 =	vmax.f32 v56, v48;
	v22 =	vmax.f32 v22, v61;
	v10 =	vadd.f32 v10, v23  }
0xe5: {  	v62 =	vsel vm5, $0x1, v37;
	v26 =	vpop (erf);
	v51 =	vmax.f32 v22, v38;
	v22 =	vmax.f32 v58, v59  }
0xe6: {  	[tilespmem:$0x1FF80] =	vst v62;
	v62 =	vimm.s32 $0x0;
	v60 =	vsub.f32 v63, v22;
	v10 =	vadd.f32 v10, v26  }
0xe7: {  	v53 =	vmax.f32 v51, v52;
	v24 =	vsub.f32 v25, v22;
	v25 =	vsub.f32 v43, v22  }
0xe8: {  	[tilespmem:$0x1FCE0] =	vst v29;
	v29 =	vsub.f32 v44, v22;
	(erf) = vrcp.f32 v10;
	v10 =	vmax.f32 v53, v54  }
0xe9: {  	v49 =	vsub.f32 v45, v22;
	v63 =	vmul.f32 $1.442695020e+00, v60;
	v10 =	vmax.f32 v10, v47  }
0xea: {  	v51 =	vimm.s32 $0x0;
	v45 =	vnsel vm6, $0x0, v4;
	vm0 =	veq.f32 v47, v10  }
0xeb: {  	(erf) = vpow2.f32 v63;
	v63 =	vsub.f32 v59, v22;
	v47 =	vsel vm0, $0x7, v40  }
0xec: {  	vm0 =	veq.f32 v54, v10;
	v54 =	vsub.f32 v46, v22;
	v46 =	vnsel vm2, $0x0, v6  }
0xed: {  	v11 =	vsel vm0, $0x6, v47;
	vm0 =	veq.f32 v52, v10;
	v47 =	vmul.f32 $1.442695020e+00, v29  }
0xee: {  	v52 =	vmul.f32 $1.442695020e+00, v49;
	v11 =	vsel vm0, $0x5, v11;
	vm0 =	veq.f32 v38, v10  }
0xef: {  	v60 =	vmul.f32 $1.442695020e+00, v54;
	v11 =	vsel vm0, $0x4, v11;
	vm0 =	veq.f32 v61, v10  }
0xf0: {  	v61 =	vnsel vm5, $0x0, v3;
	vm5 =	vmor vm3, vm4;
	vm3 =	veq.f32 v17, v10  }
0xf1: {  	v3 =	vmul.f32 $1.442695020e+00, v24;
	vm4 =	vne.f32 v17, v10;
	v17 =	vimm.s32 $0x0  }
0xf2: {  	v24 =	vsel vm6, $0x1, v37;
	v11 =	vsel vm0, $0x3, v11;
	vm0 =	veq.f32 v20, v10  }
0xf3: {  	[tilespmem:$0x1FD00] =	vst v61;
	vm1 =	vmor vm1, vm3;
	v61 =	vsub.f32 v48, v22;
	v48 =	vnsel vm11, $0x0, v7  }
0xf4: {  	v59 =	vnsel vm5, $0x0, v8;
	v29 =	vsel vm5, $0x1, v37;
	v11 =	vsel vm0, $0x2, v11;
	v20 =	vpop (erf)  }
0xf5: {  	vm0 =	veq.f32 v18, v10;
	(erf) = vpow2.f32 v3;
	v58 =	vmul.f32 v20, v14  }
0xf6: {  	[tilespmem:$0x1FBA0] =	vst v1;
	v1 =	vsel vm1, $0xFFFFFFFF, v21;
	v32 =	vmul.f32 v20, v15;
	v33 =	vmul.f32 v20, v16  }
0xf7: {  	[tilespmem:$0x1FF70] =	vst v36;
	v18 =	vsel vm0, $0x1, v11;
	v34 =	vmul.f32 v20, v12;
	v36 =	vmul.f32 v20, v13  }
0xf8: {  	v6 =	vld [tilespmem:$0x60];
	vm0 =	vmand vm4, vm0;
	v38 =	vmul.f32 v20, v19;
	v50 =	vmul.f32 v20, v23  }
0xf9: {  	v7 =	vld [tilespmem:$0xE0];
	v9 =	vsel vm3, $0x0, v18;
	v12 =	vmul.f32 $1.442695020e+00, v25;
	v43 =	vmul.f32 v20, v26  }
0xfa: {  	[tilespmem:$0x1FD10] =	vst v27;
	vm0 =	vmor vm15, vm0;
	v18 =	vimm.s32 $0x0;
	v27 =	vmax.f32 v58, v32  }
0xfb: {  	v19 =	vimm.s32 $0x0;
	v25 =	vsel vm8, $0x1, v37;
	v13 =	vmax.f32 v27, v33  }
0xfc: {  	[tilespmem:$0x1FBE0] =	vst v1;
	v26 =	vsel vm2, $0x1, v37;
	v1 =	vsel vm0, $0xFFFFFFFF, v51;
	v13 =	vmax.f32 v13, v34  }
0xfd: {  	vm6 =	veq.s32 v9, $0x6;
	(erf) = vpow2.f32 v12;
	v44 =	vmax.f32 v13, v36  }
0xfe: {  	v49 =	vmax.f32 v6, v7;
	vm2 =	vmor vm9, vm6;
	v3 =	vmax.f32 v44, v38  }
0xff: {  	(erf) = vpow2.f32 v47;
	v47 =	vnsel vm8, $0x0, v5;
	v3 =	vmax.f32 v3, v50  }
0x100: {  	v27 =	vsel vm11, $0x1, v37;
	(erf) = vpow2.f32 v52;
	v3 =	vmax.f32 v3, v43  }
0x101: {  	v14 =	vpop (erf);
	(erf) = vpow2.f32 v60;
	v13 =	vmul.f32 $1.442695020e+00, v63;
	vm15 =	veq.f32 v43, v3  }
0x102: {  	v63 =	vimm.s32 $0x0;
	v12 =	vpop (erf);
	vm4 =	veq.f32 v50, v3;
	v53 =	vsel vm15, $0x7, v40  }
0x103: {  	v16 =	vadd.f32 v12, v14;
	vm15 =	veq.s32 v9, $0x2;
	v56 =	vsel vm4, $0x6, v53  }
0x104: {  	vm4 =	veq.f32 v38, v3;
	vm0 =	vmor vm14, vm15;
	vm14 =	veq.f32 v36, v3  }
0x105: {  	[tilespmem:$0x1FC00] =	vst v1;
	vm15 =	veq.s32 v9, $0x3;
	v1 =	vsel vm0, $0xFFFFFFFF, v62;
	v10 =	vsel vm4, $0x5, v56  }
0x106: {  	v20 =	vld [tilespmem:$0x1FB90];
	vm4 =	veq.f32 v34, v3;
	vm0 =	vmor vm12, vm15;
	[tilespmem:$0x1FC30] =	vst v1;
	v1 =	vmul.f32 $1.442695020e+00, v61  }
0x107: {  	vm12 =	veq.s32 v9, $0x4;
	vm15 =	veq.s32 v9, $0x5;
	v10 =	vsel vm14, $0x4, v10  }
0x108: {  	vm14 =	veq.f32 v33, v3;
	v10 =	vsel vm4, $0x3, v10;
	(erf) = vpow2.f32 v1  }
0x109: {  	v21 =	vld [tilespmem:$0x1FBA0];
	vm4 =	veq.f32 v58, v3;
	v1 =	vsel vm0, $0xFFFFFFFF, v17;
	(erf) = vpow2.f32 v13;
	v13 =	vpop (erf)  }
0x10a: {  	vm0 =	vmor vm13, vm12;
	v10 =	vsel vm14, $0x2, v10;
	v11 =	vadd.f32 v16, v13  }
0x10b: {  	vm12 =	vne.f32 v58, v3;
	vm13 =	veq.f32 v32, v3;
	vm14 =	vnez.u8 v20;
	v15 =	vpop (erf)  }
0x10c: {  	[tilespmem:$0x1FC50] =	vst v1;
	v1 =	vsel vm0, $0xFFFFFFFF, v18;
	vm0 =	vmor vm10, vm15;
	v11 =	vadd.f32 v11, v15  }
0x10d: {  	v10 =	vsel vm13, $0x1, v10;
	vm3 =	vmand vm12, vm13;
	v44 =	vnsel vm14, $0x0, v2;
	v16 =	vpop (erf)  }
0x10e: {  	vm15 =	vnez.u8 v21;
	[tilespmem:$0x1FC70] =	vst v1;
	v1 =	vsel vm0, $0xFFFFFFFF, v19;
	v11 =	vadd.f32 v11, v16  }
0x10f: {  	v3 =	vnsel vm15, $0x0, v0;
	v23 =	vsel vm4, $0x0, v10;
	v19 =	vsel vm4, $0xBF800000, v58;
	v0 =	vpop (erf)  }
0x110: {  	v8 =	vld [tilespmem:$0x160];
	v20 =	vsel vm3, $0xBF800000, v32;
	[tilespmem:$0x1FCA0] =	vst v1;
	v1 =	vsel vm14, $0x1, v37;
	v22 =	vadd.f32 v11, v0  }
0x111: {  	vm12 =	veq.s32 v23, $0x2;
	vm13 =	veq.s32 v23, $0x3;
	vm1 =	veq.s32 v23, $0x4;
	v17 =	vpop (erf)  }
0x112: {  	vm14 =	veq.s32 v23, $0x5;
	vm11 =	veq.s32 v23, $0x6;
	v4 =	vadd.f32 v22, v17  }
0x113: {  	vm0 =	veq.s32 v23, $0x7;
	v51 =	vmax.f32 v19, v20;
	v18 =	vpop (erf);
	v22 =	vsel vm12, $0xBF800000, v33  }
0x114: {  	[tilespmem:$0x1FFC0] =	vst v25;
	v10 =	vld [tilespmem:$0x1E0];
	v25 =	vsel vm13, $0xBF800000, v34;
	v23 =	vmax.f32 v51, v22;
	v4 =	vadd.f32 v4, v18  }
0x115: {  	v21 =	vmax.f32 v49, v8;
	v52 =	vsel vm1, $0xBF800000, v36;
	v11 =	vld [tilespmem:$0x260];
	v23 =	vmax.f32 v23, v25  }
0x116: {  	v53 =	vsel vm14, $0xBF800000, v38;
	v23 =	vmax.f32 v23, v52;
	(erf) = vrcp.f32 v4;
	v4 =	vld [tilespmem:$0x2E0]  }
0x117: {  	v5 =	vld [tilespmem:$0x360];
	[tilespmem:$0x1FF90] =	vst v1;
	v1 =	vsel vm15, $0x1, v37;
	v56 =	vsel vm11, $0xBF800000, v50;
	v23 =	vmax.f32 v23, v53  }
0x118: {  	[tilespmem:$0x1FFB0] =	vst v24;
	v24 =	vld [tilespmem:$0x3E0];
	v60 =	vsel vm0, $0xBF800000, v43;
	vm15 =	veq.s32 v9, $0x7;
	v23 =	vmax.f32 v23, v56  }
0x119: {  	[tilespmem:$0x1FFA0] =	vst v1;
	v1 =	vsel vm2, $0xFFFFFFFF, v63;
	v21 =	vmax.f32 v21, v10;
	v23 =	vmax.f32 v23, v60  }
0x11a: {  	vm2 =	vmor vm7, vm15;
	v21 =	vmax.f32 v21, v11;
	vm8 =	veq.f32 v60, v23  }
0x11b: {  	vm9 =	veq.f32 v56, v23;
	vm10 =	veq.f32 v53, v23;
	v21 =	vmax.f32 v21, v4  }
0x11c: {  	vm15 =	veq.f32 v19, v23;
	v60 =	vsel vm8, $0x7, v40;
	v21 =	vmax.f32 v21, v5  }
0x11d: {  	vm8 =	veq.f32 v52, v23;
	v52 =	vimm.s32 $0x0;
	v21 =	vmax.f32 v21, v24  }
0x11e: {  	vm4 =	vmor vm4, vm15;
	v56 =	vsel vm9, $0x6, v60;
	v6 =	vsub.f32 v6, v21  }
0x11f: {  	vm9 =	veq.f32 v25, v23;
	v7 =	vsub.f32 v7, v21;
	v8 =	vsub.f32 v8, v21  }
0x120: {  	[tilespmem:$0x1FFF0] =	vst v29;
	v10 =	vsub.f32 v10, v21;
	v29 =	vsub.f32 v11, v21;
	v6 =	vmul.f32 $1.442695020e+00, v6  }
0x121: {  	[tilespmem:$0x1FCF0] =	vst v1;
	v4 =	vsub.f32 v4, v21;
	v7 =	vmul.f32 $1.442695020e+00, v7;
	v1 =	vmul.f32 $1.442695020e+00, v8  }
0x122: {  	v49 =	vsel vm10, $0x5, v56;
	v53 =	vpop (erf);
	v2 =	vmul.f32 $1.442695020e+00, v10;
	v51 =	vmul.f32 $1.442695020e+00, v29  }
0x123: {  	v56 =	vsub.f32 v5, v21;
	v4 =	vmul.f32 $1.442695020e+00, v4;
	v10 =	vmul.f32 v53, v14  }
0x124: {  	vm10 =	veq.f32 v22, v23;
	v9 =	vmul.f32 v53, v12;
	v8 =	vmul.f32 v53, v13  }
0x125: {  	v61 =	vsub.f32 v24, v21;
	v5 =	vmul.f32 v53, v0;
	v62 =	vmul.f32 $1.442695020e+00, v56  }
0x126: {  	v29 =	vmul.f32 v53, v18;
	(erf) = vpow2.f32 v6;
	v6 =	vsel vm8, $0x4, v49  }
0x127: {  	v63 =	vmax.f32 v10, v9;
	(erf) = vpow2.f32 v7;
	v54 =	vsel vm9, $0x3, v6  }
0x128: {  	v21 =	vld [tilespmem:$0xF0];
	v6 =	vmul.f32 v53, v15;
	v7 =	vmul.f32 v53, v16;
	vm9 =	vne.f32 v19, v23  }
0x129: {  	v16 =	vld [tilespmem:$0x70];
	(erf) = vpow2.f32 v1;
	v1 =	vsel vm2, $0xFFFFFFFF, v52;
	v60 =	vsel vm10, $0x2, v54  }
0x12a: {  	v22 =	vld [tilespmem:$0x170];
	vm2 =	veq.f32 v20, v23;
	v52 =	vimm.s32 $0x0;
	(erf) = vpow2.f32 v2  }
0x12b: {  	v24 =	vld [tilespmem:$0x1F0];
	[tilespmem:$0x1FD20] =	vst v1;
	v1 =	vmax.f32 v63, v8;
	v2 =	vmul.f32 $1.442695020e+00, v61;
	v49 =	vsel vm2, $0x1, v60  }
0x12c: {  	v20 =	vld [tilespmem:$0x270];
	vm2 =	vmand vm9, vm2;
	(erf) = vpow2.f32 v51;
	v15 =	vmax.f32 v1, v6  }
0x12d: {  	(erf) = vpow2.f32 v4;
	v4 =	vmul.f32 v53, v17;
	v15 =	vmax.f32 v15, v7  }
0x12e: {  	v63 =	vimm.s32 $0x0;
	v15 =	vmax.f32 v15, v5;
	v51 =	vmax.f32 v16, v21  }
0x12f: {  	vm2 =	vmor vm3, vm2;
	v15 =	vmax.f32 v15, v4;
	v56 =	vmax.f32 v51, v22  }
0x130: {  	v25 =	vld [tilespmem:$0x2F0];
	v17 =	vsel vm15, $0x0, v49;
	v15 =	vmax.f32 v15, v29;
	v56 =	vmax.f32 v56, v24;
	v11 =	vpop (erf)  }
0x131: {  	[tilespmem:$0x1FFE0] =	vst v27;
	v27 =	vld [tilespmem:$0x370];
	vm8 =	veq.f32 v29, v15;
	v56 =	vmax.f32 v56, v20;
	vm10 =	veq.f32 v4, v15;
	v12 =	vpop (erf)  }
0x132: {  	v60 =	vld [tilespmem:$0x3F0];
	vm15 =	veq.f32 v5, v15;
	(erf) = vpow2.f32 v62;
	v0 =	vadd.f32 v12, v11  }
0x133: {  	vm5 =	veq.f32 v7, v15;
	vm6 =	veq.f32 v6, v15;
	vm7 =	veq.f32 v8, v15;
	v13 =	vpop (erf)  }
0x134: {  	vm9 =	vne.f32 v10, v15;
	(erf) = vpow2.f32 v2;
	v18 =	vadd.f32 v0, v13  }
0x135: {  	v62 =	vsel vm8, $0x7, v40;
	v56 =	vmax.f32 v56, v25;
	vm8 =	veq.f32 v9, v15;
	v14 =	vpop (erf)  }
0x136: {  	v53 =	vsel vm10, $0x6, v62;
	v62 =	vmax.f32 v56, v27;
	v18 =	vadd.f32 v18, v14  }
0x137: {  	[tilespmem:$0x1FFD0] =	vst v26;
	vm3 =	vmand vm9, vm8;
	vm10 =	veq.s32 v17, $0x2;
	v23 =	vmax.f32 v62, v60;
	v26 =	vpop (erf)  }
0x138: {  	vm9 =	veq.s32 v17, $0x6;
	v16 =	vsub.f32 v16, v23;
	v18 =	vadd.f32 v18, v26  }
0x139: {  	v19 =	vsel vm15, $0x5, v53;
	v21 =	vsub.f32 v21, v23;
	v22 =	vsub.f32 v22, v23;
	v61 =	vpop (erf)  }
0x13a: {  	vm15 =	veq.s32 v17, $0x4;
	v24 =	vsub.f32 v24, v23;
	v18 =	vadd.f32 v18, v61  }
0x13b: {  	v0 =	vsel vm4, $0xFFFFFFFF, v52;
	v20 =	vsub.f32 v20, v23;
	v53 =	vsub.f32 v25, v23;
	v56 =	vpop (erf)  }
0x13c: {  	v19 =	vsel vm5, $0x4, v19;
	v54 =	vsub.f32 v27, v23;
	v18 =	vadd.f32 v18, v56  }
0x13d: {  	vm5 =	vmor vm12, vm10;
	vm12 =	veq.s32 v17, $0x3;
	vm1 =	vmor vm1, vm15;
	v62 =	vpop (erf)  }
0x13e: {  	[tilespmem:$0x1FD30] =	vst v0;
	v0 =	vsel vm2, $0xFFFFFFFF, v63;
	v16 =	vmul.f32 $1.442695020e+00, v16;
	v18 =	vadd.f32 v18, v62  }
0x13f: {  	v19 =	vsel vm6, $0x3, v19;
	v2 =	vmul.f32 $1.442695020e+00, v21;
	v49 =	vmul.f32 $1.442695020e+00, v22  }
0x140: {  	v63 =	vsub.f32 v60, v23;
	v51 =	vmul.f32 $1.442695020e+00, v24;
	(erf) = vrcp.f32 v18  }
0x141: {  	v23 =	vsel vm3, $0xBF800000, v9;
	v52 =	vmul.f32 $1.442695020e+00, v20;
	(erf) = vpow2.f32 v16  }
0x142: {  	v19 =	vsel vm7, $0x2, v19;
	vm7 =	veq.f32 v10, v15;
	(erf) = vpow2.f32 v2  }
0x143: {  	[tilespmem:$0x1FD40] =	vst v0;
	v19 =	vsel vm8, $0x1, v19;
	v0 =	vmul.f32 $1.442695020e+00, v63;
	v22 =	vsel vm7, $0xBF800000, v10  }
0x144: {  	vm8 =	veq.s32 v17, $0x5;
	v15 =	vsel vm7, $0x0, v19;
	(erf) = vpow2.f32 v49  }
0x145: {  	v1 =	vmax.f32 v22, v23;
	vm2 =	veq.s32 v15, $0x2;
	vm4 =	veq.s32 v15, $0x3  }
0x146: {  	vm6 =	veq.s32 v15, $0x4;
	vm10 =	veq.s32 v15, $0x5;
	v24 =	vsel vm2, $0xBF800000, v8  }
0x147: {  	v27 =	vsel vm4, $0xBF800000, v6;
	v18 =	vmul.f32 $1.442695020e+00, v53;
	(erf) = vpow2.f32 v51  }
0x148: {  	v63 =	vsel vm6, $0xBF800000, v7;
	v16 =	vmul.f32 $1.442695020e+00, v54;
	(erf) = vpow2.f32 v52  }
0x149: {  	v52 =	vimm.s32 $0x0;
	(erf) = vpow2.f32 v18;
	v18 =	vmax.f32 v1, v24;
	v20 =	vpop (erf)  }
0x14a: {  	v1 =	vsel vm10, $0xBF800000, v5;
	(erf) = vpow2.f32 v16;
	v49 =	vmax.f32 v18, v27;
	v21 =	vpop (erf)  }
0x14b: {  	v16 =	vmax.f32 v49, v63;
	(erf) = vpow2.f32 v0;
	v0 =	vsel vm5, $0xFFFFFFFF, v52;
	v25 =	vpop (erf)  }
0x14c: {  	vm5 =	vmor vm13, vm12;
	vm12 =	veq.s32 v15, $0x6;
	v2 =	vadd.f32 v25, v21  }
0x14d: {  	v53 =	vimm.s32 $0x0;
	v16 =	vmax.f32 v16, v1;
	v19 =	vsel vm12, $0xBF800000, v4;
	v60 =	vpop (erf)  }
0x14e: {  	v54 =	vimm.s32 $0x0;
	v16 =	vmax.f32 v16, v19;
	v51 =	vadd.f32 v2, v60  }
0x14f: {  	v2 =	vsel vm5, $0xFFFFFFFF, v53;
	vm5 =	veq.s32 v15, $0x7;
	v53 =	vimm.s32 $0x0  }
0x150: {  	[tilespmem:$0x1FD60] =	vst v2;
	v2 =	vsel vm1, $0xFFFFFFFF, v54;
	v49 =	vsel vm5, $0xBF800000, v29;
	vm1 =	vmor vm14, vm8  }
0x151: {  	[tilespmem:$0x1FD50] =	vst v0;
	v0 =	vpop (erf);
	v54 =	vimm.s32 $0x0;
	vm14 =	veq.s32 v17, $0x7;
	v17 =	vmul.f32 v20, v56  }
0x152: {  	v18 =	vadd.f32 v51, v0;
	[tilespmem:$0x1FD70] =	vst v2;
	v2 =	vsel vm1, $0xFFFFFFFF, v53;
	vm1 =	vmor vm11, vm9  }
0x153: {  	v16 =	vmax.f32 v16, v49;
	vm0 =	vmor vm0, vm14;
	[tilespmem:$0x1FD80] =	vst v2;
	v2 =	vsel vm1, $0xFFFFFFFF, v54  }
0x154: {  	vm13 =	veq.f32 v49, v16;
	vm15 =	veq.f32 v19, v16;
	v49 =	vimm.s32 $0x0  }
0x155: {  	v19 =	vmul.f32 v20, v11;
	vm9 =	veq.f32 v23, v16;
	vm11 =	vne.f32 v22, v16;
	v51 =	vpop (erf)  }
0x156: {  	[tilespmem:$0x1FD90] =	vst v2;
	v2 =	vsel vm0, $0xFFFFFFFF, v49;
	vm0 =	vmand vm11, vm9;
	v18 =	vadd.f32 v18, v51  }
0x157: {  	vm14 =	veq.f32 v63, v16;
	vm8 =	veq.f32 v24, v16;
	v52 =	vpop (erf);
	vm0 =	vmor vm3, vm0  }
0x158: {  	v15 =	vadd.f32 v18, v52;
	v18 =	vsel vm13, $0x7, v40;
	vm13 =	veq.f32 v1, v16  }
0x159: {  	[tilespmem:$0x1FDA0] =	vst v2;
	v53 =	vpop (erf);
	v2 =	vsel vm15, $0x6, v18;
	v18 =	vmul.f32 v20, v13;
	v13 =	vmul.f32 v20, v61  }
0x15a: {  	vm15 =	veq.f32 v27, v16;
	v61 =	vimm.s32 $0x0;
	v15 =	vadd.f32 v15, v53  }
0x15b: {  	v54 =	vpop (erf);
	v1 =	vsel vm13, $0x5, v2;
	v2 =	vmul.f32 v20, v26;
	vm13 =	veq.f32 v22, v16  }
0x15c: {  	v63 =	vsel vm14, $0x4, v1;
	v49 =	vadd.f32 v15, v54;
	v15 =	vmul.f32 v20, v12  }
0x15d: {  	vm1 =	vmor vm7, vm13;
	v12 =	vmul.f32 v20, v14;
	v1 =	vsel vm15, $0x3, v63  }
0x15e: {  	v14 =	vmul.f32 v20, v62;
	v62 =	vimm.s32 $0x0;
	v11 =	vmax.f32 v19, v15  }
0x15f: {  	(erf) = vrcp.f32 v49;
	v49 =	vsel vm8, $0x2, v1;
	v11 =	vmax.f32 v11, v18  }
0x160: {  	v1 =	vsel vm1, $0xFFFFFFFF, v61;
	v20 =	vsel vm9, $0x1, v49;
	v11 =	vmax.f32 v11, v12  }
0x161: {  	[tilespmem:$0x1FDB0] =	vst v1;
	v1 =	vsel vm0, $0xFFFFFFFF, v62;
	v16 =	vsel vm13, $0x0, v20;
	v11 =	vmax.f32 v11, v2  }
0x162: {  	vm13 =	veq.s32 v16, $0x2;
	vm1 =	veq.s32 v16, $0x3;
	v11 =	vmax.f32 v11, v13  }
0x163: {  	vm0 =	vmor vm2, vm13;
	vm4 =	vmor vm4, vm1;
	vm1 =	veq.s32 v16, $0x4  }
0x164: {  	vm2 =	veq.s32 v16, $0x5;
	v11 =	vmax.f32 v11, v17;
	vm6 =	vmor vm6, vm1  }
0x165: {  	vm10 =	vmor vm10, vm2;
	vm2 =	veq.s32 v16, $0x6;
	v27 =	vmax.f32 v11, v14  }
0x166: {  	vm14 =	veq.f32 v14, v27;
	vm15 =	veq.f32 v17, v27;
	vm7 =	veq.f32 v13, v27  }
0x167: {  	vm8 =	veq.f32 v2, v27;
	vm9 =	veq.f32 v12, v27;
	vm11 =	veq.f32 v18, v27  }
0x168: {  	vm3 =	veq.f32 v19, v27;
	v56 =	vsel vm14, $0x7, v40;
	vm14 =	veq.f32 v15, v27;
	v63 =	vpop (erf)  }
0x169: {  	v11 =	vsel vm15, $0x6, v56;
	v26 =	vmul.f32 v63, v21;
	v22 =	vmul.f32 v63, v25  }
0x16a: {  	vm15 =	vne.f32 v19, v27;
	v23 =	vmul.f32 v63, v60;
	v24 =	vmul.f32 v63, v0  }
0x16b: {  	v11 =	vsel vm7, $0x5, v11;
	v20 =	vmul.f32 v63, v51;
	v25 =	vmul.f32 v63, v52  }
0x16c: {  	v21 =	vmul.f32 v63, v53;
	v52 =	vsel vm3, $0xBF800000, v19;
	v11 =	vsel vm8, $0x4, v11  }
0x16d: {  	v61 =	vmax.f32 v26, v22;
	v11 =	vsel vm9, $0x3, v11;
	vm9 =	vmand vm15, vm14  }
0x16e: {  	v0 =	vmax.f32 v61, v23;
	v62 =	vsel vm11, $0x2, v11;
	v11 =	vmul.f32 v63, v54  }
0x16f: {  	v63 =	vimm.s32 $0x0;
	v53 =	vsel vm9, $0xBF800000, v15;
	v0 =	vmax.f32 v0, v24  }
0x170: {  	[tilespmem:$0x1FDD0] =	vst v1;
	v1 =	vsel vm0, $0xFFFFFFFF, v63;
	v51 =	vsel vm14, $0x1, v62;
	v0 =	vmax.f32 v0, v20  }
0x171: {  	v49 =	vmax.f32 v52, v53;
	v51 =	vsel vm3, $0x0, v51;
	v0 =	vmax.f32 v0, v25  }
0x172: {  	vm8 =	veq.s32 v51, $0x2;
	vm11 =	veq.s32 v51, $0x3;
	vm13 =	veq.s32 v51, $0x4  }
0x173: {  	vm14 =	veq.s32 v51, $0x5;
	vm15 =	veq.s32 v51, $0x6;
	v0 =	vmax.f32 v0, v21  }
0x174: {  	v54 =	vsel vm8, $0xBF800000, v18;
	v60 =	vsel vm11, $0xBF800000, v12;
	v61 =	vsel vm13, $0xBF800000, v2  }
0x175: {  	v62 =	vsel vm14, $0xBF800000, v13;
	v0 =	vmax.f32 v0, v11;
	v56 =	vmax.f32 v49, v54  }
0x176: {  	v63 =	vsel vm15, $0xBF800000, v17;
	vm0 =	veq.f32 v11, v0;
	v56 =	vmax.f32 v56, v60  }
0x177: {  	[tilespmem:$0x1FDE0] =	vst v1;
	vm7 =	veq.f32 v21, v0;
	v1 =	vsel vm0, $0x7, v40;
	v56 =	vmax.f32 v56, v61  }
0x178: {  	v49 =	vimm.s32 $0x0;
	v56 =	vmax.f32 v56, v62;
	v27 =	vsel vm7, $0x6, v1  }
0x179: {  	vm7 =	veq.s32 v51, $0x7;
	v51 =	vimm.s32 $0x0;
	v56 =	vmax.f32 v56, v63  }
0x17a: {  	v1 =	vsel vm7, $0xFFFFFFFF, v51;
	v51 =	vsel vm7, $0xBF800000, v14;
	vm7 =	veq.f32 v25, v0  }
0x17b: {  	[tilespmem:$0x1FDC0] =	vst v1;
	v1 =	vsel vm4, $0xFFFFFFFF, v49;
	v27 =	vsel vm7, $0x5, v27;
	v56 =	vmax.f32 v56, v51  }
0x17c: {  	vm7 =	veq.f32 v20, v0;
	v49 =	vimm.s32 $0x0;
	vm4 =	veq.f32 v51, v56  }
0x17d: {  	v51 =	vimm.s32 $0x0;
	v27 =	vsel vm7, $0x4, v27;
	vm1 =	veq.f32 v63, v56  }
0x17e: {  	[tilespmem:$0x1FDF0] =	vst v1;
	v63 =	vimm.s32 $0x0;
	vm7 =	veq.f32 v26, v0;
	v1 =	vsel vm6, $0xFFFFFFFF, v51  }
0x17f: {  	v51 =	vsel vm4, $0x7, v40;
	vm6 =	veq.f32 v24, v0;
	[tilespmem:$0x1FE00] =	vst v1;
	v1 =	vsel vm10, $0xFFFFFFFF, v63  }
0x180: {  	v51 =	vsel vm1, $0x6, v51;
	v27 =	vsel vm6, $0x3, v27;
	vm1 =	veq.f32 v62, v56  }
0x181: {  	vm6 =	veq.f32 v23, v0;
	vm10 =	vmor vm12, vm2;
	vm12 =	veq.s32 v16, $0x7  }
0x182: {  	v62 =	vimm.s32 $0x0;
	vm2 =	veq.f32 v60, v56;
	[tilespmem:$0x1FE10] =	vst v1;
	v1 =	vsel vm10, $0xFFFFFFFF, v49  }
0x183: {  	v51 =	vsel vm1, $0x5, v51;
	v27 =	vsel vm6, $0x2, v27;
	vm10 =	veq.f32 v61, v56  }
0x184: {  	vm6 =	veq.f32 v22, v0;
	vm12 =	vmor vm5, vm12;
	v49 =	vimm.s32 $0x0  }
0x185: {  	v63 =	vsel vm10, $0x4, v51;
	v27 =	vsel vm6, $0x1, v27;
	vm10 =	vne.f32 v26, v0  }
0x186: {  	[tilespmem:$0x1FE40] =	vst v1;
	v1 =	vsel vm12, $0xFFFFFFFF, v62;
	vm4 =	vmand vm10, vm6;
	v16 =	vsel vm7, $0x0, v27  }
0x187: {  	v27 =	vsel vm7, $0xBF800000, v26;
	v51 =	vsel vm4, $0xBF800000, v22;
	vm5 =	veq.s32 v16, $0x2  }
0x188: {  	[tilespmem:$0x1FE60] =	vst v1;
	vm12 =	veq.s32 v16, $0x4;
	v60 =	vsel vm5, $0xBF800000, v23;
	v1 =	vmax.f32 v27, v51  }
0x189: {  	[tilespmem:$0x480] =	vst v41;
	v41 =	vld [tilespmem:$0x1FBB0];
	vm6 =	veq.s32 v16, $0x6;
	v61 =	vmax.f32 v1, v60;
	v1 =	vsel vm12, $0xFFFFFFFF, v39  }
0x18a: {  	[tilespmem:$0x1FE20] =	vst v1;
	v1 =	vsel vm6, $0xFFFFFFFF, v49;
	v49 =	vld [tilespmem:$0x1FBF0]  }
0x18b: {  	v39 =	vld [tilespmem:$0x1FBD0]  }
0x18c: {  	[tilespmem:$0x580] =	vst v57;
	v57 =	vld [tilespmem:$0x1FBC0];
	_ =	sdelay $0x1  }
0x18d: {  	[tilespmem:$0x600] =	vst v41;
	v41 =	vld [tilespmem:$0x1FBE0]  }
0x18e: {  	vm10 =	veq.s32 v16, $0x3;
	[tilespmem:$0x780] =	vst v49;
	v49 =	vld [tilespmem:$0x1FC10]  }
0x18f: {  	v0 =	vsel vm2, $0x3, v63;
	vm1 =	veq.s32 v16, $0x7;
	v62 =	vsel vm10, $0xBF800000, v24;
	[tilespmem:$0x700] =	vst v39;
	v39 =	vld [tilespmem:$0x1FC00]  }
0x190: {  	[tilespmem:$0x680] =	vst v57;
	v63 =	vsel vm12, $0xBF800000, v20;
	v57 =	vsel vm6, $0xBF800000, v21;
	vm12 =	veq.s32 v16, $0x5  }
0x191: {  	[tilespmem:$0x500] =	vst v55;
	v16 =	vimm.s32 $0x0;
	v61 =	vmax.f32 v61, v62;
	v55 =	vsel vm12, $0xBF800000, v25  }
0x192: {  	vm6 =	vnez.u8 v41;
	v41 =	vsel vm1, $0xBF800000, v11;
	v61 =	vmax.f32 v61, v63;
	[tilespmem:$0x1FE30] =	vst v1  }
0x193: {  	v1 =	vsel vm1, $0xFFFFFFFF, v16;
	v42 =	vnsel vm6, $0x0, v42;
	v61 =	vmax.f32 v61, v55;
	[tilespmem:$0x410] =	vst v49;
	v49 =	vld [tilespmem:$0x1FC30]  }
0x194: {  	v16 =	vmax.f32 v61, v57;
	v61 =	vsel vm6, $0x1, v37;
	vm6 =	vnez.u8 v39  }
0x195: {  	v39 =	vmax.f32 v16, v41;
	v28 =	vnsel vm6, $0x0, v28  }
0x196: {  	v16 =	vsel vm6, $0x1, v37;
	vm6 =	veq.f32 v54, v56;
	vm0 =	veq.f32 v41, v39  }
0x197: {  	v0 =	vsel vm6, $0x2, v0;
	v41 =	vsel vm0, $0x7, v40;
	vm6 =	veq.f32 v57, v39  }
0x198: {  	[tilespmem:$0x1FE50] =	vst v1;
	v1 =	vsel vm6, $0x6, v41;
	vm6 =	vnez.u8 v49;
	v49 =	vld [tilespmem:$0x1FC60];
	_ =	sdelay $0x3  }
0x199: {  	v54 =	vld [tilespmem:$0x1FC40]  }
0x19a: {  	[tilespmem:$0x590] =	vst v49;
	v49 =	vld [tilespmem:$0x1FC80]  }
0x19b: {  	v40 =	vld [tilespmem:$0x1FC20]  }
0x19c: {  	vm2 =	veq.f32 v55, v39;
	v55 =	vld [tilespmem:$0x1FCD0]  }
0x19d: {  	v57 =	vld [tilespmem:$0x1FC50]  }
0x19e: {  	[tilespmem:$0x510] =	vst v54;
	v54 =	vld [tilespmem:$0x1FC70]  }
0x19f: {  	[tilespmem:$0x610] =	vst v49;
	v49 =	vld [tilespmem:$0x1FCA0]  }
0x1a0: {  	[tilespmem:$0x490] =	vst v40;
	v40 =	vld [tilespmem:$0x1FC90]  }
0x1a1: {  	vm1 =	vne.f32 v52, v56;
	vm0 =	veq.f32 v53, v56  }
0x1a2: {  	v30 =	vnsel vm6, $0x0, v30;
	v41 =	vsel vm6, $0x1, v37;
	vm6 =	vnez.u8 v57  }
0x1a3: {  	[tilespmem:$0x790] =	vst v55;
	v55 =	vld [tilespmem:$0x1FCF0];
	v31 =	vnsel vm6, $0x0, v31;
	v57 =	vsel vm6, $0x1, v37;
	vm6 =	vnez.u8 v54  }
0x1a4: {  	v35 =	vnsel vm6, $0x0, v35;
	v54 =	vsel vm6, $0x1, v37;
	vm6 =	vnez.u8 v49;
	v49 =	vld [tilespmem:$0x1FCB0]  }
0x1a5: {  	v40 =	vnsel vm6, $0x0, v40;
	v53 =	vsel vm6, $0x1, v37;
	vm6 =	veq.f32 v52, v56;
	v56 =	vld [tilespmem:$0x1FCE0];
	_ =	sdelay $0x2  }
0x1a6: {  	v0 =	vsel vm0, $0x1, v0  }
0x1a7: {  	v0 =	vsel vm6, $0x0, v0;
	vm3 =	vmor vm3, vm6;
	vm6 =	vnez.u8 v55;
	[tilespmem:$0x690] =	vst v49;
	v49 =	vld [tilespmem:$0x1FCC0]  }
0x1a8: {  	v55 =	vnsel vm6, $0x0, v56;
	v56 =	vld [tilespmem:$0x1FD00];
	_ =	sdelay $0x1  }
0x1a9: {  	[tilespmem:$0x5A0] =	vst v45;
	v45 =	vld [tilespmem:$0x1FD40]  }
0x1aa: {  	[tilespmem:$0x4A0] =	vst v44  }
0x1ab: {  	v44 =	vld [tilespmem:$0x1FD30];
	v52 =	vimm.s32 $0x0;
	[tilespmem:$0x710] =	vst v49  }
0x1ac: {  	vm0 =	vmand vm1, vm0;
	v49 =	vsel vm3, $0xFFFFFFFF, v52;
	[tilespmem:$0x420] =	vst v56;
	v56 =	vld [tilespmem:$0x1FD20]  }
0x1ad: {  	vm1 =	veq.s32 v0, $0x4;
	v52 =	vsel vm2, $0x5, v1;
	v1 =	vsel vm6, $0x1, v37;
	[tilespmem:$0x1FF30] =	vst v49;
	v49 =	vld [tilespmem:$0x1FD10]  }
0x1ae: {  	[tilespmem:$0x720] =	vst v48;
	v48 =	vld [tilespmem:$0x1FD70];
	vm2 =	veq.f32 v63, v39;
	vm3 =	vmor vm9, vm0;
	vm9 =	vnez.u8 v45  }
0x1af: {  	[tilespmem:$0x520] =	vst v3;
	v63 =	vld [tilespmem:$0x1FD50];
	v45 =	vnsel vm9, $0x0, v32;
	v3 =	vsel vm9, $0x1, v37;
	vm9 =	veq.s32 v0, $0x3  }
0x1b0: {  	[tilespmem:$0x620] =	vst v47;
	v47 =	vld [tilespmem:$0x1FD60];
	v52 =	vsel vm2, $0x4, v52;
	vm2 =	veq.f32 v62, v39;
	vm11 =	vmor vm11, vm9  }
0x1b1: {  	vm9 =	vmor vm13, vm1;
	v62 =	vsel vm2, $0x3, v52;
	v52 =	vld [tilespmem:$0x1FD80];
	vm6 =	vnez.u8 v56  }
0x1b2: {  	v56 =	vnsel vm6, $0x0, v49;
	v49 =	vsel vm6, $0x1, v37;
	vm6 =	veq.s32 v0, $0x2  }
0x1b3: {  	vm13 =	vnez.u8 v48;
	vm6 =	vmor vm8, vm6;
	vm8 =	vnez.u8 v44  }
0x1b4: {  	v58 =	vnsel vm8, $0x0, v58;
	v44 =	vsel vm8, $0x1, v37;
	vm8 =	vnez.u8 v63  }
0x1b5: {  	[tilespmem:$0x6A0] =	vst v46;
	v46 =	vld [tilespmem:$0x1FDB0];
	v63 =	vnsel vm8, $0x0, v33;
	v33 =	vsel vm8, $0x1, v37;
	vm8 =	vnez.u8 v47  }
0x1b6: {  	[tilespmem:$0x730] =	vst v55;
	v55 =	vld [tilespmem:$0x1FE70];
	v34 =	vnsel vm8, $0x0, v34;
	v32 =	vsel vm8, $0x1, v37;
	vm8 =	vnez.u8 v52  }
0x1b7: {  	[tilespmem:$0x7A0] =	vst v59;
	v48 =	vnsel vm8, $0x0, v38;
	v38 =	vsel vm8, $0x1, v37;
	vm8 =	veq.f32 v60, v39;
	v60 =	vld [tilespmem:$0x1FD90]  }
0x1b8: {  	[tilespmem:$0x4B0] =	vst v28;
	vm1 =	veq.s32 v0, $0x6;
	v59 =	vsel vm8, $0x2, v62;
	v62 =	vld [tilespmem:$0x1FDA0]  }
0x1b9: {  	[tilespmem:$0x4C0] =	vst v45;
	v45 =	vld [tilespmem:$0x1FE10];
	v47 =	vnsel vm13, $0x0, v36;
	v36 =	vsel vm13, $0x1, v37;
	vm13 =	veq.s32 v0, $0x5  }
0x1ba: {  	[tilespmem:$0x530] =	vst v30;
	vm14 =	vmor vm14, vm13;
	vm13 =	vmor vm15, vm1;
	vm1 =	veq.f32 v51, v39;
	v51 =	vld [tilespmem:$0x1FDC0]  }
0x1bb: {  	[tilespmem:$0x5B0] =	vst v31;
	vm0 =	veq.s32 v0, $0x7;
	v52 =	vsel vm1, $0x1, v59;
	v59 =	vld [tilespmem:$0x1FDD0]  }
0x1bc: {  	vm2 =	vne.f32 v27, v39;
	v12 =	vnsel vm11, $0x0, v12;
	[tilespmem:$0x7B0] =	vst v56;
	v56 =	vld [tilespmem:$0x1FE80];
	vm8 =	vnez.u8 v60  }
0x1bd: {  	v2 =	vnsel vm9, $0x0, v2;
	[tilespmem:$0x440] =	vst v58;
	v58 =	vld [tilespmem:$0x1FE90];
	v30 =	vnsel vm8, $0x0, v50;
	vm15 =	vnez.u8 v62  }
0x1be: {  	[tilespmem:$0x540] =	vst v63;
	v63 =	vld [tilespmem:$0x1FE00];
	v28 =	vsel vm8, $0x1, v37;
	vm8 =	vnez.u8 v46;
	v31 =	vnsel vm15, $0x0, v43  }
0x1bf: {  	[tilespmem:$0x630] =	vst v35;
	v60 =	vld [tilespmem:$0x1FDE0];
	v50 =	vsel vm15, $0x1, v37;
	v43 =	vnsel vm8, $0x0, v10;
	vm15 =	vnez.u8 v51  }
0x1c0: {  	[tilespmem:$0x640] =	vst v47;
	v47 =	vld [tilespmem:$0x1FE30];
	v10 =	vsel vm8, $0x1, v37;
	vm8 =	vnez.u8 v59;
	vm15 =	vmor vm15, vm0  }
0x1c1: {  	[tilespmem:$0x6C0] =	vst v48;
	v62 =	vld [tilespmem:$0x1FDF0];
	v9 =	vnsel vm8, $0x0, v9;
	v35 =	vsel vm8, $0x1, v37;
	vm8 =	veq.f32 v27, v39  }
0x1c2: {  	v48 =	vld [tilespmem:$0x1FE40];
	vm0 =	vmand vm2, vm1;
	[tilespmem:$0x7C0] =	vst v31;
	v31 =	vadd.s32 v55, v56;
	v0 =	vsel vm8, $0x0, v52  }
0x1c3: {  	v46 =	vld [tilespmem:$0x1FE20];
	vm1 =	vmor vm7, vm8;
	vm4 =	vmor vm4, vm0;
	v14 =	vnsel vm15, $0x0, v14  }
0x1c4: {  	v59 =	vld [tilespmem:$0x1FEA0];
	vm8 =	vnez.u8 v60;
	vm7 =	veq.s32 v0, $0x2;
	vm0 =	veq.s32 v0, $0x4  }
0x1c5: {  	v51 =	vld [tilespmem:$0x1FE50];
	vm2 =	veq.s32 v0, $0x5;
	v8 =	vnsel vm8, $0x0, v8;
	v27 =	vsel vm8, $0x1, v37  }
0x1c6: {  	v55 =	vld [tilespmem:$0x1FF10];
	vm5 =	vmor vm5, vm7;
	vm8 =	vnez.u8 v62;
	vm7 =	vnez.u8 v63  }
0x1c7: {  	[tilespmem:$0x430] =	vst v42;
	v56 =	vld [tilespmem:$0x1FF20];
	vm12 =	vmor vm12, vm2;
	vm2 =	veq.s32 v0, $0x7;
	v6 =	vnsel vm8, $0x0, v6  }
0x1c8: {  	[tilespmem:$0x6B0] =	vst v40;
	v52 =	vld [tilespmem:$0x1FE60];
	v39 =	vsel vm8, $0x1, v37;
	v7 =	vnsel vm7, $0x0, v7;
	v40 =	vsel vm7, $0x1, v37  }
0x1c9: {  	[tilespmem:$0x660] =	vst v2;
	v60 =	vld [tilespmem:$0x1FEB0];
	vm8 =	veq.s32 v0, $0x3;
	vm7 =	vnez.u8 v45;
	v42 =	vadd.s32 v58, v59  }
0x1ca: {  	[tilespmem:$0x5C0] =	vst v34;
	v62 =	vld [tilespmem:$0x1FEC0];
	v59 =	vnsel vm6, $0x0, v18;
	v18 =	vsel vm6, $0x1, v37;
	v2 =	vnsel vm12, $0x0, v25  }
0x1cb: {  	[tilespmem:$0x450] =	vst v43;
	v63 =	vld [tilespmem:$0x1FED0];
	v25 =	vsel vm12, $0x1, v37;
	v5 =	vnsel vm7, $0x0, v5;
	v34 =	vsel vm7, $0x1, v37  }
0x1cc: {  	v58 =	vld [tilespmem:$0x1FF30];
	vm10 =	vmor vm10, vm8;
	vm7 =	veq.s32 v0, $0x6;
	vm8 =	vnez.u8 v46;
	[tilespmem:$0x5D0] =	vst v6  }
0x1cd: {  	v46 =	vadd.s32 v55, v56;
	v6 =	vnsel vm3, $0x0, v15;
	v15 =	vsel vm3, $0x1, v37;
	[tilespmem:$0x650] =	vst v7;
	v56 =	vld [tilespmem:$0x1FF60]  }
0x1ce: {  	[tilespmem:$0x560] =	vst v59;
	v7 =	vnsel vm5, $0x0, v23;
	v59 =	vld [tilespmem:$0x1FF80];
	vm0 =	vmor vm8, vm0;
	vm8 =	vnez.u8 v47  }
0x1cf: {  	v23 =	vsel vm5, $0x1, v37;
	[tilespmem:$0x6D0] =	vst v5;
	vm8 =	vmor vm8, vm7;
	vm7 =	vnez.u8 v48;
	v48 =	vld [tilespmem:$0x1FEE0]  }
0x1d0: {  	v5 =	vsel vm9, $0x1, v37;
	[tilespmem:$0x4E0] =	vst v6;
	v6 =	vnsel vm4, $0x0, v22;
	v43 =	vadd.s32 v60, v62;
	v60 =	vld [tilespmem:$0x1FF40]  }
0x1d1: {  	v22 =	vsel vm4, $0x1, v37;
	v24 =	vnsel vm10, $0x0, v24;
	v55 =	vsel vm10, $0x1, v37;
	v62 =	vld [tilespmem:$0x1FF50]  }
0x1d2: {  	[tilespmem:$0x740] =	vst v30;
	v4 =	vnsel vm7, $0x0, v4;
	v30 =	vsel vm7, $0x1, v37;
	vm7 =	vnez.u8 v51;
	v51 =	vld [tilespmem:$0x1FEF0]  }
0x1d3: {  	[tilespmem:$0x5E0] =	vst v12;
	v12 =	vnsel vm0, $0x0, v20;
	vm2 =	vmor vm7, vm2;
	vm7 =	vnez.u8 v52;
	v52 =	vld [tilespmem:$0x1FF00]  }
0x1d4: {  	[tilespmem:$0x4D0] =	vst v9;
	v0 =	vnsel vm7, $0x0, v29;
	v29 =	vsel vm7, $0x1, v37;
	vm7 =	vnez.u8 v58;
	v58 =	vld [tilespmem:$0x1FF70]  }
0x1d5: {  	v20 =	vsel vm0, $0x1, v37;
	[tilespmem:$0x750] =	vst v4;
	v4 =	vnsel vm8, $0x0, v21;
	v31 =	vadd.s32 v59, v31;
	v59 =	vld [tilespmem:$0x1FFC0]  }
0x1d6: {  	[tilespmem:$0x550] =	vst v8;
	v21 =	vsel vm8, $0x1, v37;
	v8 =	vnsel vm7, $0x0, v19;
	v47 =	vadd.s32 v60, v62;
	v60 =	vld [tilespmem:$0x1FF90]  }
0x1d7: {  	v19 =	vsel vm7, $0x1, v37;
	[tilespmem:$0x7D0] =	vst v0;
	v9 =	vadd.s32 v63, v48;
	v63 =	vnsel vm14, $0x0, v13;
	v62 =	vld [tilespmem:$0x1FFA0]  }
0x1d8: {  	v0 =	vnsel vm13, $0x0, v17;
	v17 =	vsel vm13, $0x1, v37;
	v31 =	vadd.s32 v61, v31;
	[tilespmem:$0x6E0] =	vst v63;
	v63 =	vld [tilespmem:$0x1FFB0]  }
0x1d9: {  	v48 =	vsel vm11, $0x1, v37;
	v13 =	vsel vm14, $0x1, v37;
	[tilespmem:$0x460] =	vst v8;
	v45 =	vadd.s32 v51, v52  }
0x1da: {  	v8 =	vnsel vm1, $0x0, v26;
	v26 =	vsel vm1, $0x1, v37;
	[tilespmem:$0x760] =	vst v0;
	v0 =	vadd.s32 v59, v45  }
0x1db: {  	v52 =	vsel vm15, $0x1, v37;
	v0 =	vadd.s32 v54, v0;
	v42 =	vadd.s32 v60, v42;
	v60 =	vld [tilespmem:$0x1FFD0]  }
0x1dc: {  	[tilespmem:$0x7E0] =	vst v14;
	v51 =	vadd.s32 v56, v58;
	v0 =	vadd.s32 v36, v0;
	v43 =	vadd.s32 v62, v43;
	v62 =	vld [tilespmem:$0x1FFE0]  }
0x1dd: {  	[tilespmem:$0x6F0] =	vst v2;
	v56 =	vnsel vm2, $0x0, v11;
	v9 =	vadd.s32 v63, v9;
	v63 =	vld [tilespmem:$0x1FFF0];
	v0 =	vadd.s32 v40, v0  }
0x1de: {  	[tilespmem:$0x570] =	vst v7;
	v16 =	vadd.s32 v16, v42;
	v43 =	vadd.s32 v41, v43;
	v9 =	vadd.s32 v57, v9  }
0x1df: {  	[tilespmem:$0x4F0] =	vst v6;
	v0 =	vadd.s32 v5, v0;
	v3 =	vadd.s32 v3, v16;
	v9 =	vadd.s32 v32, v9  }
0x1e0: {  	[tilespmem:$0x470] =	vst v8;
	v8 =	vadd.s32 v33, v43;
	v0 =	vadd.s32 v20, v0;
	v58 =	vadd.s32 v39, v9  }
0x1e1: {  	[tilespmem:$0x5F0] =	vst v24;
	v57 =	vadd.s32 v27, v8;
	v59 =	vadd.s32 v48, v58;
	v45 =	vadd.s32 v60, v46  }
0x1e2: {  	[tilespmem:$0x670] =	vst v12;
	v46 =	vadd.s32 v62, v47;
	v14 =	vadd.s32 v63, v51;
	v47 =	vadd.s32 v53, v45  }
0x1e3: {  	[tilespmem:$0x770] =	vst v4;
	v14 =	vadd.s32 v49, v14;
	v49 =	vadd.s32 v44, v31;
	v53 =	vadd.s32 v35, v3  }
0x1e4: {  	[tilespmem:$0x7F0] =	vst v56;
	v1 =	vadd.s32 v1, v46;
	v7 =	vadd.s32 v10, v49;
	v2 =	vadd.s32 v15, v53  }
0x1e5: {  	[tilespmem:$0x840] =	vst v0;
	v6 =	vadd.s32 v38, v47;
	v54 =	vadd.s32 v19, v7;
	v2 =	vadd.s32 v22, v2  }
0x1e6: {  	v1 =	vadd.s32 v28, v1;
	v7 =	vadd.s32 v18, v57;
	v3 =	vadd.s32 v26, v54;
	[tilespmem:$0x810] =	vst v2  }
0x1e7: {  	v51 =	vadd.s32 v50, v14;
	v61 =	vadd.s32 v34, v6;
	v60 =	vadd.s32 v23, v7;
	[tilespmem:$0x800] =	vst v3  }
0x1e8: {  	v1 =	vadd.s32 v30, v1;
	v2 =	vadd.s32 v13, v61;
	v3 =	vadd.s32 v55, v59;
	[tilespmem:$0x820] =	vst v60  }
0x1e9: {  	v62 =	vadd.s32 v29, v51;
	v1 =	vadd.s32 v17, v1;
	v2 =	vadd.s32 v25, v2;
	[tilespmem:$0x830] =	vst v3  }
0x1ea: {  	v63 =	vsel vm2, $0x1, v37;
	v1 =	vadd.s32 v21, v1;
	v3 =	vadd.s32 v52, v62;
	[tilespmem:$0x850] =	vst v2  }
0x1eb: {  	[tilespmem:$0x860] =	vst v1;
	v0 =	vadd.s32 v63, v3  }
0x1ec: {  	[tilespmem:$0x870] =	vst v0  }
0x1ed: {  	[hbm4b:s4+s2] =	stream.linear.scatter [tilespmem:s8], [sflag:$0x1], $0x80, $0x38;
	[tilespmem:$0x880] =	vst v63  }
0x1ee: {  	_ = 	snop  }
0x1ef: {  	[hbm4b:s5+s2] =	stream.linear.scatter [tilespmem:s9], [sflag:$0x1], $0x400, $0x38;
	[tilespmem:$0x880] =	vst v63  }
0x1f0: {  	p0 =	sne.s32 s6, $0x1;
	_ =	swait.ge [sflag:s7], $0x80  }
.Ltmp0:
0x1f1: {  	[sflag:s7] =	ssyncset.done $0x0;
	(pc) =	sbr.rel @p0 .LBB2_1-.Ltmp0, $4  }
0x1f2: {  	[sflag:s7] =	ssyncadd.s32 $0xFFFFFF80  }
0x1f3: {  	_ =	swait.ge [sflag:s7], $0x400  }
0x1f4: {  	[sflag:s7] =	ssyncset.done $0x0  }
0x1f5: {  	s6 =	sadd.s32 $0xFFFFFFFF, s6;
	[sflag:s7] =	ssyncadd.s32 $0xFFFFFC00  }
0x1f6: {  	_ =	sfence.sel $0x180000  }
0x1f7: {  	[bflag:$0x0] =	sbarrier.arrive $0xFFFF  }
0x1f8: {  	p0 =	sne.s32 s1, $0x0;
	_ =	strace $0x90000047  }
0x1f9: {  	s0 =	sadd.s32 @!p0 $0x100000, s0;
	[bflag:$0x2] =	sbarrier.arrive $0xFFFF  }
0x1fa: {  	[sflag:s0] =	ssyncadd.tile.s32 @!p0 $0x1;
	_ =	shalt  }
.Lfunc_end2:
_tile_overlayer_lowered:
.L_overlay_start_2:
0x1fb: {  	(tag) =	ssettag $0x2  }
0x1fc: {  	s0 =	rddreg [dreg:$0x0];
	s2 =	stileid.u32  }
0x1fd: {  	s1 =	rddreg [dreg:$0x1];
	p0 =	sne.s32 s2, $0x0  }
0x1fe: {  	s3 =	rddreg [dreg:$0x2];
	[bflag:$0x3] =	sbarrier.arrive $0xFFFF;
	s2 =	simm.s32 @!p0 $0x1C02  }
0x1ff: {  	[timem:s3], [sflag:s2] =	dma.local @!p0 [hbm:s0], s1  }
0x200: {  	s0 =	simm.s32 @!p0 $0x2  }
0x201: {  	_ =	swait.ge @!p0 [sflag:s0], s1  }
0x202: {  	s1 =	ssub.s32 @!p0 $0x0, s1;
	[sflag:s0] =	ssyncset.done @!p0 $0x0  }
0x203: {  	[sflag:s0] =	ssyncadd.s32 @!p0 s1  }
0x204: {  	[bflag:$0x3] =	sbarrier.arrive $0xFFFF  }
0x205: {  	_ =	shalt  }

</sc_bundles>
